<compile_context>
chip_gen: v7x
topology: tpu7x:2x2x1
jax: 0.10.2.dev20260603
libtpu: 0.0.44.dev20260713+nightly
codegen_flags: <defaults>
</compile_context>

<pallas_src>
import functools

import jax
import jax.numpy as jnp
from jax import lax
from jax.experimental import pallas as pl
from jax.experimental.pallas import tpu as pltpu
from jax.experimental.pallas import tpu_sc as plsc

N = 10000
E = 320000
IN_CH = 128
H1 = 256
H2 = 128
NC, NS = 2, 16
NW = NC * NS
CH = 80
EPT = E // NW
NCH = EPT // CH
ACC_N = 10240
RPT = ACC_N // NS
DCH = 80
DNCH = E // NW // DCH
DEGW = 128
SLOPE = (1.0 / 8 + 1.0 / 3) / 2.0

_MESH = plsc.VectorSubcoreMesh(
    core_axis_name="c", subcore_axis_name="s", num_cores=NC, num_subcores=NS
)



@functools.partial(
    pl.kernel,
    out_type=jax.ShapeDtypeStruct((NC, ACC_N, DEGW), jnp.float32),
    mesh=_MESH,
    scratch_types=[
        pltpu.VMEM((NCH, CH), jnp.int32),
        pltpu.VMEM((DCH, DEGW), jnp.float32),
        pltpu.VMEM_SHARED((ACC_N, DEGW), jnp.float32),
        [pltpu.SemaphoreType.DMA for _ in range(4)],
    ],
)
def _deg_kernel(dst3_hbm, ones_hbm, zero_hbm, out_hbm, didx_all, ones_v, acc,
                dsems):
    c = lax.axis_index("c")
    s = lax.axis_index("s")
    w = c * NS + s
    r0 = s * RPT
    pltpu.sync_copy(ones_hbm, ones_v)
    pltpu.sync_copy(dst3_hbm.at[w], didx_all)
    pltpu.sync_copy(zero_hbm.at[pl.ds(r0, RPT)], acc.at[pl.ds(r0, RPT)])
    plsc.subcore_barrier()

    def dscat(i, t):
        pltpu.async_copy(ones_v, acc.at[didx_all.at[i]], dsems[t], add=True)

    def dscat_wait(i, t):
        pltpu.make_async_copy(ones_v, acc.at[didx_all.at[i]], dsems[t]).wait()

    for t in range(4):
        dscat(t, t)

    def body(k, carry):
        i = 4 * k
        for t in range(4):
            dscat_wait(i + t, t)
            dscat(i + 4 + t, t)
        return carry

    lax.fori_loop(0, (NCH - 5) // 4, body, 0)
    L = NCH - 5
    for t in range(4):
        dscat_wait(L + t, t)
    dscat(NCH - 1, 0)
    dscat_wait(NCH - 1, 0)
    plsc.subcore_barrier()
    pltpu.sync_copy(acc.at[pl.ds(r0, RPT)], out_hbm.at[c, pl.ds(r0, RPT)])


def _spmm_body(table_hbm, src3_hbm, dst3_hbm, zero_hbm, out_hbm,
               sidx, didx, rows, acc, gsems, ssems, sisems, disems):
    c = lax.axis_index("c")
    s = lax.axis_index("s")
    w = c * NS + s
    r0 = s * RPT
    pltpu.sync_copy(zero_hbm.at[pl.ds(r0, RPT)], acc.at[pl.ds(r0, RPT)])
    plsc.subcore_barrier()

    def sload(i, t):
        pltpu.async_copy(src3_hbm.at[w, i], sidx[t], sisems[t])

    def swait(i, t):
        pltpu.make_async_copy(src3_hbm.at[w, i], sidx[t], sisems[t]).wait()

    def dload(i, t):
        pltpu.async_copy(dst3_hbm.at[w, i], didx[t], disems[t])

    def dwait(i, t):
        pltpu.make_async_copy(dst3_hbm.at[w, i], didx[t], disems[t]).wait()

    def gather(t):
        pltpu.async_copy(table_hbm.at[sidx[t].at[0]], rows[t], gsems[t])

    def gather_wait(t):
        pltpu.make_async_copy(table_hbm.at[sidx[t].at[0]], rows[t], gsems[t]).wait()

    def scatter(t):
        pltpu.async_copy(rows[t], acc.at[didx[t].at[0]], ssems[t], add=True)

    def scatter_wait(t):
        pltpu.make_async_copy(rows[t], acc.at[didx[t].at[0]], ssems[t]).wait()

    for t in range(4):
        sload(t, t)
        dload(t, t)
    for t in range(4):
        swait(t, t)
        gather(t)

    def body(k, carry):
        i = 4 * k
        for t in range(4):
            gather_wait(t)
            sload(i + 4 + t, t)
            dwait(i + t, t)
            scatter(t)
        for t in range(4):
            scatter_wait(t)
            dload(i + 4 + t, t)
            swait(i + 4 + t, t)
            gather(t)
        return carry

    lax.fori_loop(0, (NCH - 5) // 4, body, 0)
    L = NCH - 5
    gather_wait(0)
    sload(NCH - 1, 0)
    dwait(L, 0)
    scatter(0)
    for t in range(1, 4):
        gather_wait(t)
        dwait(L + t, t)
        scatter(t)
    scatter_wait(0)
    dload(NCH - 1, 0)
    swait(NCH - 1, 0)
    gather(0)
    gather_wait(0)
    dwait(NCH - 1, 0)
    scatter(0)
    for t in range(1, 4):
        scatter_wait(t)
    scatter_wait(0)
    plsc.subcore_barrier()
    pltpu.sync_copy(acc.at[pl.ds(r0, RPT)], out_hbm.at[c, pl.ds(r0, RPT)])


@functools.partial(
    pl.kernel,
    out_type=jax.ShapeDtypeStruct((NC, ACC_N, H2), jnp.float32),
    mesh=_MESH,
    scratch_types=dict(
        sidx=[pltpu.VMEM((1, CH), jnp.int32) for _ in range(4)],
        didx=[pltpu.VMEM((1, CH), jnp.int32) for _ in range(4)],
        rows=[pltpu.VMEM((CH, H2), jnp.float32) for _ in range(4)],
        acc=pltpu.VMEM_SHARED((ACC_N, H2), jnp.float32),
        gsems=[pltpu.SemaphoreType.DMA for _ in range(4)],
        ssems=[pltpu.SemaphoreType.DMA for _ in range(4)],
        sisems=[pltpu.SemaphoreType.DMA for _ in range(4)],
        disems=[pltpu.SemaphoreType.DMA for _ in range(4)],
    ),
)
def _spmm_kernel(table_hbm, src3_hbm, dst3_hbm, zero_hbm, out_hbm, *,
                 sidx, didx, rows, acc, gsems, ssems, sisems, disems):
    _spmm_body(table_hbm, src3_hbm, dst3_hbm, zero_hbm, out_hbm,
               sidx, didx, rows, acc, gsems, ssems, sisems, disems)



_RB = 2000


def _rsqrt_deg(degp_ref):
    deg = degp_ref[0, :, 0:1] + degp_ref[1, :, 0:1] + 1.0
    return lax.rsqrt(deg)


def _tc1_body(x_ref, w1_ref, degp_ref, h1a_ref, h1b_ref):
    xh = jnp.dot(x_ref[...], w1_ref[...], preferred_element_type=jnp.float32)
    d = _rsqrt_deg(degp_ref)
    h = xh * d
    h1a_ref[...] = h[:, :H2]
    h1b_ref[...] = h[:, H2:]


def _tc2_body(a1a_ref, a1b_ref, h1a_ref, h1b_ref, degp_ref,
              w2a_ref, w2b_ref, b1_ref, h2_ref):
    d = _rsqrt_deg(degp_ref)
    ua = d * (a1a_ref[0] + a1a_ref[1] + h1a_ref[...]) + b1_ref[:, :H2]
    ub = d * (a1b_ref[0] + a1b_ref[1] + h1b_ref[...]) + b1_ref[:, H2:]
    ra = jnp.where(ua >= 0, ua, ua * SLOPE)
    rb = jnp.where(ub >= 0, ub, ub * SLOPE)
    xh2 = (jnp.dot(ra, w2a_ref[...], preferred_element_type=jnp.float32)
           + jnp.dot(rb, w2b_ref[...], preferred_element_type=jnp.float32))
    h2_ref[...] = xh2 * d


def _tc3_body(a2_ref, h2_ref, degp_ref, b2_ref, z_ref):
    d = _rsqrt_deg(degp_ref)
    z_ref[...] = d * (a2_ref[0] + a2_ref[1] + h2_ref[...]) + b2_ref[...]


def _row_spec(w):
    return pl.BlockSpec((_RB, w), lambda i: (i, 0))


def _part_spec(w):
    return pl.BlockSpec((NC, _RB, w), lambda i: (0, i, 0))


_DEG_SPEC = pl.BlockSpec((NC, _RB, DEGW), lambda i: (0, i, 0))
_GRID = (N // _RB,)

_tc1 = pl.pallas_call(
    _tc1_body,
    grid=_GRID,
    in_specs=[
        _row_spec(IN_CH),
        pl.BlockSpec((IN_CH, H1), lambda i: (0, 0)),
        _DEG_SPEC,
    ],
    out_specs=[_row_spec(H2), _row_spec(H2)],
    out_shape=[
        jax.ShapeDtypeStruct((N, H2), jnp.float32),
        jax.ShapeDtypeStruct((N, H2), jnp.float32),
    ],
)

_tc2 = pl.pallas_call(
    _tc2_body,
    grid=_GRID,
    in_specs=[
        _part_spec(H2),
        _part_spec(H2),
        _row_spec(H2),
        _row_spec(H2),
        _DEG_SPEC,
        pl.BlockSpec((H2, H2), lambda i: (0, 0)),
        pl.BlockSpec((H2, H2), lambda i: (0, 0)),
        pl.BlockSpec((1, H1), lambda i: (0, 0)),
    ],
    out_specs=_row_spec(H2),
    out_shape=jax.ShapeDtypeStruct((N, H2), jnp.float32),
)

_tc3 = pl.pallas_call(
    _tc3_body,
    grid=_GRID,
    in_specs=[
        _part_spec(H2),
        _row_spec(H2),
        _DEG_SPEC,
        pl.BlockSpec((1, H2), lambda i: (0, 0)),
    ],
    out_specs=_row_spec(H2),
    out_shape=jax.ShapeDtypeStruct((N, H2), jnp.float32),
)


def kernel(x, edge_index, W1, b1, W2, b2):
    src = edge_index[0].astype(jnp.int32)
    dst = edge_index[1].astype(jnp.int32)
    ones_rows = jnp.ones((DCH, DEGW), jnp.float32)
    zdeg = jnp.zeros((ACC_N, DEGW), jnp.float32)
    zacc = jnp.zeros((ACC_N, H2), jnp.float32)

    src3 = src.reshape(NW, NCH, 1, CH)
    dst3 = dst.reshape(NW, NCH, 1, CH)
    degp = _deg_kernel(dst3.reshape(NW, NCH, CH), ones_rows, zdeg)
    h1a, h1b = _tc1(x, W1, degp)
    agg1a = _spmm_kernel(h1a, src3, dst3, zacc)
    agg1b = _spmm_kernel(h1b, src3, dst3, zacc)
    h2 = _tc2(agg1a, agg1b, h1a, h1b, degp,
              W2[:H2], W2[H2:], b1.reshape(1, H1))
    agg2 = _spmm_kernel(h2, src3, dst3, zacc)
    z = _tc3(agg2, h2, degp, b2.reshape(1, H2))
    return z

# --- scband reference (transcript-rebuilt; emitter-appended) ---
"""Pipeline reference for scband-grace-17454747091292 (READ-ONLY COPY).

The authoritative reference and input builder live on the scoring server;
editing this copy changes nothing except your own understanding.
"""

import jax, jax.numpy as jnp
import numpy as np

N_NODES = 10000
IN_CH = 128
NUM_HIDDEN = 128
RRELU_SLOPE = (1.0 / 8 + 1.0 / 3) / 2.0  # eval-mode RReLU uses mean of (lower, upper)


def setup_inputs(seed: int = 0) -> dict:
    key = jax.random.key(seed)
    k1, k2, k3, k4, k5, k6 = jax.random.split(key, 6)
    x = jax.random.normal(k1, (N_NODES, IN_CH), dtype=jnp.float32)
    edge_index = jax.random.randint(k2, (2, 320000), 0, N_NODES, dtype=jnp.int64)
    h1 = 2 * NUM_HIDDEN
    W1 = jax.random.normal(k3, (IN_CH, h1), dtype=jnp.float32) / np.sqrt(IN_CH)
    b1 = jnp.zeros((h1,), dtype=jnp.float32)
    W2 = jax.random.normal(k4, (h1, NUM_HIDDEN), dtype=jnp.float32) / np.sqrt(h1)
    b2 = jnp.zeros((NUM_HIDDEN,), dtype=jnp.float32)
    return {"x": x, "edge_index": edge_index, "W1": W1, "b1": b1, "W2": W2, "b2": b2}


def _gcn_conv(x, edge_index, W, b, n):
    # PyG GCNConv: linear transform, add self-loops, symmetric normalization, scatter-add
    loop = jnp.arange(n, dtype=edge_index.dtype)
    src = jnp.concatenate([edge_index[0], loop])
    dst = jnp.concatenate([edge_index[1], loop])
    ones = jnp.ones(src.shape[0], dtype=x.dtype)
    deg = jax.ops.segment_sum(ones, dst, num_segments=n)
    deg_inv_sqrt = jnp.where(deg > 0, deg ** -0.5, 0.0)
    norm = deg_inv_sqrt[src] * deg_inv_sqrt[dst]
    h = x @ W
    msg = h[src] * norm[:, None]
    out = jax.ops.segment_sum(msg, dst, num_segments=n)
    return out + b


def reference(x, edge_index, W1, b1, W2, b2):
    n = x.shape[0]
    h = _gcn_conv(x, edge_index, W1, b1, n)
    h = jnp.where(h >= 0, h, h * RRELU_SLOPE)  # RReLU in eval mode
    z = _gcn_conv(h, edge_index, W2, b2, n)
    return z

if __name__ == "__main__":
    import jax
    _d = setup_inputs()
    print(jax.jit(kernel)(*tuple(_d.values())))

</pallas_src>

<mosaic_0001>
#map = affine_map<(d0, d1) -> (0, 0, 0)>
#map1 = affine_map<(d0, d1) -> (0, 0)>
module attributes {stable_mosaic.version = 14 : i64} {
  func.func @_deg_kernel(%arg0: i32, %arg1: i32, %arg2: memref<32x125x80xi32, #tpu.memory_space<hbm>>, %arg3: memref<80x128xf32, #tpu.memory_space<hbm>>, %arg4: memref<10240x128xf32, #tpu.memory_space<hbm>>, %arg5: memref<2x10240x128xf32, #tpu.memory_space<hbm>>, %arg6: memref<125x80xi32, #tpu.memory_space<vmem>>, %arg7: memref<80x128xf32, #tpu.memory_space<vmem>>, %arg8: memref<10240x128xf32, #tpu.memory_space<vmem_shared>>, %arg9: memref<!tpu.dma_semaphore, #tpu.memory_space<semaphore_mem>>, %arg10: memref<!tpu.dma_semaphore, #tpu.memory_space<semaphore_mem>>, %arg11: memref<!tpu.dma_semaphore, #tpu.memory_space<semaphore_mem>>, %arg12: memref<!tpu.dma_semaphore, #tpu.memory_space<semaphore_mem>>) attributes {dimension_semantics = [#tpu.dimension_semantics<core_parallel>, #tpu.dimension_semantics<subcore_parallel>], iteration_bounds = array<i64: 2, 16>, scalar_prefetch = 0 : i64, scratch_operands = 7 : i64, tpu.core_type = #tpu.core_type<sc_vector_subcore>, window_params = [{transform_indices = #map}, {transform_indices = #map1}, {transform_indices = #map1}, {transform_indices = #map}]} {
    %mul3A = arith.constant 16 : i32
    %mul3A_0 = arith.muli %arg0, %mul3A : i32
    %add3A = arith.addi %mul3A_0, %arg1 : i32
    %mul3A_1 = arith.constant 640 : i32
    %mul3A_2 = arith.muli %arg1, %mul3A_1 : i32
    "tpu.region"() ({
      %run_scoped3A = tpu.sem_alloc : memref<!tpu.dma_semaphore, #tpu.memory_space<semaphore_mem>>
      tpu.enqueue_dma source(%arg3 : memref<80x128xf32, #tpu.memory_space<hbm>>) target(%arg7 : memref<80x128xf32, #tpu.memory_space<vmem>>) target_semaphore(%run_scoped3A : memref<!tpu.dma_semaphore, #tpu.memory_space<semaphore_mem>>)
      tpu.wait_dma2 semaphore(%run_scoped3A : memref<!tpu.dma_semaphore, #tpu.memory_space<semaphore_mem>>) src(%arg3 : memref<80x128xf32, #tpu.memory_space<hbm>>) dst(%arg7 : memref<80x128xf32, #tpu.memory_space<vmem>>)
      tpu.yield
    }) : () -> ()
    "tpu.region"() ({
      %run_scoped3A = tpu.sem_alloc : memref<!tpu.dma_semaphore, #tpu.memory_space<semaphore_mem>>
      %dma_start3A_77 = arith.constant 0 : i32
      %dma_start3A_78 = arith.constant 0 : i32
      %dma_start3A_79 = tpu.memref_slice %arg2[%add3A, %dma_start3A_77, %dma_start3A_78] : memref<32x125x80xi32, #tpu.memory_space<hbm>> -> memref<1x125x80xi32, #tpu.memory_space<hbm>>
      %dma_start3A_80 = tpu.memref_squeeze %dma_start3A_79 : memref<1x125x80xi32, #tpu.memory_space<hbm>> -> memref<125x80xi32, #tpu.memory_space<hbm>>
      %dma_start3A_81 = arith.constant 0 : i32
      %dma_start3A_82 = arith.constant 0 : i32
      %dma_start3A_83 = tpu.memref_slice %arg2[%add3A, %dma_start3A_81, %dma_start3A_82] : memref<32x125x80xi32, #tpu.memory_space<hbm>> -> memref<1x125x80xi32, #tpu.memory_space<hbm>>
      %dma_start3A_84 = tpu.memref_squeeze %dma_start3A_83 : memref<1x125x80xi32, #tpu.memory_space<hbm>> -> memref<125x80xi32, #tpu.memory_space<hbm>>
      tpu.enqueue_dma source(%dma_start3A_84 : memref<125x80xi32, #tpu.memory_space<hbm>>) target(%arg6 : memref<125x80xi32, #tpu.memory_space<vmem>>) target_semaphore(%run_scoped3A : memref<!tpu.dma_semaphore, #tpu.memory_space<semaphore_mem>>)
      %dma_wait3A_85 = arith.constant 0 : i32
      %dma_wait3A_86 = arith.constant 0 : i32
      %dma_wait3A_87 = tpu.memref_slice %arg2[%add3A, %dma_wait3A_85, %dma_wait3A_86] : memref<32x125x80xi32, #tpu.memory_space<hbm>> -> memref<1x125x80xi32, #tpu.memory_space<hbm>>
      %dma_wait3A_88 = tpu.memref_squeeze %dma_wait3A_87 : memref<1x125x80xi32, #tpu.memory_space<hbm>> -> memref<125x80xi32, #tpu.memory_space<hbm>>
      %dma_wait3A_89 = arith.constant 0 : i32
      %dma_wait3A_90 = arith.constant 0 : i32
      %dma_wait3A_91 = tpu.memref_slice %arg2[%add3A, %dma_wait3A_89, %dma_wait3A_90] : memref<32x125x80xi32, #tpu.memory_space<hbm>> -> memref<1x125x80xi32, #tpu.memory_space<hbm>>
      %dma_wait3A_92 = tpu.memref_squeeze %dma_wait3A_91 : memref<1x125x80xi32, #tpu.memory_space<hbm>> -> memref<125x80xi32, #tpu.memory_space<hbm>>
      tpu.wait_dma2 semaphore(%run_scoped3A : memref<!tpu.dma_semaphore, #tpu.memory_space<semaphore_mem>>) src(%dma_wait3A_92 : memref<125x80xi32, #tpu.memory_space<hbm>>) dst(%arg6 : memref<125x80xi32, #tpu.memory_space<vmem>>)
      tpu.yield
    }) : () -> ()
    "tpu.region"() ({
      %run_scoped3A = tpu.sem_alloc : memref<!tpu.dma_semaphore, #tpu.memory_space<semaphore_mem>>
      %dma_start3A_77 = arith.constant 0 : i32
      %dma_start3A_78 = tpu.memref_slice %arg8[%mul3A_2, %dma_start3A_77] : memref<10240x128xf32, #tpu.memory_space<vmem_shared>> -> memref<640x128xf32, #tpu.memory_space<vmem_shared>>
      %dma_start3A_79 = arith.constant 0 : i32
      %dma_start3A_80 = tpu.memref_slice %arg4[%mul3A_2, %dma_start3A_79] : memref<10240x128xf32, #tpu.memory_space<hbm>> -> memref<640x128xf32, #tpu.memory_space<hbm>>
      tpu.enqueue_dma source(%dma_start3A_80 : memref<640x128xf32, #tpu.memory_space<hbm>>) target(%dma_start3A_78 : memref<640x128xf32, #tpu.memory_space<vmem_shared>>) target_semaphore(%run_scoped3A : memref<!tpu.dma_semaphore, #tpu.memory_space<semaphore_mem>>)
      %dma_wait3A_81 = arith.constant 0 : i32
      %dma_wait3A_82 = tpu.memref_slice %arg8[%mul3A_2, %dma_wait3A_81] : memref<10240x128xf32, #tpu.memory_space<vmem_shared>> -> memref<640x128xf32, #tpu.memory_space<vmem_shared>>
      %dma_wait3A_83 = arith.constant 0 : i32
      %dma_wait3A_84 = tpu.memref_slice %arg4[%mul3A_2, %dma_wait3A_83] : memref<10240x128xf32, #tpu.memory_space<hbm>> -> memref<640x128xf32, #tpu.memory_space<hbm>>
      tpu.wait_dma2 semaphore(%run_scoped3A : memref<!tpu.dma_semaphore, #tpu.memory_space<semaphore_mem>>) src(%dma_wait3A_84 : memref<640x128xf32, #tpu.memory_space<hbm>>) dst(%dma_wait3A_82 : memref<640x128xf32, #tpu.memory_space<vmem_shared>>)
      tpu.yield
    }) : () -> ()
    %barrier3A = arith.constant 0 : index
    tpu.barrier barrier_id(%barrier3A)
    %dma_start3A = arith.constant 0 : i32
    %dma_start3A_3 = arith.constant 0 : i32
    %dma_start3A_4 = tpu.memref_slice %arg6[%dma_start3A, %dma_start3A_3] : memref<125x80xi32, #tpu.memory_space<vmem>> -> memref<1x80xi32, #tpu.memory_space<vmem>>
    %dma_start3A_5 = tpu.memref_squeeze %dma_start3A_4 : memref<1x80xi32, #tpu.memory_space<vmem>> -> memref<80xi32, #tpu.memory_space<vmem>>
    %dma_start3A_6 = arith.constant 0 : i32
    %dma_start3A_7 = arith.constant 0 : i32
    %dma_start3A_8 = tpu.memref_slice %arg8[%dma_start3A_6, %dma_start3A_7] : memref<10240x128xf32, #tpu.memory_space<vmem_shared>> -> memref<10240x128xf32, #tpu.memory_space<vmem_shared>>
    tpu.enqueue_indirect_dma source(%arg7 : memref<80x128xf32, #tpu.memory_space<vmem>>) target(%dma_start3A_8 : memref<10240x128xf32, #tpu.memory_space<vmem_shared>>) offsets(%dma_start3A_5 : memref<80xi32, #tpu.memory_space<vmem>>) semaphore(%arg9 : memref<!tpu.dma_semaphore, #tpu.memory_space<semaphore_mem>>) {add = true}
    %dma_start3A_9 = arith.constant 1 : i32
    %dma_start3A_10 = arith.constant 0 : i32
    %dma_start3A_11 = tpu.memref_slice %arg6[%dma_start3A_9, %dma_start3A_10] : memref<125x80xi32, #tpu.memory_space<vmem>> -> memref<1x80xi32, #tpu.memory_space<vmem>>
    %dma_start3A_12 = tpu.memref_squeeze %dma_start3A_11 : memref<1x80xi32, #tpu.memory_space<vmem>> -> memref<80xi32, #tpu.memory_space<vmem>>
    %dma_start3A_13 = arith.constant 0 : i32
    %dma_start3A_14 = arith.constant 0 : i32
    %dma_start3A_15 = tpu.memref_slice %arg8[%dma_start3A_13, %dma_start3A_14] : memref<10240x128xf32, #tpu.memory_space<vmem_shared>> -> memref<10240x128xf32, #tpu.memory_space<vmem_shared>>
    tpu.enqueue_indirect_dma source(%arg7 : memref<80x128xf32, #tpu.memory_space<vmem>>) target(%dma_start3A_15 : memref<10240x128xf32, #tpu.memory_space<vmem_shared>>) offsets(%dma_start3A_12 : memref<80xi32, #tpu.memory_space<vmem>>) semaphore(%arg10 : memref<!tpu.dma_semaphore, #tpu.memory_space<semaphore_mem>>) {add = true}
    %dma_start3A_16 = arith.constant 2 : i32
    %dma_start3A_17 = arith.constant 0 : i32
    %dma_start3A_18 = tpu.memref_slice %arg6[%dma_start3A_16, %dma_start3A_17] : memref<125x80xi32, #tpu.memory_space<vmem>> -> memref<1x80xi32, #tpu.memory_space<vmem>>
    %dma_start3A_19 = tpu.memref_squeeze %dma_start3A_18 : memref<1x80xi32, #tpu.memory_space<vmem>> -> memref<80xi32, #tpu.memory_space<vmem>>
    %dma_start3A_20 = arith.constant 0 : i32
    %dma_start3A_21 = arith.constant 0 : i32
    %dma_start3A_22 = tpu.memref_slice %arg8[%dma_start3A_20, %dma_start3A_21] : memref<10240x128xf32, #tpu.memory_space<vmem_shared>> -> memref<10240x128xf32, #tpu.memory_space<vmem_shared>>
    tpu.enqueue_indirect_dma source(%arg7 : memref<80x128xf32, #tpu.memory_space<vmem>>) target(%dma_start3A_22 : memref<10240x128xf32, #tpu.memory_space<vmem_shared>>) offsets(%dma_start3A_19 : memref<80xi32, #tpu.memory_space<vmem>>) semaphore(%arg11 : memref<!tpu.dma_semaphore, #tpu.memory_space<semaphore_mem>>) {add = true}
    %dma_start3A_23 = arith.constant 3 : i32
    %dma_start3A_24 = arith.constant 0 : i32
    %dma_start3A_25 = tpu.memref_slice %arg6[%dma_start3A_23, %dma_start3A_24] : memref<125x80xi32, #tpu.memory_space<vmem>> -> memref<1x80xi32, #tpu.memory_space<vmem>>
    %dma_start3A_26 = tpu.memref_squeeze %dma_start3A_25 : memref<1x80xi32, #tpu.memory_space<vmem>> -> memref<80xi32, #tpu.memory_space<vmem>>
    %dma_start3A_27 = arith.constant 0 : i32
    %dma_start3A_28 = arith.constant 0 : i32
    %dma_start3A_29 = tpu.memref_slice %arg8[%dma_start3A_27, %dma_start3A_28] : memref<10240x128xf32, #tpu.memory_space<vmem_shared>> -> memref<10240x128xf32, #tpu.memory_space<vmem_shared>>
    tpu.enqueue_indirect_dma source(%arg7 : memref<80x128xf32, #tpu.memory_space<vmem>>) target(%dma_start3A_29 : memref<10240x128xf32, #tpu.memory_space<vmem_shared>>) offsets(%dma_start3A_26 : memref<80xi32, #tpu.memory_space<vmem>>) semaphore(%arg12 : memref<!tpu.dma_semaphore, #tpu.memory_space<semaphore_mem>>) {add = true}
    %scan3A = arith.constant 0 : i32
    %scan3A_30 = arith.constant 0 : i32
    %scan3A_31 = arith.constant 30 : i32
    %scan3A_32 = arith.addi %scan3A_30, %scan3A_31 : i32
    %scan3A_33 = arith.constant 1 : i32
    scf.for %scan3A_77 = %scan3A_30 to %scan3A_32 step %scan3A_33  : i32 {
      %mul3A_78 = arith.constant 4 : i32
      %mul3A_79 = arith.muli %mul3A_78, %scan3A_77 : i32
      %add3A_80 = arith.constant 0 : i32
      %add3A_81 = arith.addi %mul3A_79, %add3A_80 : i32
      %dma_wait3A_82 = arith.constant 0 : i32
      %dma_wait3A_83 = tpu.memref_slice %arg6[%add3A_81, %dma_wait3A_82] : memref<125x80xi32, #tpu.memory_space<vmem>> -> memref<1x80xi32, #tpu.memory_space<vmem>>
      %dma_wait3A_84 = tpu.memref_squeeze %dma_wait3A_83 : memref<1x80xi32, #tpu.memory_space<vmem>> -> memref<80xi32, #tpu.memory_space<vmem>>
      %dma_wait3A_85 = arith.constant 0 : i32
      %dma_wait3A_86 = arith.constant 0 : i32
      %dma_wait3A_87 = tpu.memref_slice %arg8[%dma_wait3A_85, %dma_wait3A_86] : memref<10240x128xf32, #tpu.memory_space<vmem_shared>> -> memref<10240x128xf32, #tpu.memory_space<vmem_shared>>
      tpu.wait_indirect_dma semaphore(%arg9 : memref<!tpu.dma_semaphore, #tpu.memory_space<semaphore_mem>>) src(%arg7 : memref<80x128xf32, #tpu.memory_space<vmem>>) dst(%dma_wait3A_87 : memref<10240x128xf32, #tpu.memory_space<vmem_shared>>)
      %add3A_88 = arith.constant 4 : i32
      %add3A_89 = arith.addi %mul3A_79, %add3A_88 : i32
      %add3A_90 = arith.constant 0 : i32
      %add3A_91 = arith.addi %add3A_89, %add3A_90 : i32
      %dma_start3A_92 = arith.constant 0 : i32
      %dma_start3A_93 = tpu.memref_slice %arg6[%add3A_91, %dma_start3A_92] : memref<125x80xi32, #tpu.memory_space<vmem>> -> memref<1x80xi32, #tpu.memory_space<vmem>>
      %dma_start3A_94 = tpu.memref_squeeze %dma_start3A_93 : memref<1x80xi32, #tpu.memory_space<vmem>> -> memref<80xi32, #tpu.memory_space<vmem>>
      %dma_start3A_95 = arith.constant 0 : i32
      %dma_start3A_96 = arith.constant 0 : i32
      %dma_start3A_97 = tpu.memref_slice %arg8[%dma_start3A_95, %dma_start3A_96] : memref<10240x128xf32, #tpu.memory_space<vmem_shared>> -> memref<10240x128xf32, #tpu.memory_space<vmem_shared>>
      tpu.enqueue_indirect_dma source(%arg7 : memref<80x128xf32, #tpu.memory_space<vmem>>) target(%dma_start3A_97 : memref<10240x128xf32, #tpu.memory_space<vmem_shared>>) offsets(%dma_start3A_94 : memref<80xi32, #tpu.memory_space<vmem>>) semaphore(%arg9 : memref<!tpu.dma_semaphore, #tpu.memory_space<semaphore_mem>>) {add = true}
      %add3A_98 = arith.constant 1 : i32
      %add3A_99 = arith.addi %mul3A_79, %add3A_98 : i32
      %dma_wait3A_100 = arith.constant 0 : i32
      %dma_wait3A_101 = tpu.memref_slice %arg6[%add3A_99, %dma_wait3A_100] : memref<125x80xi32, #tpu.memory_space<vmem>> -> memref<1x80xi32, #tpu.memory_space<vmem>>
      %dma_wait3A_102 = tpu.memref_squeeze %dma_wait3A_101 : memref<1x80xi32, #tpu.memory_space<vmem>> -> memref<80xi32, #tpu.memory_space<vmem>>
      %dma_wait3A_103 = arith.constant 0 : i32
      %dma_wait3A_104 = arith.constant 0 : i32
      %dma_wait3A_105 = tpu.memref_slice %arg8[%dma_wait3A_103, %dma_wait3A_104] : memref<10240x128xf32, #tpu.memory_space<vmem_shared>> -> memref<10240x128xf32, #tpu.memory_space<vmem_shared>>
      tpu.wait_indirect_dma semaphore(%arg10 : memref<!tpu.dma_semaphore, #tpu.memory_space<semaphore_mem>>) src(%arg7 : memref<80x128xf32, #tpu.memory_space<vmem>>) dst(%dma_wait3A_105 : memref<10240x128xf32, #tpu.memory_space<vmem_shared>>)
      %add3A_106 = arith.constant 4 : i32
      %add3A_107 = arith.addi %mul3A_79, %add3A_106 : i32
      %add3A_108 = arith.constant 1 : i32
      %add3A_109 = arith.addi %add3A_107, %add3A_108 : i32
      %dma_start3A_110 = arith.constant 0 : i32
      %dma_start3A_111 = tpu.memref_slice %arg6[%add3A_109, %dma_start3A_110] : memref<125x80xi32, #tpu.memory_space<vmem>> -> memref<1x80xi32, #tpu.memory_space<vmem>>
      %dma_start3A_112 = tpu.memref_squeeze %dma_start3A_111 : memref<1x80xi32, #tpu.memory_space<vmem>> -> memref<80xi32, #tpu.memory_space<vmem>>
      %dma_start3A_113 = arith.constant 0 : i32
      %dma_start3A_114 = arith.constant 0 : i32
      %dma_start3A_115 = tpu.memref_slice %arg8[%dma_start3A_113, %dma_start3A_114] : memref<10240x128xf32, #tpu.memory_space<vmem_shared>> -> memref<10240x128xf32, #tpu.memory_space<vmem_shared>>
      tpu.enqueue_indirect_dma source(%arg7 : memref<80x128xf32, #tpu.memory_space<vmem>>) target(%dma_start3A_115 : memref<10240x128xf32, #tpu.memory_space<vmem_shared>>) offsets(%dma_start3A_112 : memref<80xi32, #tpu.memory_space<vmem>>) semaphore(%arg10 : memref<!tpu.dma_semaphore, #tpu.memory_space<semaphore_mem>>) {add = true}
      %add3A_116 = arith.constant 2 : i32
      %add3A_117 = arith.addi %mul3A_79, %add3A_116 : i32
      %dma_wait3A_118 = arith.constant 0 : i32
      %dma_wait3A_119 = tpu.memref_slice %arg6[%add3A_117, %dma_wait3A_118] : memref<125x80xi32, #tpu.memory_space<vmem>> -> memref<1x80xi32, #tpu.memory_space<vmem>>
      %dma_wait3A_120 = tpu.memref_squeeze %dma_wait3A_119 : memref<1x80xi32, #tpu.memory_space<vmem>> -> memref<80xi32, #tpu.memory_space<vmem>>
      %dma_wait3A_121 = arith.constant 0 : i32
      %dma_wait3A_122 = arith.constant 0 : i32
      %dma_wait3A_123 = tpu.memref_slice %arg8[%dma_wait3A_121, %dma_wait3A_122] : memref<10240x128xf32, #tpu.memory_space<vmem_shared>> -> memref<10240x128xf32, #tpu.memory_space<vmem_shared>>
      tpu.wait_indirect_dma semaphore(%arg11 : memref<!tpu.dma_semaphore, #tpu.memory_space<semaphore_mem>>) src(%arg7 : memref<80x128xf32, #tpu.memory_space<vmem>>) dst(%dma_wait3A_123 : memref<10240x128xf32, #tpu.memory_space<vmem_shared>>)
      %add3A_124 = arith.constant 4 : i32
      %add3A_125 = arith.addi %mul3A_79, %add3A_124 : i32
      %add3A_126 = arith.constant 2 : i32
      %add3A_127 = arith.addi %add3A_125, %add3A_126 : i32
      %dma_start3A_128 = arith.constant 0 : i32
      %dma_start3A_129 = tpu.memref_slice %arg6[%add3A_127, %dma_start3A_128] : memref<125x80xi32, #tpu.memory_space<vmem>> -> memref<1x80xi32, #tpu.memory_space<vmem>>
      %dma_start3A_130 = tpu.memref_squeeze %dma_start3A_129 : memref<1x80xi32, #tpu.memory_space<vmem>> -> memref<80xi32, #tpu.memory_space<vmem>>
      %dma_start3A_131 = arith.constant 0 : i32
      %dma_start3A_132 = arith.constant 0 : i32
      %dma_start3A_133 = tpu.memref_slice %arg8[%dma_start3A_131, %dma_start3A_132] : memref<10240x128xf32, #tpu.memory_space<vmem_shared>> -> memref<10240x128xf32, #tpu.memory_space<vmem_shared>>
      tpu.enqueue_indirect_dma source(%arg7 : memref<80x128xf32, #tpu.memory_space<vmem>>) target(%dma_start3A_133 : memref<10240x128xf32, #tpu.memory_space<vmem_shared>>) offsets(%dma_start3A_130 : memref<80xi32, #tpu.memory_space<vmem>>) semaphore(%arg11 : memref<!tpu.dma_semaphore, #tpu.memory_space<semaphore_mem>>) {add = true}
      %add3A_134 = arith.constant 3 : i32
      %add3A_135 = arith.addi %mul3A_79, %add3A_134 : i32
      %dma_wait3A_136 = arith.constant 0 : i32
      %dma_wait3A_137 = tpu.memref_slice %arg6[%add3A_135, %dma_wait3A_136] : memref<125x80xi32, #tpu.memory_space<vmem>> -> memref<1x80xi32, #tpu.memory_space<vmem>>
      %dma_wait3A_138 = tpu.memref_squeeze %dma_wait3A_137 : memref<1x80xi32, #tpu.memory_space<vmem>> -> memref<80xi32, #tpu.memory_space<vmem>>
      %dma_wait3A_139 = arith.constant 0 : i32
      %dma_wait3A_140 = arith.constant 0 : i32
      %dma_wait3A_141 = tpu.memref_slice %arg8[%dma_wait3A_139, %dma_wait3A_140] : memref<10240x128xf32, #tpu.memory_space<vmem_shared>> -> memref<10240x128xf32, #tpu.memory_space<vmem_shared>>
      tpu.wait_indirect_dma semaphore(%arg12 : memref<!tpu.dma_semaphore, #tpu.memory_space<semaphore_mem>>) src(%arg7 : memref<80x128xf32, #tpu.memory_space<vmem>>) dst(%dma_wait3A_141 : memref<10240x128xf32, #tpu.memory_space<vmem_shared>>)
      %add3A_142 = arith.constant 4 : i32
      %add3A_143 = arith.addi %mul3A_79, %add3A_142 : i32
      %add3A_144 = arith.constant 3 : i32
      %add3A_145 = arith.addi %add3A_143, %add3A_144 : i32
      %dma_start3A_146 = arith.constant 0 : i32
      %dma_start3A_147 = tpu.memref_slice %arg6[%add3A_145, %dma_start3A_146] : memref<125x80xi32, #tpu.memory_space<vmem>> -> memref<1x80xi32, #tpu.memory_space<vmem>>
      %dma_start3A_148 = tpu.memref_squeeze %dma_start3A_147 : memref<1x80xi32, #tpu.memory_space<vmem>> -> memref<80xi32, #tpu.memory_space<vmem>>
      %dma_start3A_149 = arith.constant 0 : i32
      %dma_start3A_150 = arith.constant 0 : i32
      %dma_start3A_151 = tpu.memref_slice %arg8[%dma_start3A_149, %dma_start3A_150] : memref<10240x128xf32, #tpu.memory_space<vmem_shared>> -> memref<10240x128xf32, #tpu.memory_space<vmem_shared>>
      tpu.enqueue_indirect_dma source(%arg7 : memref<80x128xf32, #tpu.memory_space<vmem>>) target(%dma_start3A_151 : memref<10240x128xf32, #tpu.memory_space<vmem_shared>>) offsets(%dma_start3A_148 : memref<80xi32, #tpu.memory_space<vmem>>) semaphore(%arg12 : memref<!tpu.dma_semaphore, #tpu.memory_space<semaphore_mem>>) {add = true}
    }
    %scan3A_34 = arith.constant 30 : i32
    %dma_wait3A = arith.constant 120 : i32
    %dma_wait3A_35 = arith.constant 0 : i32
    %dma_wait3A_36 = tpu.memref_slice %arg6[%dma_wait3A, %dma_wait3A_35] : memref<125x80xi32, #tpu.memory_space<vmem>> -> memref<1x80xi32, #tpu.memory_space<vmem>>
    %dma_wait3A_37 = tpu.memref_squeeze %dma_wait3A_36 : memref<1x80xi32, #tpu.memory_space<vmem>> -> memref<80xi32, #tpu.memory_space<vmem>>
    %dma_wait3A_38 = arith.constant 0 : i32
    %dma_wait3A_39 = arith.constant 0 : i32
    %dma_wait3A_40 = tpu.memref_slice %arg8[%dma_wait3A_38, %dma_wait3A_39] : memref<10240x128xf32, #tpu.memory_space<vmem_shared>> -> memref<10240x128xf32, #tpu.memory_space<vmem_shared>>
    tpu.wait_indirect_dma semaphore(%arg9 : memref<!tpu.dma_semaphore, #tpu.memory_space<semaphore_mem>>) src(%arg7 : memref<80x128xf32, #tpu.memory_space<vmem>>) dst(%dma_wait3A_40 : memref<10240x128xf32, #tpu.memory_space<vmem_shared>>)
    %dma_wait3A_41 = arith.constant 121 : i32
    %dma_wait3A_42 = arith.constant 0 : i32
    %dma_wait3A_43 = tpu.memref_slice %arg6[%dma_wait3A_41, %dma_wait3A_42] : memref<125x80xi32, #tpu.memory_space<vmem>> -> memref<1x80xi32, #tpu.memory_space<vmem>>
    %dma_wait3A_44 = tpu.memref_squeeze %dma_wait3A_43 : memref<1x80xi32, #tpu.memory_space<vmem>> -> memref<80xi32, #tpu.memory_space<vmem>>
    %dma_wait3A_45 = arith.constant 0 : i32
    %dma_wait3A_46 = arith.constant 0 : i32
    %dma_wait3A_47 = tpu.memref_slice %arg8[%dma_wait3A_45, %dma_wait3A_46] : memref<10240x128xf32, #tpu.memory_space<vmem_shared>> -> memref<10240x128xf32, #tpu.memory_space<vmem_shared>>
    tpu.wait_indirect_dma semaphore(%arg10 : memref<!tpu.dma_semaphore, #tpu.memory_space<semaphore_mem>>) src(%arg7 : memref<80x128xf32, #tpu.memory_space<vmem>>) dst(%dma_wait3A_47 : memref<10240x128xf32, #tpu.memory_space<vmem_shared>>)
    %dma_wait3A_48 = arith.constant 122 : i32
    %dma_wait3A_49 = arith.constant 0 : i32
    %dma_wait3A_50 = tpu.memref_slice %arg6[%dma_wait3A_48, %dma_wait3A_49] : memref<125x80xi32, #tpu.memory_space<vmem>> -> memref<1x80xi32, #tpu.memory_space<vmem>>
    %dma_wait3A_51 = tpu.memref_squeeze %dma_wait3A_50 : memref<1x80xi32, #tpu.memory_space<vmem>> -> memref<80xi32, #tpu.memory_space<vmem>>
    %dma_wait3A_52 = arith.constant 0 : i32
    %dma_wait3A_53 = arith.constant 0 : i32
    %dma_wait3A_54 = tpu.memref_slice %arg8[%dma_wait3A_52, %dma_wait3A_53] : memref<10240x128xf32, #tpu.memory_space<vmem_shared>> -> memref<10240x128xf32, #tpu.memory_space<vmem_shared>>
    tpu.wait_indirect_dma semaphore(%arg11 : memref<!tpu.dma_semaphore, #tpu.memory_space<semaphore_mem>>) src(%arg7 : memref<80x128xf32, #tpu.memory_space<vmem>>) dst(%dma_wait3A_54 : memref<10240x128xf32, #tpu.memory_space<vmem_shared>>)
    %dma_wait3A_55 = arith.constant 123 : i32
    %dma_wait3A_56 = arith.constant 0 : i32
    %dma_wait3A_57 = tpu.memref_slice %arg6[%dma_wait3A_55, %dma_wait3A_56] : memref<125x80xi32, #tpu.memory_space<vmem>> -> memref<1x80xi32, #tpu.memory_space<vmem>>
    %dma_wait3A_58 = tpu.memref_squeeze %dma_wait3A_57 : memref<1x80xi32, #tpu.memory_space<vmem>> -> memref<80xi32, #tpu.memory_space<vmem>>
    %dma_wait3A_59 = arith.constant 0 : i32
    %dma_wait3A_60 = arith.constant 0 : i32
    %dma_wait3A_61 = tpu.memref_slice %arg8[%dma_wait3A_59, %dma_wait3A_60] : memref<10240x128xf32, #tpu.memory_space<vmem_shared>> -> memref<10240x128xf32, #tpu.memory_space<vmem_shared>>
    tpu.wait_indirect_dma semaphore(%arg12 : memref<!tpu.dma_semaphore, #tpu.memory_space<semaphore_mem>>) src(%arg7 : memref<80x128xf32, #tpu.memory_space<vmem>>) dst(%dma_wait3A_61 : memref<10240x128xf32, #tpu.memory_space<vmem_shared>>)
    %dma_start3A_62 = arith.constant 124 : i32
    %dma_start3A_63 = arith.constant 0 : i32
    %dma_start3A_64 = tpu.memref_slice %arg6[%dma_start3A_62, %dma_start3A_63] : memref<125x80xi32, #tpu.memory_space<vmem>> -> memref<1x80xi32, #tpu.memory_space<vmem>>
    %dma_start3A_65 = tpu.memref_squeeze %dma_start3A_64 : memref<1x80xi32, #tpu.memory_space<vmem>> -> memref<80xi32, #tpu.memory_space<vmem>>
    %dma_start3A_66 = arith.constant 0 : i32
    %dma_start3A_67 = arith.constant 0 : i32
    %dma_start3A_68 = tpu.memref_slice %arg8[%dma_start3A_66, %dma_start3A_67] : memref<10240x128xf32, #tpu.memory_space<vmem_shared>> -> memref<10240x128xf32, #tpu.memory_space<vmem_shared>>
    tpu.enqueue_indirect_dma source(%arg7 : memref<80x128xf32, #tpu.memory_space<vmem>>) target(%dma_start3A_68 : memref<10240x128xf32, #tpu.memory_space<vmem_shared>>) offsets(%dma_start3A_65 : memref<80xi32, #tpu.memory_space<vmem>>) semaphore(%arg9 : memref<!tpu.dma_semaphore, #tpu.memory_space<semaphore_mem>>) {add = true}
    %dma_wait3A_69 = arith.constant 124 : i32
    %dma_wait3A_70 = arith.constant 0 : i32
    %dma_wait3A_71 = tpu.memref_slice %arg6[%dma_wait3A_69, %dma_wait3A_70] : memref<125x80xi32, #tpu.memory_space<vmem>> -> memref<1x80xi32, #tpu.memory_space<vmem>>
    %dma_wait3A_72 = tpu.memref_squeeze %dma_wait3A_71 : memref<1x80xi32, #tpu.memory_space<vmem>> -> memref<80xi32, #tpu.memory_space<vmem>>
    %dma_wait3A_73 = arith.constant 0 : i32
    %dma_wait3A_74 = arith.constant 0 : i32
    %dma_wait3A_75 = tpu.memref_slice %arg8[%dma_wait3A_73, %dma_wait3A_74] : memref<10240x128xf32, #tpu.memory_space<vmem_shared>> -> memref<10240x128xf32, #tpu.memory_space<vmem_shared>>
    tpu.wait_indirect_dma semaphore(%arg9 : memref<!tpu.dma_semaphore, #tpu.memory_space<semaphore_mem>>) src(%arg7 : memref<80x128xf32, #tpu.memory_space<vmem>>) dst(%dma_wait3A_75 : memref<10240x128xf32, #tpu.memory_space<vmem_shared>>)
    %barrier3A_76 = arith.constant 0 : index
    tpu.barrier barrier_id(%barrier3A_76)
    "tpu.region"() ({
      %run_scoped3A = tpu.sem_alloc : memref<!tpu.dma_semaphore, #tpu.memory_space<semaphore_mem>>
      %dma_start3A_77 = arith.constant 0 : i32
      %dma_start3A_78 = tpu.memref_slice %arg5[%arg0, %mul3A_2, %dma_start3A_77] : memref<2x10240x128xf32, #tpu.memory_space<hbm>> -> memref<1x640x128xf32, #tpu.memory_space<hbm>>
      %dma_start3A_79 = tpu.memref_squeeze %dma_start3A_78 : memref<1x640x128xf32, #tpu.memory_space<hbm>> -> memref<640x128xf32, #tpu.memory_space<hbm>>
      %dma_start3A_80 = arith.constant 0 : i32
      %dma_start3A_81 = tpu.memref_slice %arg8[%mul3A_2, %dma_start3A_80] : memref<10240x128xf32, #tpu.memory_space<vmem_shared>> -> memref<640x128xf32, #tpu.memory_space<vmem_shared>>
      tpu.enqueue_dma source(%dma_start3A_81 : memref<640x128xf32, #tpu.memory_space<vmem_shared>>) target(%dma_start3A_79 : memref<640x128xf32, #tpu.memory_space<hbm>>) target_semaphore(%run_scoped3A : memref<!tpu.dma_semaphore, #tpu.memory_space<semaphore_mem>>)
      %dma_wait3A_82 = arith.constant 0 : i32
      %dma_wait3A_83 = tpu.memref_slice %arg5[%arg0, %mul3A_2, %dma_wait3A_82] : memref<2x10240x128xf32, #tpu.memory_space<hbm>> -> memref<1x640x128xf32, #tpu.memory_space<hbm>>
      %dma_wait3A_84 = tpu.memref_squeeze %dma_wait3A_83 : memref<1x640x128xf32, #tpu.memory_space<hbm>> -> memref<640x128xf32, #tpu.memory_space<hbm>>
      %dma_wait3A_85 = arith.constant 0 : i32
      %dma_wait3A_86 = tpu.memref_slice %arg8[%mul3A_2, %dma_wait3A_85] : memref<10240x128xf32, #tpu.memory_space<vmem_shared>> -> memref<640x128xf32, #tpu.memory_space<vmem_shared>>
      tpu.wait_dma2 semaphore(%run_scoped3A : memref<!tpu.dma_semaphore, #tpu.memory_space<semaphore_mem>>) src(%dma_wait3A_86 : memref<640x128xf32, #tpu.memory_space<vmem_shared>>) dst(%dma_wait3A_84 : memref<640x128xf32, #tpu.memory_space<hbm>>)
      tpu.yield
    }) : () -> ()
    return
  }
}

#map = affine_map<(d0, d1) -> (0, 0)>
#map1 = affine_map<(d0, d1) -> (0, 0, 0, 0)>
#map2 = affine_map<(d0, d1) -> (0, 0, 0)>
module attributes {stable_mosaic.version = 14 : i64} {
  func.func @_spmm_kernel(%arg0: i32, %arg1: i32, %arg2: memref<10000x128xf32, #tpu.memory_space<hbm>>, %arg3: memref<32x125x1x80xi32, #tpu.memory_space<hbm>>, %arg4: memref<32x125x1x80xi32, #tpu.memory_space<hbm>>, %arg5: memref<10240x128xf32, #tpu.memory_space<hbm>>, %arg6: memref<2x10240x128xf32, #tpu.memory_space<hbm>>, %arg7: memref<10240x128xf32, #tpu.memory_space<vmem_shared>>, %arg8: memref<1x80xi32, #tpu.memory_space<vmem>>, %arg9: memref<1x80xi32, #tpu.memory_space<vmem>>, %arg10: memref<1x80xi32, #tpu.memory_space<vmem>>, %arg11: memref<1x80xi32, #tpu.memory_space<vmem>>, %arg12: memref<!tpu.dma_semaphore, #tpu.memory_space<semaphore_mem>>, %arg13: memref<!tpu.dma_semaphore, #tpu.memory_space<semaphore_mem>>, %arg14: memref<!tpu.dma_semaphore, #tpu.memory_space<semaphore_mem>>, %arg15: memref<!tpu.dma_semaphore, #tpu.memory_space<semaphore_mem>>, %arg16: memref<!tpu.dma_semaphore, #tpu.memory_space<semaphore_mem>>, %arg17: memref<!tpu.dma_semaphore, #tpu.memory_space<semaphore_mem>>, %arg18: memref<!tpu.dma_semaphore, #tpu.memory_space<semaphore_mem>>, %arg19: memref<!tpu.dma_semaphore, #tpu.memory_space<semaphore_mem>>, %arg20: memref<80x128xf32, #tpu.memory_space<vmem>>, %arg21: memref<80x128xf32, #tpu.memory_space<vmem>>, %arg22: memref<80x128xf32, #tpu.memory_space<vmem>>, %arg23: memref<80x128xf32, #tpu.memory_space<vmem>>, %arg24: memref<1x80xi32, #tpu.memory_space<vmem>>, %arg25: memref<1x80xi32, #tpu.memory_space<vmem>>, %arg26: memref<1x80xi32, #tpu.memory_space<vmem>>, %arg27: memref<1x80xi32, #tpu.memory_space<vmem>>, %arg28: memref<!tpu.dma_semaphore, #tpu.memory_space<semaphore_mem>>, %arg29: memref<!tpu.dma_semaphore, #tpu.memory_space<semaphore_mem>>, %arg30: memref<!tpu.dma_semaphore, #tpu.memory_space<semaphore_mem>>, %arg31: memref<!tpu.dma_semaphore, #tpu.memory_space<semaphore_mem>>, %arg32: memref<!tpu.dma_semaphore, #tpu.memory_space<semaphore_mem>>, %arg33: memref<!tpu.dma_semaphore, #tpu.memory_space<semaphore_mem>>, %arg34: memref<!tpu.dma_semaphore, #tpu.memory_space<semaphore_mem>>, %arg35: memref<!tpu.dma_semaphore, #tpu.memory_space<semaphore_mem>>) attributes {dimension_semantics = [#tpu.dimension_semantics<core_parallel>, #tpu.dimension_semantics<subcore_parallel>], iteration_bounds = array<i64: 2, 16>, scalar_prefetch = 0 : i64, scratch_operands = 29 : i64, tpu.core_type = #tpu.core_type<sc_vector_subcore>, window_params = [{transform_indices = #map}, {transform_indices = #map1}, {transform_indices = #map1}, {transform_indices = #map}, {transform_indices = #map2}]} {
    %mul3A = arith.constant 16 : i32
    %mul3A_0 = arith.muli %arg0, %mul3A : i32
    %add3A = arith.addi %mul3A_0, %arg1 : i32
    %mul3A_1 = arith.constant 640 : i32
    %mul3A_2 = arith.muli %arg1, %mul3A_1 : i32
    "tpu.region"() ({
      %run_scoped3A = tpu.sem_alloc : memref<!tpu.dma_semaphore, #tpu.memory_space<semaphore_mem>>
      %dma_start3A_327 = arith.constant 0 : i32
      %dma_start3A_328 = tpu.memref_slice %arg7[%mul3A_2, %dma_start3A_327] : memref<10240x128xf32, #tpu.memory_space<vmem_shared>> -> memref<640x128xf32, #tpu.memory_space<vmem_shared>>
      %dma_start3A_329 = arith.constant 0 : i32
      %dma_start3A_330 = tpu.memref_slice %arg5[%mul3A_2, %dma_start3A_329] : memref<10240x128xf32, #tpu.memory_space<hbm>> -> memref<640x128xf32, #tpu.memory_space<hbm>>
      tpu.enqueue_dma source(%dma_start3A_330 : memref<640x128xf32, #tpu.memory_space<hbm>>) target(%dma_start3A_328 : memref<640x128xf32, #tpu.memory_space<vmem_shared>>) target_semaphore(%run_scoped3A : memref<!tpu.dma_semaphore, #tpu.memory_space<semaphore_mem>>)
      %dma_wait3A_331 = arith.constant 0 : i32
      %dma_wait3A_332 = tpu.memref_slice %arg7[%mul3A_2, %dma_wait3A_331] : memref<10240x128xf32, #tpu.memory_space<vmem_shared>> -> memref<640x128xf32, #tpu.memory_space<vmem_shared>>
      %dma_wait3A_333 = arith.constant 0 : i32
      %dma_wait3A_334 = tpu.memref_slice %arg5[%mul3A_2, %dma_wait3A_333] : memref<10240x128xf32, #tpu.memory_space<hbm>> -> memref<640x128xf32, #tpu.memory_space<hbm>>
      tpu.wait_dma2 semaphore(%run_scoped3A : memref<!tpu.dma_semaphore, #tpu.memory_space<semaphore_mem>>) src(%dma_wait3A_334 : memref<640x128xf32, #tpu.memory_space<hbm>>) dst(%dma_wait3A_332 : memref<640x128xf32, #tpu.memory_space<vmem_shared>>)
      tpu.yield
    }) : () -> ()
    %barrier3A = arith.constant 0 : index
    tpu.barrier barrier_id(%barrier3A)
    %dma_start3A = arith.constant 0 : i32
    %dma_start3A_3 = arith.constant 0 : i32
    %dma_start3A_4 = arith.constant 0 : i32
    %dma_start3A_5 = tpu.memref_slice %arg3[%add3A, %dma_start3A, %dma_start3A_3, %dma_start3A_4] : memref<32x125x1x80xi32, #tpu.memory_space<hbm>> -> memref<1x1x1x80xi32, #tpu.memory_space<hbm>>
    %dma_start3A_6 = tpu.memref_squeeze %dma_start3A_5 : memref<1x1x1x80xi32, #tpu.memory_space<hbm>> -> memref<1x80xi32, #tpu.memory_space<hbm>>
    %dma_start3A_7 = arith.constant 0 : i32
    %dma_start3A_8 = arith.constant 0 : i32
    %dma_start3A_9 = tpu.memref_slice %arg3[%add3A, %dma_start3A, %dma_start3A_7, %dma_start3A_8] : memref<32x125x1x80xi32, #tpu.memory_space<hbm>> -> memref<1x1x1x80xi32, #tpu.memory_space<hbm>>
    %dma_start3A_10 = tpu.memref_squeeze %dma_start3A_9 : memref<1x1x1x80xi32, #tpu.memory_space<hbm>> -> memref<1x80xi32, #tpu.memory_space<hbm>>
    tpu.enqueue_dma source(%dma_start3A_10 : memref<1x80xi32, #tpu.memory_space<hbm>>) target(%arg24 : memref<1x80xi32, #tpu.memory_space<vmem>>) target_semaphore(%arg28 : memref<!tpu.dma_semaphore, #tpu.memory_space<semaphore_mem>>)
    %dma_start3A_11 = arith.constant 0 : i32
    %dma_start3A_12 = arith.constant 0 : i32
    %dma_start3A_13 = arith.constant 0 : i32
    %dma_start3A_14 = tpu.memref_slice %arg4[%add3A, %dma_start3A_11, %dma_start3A_12, %dma_start3A_13] : memref<32x125x1x80xi32, #tpu.memory_space<hbm>> -> memref<1x1x1x80xi32, #tpu.memory_space<hbm>>
    %dma_start3A_15 = tpu.memref_squeeze %dma_start3A_14 : memref<1x1x1x80xi32, #tpu.memory_space<hbm>> -> memref<1x80xi32, #tpu.memory_space<hbm>>
    %dma_start3A_16 = arith.constant 0 : i32
    %dma_start3A_17 = arith.constant 0 : i32
    %dma_start3A_18 = tpu.memref_slice %arg4[%add3A, %dma_start3A_11, %dma_start3A_16, %dma_start3A_17] : memref<32x125x1x80xi32, #tpu.memory_space<hbm>> -> memref<1x1x1x80xi32, #tpu.memory_space<hbm>>
    %dma_start3A_19 = tpu.memref_squeeze %dma_start3A_18 : memref<1x1x1x80xi32, #tpu.memory_space<hbm>> -> memref<1x80xi32, #tpu.memory_space<hbm>>
    tpu.enqueue_dma source(%dma_start3A_19 : memref<1x80xi32, #tpu.memory_space<hbm>>) target(%arg8 : memref<1x80xi32, #tpu.memory_space<vmem>>) target_semaphore(%arg12 : memref<!tpu.dma_semaphore, #tpu.memory_space<semaphore_mem>>)
    %dma_start3A_20 = arith.constant 1 : i32
    %dma_start3A_21 = arith.constant 0 : i32
    %dma_start3A_22 = arith.constant 0 : i32
    %dma_start3A_23 = tpu.memref_slice %arg3[%add3A, %dma_start3A_20, %dma_start3A_21, %dma_start3A_22] : memref<32x125x1x80xi32, #tpu.memory_space<hbm>> -> memref<1x1x1x80xi32, #tpu.memory_space<hbm>>
    %dma_start3A_24 = tpu.memref_squeeze %dma_start3A_23 : memref<1x1x1x80xi32, #tpu.memory_space<hbm>> -> memref<1x80xi32, #tpu.memory_space<hbm>>
    %dma_start3A_25 = arith.constant 0 : i32
    %dma_start3A_26 = arith.constant 0 : i32
    %dma_start3A_27 = tpu.memref_slice %arg3[%add3A, %dma_start3A_20, %dma_start3A_25, %dma_start3A_26] : memref<32x125x1x80xi32, #tpu.memory_space<hbm>> -> memref<1x1x1x80xi32, #tpu.memory_space<hbm>>
    %dma_start3A_28 = tpu.memref_squeeze %dma_start3A_27 : memref<1x1x1x80xi32, #tpu.memory_space<hbm>> -> memref<1x80xi32, #tpu.memory_space<hbm>>
    tpu.enqueue_dma source(%dma_start3A_28 : memref<1x80xi32, #tpu.memory_space<hbm>>) target(%arg25 : memref<1x80xi32, #tpu.memory_space<vmem>>) target_semaphore(%arg29 : memref<!tpu.dma_semaphore, #tpu.memory_space<semaphore_mem>>)
    %dma_start3A_29 = arith.constant 1 : i32
    %dma_start3A_30 = arith.constant 0 : i32
    %dma_start3A_31 = arith.constant 0 : i32
    %dma_start3A_32 = tpu.memref_slice %arg4[%add3A, %dma_start3A_29, %dma_start3A_30, %dma_start3A_31] : memref<32x125x1x80xi32, #tpu.memory_space<hbm>> -> memref<1x1x1x80xi32, #tpu.memory_space<hbm>>
    %dma_start3A_33 = tpu.memref_squeeze %dma_start3A_32 : memref<1x1x1x80xi32, #tpu.memory_space<hbm>> -> memref<1x80xi32, #tpu.memory_space<hbm>>
    %dma_start3A_34 = arith.constant 0 : i32
    %dma_start3A_35 = arith.constant 0 : i32
    %dma_start3A_36 = tpu.memref_slice %arg4[%add3A, %dma_start3A_29, %dma_start3A_34, %dma_start3A_35] : memref<32x125x1x80xi32, #tpu.memory_space<hbm>> -> memref<1x1x1x80xi32, #tpu.memory_space<hbm>>
    %dma_start3A_37 = tpu.memref_squeeze %dma_start3A_36 : memref<1x1x1x80xi32, #tpu.memory_space<hbm>> -> memref<1x80xi32, #tpu.memory_space<hbm>>
    tpu.enqueue_dma source(%dma_start3A_37 : memref<1x80xi32, #tpu.memory_space<hbm>>) target(%arg9 : memref<1x80xi32, #tpu.memory_space<vmem>>) target_semaphore(%arg13 : memref<!tpu.dma_semaphore, #tpu.memory_space<semaphore_mem>>)
    %dma_start3A_38 = arith.constant 2 : i32
    %dma_start3A_39 = arith.constant 0 : i32
    %dma_start3A_40 = arith.constant 0 : i32
    %dma_start3A_41 = tpu.memref_slice %arg3[%add3A, %dma_start3A_38, %dma_start3A_39, %dma_start3A_40] : memref<32x125x1x80xi32, #tpu.memory_space<hbm>> -> memref<1x1x1x80xi32, #tpu.memory_space<hbm>>
    %dma_start3A_42 = tpu.memref_squeeze %dma_start3A_41 : memref<1x1x1x80xi32, #tpu.memory_space<hbm>> -> memref<1x80xi32, #tpu.memory_space<hbm>>
    %dma_start3A_43 = arith.constant 0 : i32
    %dma_start3A_44 = arith.constant 0 : i32
    %dma_start3A_45 = tpu.memref_slice %arg3[%add3A, %dma_start3A_38, %dma_start3A_43, %dma_start3A_44] : memref<32x125x1x80xi32, #tpu.memory_space<hbm>> -> memref<1x1x1x80xi32, #tpu.memory_space<hbm>>
    %dma_start3A_46 = tpu.memref_squeeze %dma_start3A_45 : memref<1x1x1x80xi32, #tpu.memory_space<hbm>> -> memref<1x80xi32, #tpu.memory_space<hbm>>
    tpu.enqueue_dma source(%dma_start3A_46 : memref<1x80xi32, #tpu.memory_space<hbm>>) target(%arg26 : memref<1x80xi32, #tpu.memory_space<vmem>>) target_semaphore(%arg30 : memref<!tpu.dma_semaphore, #tpu.memory_space<semaphore_mem>>)
    %dma_start3A_47 = arith.constant 2 : i32
    %dma_start3A_48 = arith.constant 0 : i32
    %dma_start3A_49 = arith.constant 0 : i32
    %dma_start3A_50 = tpu.memref_slice %arg4[%add3A, %dma_start3A_47, %dma_start3A_48, %dma_start3A_49] : memref<32x125x1x80xi32, #tpu.memory_space<hbm>> -> memref<1x1x1x80xi32, #tpu.memory_space<hbm>>
    %dma_start3A_51 = tpu.memref_squeeze %dma_start3A_50 : memref<1x1x1x80xi32, #tpu.memory_space<hbm>> -> memref<1x80xi32, #tpu.memory_space<hbm>>
    %dma_start3A_52 = arith.constant 0 : i32
    %dma_start3A_53 = arith.constant 0 : i32
    %dma_start3A_54 = tpu.memref_slice %arg4[%add3A, %dma_start3A_47, %dma_start3A_52, %dma_start3A_53] : memref<32x125x1x80xi32, #tpu.memory_space<hbm>> -> memref<1x1x1x80xi32, #tpu.memory_space<hbm>>
    %dma_start3A_55 = tpu.memref_squeeze %dma_start3A_54 : memref<1x1x1x80xi32, #tpu.memory_space<hbm>> -> memref<1x80xi32, #tpu.memory_space<hbm>>
    tpu.enqueue_dma source(%dma_start3A_55 : memref<1x80xi32, #tpu.memory_space<hbm>>) target(%arg10 : memref<1x80xi32, #tpu.memory_space<vmem>>) target_semaphore(%arg14 : memref<!tpu.dma_semaphore, #tpu.memory_space<semaphore_mem>>)
    %dma_start3A_56 = arith.constant 3 : i32
    %dma_start3A_57 = arith.constant 0 : i32
    %dma_start3A_58 = arith.constant 0 : i32
    %dma_start3A_59 = tpu.memref_slice %arg3[%add3A, %dma_start3A_56, %dma_start3A_57, %dma_start3A_58] : memref<32x125x1x80xi32, #tpu.memory_space<hbm>> -> memref<1x1x1x80xi32, #tpu.memory_space<hbm>>
    %dma_start3A_60 = tpu.memref_squeeze %dma_start3A_59 : memref<1x1x1x80xi32, #tpu.memory_space<hbm>> -> memref<1x80xi32, #tpu.memory_space<hbm>>
    %dma_start3A_61 = arith.constant 0 : i32
    %dma_start3A_62 = arith.constant 0 : i32
    %dma_start3A_63 = tpu.memref_slice %arg3[%add3A, %dma_start3A_56, %dma_start3A_61, %dma_start3A_62] : memref<32x125x1x80xi32, #tpu.memory_space<hbm>> -> memref<1x1x1x80xi32, #tpu.memory_space<hbm>>
    %dma_start3A_64 = tpu.memref_squeeze %dma_start3A_63 : memref<1x1x1x80xi32, #tpu.memory_space<hbm>> -> memref<1x80xi32, #tpu.memory_space<hbm>>
    tpu.enqueue_dma source(%dma_start3A_64 : memref<1x80xi32, #tpu.memory_space<hbm>>) target(%arg27 : memref<1x80xi32, #tpu.memory_space<vmem>>) target_semaphore(%arg31 : memref<!tpu.dma_semaphore, #tpu.memory_space<semaphore_mem>>)
    %dma_start3A_65 = arith.constant 3 : i32
    %dma_start3A_66 = arith.constant 0 : i32
    %dma_start3A_67 = arith.constant 0 : i32
    %dma_start3A_68 = tpu.memref_slice %arg4[%add3A, %dma_start3A_65, %dma_start3A_66, %dma_start3A_67] : memref<32x125x1x80xi32, #tpu.memory_space<hbm>> -> memref<1x1x1x80xi32, #tpu.memory_space<hbm>>
    %dma_start3A_69 = tpu.memref_squeeze %dma_start3A_68 : memref<1x1x1x80xi32, #tpu.memory_space<hbm>> -> memref<1x80xi32, #tpu.memory_space<hbm>>
    %dma_start3A_70 = arith.constant 0 : i32
    %dma_start3A_71 = arith.constant 0 : i32
    %dma_start3A_72 = tpu.memref_slice %arg4[%add3A, %dma_start3A_65, %dma_start3A_70, %dma_start3A_71] : memref<32x125x1x80xi32, #tpu.memory_space<hbm>> -> memref<1x1x1x80xi32, #tpu.memory_space<hbm>>
    %dma_start3A_73 = tpu.memref_squeeze %dma_start3A_72 : memref<1x1x1x80xi32, #tpu.memory_space<hbm>> -> memref<1x80xi32, #tpu.memory_space<hbm>>
    tpu.enqueue_dma source(%dma_start3A_73 : memref<1x80xi32, #tpu.memory_space<hbm>>) target(%arg11 : memref<1x80xi32, #tpu.memory_space<vmem>>) target_semaphore(%arg15 : memref<!tpu.dma_semaphore, #tpu.memory_space<semaphore_mem>>)
    %dma_wait3A = arith.constant 0 : i32
    %dma_wait3A_74 = arith.constant 0 : i32
    %dma_wait3A_75 = arith.constant 0 : i32
    %dma_wait3A_76 = tpu.memref_slice %arg3[%add3A, %dma_wait3A, %dma_wait3A_74, %dma_wait3A_75] : memref<32x125x1x80xi32, #tpu.memory_space<hbm>> -> memref<1x1x1x80xi32, #tpu.memory_space<hbm>>
    %dma_wait3A_77 = tpu.memref_squeeze %dma_wait3A_76 : memref<1x1x1x80xi32, #tpu.memory_space<hbm>> -> memref<1x80xi32, #tpu.memory_space<hbm>>
    %dma_wait3A_78 = arith.constant 0 : i32
    %dma_wait3A_79 = arith.constant 0 : i32
    %dma_wait3A_80 = tpu.memref_slice %arg3[%add3A, %dma_wait3A, %dma_wait3A_78, %dma_wait3A_79] : memref<32x125x1x80xi32, #tpu.memory_space<hbm>> -> memref<1x1x1x80xi32, #tpu.memory_space<hbm>>
    %dma_wait3A_81 = tpu.memref_squeeze %dma_wait3A_80 : memref<1x1x1x80xi32, #tpu.memory_space<hbm>> -> memref<1x80xi32, #tpu.memory_space<hbm>>
    tpu.wait_dma2 semaphore(%arg28 : memref<!tpu.dma_semaphore, #tpu.memory_space<semaphore_mem>>) src(%dma_wait3A_81 : memref<1x80xi32, #tpu.memory_space<hbm>>) dst(%arg24 : memref<1x80xi32, #tpu.memory_space<vmem>>)
    %dma_start3A_82 = arith.constant 0 : i32
    %dma_start3A_83 = arith.constant 0 : i32
    %dma_start3A_84 = tpu.memref_slice %arg24[%dma_start3A_82, %dma_start3A_83] : memref<1x80xi32, #tpu.memory_space<vmem>> -> memref<1x80xi32, #tpu.memory_space<vmem>>
    %dma_start3A_85 = tpu.memref_squeeze %dma_start3A_84 : memref<1x80xi32, #tpu.memory_space<vmem>> -> memref<80xi32, #tpu.memory_space<vmem>>
    %dma_start3A_86 = arith.constant 0 : i32
    %dma_start3A_87 = arith.constant 0 : i32
    %dma_start3A_88 = tpu.memref_slice %arg2[%dma_start3A_86, %dma_start3A_87] : memref<10000x128xf32, #tpu.memory_space<hbm>> -> memref<10000x128xf32, #tpu.memory_space<hbm>>
    tpu.enqueue_indirect_dma source(%dma_start3A_88 : memref<10000x128xf32, #tpu.memory_space<hbm>>) target(%arg20 : memref<80x128xf32, #tpu.memory_space<vmem>>) offsets(%dma_start3A_85 : memref<80xi32, #tpu.memory_space<vmem>>) semaphore(%arg16 : memref<!tpu.dma_semaphore, #tpu.memory_space<semaphore_mem>>)
    %dma_wait3A_89 = arith.constant 1 : i32
    %dma_wait3A_90 = arith.constant 0 : i32
    %dma_wait3A_91 = arith.constant 0 : i32
    %dma_wait3A_92 = tpu.memref_slice %arg3[%add3A, %dma_wait3A_89, %dma_wait3A_90, %dma_wait3A_91] : memref<32x125x1x80xi32, #tpu.memory_space<hbm>> -> memref<1x1x1x80xi32, #tpu.memory_space<hbm>>
    %dma_wait3A_93 = tpu.memref_squeeze %dma_wait3A_92 : memref<1x1x1x80xi32, #tpu.memory_space<hbm>> -> memref<1x80xi32, #tpu.memory_space<hbm>>
    %dma_wait3A_94 = arith.constant 0 : i32
    %dma_wait3A_95 = arith.constant 0 : i32
    %dma_wait3A_96 = tpu.memref_slice %arg3[%add3A, %dma_wait3A_89, %dma_wait3A_94, %dma_wait3A_95] : memref<32x125x1x80xi32, #tpu.memory_space<hbm>> -> memref<1x1x1x80xi32, #tpu.memory_space<hbm>>
    %dma_wait3A_97 = tpu.memref_squeeze %dma_wait3A_96 : memref<1x1x1x80xi32, #tpu.memory_space<hbm>> -> memref<1x80xi32, #tpu.memory_space<hbm>>
    tpu.wait_dma2 semaphore(%arg29 : memref<!tpu.dma_semaphore, #tpu.memory_space<semaphore_mem>>) src(%dma_wait3A_97 : memref<1x80xi32, #tpu.memory_space<hbm>>) dst(%arg25 : memref<1x80xi32, #tpu.memory_space<vmem>>)
    %dma_start3A_98 = arith.constant 0 : i32
    %dma_start3A_99 = arith.constant 0 : i32
    %dma_start3A_100 = tpu.memref_slice %arg25[%dma_start3A_98, %dma_start3A_99] : memref<1x80xi32, #tpu.memory_space<vmem>> -> memref<1x80xi32, #tpu.memory_space<vmem>>
    %dma_start3A_101 = tpu.memref_squeeze %dma_start3A_100 : memref<1x80xi32, #tpu.memory_space<vmem>> -> memref<80xi32, #tpu.memory_space<vmem>>
    %dma_start3A_102 = arith.constant 0 : i32
    %dma_start3A_103 = arith.constant 0 : i32
    %dma_start3A_104 = tpu.memref_slice %arg2[%dma_start3A_102, %dma_start3A_103] : memref<10000x128xf32, #tpu.memory_space<hbm>> -> memref<10000x128xf32, #tpu.memory_space<hbm>>
    tpu.enqueue_indirect_dma source(%dma_start3A_104 : memref<10000x128xf32, #tpu.memory_space<hbm>>) target(%arg21 : memref<80x128xf32, #tpu.memory_space<vmem>>) offsets(%dma_start3A_101 : memref<80xi32, #tpu.memory_space<vmem>>) semaphore(%arg17 : memref<!tpu.dma_semaphore, #tpu.memory_space<semaphore_mem>>)
    %dma_wait3A_105 = arith.constant 2 : i32
    %dma_wait3A_106 = arith.constant 0 : i32
    %dma_wait3A_107 = arith.constant 0 : i32
    %dma_wait3A_108 = tpu.memref_slice %arg3[%add3A, %dma_wait3A_105, %dma_wait3A_106, %dma_wait3A_107] : memref<32x125x1x80xi32, #tpu.memory_space<hbm>> -> memref<1x1x1x80xi32, #tpu.memory_space<hbm>>
    %dma_wait3A_109 = tpu.memref_squeeze %dma_wait3A_108 : memref<1x1x1x80xi32, #tpu.memory_space<hbm>> -> memref<1x80xi32, #tpu.memory_space<hbm>>
    %dma_wait3A_110 = arith.constant 0 : i32
    %dma_wait3A_111 = arith.constant 0 : i32
    %dma_wait3A_112 = tpu.memref_slice %arg3[%add3A, %dma_wait3A_105, %dma_wait3A_110, %dma_wait3A_111] : memref<32x125x1x80xi32, #tpu.memory_space<hbm>> -> memref<1x1x1x80xi32, #tpu.memory_space<hbm>>
    %dma_wait3A_113 = tpu.memref_squeeze %dma_wait3A_112 : memref<1x1x1x80xi32, #tpu.memory_space<hbm>> -> memref<1x80xi32, #tpu.memory_space<hbm>>
    tpu.wait_dma2 semaphore(%arg30 : memref<!tpu.dma_semaphore, #tpu.memory_space<semaphore_mem>>) src(%dma_wait3A_113 : memref<1x80xi32, #tpu.memory_space<hbm>>) dst(%arg26 : memref<1x80xi32, #tpu.memory_space<vmem>>)
    %dma_start3A_114 = arith.constant 0 : i32
    %dma_start3A_115 = arith.constant 0 : i32
    %dma_start3A_116 = tpu.memref_slice %arg26[%dma_start3A_114, %dma_start3A_115] : memref<1x80xi32, #tpu.memory_space<vmem>> -> memref<1x80xi32, #tpu.memory_space<vmem>>
    %dma_start3A_117 = tpu.memref_squeeze %dma_start3A_116 : memref<1x80xi32, #tpu.memory_space<vmem>> -> memref<80xi32, #tpu.memory_space<vmem>>
    %dma_start3A_118 = arith.constant 0 : i32
    %dma_start3A_119 = arith.constant 0 : i32
    %dma_start3A_120 = tpu.memref_slice %arg2[%dma_start3A_118, %dma_start3A_119] : memref<10000x128xf32, #tpu.memory_space<hbm>> -> memref<10000x128xf32, #tpu.memory_space<hbm>>
    tpu.enqueue_indirect_dma source(%dma_start3A_120 : memref<10000x128xf32, #tpu.memory_space<hbm>>) target(%arg22 : memref<80x128xf32, #tpu.memory_space<vmem>>) offsets(%dma_start3A_117 : memref<80xi32, #tpu.memory_space<vmem>>) semaphore(%arg18 : memref<!tpu.dma_semaphore, #tpu.memory_space<semaphore_mem>>)
    %dma_wait3A_121 = arith.constant 3 : i32
    %dma_wait3A_122 = arith.constant 0 : i32
    %dma_wait3A_123 = arith.constant 0 : i32
    %dma_wait3A_124 = tpu.memref_slice %arg3[%add3A, %dma_wait3A_121, %dma_wait3A_122, %dma_wait3A_123] : memref<32x125x1x80xi32, #tpu.memory_space<hbm>> -> memref<1x1x1x80xi32, #tpu.memory_space<hbm>>
    %dma_wait3A_125 = tpu.memref_squeeze %dma_wait3A_124 : memref<1x1x1x80xi32, #tpu.memory_space<hbm>> -> memref<1x80xi32, #tpu.memory_space<hbm>>
    %dma_wait3A_126 = arith.constant 0 : i32
    %dma_wait3A_127 = arith.constant 0 : i32
    %dma_wait3A_128 = tpu.memref_slice %arg3[%add3A, %dma_wait3A_121, %dma_wait3A_126, %dma_wait3A_127] : memref<32x125x1x80xi32, #tpu.memory_space<hbm>> -> memref<1x1x1x80xi32, #tpu.memory_space<hbm>>
    %dma_wait3A_129 = tpu.memref_squeeze %dma_wait3A_128 : memref<1x1x1x80xi32, #tpu.memory_space<hbm>> -> memref<1x80xi32, #tpu.memory_space<hbm>>
    tpu.wait_dma2 semaphore(%arg31 : memref<!tpu.dma_semaphore, #tpu.memory_space<semaphore_mem>>) src(%dma_wait3A_129 : memref<1x80xi32, #tpu.memory_space<hbm>>) dst(%arg27 : memref<1x80xi32, #tpu.memory_space<vmem>>)
    %dma_start3A_130 = arith.constant 0 : i32
    %dma_start3A_131 = arith.constant 0 : i32
    %dma_start3A_132 = tpu.memref_slice %arg27[%dma_start3A_130, %dma_start3A_131] : memref<1x80xi32, #tpu.memory_space<vmem>> -> memref<1x80xi32, #tpu.memory_space<vmem>>
    %dma_start3A_133 = tpu.memref_squeeze %dma_start3A_132 : memref<1x80xi32, #tpu.memory_space<vmem>> -> memref<80xi32, #tpu.memory_space<vmem>>
    %dma_start3A_134 = arith.constant 0 : i32
    %dma_start3A_135 = arith.constant 0 : i32
    %dma_start3A_136 = tpu.memref_slice %arg2[%dma_start3A_134, %dma_start3A_135] : memref<10000x128xf32, #tpu.memory_space<hbm>> -> memref<10000x128xf32, #tpu.memory_space<hbm>>
    tpu.enqueue_indirect_dma source(%dma_start3A_136 : memref<10000x128xf32, #tpu.memory_space<hbm>>) target(%arg23 : memref<80x128xf32, #tpu.memory_space<vmem>>) offsets(%dma_start3A_133 : memref<80xi32, #tpu.memory_space<vmem>>) semaphore(%arg19 : memref<!tpu.dma_semaphore, #tpu.memory_space<semaphore_mem>>)
    %scan3A = arith.constant 0 : i32
    %scan3A_137 = arith.constant 0 : i32
    %scan3A_138 = arith.constant 30 : i32
    %scan3A_139 = arith.addi %scan3A_137, %scan3A_138 : i32
    %scan3A_140 = arith.constant 1 : i32
    scf.for %scan3A_327 = %scan3A_137 to %scan3A_139 step %scan3A_140  : i32 {
      %mul3A_328 = arith.constant 4 : i32
      %mul3A_329 = arith.muli %mul3A_328, %scan3A_327 : i32
      %dma_wait3A_330 = arith.constant 0 : i32
      %dma_wait3A_331 = arith.constant 0 : i32
      %dma_wait3A_332 = tpu.memref_slice %arg24[%dma_wait3A_330, %dma_wait3A_331] : memref<1x80xi32, #tpu.memory_space<vmem>> -> memref<1x80xi32, #tpu.memory_space<vmem>>
      %dma_wait3A_333 = tpu.memref_squeeze %dma_wait3A_332 : memref<1x80xi32, #tpu.memory_space<vmem>> -> memref<80xi32, #tpu.memory_space<vmem>>
      %dma_wait3A_334 = arith.constant 0 : i32
      %dma_wait3A_335 = arith.constant 0 : i32
      %dma_wait3A_336 = tpu.memref_slice %arg2[%dma_wait3A_334, %dma_wait3A_335] : memref<10000x128xf32, #tpu.memory_space<hbm>> -> memref<10000x128xf32, #tpu.memory_space<hbm>>
      tpu.wait_indirect_dma semaphore(%arg16 : memref<!tpu.dma_semaphore, #tpu.memory_space<semaphore_mem>>) src(%dma_wait3A_336 : memref<10000x128xf32, #tpu.memory_space<hbm>>) dst(%arg20 : memref<80x128xf32, #tpu.memory_space<vmem>>)
      %add3A_337 = arith.constant 4 : i32
      %add3A_338 = arith.addi %mul3A_329, %add3A_337 : i32
      %add3A_339 = arith.constant 0 : i32
      %add3A_340 = arith.addi %add3A_338, %add3A_339 : i32
      %dma_start3A_341 = arith.constant 0 : i32
      %dma_start3A_342 = arith.constant 0 : i32
      %dma_start3A_343 = tpu.memref_slice %arg3[%add3A, %add3A_340, %dma_start3A_341, %dma_start3A_342] : memref<32x125x1x80xi32, #tpu.memory_space<hbm>> -> memref<1x1x1x80xi32, #tpu.memory_space<hbm>>
      %dma_start3A_344 = tpu.memref_squeeze %dma_start3A_343 : memref<1x1x1x80xi32, #tpu.memory_space<hbm>> -> memref<1x80xi32, #tpu.memory_space<hbm>>
      %dma_start3A_345 = arith.constant 0 : i32
      %dma_start3A_346 = arith.constant 0 : i32
      %dma_start3A_347 = tpu.memref_slice %arg3[%add3A, %add3A_340, %dma_start3A_345, %dma_start3A_346] : memref<32x125x1x80xi32, #tpu.memory_space<hbm>> -> memref<1x1x1x80xi32, #tpu.memory_space<hbm>>
      %dma_start3A_348 = tpu.memref_squeeze %dma_start3A_347 : memref<1x1x1x80xi32, #tpu.memory_space<hbm>> -> memref<1x80xi32, #tpu.memory_space<hbm>>
      tpu.enqueue_dma source(%dma_start3A_348 : memref<1x80xi32, #tpu.memory_space<hbm>>) target(%arg24 : memref<1x80xi32, #tpu.memory_space<vmem>>) target_semaphore(%arg28 : memref<!tpu.dma_semaphore, #tpu.memory_space<semaphore_mem>>)
      %add3A_349 = arith.constant 0 : i32
      %add3A_350 = arith.addi %mul3A_329, %add3A_349 : i32
      %dma_wait3A_351 = arith.constant 0 : i32
      %dma_wait3A_352 = arith.constant 0 : i32
      %dma_wait3A_353 = tpu.memref_slice %arg4[%add3A, %add3A_350, %dma_wait3A_351, %dma_wait3A_352] : memref<32x125x1x80xi32, #tpu.memory_space<hbm>> -> memref<1x1x1x80xi32, #tpu.memory_space<hbm>>
      %dma_wait3A_354 = tpu.memref_squeeze %dma_wait3A_353 : memref<1x1x1x80xi32, #tpu.memory_space<hbm>> -> memref<1x80xi32, #tpu.memory_space<hbm>>
      %dma_wait3A_355 = arith.constant 0 : i32
      %dma_wait3A_356 = arith.constant 0 : i32
      %dma_wait3A_357 = tpu.memref_slice %arg4[%add3A, %add3A_350, %dma_wait3A_355, %dma_wait3A_356] : memref<32x125x1x80xi32, #tpu.memory_space<hbm>> -> memref<1x1x1x80xi32, #tpu.memory_space<hbm>>
      %dma_wait3A_358 = tpu.memref_squeeze %dma_wait3A_357 : memref<1x1x1x80xi32, #tpu.memory_space<hbm>> -> memref<1x80xi32, #tpu.memory_space<hbm>>
      tpu.wait_dma2 semaphore(%arg12 : memref<!tpu.dma_semaphore, #tpu.memory_space<semaphore_mem>>) src(%dma_wait3A_358 : memref<1x80xi32, #tpu.memory_space<hbm>>) dst(%arg8 : memref<1x80xi32, #tpu.memory_space<vmem>>)
      %dma_start3A_359 = arith.constant 0 : i32
      %dma_start3A_360 = arith.constant 0 : i32
      %dma_start3A_361 = tpu.memref_slice %arg8[%dma_start3A_359, %dma_start3A_360] : memref<1x80xi32, #tpu.memory_space<vmem>> -> memref<1x80xi32, #tpu.memory_space<vmem>>
      %dma_start3A_362 = tpu.memref_squeeze %dma_start3A_361 : memref<1x80xi32, #tpu.memory_space<vmem>> -> memref<80xi32, #tpu.memory_space<vmem>>
      %dma_start3A_363 = arith.constant 0 : i32
      %dma_start3A_364 = arith.constant 0 : i32
      %dma_start3A_365 = tpu.memref_slice %arg7[%dma_start3A_363, %dma_start3A_364] : memref<10240x128xf32, #tpu.memory_space<vmem_shared>> -> memref<10240x128xf32, #tpu.memory_space<vmem_shared>>
      tpu.enqueue_indirect_dma source(%arg20 : memref<80x128xf32, #tpu.memory_space<vmem>>) target(%dma_start3A_365 : memref<10240x128xf32, #tpu.memory_space<vmem_shared>>) offsets(%dma_start3A_362 : memref<80xi32, #tpu.memory_space<vmem>>) semaphore(%arg32 : memref<!tpu.dma_semaphore, #tpu.memory_space<semaphore_mem>>) {add = true}
      %dma_wait3A_366 = arith.constant 0 : i32
      %dma_wait3A_367 = arith.constant 0 : i32
      %dma_wait3A_368 = tpu.memref_slice %arg25[%dma_wait3A_366, %dma_wait3A_367] : memref<1x80xi32, #tpu.memory_space<vmem>> -> memref<1x80xi32, #tpu.memory_space<vmem>>
      %dma_wait3A_369 = tpu.memref_squeeze %dma_wait3A_368 : memref<1x80xi32, #tpu.memory_space<vmem>> -> memref<80xi32, #tpu.memory_space<vmem>>
      %dma_wait3A_370 = arith.constant 0 : i32
      %dma_wait3A_371 = arith.constant 0 : i32
      %dma_wait3A_372 = tpu.memref_slice %arg2[%dma_wait3A_370, %dma_wait3A_371] : memref<10000x128xf32, #tpu.memory_space<hbm>> -> memref<10000x128xf32, #tpu.memory_space<hbm>>
      tpu.wait_indirect_dma semaphore(%arg17 : memref<!tpu.dma_semaphore, #tpu.memory_space<semaphore_mem>>) src(%dma_wait3A_372 : memref<10000x128xf32, #tpu.memory_space<hbm>>) dst(%arg21 : memref<80x128xf32, #tpu.memory_space<vmem>>)
      %add3A_373 = arith.constant 4 : i32
      %add3A_374 = arith.addi %mul3A_329, %add3A_373 : i32
      %add3A_375 = arith.constant 1 : i32
      %add3A_376 = arith.addi %add3A_374, %add3A_375 : i32
      %dma_start3A_377 = arith.constant 0 : i32
      %dma_start3A_378 = arith.constant 0 : i32
      %dma_start3A_379 = tpu.memref_slice %arg3[%add3A, %add3A_376, %dma_start3A_377, %dma_start3A_378] : memref<32x125x1x80xi32, #tpu.memory_space<hbm>> -> memref<1x1x1x80xi32, #tpu.memory_space<hbm>>
      %dma_start3A_380 = tpu.memref_squeeze %dma_start3A_379 : memref<1x1x1x80xi32, #tpu.memory_space<hbm>> -> memref<1x80xi32, #tpu.memory_space<hbm>>
      %dma_start3A_381 = arith.constant 0 : i32
      %dma_start3A_382 = arith.constant 0 : i32
      %dma_start3A_383 = tpu.memref_slice %arg3[%add3A, %add3A_376, %dma_start3A_381, %dma_start3A_382] : memref<32x125x1x80xi32, #tpu.memory_space<hbm>> -> memref<1x1x1x80xi32, #tpu.memory_space<hbm>>
      %dma_start3A_384 = tpu.memref_squeeze %dma_start3A_383 : memref<1x1x1x80xi32, #tpu.memory_space<hbm>> -> memref<1x80xi32, #tpu.memory_space<hbm>>
      tpu.enqueue_dma source(%dma_start3A_384 : memref<1x80xi32, #tpu.memory_space<hbm>>) target(%arg25 : memref<1x80xi32, #tpu.memory_space<vmem>>) target_semaphore(%arg29 : memref<!tpu.dma_semaphore, #tpu.memory_space<semaphore_mem>>)
      %add3A_385 = arith.constant 1 : i32
      %add3A_386 = arith.addi %mul3A_329, %add3A_385 : i32
      %dma_wait3A_387 = arith.constant 0 : i32
      %dma_wait3A_388 = arith.constant 0 : i32
      %dma_wait3A_389 = tpu.memref_slice %arg4[%add3A, %add3A_386, %dma_wait3A_387, %dma_wait3A_388] : memref<32x125x1x80xi32, #tpu.memory_space<hbm>> -> memref<1x1x1x80xi32, #tpu.memory_space<hbm>>
      %dma_wait3A_390 = tpu.memref_squeeze %dma_wait3A_389 : memref<1x1x1x80xi32, #tpu.memory_space<hbm>> -> memref<1x80xi32, #tpu.memory_space<hbm>>
      %dma_wait3A_391 = arith.constant 0 : i32
      %dma_wait3A_392 = arith.constant 0 : i32
      %dma_wait3A_393 = tpu.memref_slice %arg4[%add3A, %add3A_386, %dma_wait3A_391, %dma_wait3A_392] : memref<32x125x1x80xi32, #tpu.memory_space<hbm>> -> memref<1x1x1x80xi32, #tpu.memory_space<hbm>>
      %dma_wait3A_394 = tpu.memref_squeeze %dma_wait3A_393 : memref<1x1x1x80xi32, #tpu.memory_space<hbm>> -> memref<1x80xi32, #tpu.memory_space<hbm>>
      tpu.wait_dma2 semaphore(%arg13 : memref<!tpu.dma_semaphore, #tpu.memory_space<semaphore_mem>>) src(%dma_wait3A_394 : memref<1x80xi32, #tpu.memory_space<hbm>>) dst(%arg9 : memref<1x80xi32, #tpu.memory_space<vmem>>)
      %dma_start3A_395 = arith.constant 0 : i32
      %dma_start3A_396 = arith.constant 0 : i32
      %dma_start3A_397 = tpu.memref_slice %arg9[%dma_start3A_395, %dma_start3A_396] : memref<1x80xi32, #tpu.memory_space<vmem>> -> memref<1x80xi32, #tpu.memory_space<vmem>>
      %dma_start3A_398 = tpu.memref_squeeze %dma_start3A_397 : memref<1x80xi32, #tpu.memory_space<vmem>> -> memref<80xi32, #tpu.memory_space<vmem>>
      %dma_start3A_399 = arith.constant 0 : i32
      %dma_start3A_400 = arith.constant 0 : i32
      %dma_start3A_401 = tpu.memref_slice %arg7[%dma_start3A_399, %dma_start3A_400] : memref<10240x128xf32, #tpu.memory_space<vmem_shared>> -> memref<10240x128xf32, #tpu.memory_space<vmem_shared>>
      tpu.enqueue_indirect_dma source(%arg21 : memref<80x128xf32, #tpu.memory_space<vmem>>) target(%dma_start3A_401 : memref<10240x128xf32, #tpu.memory_space<vmem_shared>>) offsets(%dma_start3A_398 : memref<80xi32, #tpu.memory_space<vmem>>) semaphore(%arg33 : memref<!tpu.dma_semaphore, #tpu.memory_space<semaphore_mem>>) {add = true}
      %dma_wait3A_402 = arith.constant 0 : i32
      %dma_wait3A_403 = arith.constant 0 : i32
      %dma_wait3A_404 = tpu.memref_slice %arg26[%dma_wait3A_402, %dma_wait3A_403] : memref<1x80xi32, #tpu.memory_space<vmem>> -> memref<1x80xi32, #tpu.memory_space<vmem>>
      %dma_wait3A_405 = tpu.memref_squeeze %dma_wait3A_404 : memref<1x80xi32, #tpu.memory_space<vmem>> -> memref<80xi32, #tpu.memory_space<vmem>>
      %dma_wait3A_406 = arith.constant 0 : i32
      %dma_wait3A_407 = arith.constant 0 : i32
      %dma_wait3A_408 = tpu.memref_slice %arg2[%dma_wait3A_406, %dma_wait3A_407] : memref<10000x128xf32, #tpu.memory_space<hbm>> -> memref<10000x128xf32, #tpu.memory_space<hbm>>
      tpu.wait_indirect_dma semaphore(%arg18 : memref<!tpu.dma_semaphore, #tpu.memory_space<semaphore_mem>>) src(%dma_wait3A_408 : memref<10000x128xf32, #tpu.memory_space<hbm>>) dst(%arg22 : memref<80x128xf32, #tpu.memory_space<vmem>>)
      %add3A_409 = arith.constant 4 : i32
      %add3A_410 = arith.addi %mul3A_329, %add3A_409 : i32
      %add3A_411 = arith.constant 2 : i32
      %add3A_412 = arith.addi %add3A_410, %add3A_411 : i32
      %dma_start3A_413 = arith.constant 0 : i32
      %dma_start3A_414 = arith.constant 0 : i32
      %dma_start3A_415 = tpu.memref_slice %arg3[%add3A, %add3A_412, %dma_start3A_413, %dma_start3A_414] : memref<32x125x1x80xi32, #tpu.memory_space<hbm>> -> memref<1x1x1x80xi32, #tpu.memory_space<hbm>>
      %dma_start3A_416 = tpu.memref_squeeze %dma_start3A_415 : memref<1x1x1x80xi32, #tpu.memory_space<hbm>> -> memref<1x80xi32, #tpu.memory_space<hbm>>
      %dma_start3A_417 = arith.constant 0 : i32
      %dma_start3A_418 = arith.constant 0 : i32
      %dma_start3A_419 = tpu.memref_slice %arg3[%add3A, %add3A_412, %dma_start3A_417, %dma_start3A_418] : memref<32x125x1x80xi32, #tpu.memory_space<hbm>> -> memref<1x1x1x80xi32, #tpu.memory_space<hbm>>
      %dma_start3A_420 = tpu.memref_squeeze %dma_start3A_419 : memref<1x1x1x80xi32, #tpu.memory_space<hbm>> -> memref<1x80xi32, #tpu.memory_space<hbm>>
      tpu.enqueue_dma source(%dma_start3A_420 : memref<1x80xi32, #tpu.memory_space<hbm>>) target(%arg26 : memref<1x80xi32, #tpu.memory_space<vmem>>) target_semaphore(%arg30 : memref<!tpu.dma_semaphore, #tpu.memory_space<semaphore_mem>>)
      %add3A_421 = arith.constant 2 : i32
      %add3A_422 = arith.addi %mul3A_329, %add3A_421 : i32
      %dma_wait3A_423 = arith.constant 0 : i32
      %dma_wait3A_424 = arith.constant 0 : i32
      %dma_wait3A_425 = tpu.memref_slice %arg4[%add3A, %add3A_422, %dma_wait3A_423, %dma_wait3A_424] : memref<32x125x1x80xi32, #tpu.memory_space<hbm>> -> memref<1x1x1x80xi32, #tpu.memory_space<hbm>>
      %dma_wait3A_426 = tpu.memref_squeeze %dma_wait3A_425 : memref<1x1x1x80xi32, #tpu.memory_space<hbm>> -> memref<1x80xi32, #tpu.memory_space<hbm>>
      %dma_wait3A_427 = arith.constant 0 : i32
      %dma_wait3A_428 = arith.constant 0 : i32
      %dma_wait3A_429 = tpu.memref_slice %arg4[%add3A, %add3A_422, %dma_wait3A_427, %dma_wait3A_428] : memref<32x125x1x80xi32, #tpu.memory_space<hbm>> -> memref<1x1x1x80xi32, #tpu.memory_space<hbm>>
      %dma_wait3A_430 = tpu.memref_squeeze %dma_wait3A_429 : memref<1x1x1x80xi32, #tpu.memory_space<hbm>> -> memref<1x80xi32, #tpu.memory_space<hbm>>
      tpu.wait_dma2 semaphore(%arg14 : memref<!tpu.dma_semaphore, #tpu.memory_space<semaphore_mem>>) src(%dma_wait3A_430 : memref<1x80xi32, #tpu.memory_space<hbm>>) dst(%arg10 : memref<1x80xi32, #tpu.memory_space<vmem>>)
      %dma_start3A_431 = arith.constant 0 : i32
      %dma_start3A_432 = arith.constant 0 : i32
      %dma_start3A_433 = tpu.memref_slice %arg10[%dma_start3A_431, %dma_start3A_432] : memref<1x80xi32, #tpu.memory_space<vmem>> -> memref<1x80xi32, #tpu.memory_space<vmem>>
      %dma_start3A_434 = tpu.memref_squeeze %dma_start3A_433 : memref<1x80xi32, #tpu.memory_space<vmem>> -> memref<80xi32, #tpu.memory_space<vmem>>
      %dma_start3A_435 = arith.constant 0 : i32
      %dma_start3A_436 = arith.constant 0 : i32
      %dma_start3A_437 = tpu.memref_slice %arg7[%dma_start3A_435, %dma_start3A_436] : memref<10240x128xf32, #tpu.memory_space<vmem_shared>> -> memref<10240x128xf32, #tpu.memory_space<vmem_shared>>
      tpu.enqueue_indirect_dma source(%arg22 : memref<80x128xf32, #tpu.memory_space<vmem>>) target(%dma_start3A_437 : memref<10240x128xf32, #tpu.memory_space<vmem_shared>>) offsets(%dma_start3A_434 : memref<80xi32, #tpu.memory_space<vmem>>) semaphore(%arg34 : memref<!tpu.dma_semaphore, #tpu.memory_space<semaphore_mem>>) {add = true}
      %dma_wait3A_438 = arith.constant 0 : i32
      %dma_wait3A_439 = arith.constant 0 : i32
      %dma_wait3A_440 = tpu.memref_slice %arg27[%dma_wait3A_438, %dma_wait3A_439] : memref<1x80xi32, #tpu.memory_space<vmem>> -> memref<1x80xi32, #tpu.memory_space<vmem>>
      %dma_wait3A_441 = tpu.memref_squeeze %dma_wait3A_440 : memref<1x80xi32, #tpu.memory_space<vmem>> -> memref<80xi32, #tpu.memory_space<vmem>>
      %dma_wait3A_442 = arith.constant 0 : i32
      %dma_wait3A_443 = arith.constant 0 : i32
      %dma_wait3A_444 = tpu.memref_slice %arg2[%dma_wait3A_442, %dma_wait3A_443] : memref<10000x128xf32, #tpu.memory_space<hbm>> -> memref<10000x128xf32, #tpu.memory_space<hbm>>
      tpu.wait_indirect_dma semaphore(%arg19 : memref<!tpu.dma_semaphore, #tpu.memory_space<semaphore_mem>>) src(%dma_wait3A_444 : memref<10000x128xf32, #tpu.memory_space<hbm>>) dst(%arg23 : memref<80x128xf32, #tpu.memory_space<vmem>>)
      %add3A_445 = arith.constant 4 : i32
      %add3A_446 = arith.addi %mul3A_329, %add3A_445 : i32
      %add3A_447 = arith.constant 3 : i32
      %add3A_448 = arith.addi %add3A_446, %add3A_447 : i32
      %dma_start3A_449 = arith.constant 0 : i32
      %dma_start3A_450 = arith.constant 0 : i32
      %dma_start3A_451 = tpu.memref_slice %arg3[%add3A, %add3A_448, %dma_start3A_449, %dma_start3A_450] : memref<32x125x1x80xi32, #tpu.memory_space<hbm>> -> memref<1x1x1x80xi32, #tpu.memory_space<hbm>>
      %dma_start3A_452 = tpu.memref_squeeze %dma_start3A_451 : memref<1x1x1x80xi32, #tpu.memory_space<hbm>> -> memref<1x80xi32, #tpu.memory_space<hbm>>
      %dma_start3A_453 = arith.constant 0 : i32
      %dma_start3A_454 = arith.constant 0 : i32
      %dma_start3A_455 = tpu.memref_slice %arg3[%add3A, %add3A_448, %dma_start3A_453, %dma_start3A_454] : memref<32x125x1x80xi32, #tpu.memory_space<hbm>> -> memref<1x1x1x80xi32, #tpu.memory_space<hbm>>
      %dma_start3A_456 = tpu.memref_squeeze %dma_start3A_455 : memref<1x1x1x80xi32, #tpu.memory_space<hbm>> -> memref<1x80xi32, #tpu.memory_space<hbm>>
      tpu.enqueue_dma source(%dma_start3A_456 : memref<1x80xi32, #tpu.memory_space<hbm>>) target(%arg27 : memref<1x80xi32, #tpu.memory_space<vmem>>) target_semaphore(%arg31 : memref<!tpu.dma_semaphore, #tpu.memory_space<semaphore_mem>>)
      %add3A_457 = arith.constant 3 : i32
      %add3A_458 = arith.addi %mul3A_329, %add3A_457 : i32
      %dma_wait3A_459 = arith.constant 0 : i32
      %dma_wait3A_460 = arith.constant 0 : i32
      %dma_wait3A_461 = tpu.memref_slice %arg4[%add3A, %add3A_458, %dma_wait3A_459, %dma_wait3A_460] : memref<32x125x1x80xi32, #tpu.memory_space<hbm>> -> memref<1x1x1x80xi32, #tpu.memory_space<hbm>>
      %dma_wait3A_462 = tpu.memref_squeeze %dma_wait3A_461 : memref<1x1x1x80xi32, #tpu.memory_space<hbm>> -> memref<1x80xi32, #tpu.memory_space<hbm>>
      %dma_wait3A_463 = arith.constant 0 : i32
      %dma_wait3A_464 = arith.constant 0 : i32
      %dma_wait3A_465 = tpu.memref_slice %arg4[%add3A, %add3A_458, %dma_wait3A_463, %dma_wait3A_464] : memref<32x125x1x80xi32, #tpu.memory_space<hbm>> -> memref<1x1x1x80xi32, #tpu.memory_space<hbm>>
      %dma_wait3A_466 = tpu.memref_squeeze %dma_wait3A_465 : memref<1x1x1x80xi32, #tpu.memory_space<hbm>> -> memref<1x80xi32, #tpu.memory_space<hbm>>
      tpu.wait_dma2 semaphore(%arg15 : memref<!tpu.dma_semaphore, #tpu.memory_space<semaphore_mem>>) src(%dma_wait3A_466 : memref<1x80xi32, #tpu.memory_space<hbm>>) dst(%arg11 : memref<1x80xi32, #tpu.memory_space<vmem>>)
      %dma_start3A_467 = arith.constant 0 : i32
      %dma_start3A_468 = arith.constant 0 : i32
      %dma_start3A_469 = tpu.memref_slice %arg11[%dma_start3A_467, %dma_start3A_468] : memref<1x80xi32, #tpu.memory_space<vmem>> -> memref<1x80xi32, #tpu.memory_space<vmem>>
      %dma_start3A_470 = tpu.memref_squeeze %dma_start3A_469 : memref<1x80xi32, #tpu.memory_space<vmem>> -> memref<80xi32, #tpu.memory_space<vmem>>
      %dma_start3A_471 = arith.constant 0 : i32
      %dma_start3A_472 = arith.constant 0 : i32
      %dma_start3A_473 = tpu.memref_slice %arg7[%dma_start3A_471, %dma_start3A_472] : memref<10240x128xf32, #tpu.memory_space<vmem_shared>> -> memref<10240x128xf32, #tpu.memory_space<vmem_shared>>
      tpu.enqueue_indirect_dma source(%arg23 : memref<80x128xf32, #tpu.memory_space<vmem>>) target(%dma_start3A_473 : memref<10240x128xf32, #tpu.memory_space<vmem_shared>>) offsets(%dma_start3A_470 : memref<80xi32, #tpu.memory_space<vmem>>) semaphore(%arg35 : memref<!tpu.dma_semaphore, #tpu.memory_space<semaphore_mem>>) {add = true}
      %dma_wait3A_474 = arith.constant 0 : i32
      %dma_wait3A_475 = arith.constant 0 : i32
      %dma_wait3A_476 = tpu.memref_slice %arg8[%dma_wait3A_474, %dma_wait3A_475] : memref<1x80xi32, #tpu.memory_space<vmem>> -> memref<1x80xi32, #tpu.memory_space<vmem>>
      %dma_wait3A_477 = tpu.memref_squeeze %dma_wait3A_476 : memref<1x80xi32, #tpu.memory_space<vmem>> -> memref<80xi32, #tpu.memory_space<vmem>>
      %dma_wait3A_478 = arith.constant 0 : i32
      %dma_wait3A_479 = arith.constant 0 : i32
      %dma_wait3A_480 = tpu.memref_slice %arg7[%dma_wait3A_478, %dma_wait3A_479] : memref<10240x128xf32, #tpu.memory_space<vmem_shared>> -> memref<10240x128xf32, #tpu.memory_space<vmem_shared>>
      tpu.wait_indirect_dma semaphore(%arg32 : memref<!tpu.dma_semaphore, #tpu.memory_space<semaphore_mem>>) src(%arg20 : memref<80x128xf32, #tpu.memory_space<vmem>>) dst(%dma_wait3A_480 : memref<10240x128xf32, #tpu.memory_space<vmem_shared>>)
      %add3A_481 = arith.constant 4 : i32
      %add3A_482 = arith.addi %mul3A_329, %add3A_481 : i32
      %add3A_483 = arith.constant 0 : i32
      %add3A_484 = arith.addi %add3A_482, %add3A_483 : i32
      %dma_start3A_485 = arith.constant 0 : i32
      %dma_start3A_486 = arith.constant 0 : i32
      %dma_start3A_487 = tpu.memref_slice %arg4[%add3A, %add3A_484, %dma_start3A_485, %dma_start3A_486] : memref<32x125x1x80xi32, #tpu.memory_space<hbm>> -> memref<1x1x1x80xi32, #tpu.memory_space<hbm>>
      %dma_start3A_488 = tpu.memref_squeeze %dma_start3A_487 : memref<1x1x1x80xi32, #tpu.memory_space<hbm>> -> memref<1x80xi32, #tpu.memory_space<hbm>>
      %dma_start3A_489 = arith.constant 0 : i32
      %dma_start3A_490 = arith.constant 0 : i32
      %dma_start3A_491 = tpu.memref_slice %arg4[%add3A, %add3A_484, %dma_start3A_489, %dma_start3A_490] : memref<32x125x1x80xi32, #tpu.memory_space<hbm>> -> memref<1x1x1x80xi32, #tpu.memory_space<hbm>>
      %dma_start3A_492 = tpu.memref_squeeze %dma_start3A_491 : memref<1x1x1x80xi32, #tpu.memory_space<hbm>> -> memref<1x80xi32, #tpu.memory_space<hbm>>
      tpu.enqueue_dma source(%dma_start3A_492 : memref<1x80xi32, #tpu.memory_space<hbm>>) target(%arg8 : memref<1x80xi32, #tpu.memory_space<vmem>>) target_semaphore(%arg12 : memref<!tpu.dma_semaphore, #tpu.memory_space<semaphore_mem>>)
      %add3A_493 = arith.constant 4 : i32
      %add3A_494 = arith.addi %mul3A_329, %add3A_493 : i32
      %add3A_495 = arith.constant 0 : i32
      %add3A_496 = arith.addi %add3A_494, %add3A_495 : i32
      %dma_wait3A_497 = arith.constant 0 : i32
      %dma_wait3A_498 = arith.constant 0 : i32
      %dma_wait3A_499 = tpu.memref_slice %arg3[%add3A, %add3A_496, %dma_wait3A_497, %dma_wait3A_498] : memref<32x125x1x80xi32, #tpu.memory_space<hbm>> -> memref<1x1x1x80xi32, #tpu.memory_space<hbm>>
      %dma_wait3A_500 = tpu.memref_squeeze %dma_wait3A_499 : memref<1x1x1x80xi32, #tpu.memory_space<hbm>> -> memref<1x80xi32, #tpu.memory_space<hbm>>
      %dma_wait3A_501 = arith.constant 0 : i32
      %dma_wait3A_502 = arith.constant 0 : i32
      %dma_wait3A_503 = tpu.memref_slice %arg3[%add3A, %add3A_496, %dma_wait3A_501, %dma_wait3A_502] : memref<32x125x1x80xi32, #tpu.memory_space<hbm>> -> memref<1x1x1x80xi32, #tpu.memory_space<hbm>>
      %dma_wait3A_504 = tpu.memref_squeeze %dma_wait3A_503 : memref<1x1x1x80xi32, #tpu.memory_space<hbm>> -> memref<1x80xi32, #tpu.memory_space<hbm>>
      tpu.wait_dma2 semaphore(%arg28 : memref<!tpu.dma_semaphore, #tpu.memory_space<semaphore_mem>>) src(%dma_wait3A_504 : memref<1x80xi32, #tpu.memory_space<hbm>>) dst(%arg24 : memref<1x80xi32, #tpu.memory_space<vmem>>)
      %dma_start3A_505 = arith.constant 0 : i32
      %dma_start3A_506 = arith.constant 0 : i32
      %dma_start3A_507 = tpu.memref_slice %arg24[%dma_start3A_505, %dma_start3A_506] : memref<1x80xi32, #tpu.memory_space<vmem>> -> memref<1x80xi32, #tpu.memory_space<vmem>>
      %dma_start3A_508 = tpu.memref_squeeze %dma_start3A_507 : memref<1x80xi32, #tpu.memory_space<vmem>> -> memref<80xi32, #tpu.memory_space<vmem>>
      %dma_start3A_509 = arith.constant 0 : i32
      %dma_start3A_510 = arith.constant 0 : i32
      %dma_start3A_511 = tpu.memref_slice %arg2[%dma_start3A_509, %dma_start3A_510] : memref<10000x128xf32, #tpu.memory_space<hbm>> -> memref<10000x128xf32, #tpu.memory_space<hbm>>
      tpu.enqueue_indirect_dma source(%dma_start3A_511 : memref<10000x128xf32, #tpu.memory_space<hbm>>) target(%arg20 : memref<80x128xf32, #tpu.memory_space<vmem>>) offsets(%dma_start3A_508 : memref<80xi32, #tpu.memory_space<vmem>>) semaphore(%arg16 : memref<!tpu.dma_semaphore, #tpu.memory_space<semaphore_mem>>)
      %dma_wait3A_512 = arith.constant 0 : i32
      %dma_wait3A_513 = arith.constant 0 : i32
      %dma_wait3A_514 = tpu.memref_slice %arg9[%dma_wait3A_512, %dma_wait3A_513] : memref<1x80xi32, #tpu.memory_space<vmem>> -> memref<1x80xi32, #tpu.memory_space<vmem>>
      %dma_wait3A_515 = tpu.memref_squeeze %dma_wait3A_514 : memref<1x80xi32, #tpu.memory_space<vmem>> -> memref<80xi32, #tpu.memory_space<vmem>>
      %dma_wait3A_516 = arith.constant 0 : i32
      %dma_wait3A_517 = arith.constant 0 : i32
      %dma_wait3A_518 = tpu.memref_slice %arg7[%dma_wait3A_516, %dma_wait3A_517] : memref<10240x128xf32, #tpu.memory_space<vmem_shared>> -> memref<10240x128xf32, #tpu.memory_space<vmem_shared>>
      tpu.wait_indirect_dma semaphore(%arg33 : memref<!tpu.dma_semaphore, #tpu.memory_space<semaphore_mem>>) src(%arg21 : memref<80x128xf32, #tpu.memory_space<vmem>>) dst(%dma_wait3A_518 : memref<10240x128xf32, #tpu.memory_space<vmem_shared>>)
      %add3A_519 = arith.constant 4 : i32
      %add3A_520 = arith.addi %mul3A_329, %add3A_519 : i32
      %add3A_521 = arith.constant 1 : i32
      %add3A_522 = arith.addi %add3A_520, %add3A_521 : i32
      %dma_start3A_523 = arith.constant 0 : i32
      %dma_start3A_524 = arith.constant 0 : i32
      %dma_start3A_525 = tpu.memref_slice %arg4[%add3A, %add3A_522, %dma_start3A_523, %dma_start3A_524] : memref<32x125x1x80xi32, #tpu.memory_space<hbm>> -> memref<1x1x1x80xi32, #tpu.memory_space<hbm>>
      %dma_start3A_526 = tpu.memref_squeeze %dma_start3A_525 : memref<1x1x1x80xi32, #tpu.memory_space<hbm>> -> memref<1x80xi32, #tpu.memory_space<hbm>>
      %dma_start3A_527 = arith.constant 0 : i32
      %dma_start3A_528 = arith.constant 0 : i32
      %dma_start3A_529 = tpu.memref_slice %arg4[%add3A, %add3A_522, %dma_start3A_527, %dma_start3A_528] : memref<32x125x1x80xi32, #tpu.memory_space<hbm>> -> memref<1x1x1x80xi32, #tpu.memory_space<hbm>>
      %dma_start3A_530 = tpu.memref_squeeze %dma_start3A_529 : memref<1x1x1x80xi32, #tpu.memory_space<hbm>> -> memref<1x80xi32, #tpu.memory_space<hbm>>
      tpu.enqueue_dma source(%dma_start3A_530 : memref<1x80xi32, #tpu.memory_space<hbm>>) target(%arg9 : memref<1x80xi32, #tpu.memory_space<vmem>>) target_semaphore(%arg13 : memref<!tpu.dma_semaphore, #tpu.memory_space<semaphore_mem>>)
      %add3A_531 = arith.constant 4 : i32
      %add3A_532 = arith.addi %mul3A_329, %add3A_531 : i32
      %add3A_533 = arith.constant 1 : i32
      %add3A_534 = arith.addi %add3A_532, %add3A_533 : i32
      %dma_wait3A_535 = arith.constant 0 : i32
      %dma_wait3A_536 = arith.constant 0 : i32
      %dma_wait3A_537 = tpu.memref_slice %arg3[%add3A, %add3A_534, %dma_wait3A_535, %dma_wait3A_536] : memref<32x125x1x80xi32, #tpu.memory_space<hbm>> -> memref<1x1x1x80xi32, #tpu.memory_space<hbm>>
      %dma_wait3A_538 = tpu.memref_squeeze %dma_wait3A_537 : memref<1x1x1x80xi32, #tpu.memory_space<hbm>> -> memref<1x80xi32, #tpu.memory_space<hbm>>
      %dma_wait3A_539 = arith.constant 0 : i32
      %dma_wait3A_540 = arith.constant 0 : i32
      %dma_wait3A_541 = tpu.memref_slice %arg3[%add3A, %add3A_534, %dma_wait3A_539, %dma_wait3A_540] : memref<32x125x1x80xi32, #tpu.memory_space<hbm>> -> memref<1x1x1x80xi32, #tpu.memory_space<hbm>>
      %dma_wait3A_542 = tpu.memref_squeeze %dma_wait3A_541 : memref<1x1x1x80xi32, #tpu.memory_space<hbm>> -> memref<1x80xi32, #tpu.memory_space<hbm>>
      tpu.wait_dma2 semaphore(%arg29 : memref<!tpu.dma_semaphore, #tpu.memory_space<semaphore_mem>>) src(%dma_wait3A_542 : memref<1x80xi32, #tpu.memory_space<hbm>>) dst(%arg25 : memref<1x80xi32, #tpu.memory_space<vmem>>)
      %dma_start3A_543 = arith.constant 0 : i32
      %dma_start3A_544 = arith.constant 0 : i32
      %dma_start3A_545 = tpu.memref_slice %arg25[%dma_start3A_543, %dma_start3A_544] : memref<1x80xi32, #tpu.memory_space<vmem>> -> memref<1x80xi32, #tpu.memory_space<vmem>>
      %dma_start3A_546 = tpu.memref_squeeze %dma_start3A_545 : memref<1x80xi32, #tpu.memory_space<vmem>> -> memref<80xi32, #tpu.memory_space<vmem>>
      %dma_start3A_547 = arith.constant 0 : i32
      %dma_start3A_548 = arith.constant 0 : i32
      %dma_start3A_549 = tpu.memref_slice %arg2[%dma_start3A_547, %dma_start3A_548] : memref<10000x128xf32, #tpu.memory_space<hbm>> -> memref<10000x128xf32, #tpu.memory_space<hbm>>
      tpu.enqueue_indirect_dma source(%dma_start3A_549 : memref<10000x128xf32, #tpu.memory_space<hbm>>) target(%arg21 : memref<80x128xf32, #tpu.memory_space<vmem>>) offsets(%dma_start3A_546 : memref<80xi32, #tpu.memory_space<vmem>>) semaphore(%arg17 : memref<!tpu.dma_semaphore, #tpu.memory_space<semaphore_mem>>)
      %dma_wait3A_550 = arith.constant 0 : i32
      %dma_wait3A_551 = arith.constant 0 : i32
      %dma_wait3A_552 = tpu.memref_slice %arg10[%dma_wait3A_550, %dma_wait3A_551] : memref<1x80xi32, #tpu.memory_space<vmem>> -> memref<1x80xi32, #tpu.memory_space<vmem>>
      %dma_wait3A_553 = tpu.memref_squeeze %dma_wait3A_552 : memref<1x80xi32, #tpu.memory_space<vmem>> -> memref<80xi32, #tpu.memory_space<vmem>>
      %dma_wait3A_554 = arith.constant 0 : i32
      %dma_wait3A_555 = arith.constant 0 : i32
      %dma_wait3A_556 = tpu.memref_slice %arg7[%dma_wait3A_554, %dma_wait3A_555] : memref<10240x128xf32, #tpu.memory_space<vmem_shared>> -> memref<10240x128xf32, #tpu.memory_space<vmem_shared>>
      tpu.wait_indirect_dma semaphore(%arg34 : memref<!tpu.dma_semaphore, #tpu.memory_space<semaphore_mem>>) src(%arg22 : memref<80x128xf32, #tpu.memory_space<vmem>>) dst(%dma_wait3A_556 : memref<10240x128xf32, #tpu.memory_space<vmem_shared>>)
      %add3A_557 = arith.constant 4 : i32
      %add3A_558 = arith.addi %mul3A_329, %add3A_557 : i32
      %add3A_559 = arith.constant 2 : i32
      %add3A_560 = arith.addi %add3A_558, %add3A_559 : i32
      %dma_start3A_561 = arith.constant 0 : i32
      %dma_start3A_562 = arith.constant 0 : i32
      %dma_start3A_563 = tpu.memref_slice %arg4[%add3A, %add3A_560, %dma_start3A_561, %dma_start3A_562] : memref<32x125x1x80xi32, #tpu.memory_space<hbm>> -> memref<1x1x1x80xi32, #tpu.memory_space<hbm>>
      %dma_start3A_564 = tpu.memref_squeeze %dma_start3A_563 : memref<1x1x1x80xi32, #tpu.memory_space<hbm>> -> memref<1x80xi32, #tpu.memory_space<hbm>>
      %dma_start3A_565 = arith.constant 0 : i32
      %dma_start3A_566 = arith.constant 0 : i32
      %dma_start3A_567 = tpu.memref_slice %arg4[%add3A, %add3A_560, %dma_start3A_565, %dma_start3A_566] : memref<32x125x1x80xi32, #tpu.memory_space<hbm>> -> memref<1x1x1x80xi32, #tpu.memory_space<hbm>>
      %dma_start3A_568 = tpu.memref_squeeze %dma_start3A_567 : memref<1x1x1x80xi32, #tpu.memory_space<hbm>> -> memref<1x80xi32, #tpu.memory_space<hbm>>
      tpu.enqueue_dma source(%dma_start3A_568 : memref<1x80xi32, #tpu.memory_space<hbm>>) target(%arg10 : memref<1x80xi32, #tpu.memory_space<vmem>>) target_semaphore(%arg14 : memref<!tpu.dma_semaphore, #tpu.memory_space<semaphore_mem>>)
      %add3A_569 = arith.constant 4 : i32
      %add3A_570 = arith.addi %mul3A_329, %add3A_569 : i32
      %add3A_571 = arith.constant 2 : i32
      %add3A_572 = arith.addi %add3A_570, %add3A_571 : i32
      %dma_wait3A_573 = arith.constant 0 : i32
      %dma_wait3A_574 = arith.constant 0 : i32
      %dma_wait3A_575 = tpu.memref_slice %arg3[%add3A, %add3A_572, %dma_wait3A_573, %dma_wait3A_574] : memref<32x125x1x80xi32, #tpu.memory_space<hbm>> -> memref<1x1x1x80xi32, #tpu.memory_space<hbm>>
      %dma_wait3A_576 = tpu.memref_squeeze %dma_wait3A_575 : memref<1x1x1x80xi32, #tpu.memory_space<hbm>> -> memref<1x80xi32, #tpu.memory_space<hbm>>
      %dma_wait3A_577 = arith.constant 0 : i32
      %dma_wait3A_578 = arith.constant 0 : i32
      %dma_wait3A_579 = tpu.memref_slice %arg3[%add3A, %add3A_572, %dma_wait3A_577, %dma_wait3A_578] : memref<32x125x1x80xi32, #tpu.memory_space<hbm>> -> memref<1x1x1x80xi32, #tpu.memory_space<hbm>>
      %dma_wait3A_580 = tpu.memref_squeeze %dma_wait3A_579 : memref<1x1x1x80xi32, #tpu.memory_space<hbm>> -> memref<1x80xi32, #tpu.memory_space<hbm>>
      tpu.wait_dma2 semaphore(%arg30 : memref<!tpu.dma_semaphore, #tpu.memory_space<semaphore_mem>>) src(%dma_wait3A_580 : memref<1x80xi32, #tpu.memory_space<hbm>>) dst(%arg26 : memref<1x80xi32, #tpu.memory_space<vmem>>)
      %dma_start3A_581 = arith.constant 0 : i32
      %dma_start3A_582 = arith.constant 0 : i32
      %dma_start3A_583 = tpu.memref_slice %arg26[%dma_start3A_581, %dma_start3A_582] : memref<1x80xi32, #tpu.memory_space<vmem>> -> memref<1x80xi32, #tpu.memory_space<vmem>>
      %dma_start3A_584 = tpu.memref_squeeze %dma_start3A_583 : memref<1x80xi32, #tpu.memory_space<vmem>> -> memref<80xi32, #tpu.memory_space<vmem>>
      %dma_start3A_585 = arith.constant 0 : i32
      %dma_start3A_586 = arith.constant 0 : i32
      %dma_start3A_587 = tpu.memref_slice %arg2[%dma_start3A_585, %dma_start3A_586] : memref<10000x128xf32, #tpu.memory_space<hbm>> -> memref<10000x128xf32, #tpu.memory_space<hbm>>
      tpu.enqueue_indirect_dma source(%dma_start3A_587 : memref<10000x128xf32, #tpu.memory_space<hbm>>) target(%arg22 : memref<80x128xf32, #tpu.memory_space<vmem>>) offsets(%dma_start3A_584 : memref<80xi32, #tpu.memory_space<vmem>>) semaphore(%arg18 : memref<!tpu.dma_semaphore, #tpu.memory_space<semaphore_mem>>)
      %dma_wait3A_588 = arith.constant 0 : i32
      %dma_wait3A_589 = arith.constant 0 : i32
      %dma_wait3A_590 = tpu.memref_slice %arg11[%dma_wait3A_588, %dma_wait3A_589] : memref<1x80xi32, #tpu.memory_space<vmem>> -> memref<1x80xi32, #tpu.memory_space<vmem>>
      %dma_wait3A_591 = tpu.memref_squeeze %dma_wait3A_590 : memref<1x80xi32, #tpu.memory_space<vmem>> -> memref<80xi32, #tpu.memory_space<vmem>>
      %dma_wait3A_592 = arith.constant 0 : i32
      %dma_wait3A_593 = arith.constant 0 : i32
      %dma_wait3A_594 = tpu.memref_slice %arg7[%dma_wait3A_592, %dma_wait3A_593] : memref<10240x128xf32, #tpu.memory_space<vmem_shared>> -> memref<10240x128xf32, #tpu.memory_space<vmem_shared>>
      tpu.wait_indirect_dma semaphore(%arg35 : memref<!tpu.dma_semaphore, #tpu.memory_space<semaphore_mem>>) src(%arg23 : memref<80x128xf32, #tpu.memory_space<vmem>>) dst(%dma_wait3A_594 : memref<10240x128xf32, #tpu.memory_space<vmem_shared>>)
      %add3A_595 = arith.constant 4 : i32
      %add3A_596 = arith.addi %mul3A_329, %add3A_595 : i32
      %add3A_597 = arith.constant 3 : i32
      %add3A_598 = arith.addi %add3A_596, %add3A_597 : i32
      %dma_start3A_599 = arith.constant 0 : i32
      %dma_start3A_600 = arith.constant 0 : i32
      %dma_start3A_601 = tpu.memref_slice %arg4[%add3A, %add3A_598, %dma_start3A_599, %dma_start3A_600] : memref<32x125x1x80xi32, #tpu.memory_space<hbm>> -> memref<1x1x1x80xi32, #tpu.memory_space<hbm>>
      %dma_start3A_602 = tpu.memref_squeeze %dma_start3A_601 : memref<1x1x1x80xi32, #tpu.memory_space<hbm>> -> memref<1x80xi32, #tpu.memory_space<hbm>>
      %dma_start3A_603 = arith.constant 0 : i32
      %dma_start3A_604 = arith.constant 0 : i32
      %dma_start3A_605 = tpu.memref_slice %arg4[%add3A, %add3A_598, %dma_start3A_603, %dma_start3A_604] : memref<32x125x1x80xi32, #tpu.memory_space<hbm>> -> memref<1x1x1x80xi32, #tpu.memory_space<hbm>>
      %dma_start3A_606 = tpu.memref_squeeze %dma_start3A_605 : memref<1x1x1x80xi32, #tpu.memory_space<hbm>> -> memref<1x80xi32, #tpu.memory_space<hbm>>
      tpu.enqueue_dma source(%dma_start3A_606 : memref<1x80xi32, #tpu.memory_space<hbm>>) target(%arg11 : memref<1x80xi32, #tpu.memory_space<vmem>>) target_semaphore(%arg15 : memref<!tpu.dma_semaphore, #tpu.memory_space<semaphore_mem>>)
      %add3A_607 = arith.constant 4 : i32
      %add3A_608 = arith.addi %mul3A_329, %add3A_607 : i32
      %add3A_609 = arith.constant 3 : i32
      %add3A_610 = arith.addi %add3A_608, %add3A_609 : i32
      %dma_wait3A_611 = arith.constant 0 : i32
      %dma_wait3A_612 = arith.constant 0 : i32
      %dma_wait3A_613 = tpu.memref_slice %arg3[%add3A, %add3A_610, %dma_wait3A_611, %dma_wait3A_612] : memref<32x125x1x80xi32, #tpu.memory_space<hbm>> -> memref<1x1x1x80xi32, #tpu.memory_space<hbm>>
      %dma_wait3A_614 = tpu.memref_squeeze %dma_wait3A_613 : memref<1x1x1x80xi32, #tpu.memory_space<hbm>> -> memref<1x80xi32, #tpu.memory_space<hbm>>
      %dma_wait3A_615 = arith.constant 0 : i32
      %dma_wait3A_616 = arith.constant 0 : i32
      %dma_wait3A_617 = tpu.memref_slice %arg3[%add3A, %add3A_610, %dma_wait3A_615, %dma_wait3A_616] : memref<32x125x1x80xi32, #tpu.memory_space<hbm>> -> memref<1x1x1x80xi32, #tpu.memory_space<hbm>>
      %dma_wait3A_618 = tpu.memref_squeeze %dma_wait3A_617 : memref<1x1x1x80xi32, #tpu.memory_space<hbm>> -> memref<1x80xi32, #tpu.memory_space<hbm>>
      tpu.wait_dma2 semaphore(%arg31 : memref<!tpu.dma_semaphore, #tpu.memory_space<semaphore_mem>>) src(%dma_wait3A_618 : memref<1x80xi32, #tpu.memory_space<hbm>>) dst(%arg27 : memref<1x80xi32, #tpu.memory_space<vmem>>)
      %dma_start3A_619 = arith.constant 0 : i32
      %dma_start3A_620 = arith.constant 0 : i32
      %dma_start3A_621 = tpu.memref_slice %arg27[%dma_start3A_619, %dma_start3A_620] : memref<1x80xi32, #tpu.memory_space<vmem>> -> memref<1x80xi32, #tpu.memory_space<vmem>>
      %dma_start3A_622 = tpu.memref_squeeze %dma_start3A_621 : memref<1x80xi32, #tpu.memory_space<vmem>> -> memref<80xi32, #tpu.memory_space<vmem>>
      %dma_start3A_623 = arith.constant 0 : i32
      %dma_start3A_624 = arith.constant 0 : i32
      %dma_start3A_625 = tpu.memref_slice %arg2[%dma_start3A_623, %dma_start3A_624] : memref<10000x128xf32, #tpu.memory_space<hbm>> -> memref<10000x128xf32, #tpu.memory_space<hbm>>
      tpu.enqueue_indirect_dma source(%dma_start3A_625 : memref<10000x128xf32, #tpu.memory_space<hbm>>) target(%arg23 : memref<80x128xf32, #tpu.memory_space<vmem>>) offsets(%dma_start3A_622 : memref<80xi32, #tpu.memory_space<vmem>>) semaphore(%arg19 : memref<!tpu.dma_semaphore, #tpu.memory_space<semaphore_mem>>)
    }
    %scan3A_141 = arith.constant 30 : i32
    %dma_wait3A_142 = arith.constant 0 : i32
    %dma_wait3A_143 = arith.constant 0 : i32
    %dma_wait3A_144 = tpu.memref_slice %arg24[%dma_wait3A_142, %dma_wait3A_143] : memref<1x80xi32, #tpu.memory_space<vmem>> -> memref<1x80xi32, #tpu.memory_space<vmem>>
    %dma_wait3A_145 = tpu.memref_squeeze %dma_wait3A_144 : memref<1x80xi32, #tpu.memory_space<vmem>> -> memref<80xi32, #tpu.memory_space<vmem>>
    %dma_wait3A_146 = arith.constant 0 : i32
    %dma_wait3A_147 = arith.constant 0 : i32
    %dma_wait3A_148 = tpu.memref_slice %arg2[%dma_wait3A_146, %dma_wait3A_147] : memref<10000x128xf32, #tpu.memory_space<hbm>> -> memref<10000x128xf32, #tpu.memory_space<hbm>>
    tpu.wait_indirect_dma semaphore(%arg16 : memref<!tpu.dma_semaphore, #tpu.memory_space<semaphore_mem>>) src(%dma_wait3A_148 : memref<10000x128xf32, #tpu.memory_space<hbm>>) dst(%arg20 : memref<80x128xf32, #tpu.memory_space<vmem>>)
    %dma_start3A_149 = arith.constant 124 : i32
    %dma_start3A_150 = arith.constant 0 : i32
    %dma_start3A_151 = arith.constant 0 : i32
    %dma_start3A_152 = tpu.memref_slice %arg3[%add3A, %dma_start3A_149, %dma_start3A_150, %dma_start3A_151] : memref<32x125x1x80xi32, #tpu.memory_space<hbm>> -> memref<1x1x1x80xi32, #tpu.memory_space<hbm>>
    %dma_start3A_153 = tpu.memref_squeeze %dma_start3A_152 : memref<1x1x1x80xi32, #tpu.memory_space<hbm>> -> memref<1x80xi32, #tpu.memory_space<hbm>>
    %dma_start3A_154 = arith.constant 0 : i32
    %dma_start3A_155 = arith.constant 0 : i32
    %dma_start3A_156 = tpu.memref_slice %arg3[%add3A, %dma_start3A_149, %dma_start3A_154, %dma_start3A_155] : memref<32x125x1x80xi32, #tpu.memory_space<hbm>> -> memref<1x1x1x80xi32, #tpu.memory_space<hbm>>
    %dma_start3A_157 = tpu.memref_squeeze %dma_start3A_156 : memref<1x1x1x80xi32, #tpu.memory_space<hbm>> -> memref<1x80xi32, #tpu.memory_space<hbm>>
    tpu.enqueue_dma source(%dma_start3A_157 : memref<1x80xi32, #tpu.memory_space<hbm>>) target(%arg24 : memref<1x80xi32, #tpu.memory_space<vmem>>) target_semaphore(%arg28 : memref<!tpu.dma_semaphore, #tpu.memory_space<semaphore_mem>>)
    %dma_wait3A_158 = arith.constant 120 : i32
    %dma_wait3A_159 = arith.constant 0 : i32
    %dma_wait3A_160 = arith.constant 0 : i32
    %dma_wait3A_161 = tpu.memref_slice %arg4[%add3A, %dma_wait3A_158, %dma_wait3A_159, %dma_wait3A_160] : memref<32x125x1x80xi32, #tpu.memory_space<hbm>> -> memref<1x1x1x80xi32, #tpu.memory_space<hbm>>
    %dma_wait3A_162 = tpu.memref_squeeze %dma_wait3A_161 : memref<1x1x1x80xi32, #tpu.memory_space<hbm>> -> memref<1x80xi32, #tpu.memory_space<hbm>>
    %dma_wait3A_163 = arith.constant 0 : i32
    %dma_wait3A_164 = arith.constant 0 : i32
    %dma_wait3A_165 = tpu.memref_slice %arg4[%add3A, %dma_wait3A_158, %dma_wait3A_163, %dma_wait3A_164] : memref<32x125x1x80xi32, #tpu.memory_space<hbm>> -> memref<1x1x1x80xi32, #tpu.memory_space<hbm>>
    %dma_wait3A_166 = tpu.memref_squeeze %dma_wait3A_165 : memref<1x1x1x80xi32, #tpu.memory_space<hbm>> -> memref<1x80xi32, #tpu.memory_space<hbm>>
    tpu.wait_dma2 semaphore(%arg12 : memref<!tpu.dma_semaphore, #tpu.memory_space<semaphore_mem>>) src(%dma_wait3A_166 : memref<1x80xi32, #tpu.memory_space<hbm>>) dst(%arg8 : memref<1x80xi32, #tpu.memory_space<vmem>>)
    %dma_start3A_167 = arith.constant 0 : i32
    %dma_start3A_168 = arith.constant 0 : i32
    %dma_start3A_169 = tpu.memref_slice %arg8[%dma_start3A_167, %dma_start3A_168] : memref<1x80xi32, #tpu.memory_space<vmem>> -> memref<1x80xi32, #tpu.memory_space<vmem>>
    %dma_start3A_170 = tpu.memref_squeeze %dma_start3A_169 : memref<1x80xi32, #tpu.memory_space<vmem>> -> memref<80xi32, #tpu.memory_space<vmem>>
    %dma_start3A_171 = arith.constant 0 : i32
    %dma_start3A_172 = arith.constant 0 : i32
    %dma_start3A_173 = tpu.memref_slice %arg7[%dma_start3A_171, %dma_start3A_172] : memref<10240x128xf32, #tpu.memory_space<vmem_shared>> -> memref<10240x128xf32, #tpu.memory_space<vmem_shared>>
    tpu.enqueue_indirect_dma source(%arg20 : memref<80x128xf32, #tpu.memory_space<vmem>>) target(%dma_start3A_173 : memref<10240x128xf32, #tpu.memory_space<vmem_shared>>) offsets(%dma_start3A_170 : memref<80xi32, #tpu.memory_space<vmem>>) semaphore(%arg32 : memref<!tpu.dma_semaphore, #tpu.memory_space<semaphore_mem>>) {add = true}
    %dma_wait3A_174 = arith.constant 0 : i32
    %dma_wait3A_175 = arith.constant 0 : i32
    %dma_wait3A_176 = tpu.memref_slice %arg25[%dma_wait3A_174, %dma_wait3A_175] : memref<1x80xi32, #tpu.memory_space<vmem>> -> memref<1x80xi32, #tpu.memory_space<vmem>>
    %dma_wait3A_177 = tpu.memref_squeeze %dma_wait3A_176 : memref<1x80xi32, #tpu.memory_space<vmem>> -> memref<80xi32, #tpu.memory_space<vmem>>
    %dma_wait3A_178 = arith.constant 0 : i32
    %dma_wait3A_179 = arith.constant 0 : i32
    %dma_wait3A_180 = tpu.memref_slice %arg2[%dma_wait3A_178, %dma_wait3A_179] : memref<10000x128xf32, #tpu.memory_space<hbm>> -> memref<10000x128xf32, #tpu.memory_space<hbm>>
    tpu.wait_indirect_dma semaphore(%arg17 : memref<!tpu.dma_semaphore, #tpu.memory_space<semaphore_mem>>) src(%dma_wait3A_180 : memref<10000x128xf32, #tpu.memory_space<hbm>>) dst(%arg21 : memref<80x128xf32, #tpu.memory_space<vmem>>)
    %dma_wait3A_181 = arith.constant 121 : i32
    %dma_wait3A_182 = arith.constant 0 : i32
    %dma_wait3A_183 = arith.constant 0 : i32
    %dma_wait3A_184 = tpu.memref_slice %arg4[%add3A, %dma_wait3A_181, %dma_wait3A_182, %dma_wait3A_183] : memref<32x125x1x80xi32, #tpu.memory_space<hbm>> -> memref<1x1x1x80xi32, #tpu.memory_space<hbm>>
    %dma_wait3A_185 = tpu.memref_squeeze %dma_wait3A_184 : memref<1x1x1x80xi32, #tpu.memory_space<hbm>> -> memref<1x80xi32, #tpu.memory_space<hbm>>
    %dma_wait3A_186 = arith.constant 0 : i32
    %dma_wait3A_187 = arith.constant 0 : i32
    %dma_wait3A_188 = tpu.memref_slice %arg4[%add3A, %dma_wait3A_181, %dma_wait3A_186, %dma_wait3A_187] : memref<32x125x1x80xi32, #tpu.memory_space<hbm>> -> memref<1x1x1x80xi32, #tpu.memory_space<hbm>>
    %dma_wait3A_189 = tpu.memref_squeeze %dma_wait3A_188 : memref<1x1x1x80xi32, #tpu.memory_space<hbm>> -> memref<1x80xi32, #tpu.memory_space<hbm>>
    tpu.wait_dma2 semaphore(%arg13 : memref<!tpu.dma_semaphore, #tpu.memory_space<semaphore_mem>>) src(%dma_wait3A_189 : memref<1x80xi32, #tpu.memory_space<hbm>>) dst(%arg9 : memref<1x80xi32, #tpu.memory_space<vmem>>)
    %dma_start3A_190 = arith.constant 0 : i32
    %dma_start3A_191 = arith.constant 0 : i32
    %dma_start3A_192 = tpu.memref_slice %arg9[%dma_start3A_190, %dma_start3A_191] : memref<1x80xi32, #tpu.memory_space<vmem>> -> memref<1x80xi32, #tpu.memory_space<vmem>>
    %dma_start3A_193 = tpu.memref_squeeze %dma_start3A_192 : memref<1x80xi32, #tpu.memory_space<vmem>> -> memref<80xi32, #tpu.memory_space<vmem>>
    %dma_start3A_194 = arith.constant 0 : i32
    %dma_start3A_195 = arith.constant 0 : i32
    %dma_start3A_196 = tpu.memref_slice %arg7[%dma_start3A_194, %dma_start3A_195] : memref<10240x128xf32, #tpu.memory_space<vmem_shared>> -> memref<10240x128xf32, #tpu.memory_space<vmem_shared>>
    tpu.enqueue_indirect_dma source(%arg21 : memref<80x128xf32, #tpu.memory_space<vmem>>) target(%dma_start3A_196 : memref<10240x128xf32, #tpu.memory_space<vmem_shared>>) offsets(%dma_start3A_193 : memref<80xi32, #tpu.memory_space<vmem>>) semaphore(%arg33 : memref<!tpu.dma_semaphore, #tpu.memory_space<semaphore_mem>>) {add = true}
    %dma_wait3A_197 = arith.constant 0 : i32
    %dma_wait3A_198 = arith.constant 0 : i32
    %dma_wait3A_199 = tpu.memref_slice %arg26[%dma_wait3A_197, %dma_wait3A_198] : memref<1x80xi32, #tpu.memory_space<vmem>> -> memref<1x80xi32, #tpu.memory_space<vmem>>
    %dma_wait3A_200 = tpu.memref_squeeze %dma_wait3A_199 : memref<1x80xi32, #tpu.memory_space<vmem>> -> memref<80xi32, #tpu.memory_space<vmem>>
    %dma_wait3A_201 = arith.constant 0 : i32
    %dma_wait3A_202 = arith.constant 0 : i32
    %dma_wait3A_203 = tpu.memref_slice %arg2[%dma_wait3A_201, %dma_wait3A_202] : memref<10000x128xf32, #tpu.memory_space<hbm>> -> memref<10000x128xf32, #tpu.memory_space<hbm>>
    tpu.wait_indirect_dma semaphore(%arg18 : memref<!tpu.dma_semaphore, #tpu.memory_space<semaphore_mem>>) src(%dma_wait3A_203 : memref<10000x128xf32, #tpu.memory_space<hbm>>) dst(%arg22 : memref<80x128xf32, #tpu.memory_space<vmem>>)
    %dma_wait3A_204 = arith.constant 122 : i32
    %dma_wait3A_205 = arith.constant 0 : i32
    %dma_wait3A_206 = arith.constant 0 : i32
    %dma_wait3A_207 = tpu.memref_slice %arg4[%add3A, %dma_wait3A_204, %dma_wait3A_205, %dma_wait3A_206] : memref<32x125x1x80xi32, #tpu.memory_space<hbm>> -> memref<1x1x1x80xi32, #tpu.memory_space<hbm>>
    %dma_wait3A_208 = tpu.memref_squeeze %dma_wait3A_207 : memref<1x1x1x80xi32, #tpu.memory_space<hbm>> -> memref<1x80xi32, #tpu.memory_space<hbm>>
    %dma_wait3A_209 = arith.constant 0 : i32
    %dma_wait3A_210 = arith.constant 0 : i32
    %dma_wait3A_211 = tpu.memref_slice %arg4[%add3A, %dma_wait3A_204, %dma_wait3A_209, %dma_wait3A_210] : memref<32x125x1x80xi32, #tpu.memory_space<hbm>> -> memref<1x1x1x80xi32, #tpu.memory_space<hbm>>
    %dma_wait3A_212 = tpu.memref_squeeze %dma_wait3A_211 : memref<1x1x1x80xi32, #tpu.memory_space<hbm>> -> memref<1x80xi32, #tpu.memory_space<hbm>>
    tpu.wait_dma2 semaphore(%arg14 : memref<!tpu.dma_semaphore, #tpu.memory_space<semaphore_mem>>) src(%dma_wait3A_212 : memref<1x80xi32, #tpu.memory_space<hbm>>) dst(%arg10 : memref<1x80xi32, #tpu.memory_space<vmem>>)
    %dma_start3A_213 = arith.constant 0 : i32
    %dma_start3A_214 = arith.constant 0 : i32
    %dma_start3A_215 = tpu.memref_slice %arg10[%dma_start3A_213, %dma_start3A_214] : memref<1x80xi32, #tpu.memory_space<vmem>> -> memref<1x80xi32, #tpu.memory_space<vmem>>
    %dma_start3A_216 = tpu.memref_squeeze %dma_start3A_215 : memref<1x80xi32, #tpu.memory_space<vmem>> -> memref<80xi32, #tpu.memory_space<vmem>>
    %dma_start3A_217 = arith.constant 0 : i32
    %dma_start3A_218 = arith.constant 0 : i32
    %dma_start3A_219 = tpu.memref_slice %arg7[%dma_start3A_217, %dma_start3A_218] : memref<10240x128xf32, #tpu.memory_space<vmem_shared>> -> memref<10240x128xf32, #tpu.memory_space<vmem_shared>>
    tpu.enqueue_indirect_dma source(%arg22 : memref<80x128xf32, #tpu.memory_space<vmem>>) target(%dma_start3A_219 : memref<10240x128xf32, #tpu.memory_space<vmem_shared>>) offsets(%dma_start3A_216 : memref<80xi32, #tpu.memory_space<vmem>>) semaphore(%arg34 : memref<!tpu.dma_semaphore, #tpu.memory_space<semaphore_mem>>) {add = true}
    %dma_wait3A_220 = arith.constant 0 : i32
    %dma_wait3A_221 = arith.constant 0 : i32
    %dma_wait3A_222 = tpu.memref_slice %arg27[%dma_wait3A_220, %dma_wait3A_221] : memref<1x80xi32, #tpu.memory_space<vmem>> -> memref<1x80xi32, #tpu.memory_space<vmem>>
    %dma_wait3A_223 = tpu.memref_squeeze %dma_wait3A_222 : memref<1x80xi32, #tpu.memory_space<vmem>> -> memref<80xi32, #tpu.memory_space<vmem>>
    %dma_wait3A_224 = arith.constant 0 : i32
    %dma_wait3A_225 = arith.constant 0 : i32
    %dma_wait3A_226 = tpu.memref_slice %arg2[%dma_wait3A_224, %dma_wait3A_225] : memref<10000x128xf32, #tpu.memory_space<hbm>> -> memref<10000x128xf32, #tpu.memory_space<hbm>>
    tpu.wait_indirect_dma semaphore(%arg19 : memref<!tpu.dma_semaphore, #tpu.memory_space<semaphore_mem>>) src(%dma_wait3A_226 : memref<10000x128xf32, #tpu.memory_space<hbm>>) dst(%arg23 : memref<80x128xf32, #tpu.memory_space<vmem>>)
    %dma_wait3A_227 = arith.constant 123 : i32
    %dma_wait3A_228 = arith.constant 0 : i32
    %dma_wait3A_229 = arith.constant 0 : i32
    %dma_wait3A_230 = tpu.memref_slice %arg4[%add3A, %dma_wait3A_227, %dma_wait3A_228, %dma_wait3A_229] : memref<32x125x1x80xi32, #tpu.memory_space<hbm>> -> memref<1x1x1x80xi32, #tpu.memory_space<hbm>>
    %dma_wait3A_231 = tpu.memref_squeeze %dma_wait3A_230 : memref<1x1x1x80xi32, #tpu.memory_space<hbm>> -> memref<1x80xi32, #tpu.memory_space<hbm>>
    %dma_wait3A_232 = arith.constant 0 : i32
    %dma_wait3A_233 = arith.constant 0 : i32
    %dma_wait3A_234 = tpu.memref_slice %arg4[%add3A, %dma_wait3A_227, %dma_wait3A_232, %dma_wait3A_233] : memref<32x125x1x80xi32, #tpu.memory_space<hbm>> -> memref<1x1x1x80xi32, #tpu.memory_space<hbm>>
    %dma_wait3A_235 = tpu.memref_squeeze %dma_wait3A_234 : memref<1x1x1x80xi32, #tpu.memory_space<hbm>> -> memref<1x80xi32, #tpu.memory_space<hbm>>
    tpu.wait_dma2 semaphore(%arg15 : memref<!tpu.dma_semaphore, #tpu.memory_space<semaphore_mem>>) src(%dma_wait3A_235 : memref<1x80xi32, #tpu.memory_space<hbm>>) dst(%arg11 : memref<1x80xi32, #tpu.memory_space<vmem>>)
    %dma_start3A_236 = arith.constant 0 : i32
    %dma_start3A_237 = arith.constant 0 : i32
    %dma_start3A_238 = tpu.memref_slice %arg11[%dma_start3A_236, %dma_start3A_237] : memref<1x80xi32, #tpu.memory_space<vmem>> -> memref<1x80xi32, #tpu.memory_space<vmem>>
    %dma_start3A_239 = tpu.memref_squeeze %dma_start3A_238 : memref<1x80xi32, #tpu.memory_space<vmem>> -> memref<80xi32, #tpu.memory_space<vmem>>
    %dma_start3A_240 = arith.constant 0 : i32
    %dma_start3A_241 = arith.constant 0 : i32
    %dma_start3A_242 = tpu.memref_slice %arg7[%dma_start3A_240, %dma_start3A_241] : memref<10240x128xf32, #tpu.memory_space<vmem_shared>> -> memref<10240x128xf32, #tpu.memory_space<vmem_shared>>
    tpu.enqueue_indirect_dma source(%arg23 : memref<80x128xf32, #tpu.memory_space<vmem>>) target(%dma_start3A_242 : memref<10240x128xf32, #tpu.memory_space<vmem_shared>>) offsets(%dma_start3A_239 : memref<80xi32, #tpu.memory_space<vmem>>) semaphore(%arg35 : memref<!tpu.dma_semaphore, #tpu.memory_space<semaphore_mem>>) {add = true}
    %dma_wait3A_243 = arith.constant 0 : i32
    %dma_wait3A_244 = arith.constant 0 : i32
    %dma_wait3A_245 = tpu.memref_slice %arg8[%dma_wait3A_243, %dma_wait3A_244] : memref<1x80xi32, #tpu.memory_space<vmem>> -> memref<1x80xi32, #tpu.memory_space<vmem>>
    %dma_wait3A_246 = tpu.memref_squeeze %dma_wait3A_245 : memref<1x80xi32, #tpu.memory_space<vmem>> -> memref<80xi32, #tpu.memory_space<vmem>>
    %dma_wait3A_247 = arith.constant 0 : i32
    %dma_wait3A_248 = arith.constant 0 : i32
    %dma_wait3A_249 = tpu.memref_slice %arg7[%dma_wait3A_247, %dma_wait3A_248] : memref<10240x128xf32, #tpu.memory_space<vmem_shared>> -> memref<10240x128xf32, #tpu.memory_space<vmem_shared>>
    tpu.wait_indirect_dma semaphore(%arg32 : memref<!tpu.dma_semaphore, #tpu.memory_space<semaphore_mem>>) src(%arg20 : memref<80x128xf32, #tpu.memory_space<vmem>>) dst(%dma_wait3A_249 : memref<10240x128xf32, #tpu.memory_space<vmem_shared>>)
    %dma_start3A_250 = arith.constant 124 : i32
    %dma_start3A_251 = arith.constant 0 : i32
    %dma_start3A_252 = arith.constant 0 : i32
    %dma_start3A_253 = tpu.memref_slice %arg4[%add3A, %dma_start3A_250, %dma_start3A_251, %dma_start3A_252] : memref<32x125x1x80xi32, #tpu.memory_space<hbm>> -> memref<1x1x1x80xi32, #tpu.memory_space<hbm>>
    %dma_start3A_254 = tpu.memref_squeeze %dma_start3A_253 : memref<1x1x1x80xi32, #tpu.memory_space<hbm>> -> memref<1x80xi32, #tpu.memory_space<hbm>>
    %dma_start3A_255 = arith.constant 0 : i32
    %dma_start3A_256 = arith.constant 0 : i32
    %dma_start3A_257 = tpu.memref_slice %arg4[%add3A, %dma_start3A_250, %dma_start3A_255, %dma_start3A_256] : memref<32x125x1x80xi32, #tpu.memory_space<hbm>> -> memref<1x1x1x80xi32, #tpu.memory_space<hbm>>
    %dma_start3A_258 = tpu.memref_squeeze %dma_start3A_257 : memref<1x1x1x80xi32, #tpu.memory_space<hbm>> -> memref<1x80xi32, #tpu.memory_space<hbm>>
    tpu.enqueue_dma source(%dma_start3A_258 : memref<1x80xi32, #tpu.memory_space<hbm>>) target(%arg8 : memref<1x80xi32, #tpu.memory_space<vmem>>) target_semaphore(%arg12 : memref<!tpu.dma_semaphore, #tpu.memory_space<semaphore_mem>>)
    %dma_wait3A_259 = arith.constant 124 : i32
    %dma_wait3A_260 = arith.constant 0 : i32
    %dma_wait3A_261 = arith.constant 0 : i32
    %dma_wait3A_262 = tpu.memref_slice %arg3[%add3A, %dma_wait3A_259, %dma_wait3A_260, %dma_wait3A_261] : memref<32x125x1x80xi32, #tpu.memory_space<hbm>> -> memref<1x1x1x80xi32, #tpu.memory_space<hbm>>
    %dma_wait3A_263 = tpu.memref_squeeze %dma_wait3A_262 : memref<1x1x1x80xi32, #tpu.memory_space<hbm>> -> memref<1x80xi32, #tpu.memory_space<hbm>>
    %dma_wait3A_264 = arith.constant 0 : i32
    %dma_wait3A_265 = arith.constant 0 : i32
    %dma_wait3A_266 = tpu.memref_slice %arg3[%add3A, %dma_wait3A_259, %dma_wait3A_264, %dma_wait3A_265] : memref<32x125x1x80xi32, #tpu.memory_space<hbm>> -> memref<1x1x1x80xi32, #tpu.memory_space<hbm>>
    %dma_wait3A_267 = tpu.memref_squeeze %dma_wait3A_266 : memref<1x1x1x80xi32, #tpu.memory_space<hbm>> -> memref<1x80xi32, #tpu.memory_space<hbm>>
    tpu.wait_dma2 semaphore(%arg28 : memref<!tpu.dma_semaphore, #tpu.memory_space<semaphore_mem>>) src(%dma_wait3A_267 : memref<1x80xi32, #tpu.memory_space<hbm>>) dst(%arg24 : memref<1x80xi32, #tpu.memory_space<vmem>>)
    %dma_start3A_268 = arith.constant 0 : i32
    %dma_start3A_269 = arith.constant 0 : i32
    %dma_start3A_270 = tpu.memref_slice %arg24[%dma_start3A_268, %dma_start3A_269] : memref<1x80xi32, #tpu.memory_space<vmem>> -> memref<1x80xi32, #tpu.memory_space<vmem>>
    %dma_start3A_271 = tpu.memref_squeeze %dma_start3A_270 : memref<1x80xi32, #tpu.memory_space<vmem>> -> memref<80xi32, #tpu.memory_space<vmem>>
    %dma_start3A_272 = arith.constant 0 : i32
    %dma_start3A_273 = arith.constant 0 : i32
    %dma_start3A_274 = tpu.memref_slice %arg2[%dma_start3A_272, %dma_start3A_273] : memref<10000x128xf32, #tpu.memory_space<hbm>> -> memref<10000x128xf32, #tpu.memory_space<hbm>>
    tpu.enqueue_indirect_dma source(%dma_start3A_274 : memref<10000x128xf32, #tpu.memory_space<hbm>>) target(%arg20 : memref<80x128xf32, #tpu.memory_space<vmem>>) offsets(%dma_start3A_271 : memref<80xi32, #tpu.memory_space<vmem>>) semaphore(%arg16 : memref<!tpu.dma_semaphore, #tpu.memory_space<semaphore_mem>>)
    %dma_wait3A_275 = arith.constant 0 : i32
    %dma_wait3A_276 = arith.constant 0 : i32
    %dma_wait3A_277 = tpu.memref_slice %arg24[%dma_wait3A_275, %dma_wait3A_276] : memref<1x80xi32, #tpu.memory_space<vmem>> -> memref<1x80xi32, #tpu.memory_space<vmem>>
    %dma_wait3A_278 = tpu.memref_squeeze %dma_wait3A_277 : memref<1x80xi32, #tpu.memory_space<vmem>> -> memref<80xi32, #tpu.memory_space<vmem>>
    %dma_wait3A_279 = arith.constant 0 : i32
    %dma_wait3A_280 = arith.constant 0 : i32
    %dma_wait3A_281 = tpu.memref_slice %arg2[%dma_wait3A_279, %dma_wait3A_280] : memref<10000x128xf32, #tpu.memory_space<hbm>> -> memref<10000x128xf32, #tpu.memory_space<hbm>>
    tpu.wait_indirect_dma semaphore(%arg16 : memref<!tpu.dma_semaphore, #tpu.memory_space<semaphore_mem>>) src(%dma_wait3A_281 : memref<10000x128xf32, #tpu.memory_space<hbm>>) dst(%arg20 : memref<80x128xf32, #tpu.memory_space<vmem>>)
    %dma_wait3A_282 = arith.constant 124 : i32
    %dma_wait3A_283 = arith.constant 0 : i32
    %dma_wait3A_284 = arith.constant 0 : i32
    %dma_wait3A_285 = tpu.memref_slice %arg4[%add3A, %dma_wait3A_282, %dma_wait3A_283, %dma_wait3A_284] : memref<32x125x1x80xi32, #tpu.memory_space<hbm>> -> memref<1x1x1x80xi32, #tpu.memory_space<hbm>>
    %dma_wait3A_286 = tpu.memref_squeeze %dma_wait3A_285 : memref<1x1x1x80xi32, #tpu.memory_space<hbm>> -> memref<1x80xi32, #tpu.memory_space<hbm>>
    %dma_wait3A_287 = arith.constant 0 : i32
    %dma_wait3A_288 = arith.constant 0 : i32
    %dma_wait3A_289 = tpu.memref_slice %arg4[%add3A, %dma_wait3A_282, %dma_wait3A_287, %dma_wait3A_288] : memref<32x125x1x80xi32, #tpu.memory_space<hbm>> -> memref<1x1x1x80xi32, #tpu.memory_space<hbm>>
    %dma_wait3A_290 = tpu.memref_squeeze %dma_wait3A_289 : memref<1x1x1x80xi32, #tpu.memory_space<hbm>> -> memref<1x80xi32, #tpu.memory_space<hbm>>
    tpu.wait_dma2 semaphore(%arg12 : memref<!tpu.dma_semaphore, #tpu.memory_space<semaphore_mem>>) src(%dma_wait3A_290 : memref<1x80xi32, #tpu.memory_space<hbm>>) dst(%arg8 : memref<1x80xi32, #tpu.memory_space<vmem>>)
    %dma_start3A_291 = arith.constant 0 : i32
    %dma_start3A_292 = arith.constant 0 : i32
    %dma_start3A_293 = tpu.memref_slice %arg8[%dma_start3A_291, %dma_start3A_292] : memref<1x80xi32, #tpu.memory_space<vmem>> -> memref<1x80xi32, #tpu.memory_space<vmem>>
    %dma_start3A_294 = tpu.memref_squeeze %dma_start3A_293 : memref<1x80xi32, #tpu.memory_space<vmem>> -> memref<80xi32, #tpu.memory_space<vmem>>
    %dma_start3A_295 = arith.constant 0 : i32
    %dma_start3A_296 = arith.constant 0 : i32
    %dma_start3A_297 = tpu.memref_slice %arg7[%dma_start3A_295, %dma_start3A_296] : memref<10240x128xf32, #tpu.memory_space<vmem_shared>> -> memref<10240x128xf32, #tpu.memory_space<vmem_shared>>
    tpu.enqueue_indirect_dma source(%arg20 : memref<80x128xf32, #tpu.memory_space<vmem>>) target(%dma_start3A_297 : memref<10240x128xf32, #tpu.memory_space<vmem_shared>>) offsets(%dma_start3A_294 : memref<80xi32, #tpu.memory_space<vmem>>) semaphore(%arg32 : memref<!tpu.dma_semaphore, #tpu.memory_space<semaphore_mem>>) {add = true}
    %dma_wait3A_298 = arith.constant 0 : i32
    %dma_wait3A_299 = arith.constant 0 : i32
    %dma_wait3A_300 = tpu.memref_slice %arg9[%dma_wait3A_298, %dma_wait3A_299] : memref<1x80xi32, #tpu.memory_space<vmem>> -> memref<1x80xi32, #tpu.memory_space<vmem>>
    %dma_wait3A_301 = tpu.memref_squeeze %dma_wait3A_300 : memref<1x80xi32, #tpu.memory_space<vmem>> -> memref<80xi32, #tpu.memory_space<vmem>>
    %dma_wait3A_302 = arith.constant 0 : i32
    %dma_wait3A_303 = arith.constant 0 : i32
    %dma_wait3A_304 = tpu.memref_slice %arg7[%dma_wait3A_302, %dma_wait3A_303] : memref<10240x128xf32, #tpu.memory_space<vmem_shared>> -> memref<10240x128xf32, #tpu.memory_space<vmem_shared>>
    tpu.wait_indirect_dma semaphore(%arg33 : memref<!tpu.dma_semaphore, #tpu.memory_space<semaphore_mem>>) src(%arg21 : memref<80x128xf32, #tpu.memory_space<vmem>>) dst(%dma_wait3A_304 : memref<10240x128xf32, #tpu.memory_space<vmem_shared>>)
    %dma_wait3A_305 = arith.constant 0 : i32
    %dma_wait3A_306 = arith.constant 0 : i32
    %dma_wait3A_307 = tpu.memref_slice %arg10[%dma_wait3A_305, %dma_wait3A_306] : memref<1x80xi32, #tpu.memory_space<vmem>> -> memref<1x80xi32, #tpu.memory_space<vmem>>
    %dma_wait3A_308 = tpu.memref_squeeze %dma_wait3A_307 : memref<1x80xi32, #tpu.memory_space<vmem>> -> memref<80xi32, #tpu.memory_space<vmem>>
    %dma_wait3A_309 = arith.constant 0 : i32
    %dma_wait3A_310 = arith.constant 0 : i32
    %dma_wait3A_311 = tpu.memref_slice %arg7[%dma_wait3A_309, %dma_wait3A_310] : memref<10240x128xf32, #tpu.memory_space<vmem_shared>> -> memref<10240x128xf32, #tpu.memory_space<vmem_shared>>
    tpu.wait_indirect_dma semaphore(%arg34 : memref<!tpu.dma_semaphore, #tpu.memory_space<semaphore_mem>>) src(%arg22 : memref<80x128xf32, #tpu.memory_space<vmem>>) dst(%dma_wait3A_311 : memref<10240x128xf32, #tpu.memory_space<vmem_shared>>)
    %dma_wait3A_312 = arith.constant 0 : i32
    %dma_wait3A_313 = arith.constant 0 : i32
    %dma_wait3A_314 = tpu.memref_slice %arg11[%dma_wait3A_312, %dma_wait3A_313] : memref<1x80xi32, #tpu.memory_space<vmem>> -> memref<1x80xi32, #tpu.memory_space<vmem>>
    %dma_wait3A_315 = tpu.memref_squeeze %dma_wait3A_314 : memref<1x80xi32, #tpu.memory_space<vmem>> -> memref<80xi32, #tpu.memory_space<vmem>>
    %dma_wait3A_316 = arith.constant 0 : i32
    %dma_wait3A_317 = arith.constant 0 : i32
    %dma_wait3A_318 = tpu.memref_slice %arg7[%dma_wait3A_316, %dma_wait3A_317] : memref<10240x128xf32, #tpu.memory_space<vmem_shared>> -> memref<10240x128xf32, #tpu.memory_space<vmem_shared>>
    tpu.wait_indirect_dma semaphore(%arg35 : memref<!tpu.dma_semaphore, #tpu.memory_space<semaphore_mem>>) src(%arg23 : memref<80x128xf32, #tpu.memory_space<vmem>>) dst(%dma_wait3A_318 : memref<10240x128xf32, #tpu.memory_space<vmem_shared>>)
    %dma_wait3A_319 = arith.constant 0 : i32
    %dma_wait3A_320 = arith.constant 0 : i32
    %dma_wait3A_321 = tpu.memref_slice %arg8[%dma_wait3A_319, %dma_wait3A_320] : memref<1x80xi32, #tpu.memory_space<vmem>> -> memref<1x80xi32, #tpu.memory_space<vmem>>
    %dma_wait3A_322 = tpu.memref_squeeze %dma_wait3A_321 : memref<1x80xi32, #tpu.memory_space<vmem>> -> memref<80xi32, #tpu.memory_space<vmem>>
    %dma_wait3A_323 = arith.constant 0 : i32
    %dma_wait3A_324 = arith.constant 0 : i32
    %dma_wait3A_325 = tpu.memref_slice %arg7[%dma_wait3A_323, %dma_wait3A_324] : memref<10240x128xf32, #tpu.memory_space<vmem_shared>> -> memref<10240x128xf32, #tpu.memory_space<vmem_shared>>
    tpu.wait_indirect_dma semaphore(%arg32 : memref<!tpu.dma_semaphore, #tpu.memory_space<semaphore_mem>>) src(%arg20 : memref<80x128xf32, #tpu.memory_space<vmem>>) dst(%dma_wait3A_325 : memref<10240x128xf32, #tpu.memory_space<vmem_shared>>)
    %barrier3A_326 = arith.constant 0 : index
    tpu.barrier barrier_id(%barrier3A_326)
    "tpu.region"() ({
      %run_scoped3A = tpu.sem_alloc : memref<!tpu.dma_semaphore, #tpu.memory_space<semaphore_mem>>
      %dma_start3A_327 = arith.constant 0 : i32
      %dma_start3A_328 = tpu.memref_slice %arg6[%arg0, %mul3A_2, %dma_start3A_327] : memref<2x10240x128xf32, #tpu.memory_space<hbm>> -> memref<1x640x128xf32, #tpu.memory_space<hbm>>
      %dma_start3A_329 = tpu.memref_squeeze %dma_start3A_328 : memref<1x640x128xf32, #tpu.memory_space<hbm>> -> memref<640x128xf32, #tpu.memory_space<hbm>>
      %dma_start3A_330 = arith.constant 0 : i32
      %dma_start3A_331 = tpu.memref_slice %arg7[%mul3A_2, %dma_start3A_330] : memref<10240x128xf32, #tpu.memory_space<vmem_shared>> -> memref<640x128xf32, #tpu.memory_space<vmem_shared>>
      tpu.enqueue_dma source(%dma_start3A_331 : memref<640x128xf32, #tpu.memory_space<vmem_shared>>) target(%dma_start3A_329 : memref<640x128xf32, #tpu.memory_space<hbm>>) target_semaphore(%run_scoped3A : memref<!tpu.dma_semaphore, #tpu.memory_space<semaphore_mem>>)
      %dma_wait3A_332 = arith.constant 0 : i32
      %dma_wait3A_333 = tpu.memref_slice %arg6[%arg0, %mul3A_2, %dma_wait3A_332] : memref<2x10240x128xf32, #tpu.memory_space<hbm>> -> memref<1x640x128xf32, #tpu.memory_space<hbm>>
      %dma_wait3A_334 = tpu.memref_squeeze %dma_wait3A_333 : memref<1x640x128xf32, #tpu.memory_space<hbm>> -> memref<640x128xf32, #tpu.memory_space<hbm>>
      %dma_wait3A_335 = arith.constant 0 : i32
      %dma_wait3A_336 = tpu.memref_slice %arg7[%mul3A_2, %dma_wait3A_335] : memref<10240x128xf32, #tpu.memory_space<vmem_shared>> -> memref<640x128xf32, #tpu.memory_space<vmem_shared>>
      tpu.wait_dma2 semaphore(%run_scoped3A : memref<!tpu.dma_semaphore, #tpu.memory_space<semaphore_mem>>) src(%dma_wait3A_336 : memref<640x128xf32, #tpu.memory_space<vmem_shared>>) dst(%dma_wait3A_334 : memref<640x128xf32, #tpu.memory_space<hbm>>)
      tpu.yield
    }) : () -> ()
    return
  }
}

#map = affine_map<(d0, d1) -> (0, 0)>
#map1 = affine_map<(d0, d1) -> (0, 0, 0, 0)>
#map2 = affine_map<(d0, d1) -> (0, 0, 0)>
module attributes {stable_mosaic.version = 14 : i64} {
  func.func @_spmm_kernel(%arg0: i32, %arg1: i32, %arg2: memref<10000x128xf32, #tpu.memory_space<hbm>>, %arg3: memref<32x125x1x80xi32, #tpu.memory_space<hbm>>, %arg4: memref<32x125x1x80xi32, #tpu.memory_space<hbm>>, %arg5: memref<10240x128xf32, #tpu.memory_space<hbm>>, %arg6: memref<2x10240x128xf32, #tpu.memory_space<hbm>>, %arg7: memref<10240x128xf32, #tpu.memory_space<vmem_shared>>, %arg8: memref<1x80xi32, #tpu.memory_space<vmem>>, %arg9: memref<1x80xi32, #tpu.memory_space<vmem>>, %arg10: memref<1x80xi32, #tpu.memory_space<vmem>>, %arg11: memref<1x80xi32, #tpu.memory_space<vmem>>, %arg12: memref<!tpu.dma_semaphore, #tpu.memory_space<semaphore_mem>>, %arg13: memref<!tpu.dma_semaphore, #tpu.memory_space<semaphore_mem>>, %arg14: memref<!tpu.dma_semaphore, #tpu.memory_space<semaphore_mem>>, %arg15: memref<!tpu.dma_semaphore, #tpu.memory_space<semaphore_mem>>, %arg16: memref<!tpu.dma_semaphore, #tpu.memory_space<semaphore_mem>>, %arg17: memref<!tpu.dma_semaphore, #tpu.memory_space<semaphore_mem>>, %arg18: memref<!tpu.dma_semaphore, #tpu.memory_space<semaphore_mem>>, %arg19: memref<!tpu.dma_semaphore, #tpu.memory_space<semaphore_mem>>, %arg20: memref<80x128xf32, #tpu.memory_space<vmem>>, %arg21: memref<80x128xf32, #tpu.memory_space<vmem>>, %arg22: memref<80x128xf32, #tpu.memory_space<vmem>>, %arg23: memref<80x128xf32, #tpu.memory_space<vmem>>, %arg24: memref<1x80xi32, #tpu.memory_space<vmem>>, %arg25: memref<1x80xi32, #tpu.memory_space<vmem>>, %arg26: memref<1x80xi32, #tpu.memory_space<vmem>>, %arg27: memref<1x80xi32, #tpu.memory_space<vmem>>, %arg28: memref<!tpu.dma_semaphore, #tpu.memory_space<semaphore_mem>>, %arg29: memref<!tpu.dma_semaphore, #tpu.memory_space<semaphore_mem>>, %arg30: memref<!tpu.dma_semaphore, #tpu.memory_space<semaphore_mem>>, %arg31: memref<!tpu.dma_semaphore, #tpu.memory_space<semaphore_mem>>, %arg32: memref<!tpu.dma_semaphore, #tpu.memory_space<semaphore_mem>>, %arg33: memref<!tpu.dma_semaphore, #tpu.memory_space<semaphore_mem>>, %arg34: memref<!tpu.dma_semaphore, #tpu.memory_space<semaphore_mem>>, %arg35: memref<!tpu.dma_semaphore, #tpu.memory_space<semaphore_mem>>) attributes {dimension_semantics = [#tpu.dimension_semantics<core_parallel>, #tpu.dimension_semantics<subcore_parallel>], iteration_bounds = array<i64: 2, 16>, scalar_prefetch = 0 : i64, scratch_operands = 29 : i64, tpu.core_type = #tpu.core_type<sc_vector_subcore>, window_params = [{transform_indices = #map}, {transform_indices = #map1}, {transform_indices = #map1}, {transform_indices = #map}, {transform_indices = #map2}]} {
    %mul3A = arith.constant 16 : i32
    %mul3A_0 = arith.muli %arg0, %mul3A : i32
    %add3A = arith.addi %mul3A_0, %arg1 : i32
    %mul3A_1 = arith.constant 640 : i32
    %mul3A_2 = arith.muli %arg1, %mul3A_1 : i32
    "tpu.region"() ({
      %run_scoped3A = tpu.sem_alloc : memref<!tpu.dma_semaphore, #tpu.memory_space<semaphore_mem>>
      %dma_start3A_327 = arith.constant 0 : i32
      %dma_start3A_328 = tpu.memref_slice %arg7[%mul3A_2, %dma_start3A_327] : memref<10240x128xf32, #tpu.memory_space<vmem_shared>> -> memref<640x128xf32, #tpu.memory_space<vmem_shared>>
      %dma_start3A_329 = arith.constant 0 : i32
      %dma_start3A_330 = tpu.memref_slice %arg5[%mul3A_2, %dma_start3A_329] : memref<10240x128xf32, #tpu.memory_space<hbm>> -> memref<640x128xf32, #tpu.memory_space<hbm>>
      tpu.enqueue_dma source(%dma_start3A_330 : memref<640x128xf32, #tpu.memory_space<hbm>>) target(%dma_start3A_328 : memref<640x128xf32, #tpu.memory_space<vmem_shared>>) target_semaphore(%run_scoped3A : memref<!tpu.dma_semaphore, #tpu.memory_space<semaphore_mem>>)
      %dma_wait3A_331 = arith.constant 0 : i32
      %dma_wait3A_332 = tpu.memref_slice %arg7[%mul3A_2, %dma_wait3A_331] : memref<10240x128xf32, #tpu.memory_space<vmem_shared>> -> memref<640x128xf32, #tpu.memory_space<vmem_shared>>
      %dma_wait3A_333 = arith.constant 0 : i32
      %dma_wait3A_334 = tpu.memref_slice %arg5[%mul3A_2, %dma_wait3A_333] : memref<10240x128xf32, #tpu.memory_space<hbm>> -> memref<640x128xf32, #tpu.memory_space<hbm>>
      tpu.wait_dma2 semaphore(%run_scoped3A : memref<!tpu.dma_semaphore, #tpu.memory_space<semaphore_mem>>) src(%dma_wait3A_334 : memref<640x128xf32, #tpu.memory_space<hbm>>) dst(%dma_wait3A_332 : memref<640x128xf32, #tpu.memory_space<vmem_shared>>)
      tpu.yield
    }) : () -> ()
    %barrier3A = arith.constant 0 : index
    tpu.barrier barrier_id(%barrier3A)
    %dma_start3A = arith.constant 0 : i32
    %dma_start3A_3 = arith.constant 0 : i32
    %dma_start3A_4 = arith.constant 0 : i32
    %dma_start3A_5 = tpu.memref_slice %arg3[%add3A, %dma_start3A, %dma_start3A_3, %dma_start3A_4] : memref<32x125x1x80xi32, #tpu.memory_space<hbm>> -> memref<1x1x1x80xi32, #tpu.memory_space<hbm>>
    %dma_start3A_6 = tpu.memref_squeeze %dma_start3A_5 : memref<1x1x1x80xi32, #tpu.memory_space<hbm>> -> memref<1x80xi32, #tpu.memory_space<hbm>>
    %dma_start3A_7 = arith.constant 0 : i32
    %dma_start3A_8 = arith.constant 0 : i32
    %dma_start3A_9 = tpu.memref_slice %arg3[%add3A, %dma_start3A, %dma_start3A_7, %dma_start3A_8] : memref<32x125x1x80xi32, #tpu.memory_space<hbm>> -> memref<1x1x1x80xi32, #tpu.memory_space<hbm>>
    %dma_start3A_10 = tpu.memref_squeeze %dma_start3A_9 : memref<1x1x1x80xi32, #tpu.memory_space<hbm>> -> memref<1x80xi32, #tpu.memory_space<hbm>>
    tpu.enqueue_dma source(%dma_start3A_10 : memref<1x80xi32, #tpu.memory_space<hbm>>) target(%arg24 : memref<1x80xi32, #tpu.memory_space<vmem>>) target_semaphore(%arg28 : memref<!tpu.dma_semaphore, #tpu.memory_space<semaphore_mem>>)
    %dma_start3A_11 = arith.constant 0 : i32
    %dma_start3A_12 = arith.constant 0 : i32
    %dma_start3A_13 = arith.constant 0 : i32
    %dma_start3A_14 = tpu.memref_slice %arg4[%add3A, %dma_start3A_11, %dma_start3A_12, %dma_start3A_13] : memref<32x125x1x80xi32, #tpu.memory_space<hbm>> -> memref<1x1x1x80xi32, #tpu.memory_space<hbm>>
    %dma_start3A_15 = tpu.memref_squeeze %dma_start3A_14 : memref<1x1x1x80xi32, #tpu.memory_space<hbm>> -> memref<1x80xi32, #tpu.memory_space<hbm>>
    %dma_start3A_16 = arith.constant 0 : i32
    %dma_start3A_17 = arith.constant 0 : i32
    %dma_start3A_18 = tpu.memref_slice %arg4[%add3A, %dma_start3A_11, %dma_start3A_16, %dma_start3A_17] : memref<32x125x1x80xi32, #tpu.memory_space<hbm>> -> memref<1x1x1x80xi32, #tpu.memory_space<hbm>>
    %dma_start3A_19 = tpu.memref_squeeze %dma_start3A_18 : memref<1x1x1x80xi32, #tpu.memory_space<hbm>> -> memref<1x80xi32, #tpu.memory_space<hbm>>
    tpu.enqueue_dma source(%dma_start3A_19 : memref<1x80xi32, #tpu.memory_space<hbm>>) target(%arg8 : memref<1x80xi32, #tpu.memory_space<vmem>>) target_semaphore(%arg12 : memref<!tpu.dma_semaphore, #tpu.memory_space<semaphore_mem>>)
    %dma_start3A_20 = arith.constant 1 : i32
    %dma_start3A_21 = arith.constant 0 : i32
    %dma_start3A_22 = arith.constant 0 : i32
    %dma_start3A_23 = tpu.memref_slice %arg3[%add3A, %dma_start3A_20, %dma_start3A_21, %dma_start3A_22] : memref<32x125x1x80xi32, #tpu.memory_space<hbm>> -> memref<1x1x1x80xi32, #tpu.memory_space<hbm>>
    %dma_start3A_24 = tpu.memref_squeeze %dma_start3A_23 : memref<1x1x1x80xi32, #tpu.memory_space<hbm>> -> memref<1x80xi32, #tpu.memory_space<hbm>>
    %dma_start3A_25 = arith.constant 0 : i32
    %dma_start3A_26 = arith.constant 0 : i32
    %dma_start3A_27 = tpu.memref_slice %arg3[%add3A, %dma_start3A_20, %dma_start3A_25, %dma_start3A_26] : memref<32x125x1x80xi32, #tpu.memory_space<hbm>> -> memref<1x1x1x80xi32, #tpu.memory_space<hbm>>
    %dma_start3A_28 = tpu.memref_squeeze %dma_start3A_27 : memref<1x1x1x80xi32, #tpu.memory_space<hbm>> -> memref<1x80xi32, #tpu.memory_space<hbm>>
    tpu.enqueue_dma source(%dma_start3A_28 : memref<1x80xi32, #tpu.memory_space<hbm>>) target(%arg25 : memref<1x80xi32, #tpu.memory_space<vmem>>) target_semaphore(%arg29 : memref<!tpu.dma_semaphore, #tpu.memory_space<semaphore_mem>>)
    %dma_start3A_29 = arith.constant 1 : i32
    %dma_start3A_30 = arith.constant 0 : i32
    %dma_start3A_31 = arith.constant 0 : i32
    %dma_start3A_32 = tpu.memref_slice %arg4[%add3A, %dma_start3A_29, %dma_start3A_30, %dma_start3A_31] : memref<32x125x1x80xi32, #tpu.memory_space<hbm>> -> memref<1x1x1x80xi32, #tpu.memory_space<hbm>>
    %dma_start3A_33 = tpu.memref_squeeze %dma_start3A_32 : memref<1x1x1x80xi32, #tpu.memory_space<hbm>> -> memref<1x80xi32, #tpu.memory_space<hbm>>
    %dma_start3A_34 = arith.constant 0 : i32
    %dma_start3A_35 = arith.constant 0 : i32
    %dma_start3A_36 = tpu.memref_slice %arg4[%add3A, %dma_start3A_29, %dma_start3A_34, %dma_start3A_35] : memref<32x125x1x80xi32, #tpu.memory_space<hbm>> -> memref<1x1x1x80xi32, #tpu.memory_space<hbm>>
    %dma_start3A_37 = tpu.memref_squeeze %dma_start3A_36 : memref<1x1x1x80xi32, #tpu.memory_space<hbm>> -> memref<1x80xi32, #tpu.memory_space<hbm>>
    tpu.enqueue_dma source(%dma_start3A_37 : memref<1x80xi32, #tpu.memory_space<hbm>>) target(%arg9 : memref<1x80xi32, #tpu.memory_space<vmem>>) target_semaphore(%arg13 : memref<!tpu.dma_semaphore, #tpu.memory_space<semaphore_mem>>)
    %dma_start3A_38 = arith.constant 2 : i32
    %dma_start3A_39 = arith.constant 0 : i32
    %dma_start3A_40 = arith.constant 0 : i32
    %dma_start3A_41 = tpu.memref_slice %arg3[%add3A, %dma_start3A_38, %dma_start3A_39, %dma_start3A_40] : memref<32x125x1x80xi32, #tpu.memory_space<hbm>> -> memref<1x1x1x80xi32, #tpu.memory_space<hbm>>
    %dma_start3A_42 = tpu.memref_squeeze %dma_start3A_41 : memref<1x1x1x80xi32, #tpu.memory_space<hbm>> -> memref<1x80xi32, #tpu.memory_space<hbm>>
    %dma_start3A_43 = arith.constant 0 : i32
    %dma_start3A_44 = arith.constant 0 : i32
    %dma_start3A_45 = tpu.memref_slice %arg3[%add3A, %dma_start3A_38, %dma_start3A_43, %dma_start3A_44] : memref<32x125x1x80xi32, #tpu.memory_space<hbm>> -> memref<1x1x1x80xi32, #tpu.memory_space<hbm>>
    %dma_start3A_46 = tpu.memref_squeeze %dma_start3A_45 : memref<1x1x1x80xi32, #tpu.memory_space<hbm>> -> memref<1x80xi32, #tpu.memory_space<hbm>>
    tpu.enqueue_dma source(%dma_start3A_46 : memref<1x80xi32, #tpu.memory_space<hbm>>) target(%arg26 : memref<1x80xi32, #tpu.memory_space<vmem>>) target_semaphore(%arg30 : memref<!tpu.dma_semaphore, #tpu.memory_space<semaphore_mem>>)
    %dma_start3A_47 = arith.constant 2 : i32
    %dma_start3A_48 = arith.constant 0 : i32
    %dma_start3A_49 = arith.constant 0 : i32
    %dma_start3A_50 = tpu.memref_slice %arg4[%add3A, %dma_start3A_47, %dma_start3A_48, %dma_start3A_49] : memref<32x125x1x80xi32, #tpu.memory_space<hbm>> -> memref<1x1x1x80xi32, #tpu.memory_space<hbm>>
    %dma_start3A_51 = tpu.memref_squeeze %dma_start3A_50 : memref<1x1x1x80xi32, #tpu.memory_space<hbm>> -> memref<1x80xi32, #tpu.memory_space<hbm>>
    %dma_start3A_52 = arith.constant 0 : i32
    %dma_start3A_53 = arith.constant 0 : i32
    %dma_start3A_54 = tpu.memref_slice %arg4[%add3A, %dma_start3A_47, %dma_start3A_52, %dma_start3A_53] : memref<32x125x1x80xi32, #tpu.memory_space<hbm>> -> memref<1x1x1x80xi32, #tpu.memory_space<hbm>>
    %dma_start3A_55 = tpu.memref_squeeze %dma_start3A_54 : memref<1x1x1x80xi32, #tpu.memory_space<hbm>> -> memref<1x80xi32, #tpu.memory_space<hbm>>
    tpu.enqueue_dma source(%dma_start3A_55 : memref<1x80xi32, #tpu.memory_space<hbm>>) target(%arg10 : memref<1x80xi32, #tpu.memory_space<vmem>>) target_semaphore(%arg14 : memref<!tpu.dma_semaphore, #tpu.memory_space<semaphore_mem>>)
    %dma_start3A_56 = arith.constant 3 : i32
    %dma_start3A_57 = arith.constant 0 : i32
    %dma_start3A_58 = arith.constant 0 : i32
    %dma_start3A_59 = tpu.memref_slice %arg3[%add3A, %dma_start3A_56, %dma_start3A_57, %dma_start3A_58] : memref<32x125x1x80xi32, #tpu.memory_space<hbm>> -> memref<1x1x1x80xi32, #tpu.memory_space<hbm>>
    %dma_start3A_60 = tpu.memref_squeeze %dma_start3A_59 : memref<1x1x1x80xi32, #tpu.memory_space<hbm>> -> memref<1x80xi32, #tpu.memory_space<hbm>>
    %dma_start3A_61 = arith.constant 0 : i32
    %dma_start3A_62 = arith.constant 0 : i32
    %dma_start3A_63 = tpu.memref_slice %arg3[%add3A, %dma_start3A_56, %dma_start3A_61, %dma_start3A_62] : memref<32x125x1x80xi32, #tpu.memory_space<hbm>> -> memref<1x1x1x80xi32, #tpu.memory_space<hbm>>
    %dma_start3A_64 = tpu.memref_squeeze %dma_start3A_63 : memref<1x1x1x80xi32, #tpu.memory_space<hbm>> -> memref<1x80xi32, #tpu.memory_space<hbm>>
    tpu.enqueue_dma source(%dma_start3A_64 : memref<1x80xi32, #tpu.memory_space<hbm>>) target(%arg27 : memref<1x80xi32, #tpu.memory_space<vmem>>) target_semaphore(%arg31 : memref<!tpu.dma_semaphore, #tpu.memory_space<semaphore_mem>>)
    %dma_start3A_65 = arith.constant 3 : i32
    %dma_start3A_66 = arith.constant 0 : i32
    %dma_start3A_67 = arith.constant 0 : i32
    %dma_start3A_68 = tpu.memref_slice %arg4[%add3A, %dma_start3A_65, %dma_start3A_66, %dma_start3A_67] : memref<32x125x1x80xi32, #tpu.memory_space<hbm>> -> memref<1x1x1x80xi32, #tpu.memory_space<hbm>>
    %dma_start3A_69 = tpu.memref_squeeze %dma_start3A_68 : memref<1x1x1x80xi32, #tpu.memory_space<hbm>> -> memref<1x80xi32, #tpu.memory_space<hbm>>
    %dma_start3A_70 = arith.constant 0 : i32
    %dma_start3A_71 = arith.constant 0 : i32
    %dma_start3A_72 = tpu.memref_slice %arg4[%add3A, %dma_start3A_65, %dma_start3A_70, %dma_start3A_71] : memref<32x125x1x80xi32, #tpu.memory_space<hbm>> -> memref<1x1x1x80xi32, #tpu.memory_space<hbm>>
    %dma_start3A_73 = tpu.memref_squeeze %dma_start3A_72 : memref<1x1x1x80xi32, #tpu.memory_space<hbm>> -> memref<1x80xi32, #tpu.memory_space<hbm>>
    tpu.enqueue_dma source(%dma_start3A_73 : memref<1x80xi32, #tpu.memory_space<hbm>>) target(%arg11 : memref<1x80xi32, #tpu.memory_space<vmem>>) target_semaphore(%arg15 : memref<!tpu.dma_semaphore, #tpu.memory_space<semaphore_mem>>)
    %dma_wait3A = arith.constant 0 : i32
    %dma_wait3A_74 = arith.constant 0 : i32
    %dma_wait3A_75 = arith.constant 0 : i32
    %dma_wait3A_76 = tpu.memref_slice %arg3[%add3A, %dma_wait3A, %dma_wait3A_74, %dma_wait3A_75] : memref<32x125x1x80xi32, #tpu.memory_space<hbm>> -> memref<1x1x1x80xi32, #tpu.memory_space<hbm>>
    %dma_wait3A_77 = tpu.memref_squeeze %dma_wait3A_76 : memref<1x1x1x80xi32, #tpu.memory_space<hbm>> -> memref<1x80xi32, #tpu.memory_space<hbm>>
    %dma_wait3A_78 = arith.constant 0 : i32
    %dma_wait3A_79 = arith.constant 0 : i32
    %dma_wait3A_80 = tpu.memref_slice %arg3[%add3A, %dma_wait3A, %dma_wait3A_78, %dma_wait3A_79] : memref<32x125x1x80xi32, #tpu.memory_space<hbm>> -> memref<1x1x1x80xi32, #tpu.memory_space<hbm>>
    %dma_wait3A_81 = tpu.memref_squeeze %dma_wait3A_80 : memref<1x1x1x80xi32, #tpu.memory_space<hbm>> -> memref<1x80xi32, #tpu.memory_space<hbm>>
    tpu.wait_dma2 semaphore(%arg28 : memref<!tpu.dma_semaphore, #tpu.memory_space<semaphore_mem>>) src(%dma_wait3A_81 : memref<1x80xi32, #tpu.memory_space<hbm>>) dst(%arg24 : memref<1x80xi32, #tpu.memory_space<vmem>>)
    %dma_start3A_82 = arith.constant 0 : i32
    %dma_start3A_83 = arith.constant 0 : i32
    %dma_start3A_84 = tpu.memref_slice %arg24[%dma_start3A_82, %dma_start3A_83] : memref<1x80xi32, #tpu.memory_space<vmem>> -> memref<1x80xi32, #tpu.memory_space<vmem>>
    %dma_start3A_85 = tpu.memref_squeeze %dma_start3A_84 : memref<1x80xi32, #tpu.memory_space<vmem>> -> memref<80xi32, #tpu.memory_space<vmem>>
    %dma_start3A_86 = arith.constant 0 : i32
    %dma_start3A_87 = arith.constant 0 : i32
    %dma_start3A_88 = tpu.memref_slice %arg2[%dma_start3A_86, %dma_start3A_87] : memref<10000x128xf32, #tpu.memory_space<hbm>> -> memref<10000x128xf32, #tpu.memory_space<hbm>>
    tpu.enqueue_indirect_dma source(%dma_start3A_88 : memref<10000x128xf32, #tpu.memory_space<hbm>>) target(%arg20 : memref<80x128xf32, #tpu.memory_space<vmem>>) offsets(%dma_start3A_85 : memref<80xi32, #tpu.memory_space<vmem>>) semaphore(%arg16 : memref<!tpu.dma_semaphore, #tpu.memory_space<semaphore_mem>>)
    %dma_wait3A_89 = arith.constant 1 : i32
    %dma_wait3A_90 = arith.constant 0 : i32
    %dma_wait3A_91 = arith.constant 0 : i32
    %dma_wait3A_92 = tpu.memref_slice %arg3[%add3A, %dma_wait3A_89, %dma_wait3A_90, %dma_wait3A_91] : memref<32x125x1x80xi32, #tpu.memory_space<hbm>> -> memref<1x1x1x80xi32, #tpu.memory_space<hbm>>
    %dma_wait3A_93 = tpu.memref_squeeze %dma_wait3A_92 : memref<1x1x1x80xi32, #tpu.memory_space<hbm>> -> memref<1x80xi32, #tpu.memory_space<hbm>>
    %dma_wait3A_94 = arith.constant 0 : i32
    %dma_wait3A_95 = arith.constant 0 : i32
    %dma_wait3A_96 = tpu.memref_slice %arg3[%add3A, %dma_wait3A_89, %dma_wait3A_94, %dma_wait3A_95] : memref<32x125x1x80xi32, #tpu.memory_space<hbm>> -> memref<1x1x1x80xi32, #tpu.memory_space<hbm>>
    %dma_wait3A_97 = tpu.memref_squeeze %dma_wait3A_96 : memref<1x1x1x80xi32, #tpu.memory_space<hbm>> -> memref<1x80xi32, #tpu.memory_space<hbm>>
    tpu.wait_dma2 semaphore(%arg29 : memref<!tpu.dma_semaphore, #tpu.memory_space<semaphore_mem>>) src(%dma_wait3A_97 : memref<1x80xi32, #tpu.memory_space<hbm>>) dst(%arg25 : memref<1x80xi32, #tpu.memory_space<vmem>>)
    %dma_start3A_98 = arith.constant 0 : i32
    %dma_start3A_99 = arith.constant 0 : i32
    %dma_start3A_100 = tpu.memref_slice %arg25[%dma_start3A_98, %dma_start3A_99] : memref<1x80xi32, #tpu.memory_space<vmem>> -> memref<1x80xi32, #tpu.memory_space<vmem>>
    %dma_start3A_101 = tpu.memref_squeeze %dma_start3A_100 : memref<1x80xi32, #tpu.memory_space<vmem>> -> memref<80xi32, #tpu.memory_space<vmem>>
    %dma_start3A_102 = arith.constant 0 : i32
    %dma_start3A_103 = arith.constant 0 : i32
    %dma_start3A_104 = tpu.memref_slice %arg2[%dma_start3A_102, %dma_start3A_103] : memref<10000x128xf32, #tpu.memory_space<hbm>> -> memref<10000x128xf32, #tpu.memory_space<hbm>>
    tpu.enqueue_indirect_dma source(%dma_start3A_104 : memref<10000x128xf32, #tpu.memory_space<hbm>>) target(%arg21 : memref<80x128xf32, #tpu.memory_space<vmem>>) offsets(%dma_start3A_101 : memref<80xi32, #tpu.memory_space<vmem>>) semaphore(%arg17 : memref<!tpu.dma_semaphore, #tpu.memory_space<semaphore_mem>>)
    %dma_wait3A_105 = arith.constant 2 : i32
    %dma_wait3A_106 = arith.constant 0 : i32
    %dma_wait3A_107 = arith.constant 0 : i32
    %dma_wait3A_108 = tpu.memref_slice %arg3[%add3A, %dma_wait3A_105, %dma_wait3A_106, %dma_wait3A_107] : memref<32x125x1x80xi32, #tpu.memory_space<hbm>> -> memref<1x1x1x80xi32, #tpu.memory_space<hbm>>
    %dma_wait3A_109 = tpu.memref_squeeze %dma_wait3A_108 : memref<1x1x1x80xi32, #tpu.memory_space<hbm>> -> memref<1x80xi32, #tpu.memory_space<hbm>>
    %dma_wait3A_110 = arith.constant 0 : i32
    %dma_wait3A_111 = arith.constant 0 : i32
    %dma_wait3A_112 = tpu.memref_slice %arg3[%add3A, %dma_wait3A_105, %dma_wait3A_110, %dma_wait3A_111] : memref<32x125x1x80xi32, #tpu.memory_space<hbm>> -> memref<1x1x1x80xi32, #tpu.memory_space<hbm>>
    %dma_wait3A_113 = tpu.memref_squeeze %dma_wait3A_112 : memref<1x1x1x80xi32, #tpu.memory_space<hbm>> -> memref<1x80xi32, #tpu.memory_space<hbm>>
    tpu.wait_dma2 semaphore(%arg30 : memref<!tpu.dma_semaphore, #tpu.memory_space<semaphore_mem>>) src(%dma_wait3A_113 : memref<1x80xi32, #tpu.memory_space<hbm>>) dst(%arg26 : memref<1x80xi32, #tpu.memory_space<vmem>>)
    %dma_start3A_114 = arith.constant 0 : i32
    %dma_start3A_115 = arith.constant 0 : i32
    %dma_start3A_116 = tpu.memref_slice %arg26[%dma_start3A_114, %dma_start3A_115] : memref<1x80xi32, #tpu.memory_space<vmem>> -> memref<1x80xi32, #tpu.memory_space<vmem>>
    %dma_start3A_117 = tpu.memref_squeeze %dma_start3A_116 : memref<1x80xi32, #tpu.memory_space<vmem>> -> memref<80xi32, #tpu.memory_space<vmem>>
    %dma_start3A_118 = arith.constant 0 : i32
    %dma_start3A_119 = arith.constant 0 : i32
    %dma_start3A_120 = tpu.memref_slice %arg2[%dma_start3A_118, %dma_start3A_119] : memref<10000x128xf32, #tpu.memory_space<hbm>> -> memref<10000x128xf32, #tpu.memory_space<hbm>>
    tpu.enqueue_indirect_dma source(%dma_start3A_120 : memref<10000x128xf32, #tpu.memory_space<hbm>>) target(%arg22 : memref<80x128xf32, #tpu.memory_space<vmem>>) offsets(%dma_start3A_117 : memref<80xi32, #tpu.memory_space<vmem>>) semaphore(%arg18 : memref<!tpu.dma_semaphore, #tpu.memory_space<semaphore_mem>>)
    %dma_wait3A_121 = arith.constant 3 : i32
    %dma_wait3A_122 = arith.constant 0 : i32
    %dma_wait3A_123 = arith.constant 0 : i32
    %dma_wait3A_124 = tpu.memref_slice %arg3[%add3A, %dma_wait3A_121, %dma_wait3A_122, %dma_wait3A_123] : memref<32x125x1x80xi32, #tpu.memory_space<hbm>> -> memref<1x1x1x80xi32, #tpu.memory_space<hbm>>
    %dma_wait3A_125 = tpu.memref_squeeze %dma_wait3A_124 : memref<1x1x1x80xi32, #tpu.memory_space<hbm>> -> memref<1x80xi32, #tpu.memory_space<hbm>>
    %dma_wait3A_126 = arith.constant 0 : i32
    %dma_wait3A_127 = arith.constant 0 : i32
    %dma_wait3A_128 = tpu.memref_slice %arg3[%add3A, %dma_wait3A_121, %dma_wait3A_126, %dma_wait3A_127] : memref<32x125x1x80xi32, #tpu.memory_space<hbm>> -> memref<1x1x1x80xi32, #tpu.memory_space<hbm>>
    %dma_wait3A_129 = tpu.memref_squeeze %dma_wait3A_128 : memref<1x1x1x80xi32, #tpu.memory_space<hbm>> -> memref<1x80xi32, #tpu.memory_space<hbm>>
    tpu.wait_dma2 semaphore(%arg31 : memref<!tpu.dma_semaphore, #tpu.memory_space<semaphore_mem>>) src(%dma_wait3A_129 : memref<1x80xi32, #tpu.memory_space<hbm>>) dst(%arg27 : memref<1x80xi32, #tpu.memory_space<vmem>>)
    %dma_start3A_130 = arith.constant 0 : i32
    %dma_start3A_131 = arith.constant 0 : i32
    %dma_start3A_132 = tpu.memref_slice %arg27[%dma_start3A_130, %dma_start3A_131] : memref<1x80xi32, #tpu.memory_space<vmem>> -> memref<1x80xi32, #tpu.memory_space<vmem>>
    %dma_start3A_133 = tpu.memref_squeeze %dma_start3A_132 : memref<1x80xi32, #tpu.memory_space<vmem>> -> memref<80xi32, #tpu.memory_space<vmem>>
    %dma_start3A_134 = arith.constant 0 : i32
    %dma_start3A_135 = arith.constant 0 : i32
    %dma_start3A_136 = tpu.memref_slice %arg2[%dma_start3A_134, %dma_start3A_135] : memref<10000x128xf32, #tpu.memory_space<hbm>> -> memref<10000x128xf32, #tpu.memory_space<hbm>>
    tpu.enqueue_indirect_dma source(%dma_start3A_136 : memref<10000x128xf32, #tpu.memory_space<hbm>>) target(%arg23 : memref<80x128xf32, #tpu.memory_space<vmem>>) offsets(%dma_start3A_133 : memref<80xi32, #tpu.memory_space<vmem>>) semaphore(%arg19 : memref<!tpu.dma_semaphore, #tpu.memory_space<semaphore_mem>>)
    %scan3A = arith.constant 0 : i32
    %scan3A_137 = arith.constant 0 : i32
    %scan3A_138 = arith.constant 30 : i32
    %scan3A_139 = arith.addi %scan3A_137, %scan3A_138 : i32
    %scan3A_140 = arith.constant 1 : i32
    scf.for %scan3A_327 = %scan3A_137 to %scan3A_139 step %scan3A_140  : i32 {
      %mul3A_328 = arith.constant 4 : i32
      %mul3A_329 = arith.muli %mul3A_328, %scan3A_327 : i32
      %dma_wait3A_330 = arith.constant 0 : i32
      %dma_wait3A_331 = arith.constant 0 : i32
      %dma_wait3A_332 = tpu.memref_slice %arg24[%dma_wait3A_330, %dma_wait3A_331] : memref<1x80xi32, #tpu.memory_space<vmem>> -> memref<1x80xi32, #tpu.memory_space<vmem>>
      %dma_wait3A_333 = tpu.memref_squeeze %dma_wait3A_332 : memref<1x80xi32, #tpu.memory_space<vmem>> -> memref<80xi32, #tpu.memory_space<vmem>>
      %dma_wait3A_334 = arith.constant 0 : i32
      %dma_wait3A_335 = arith.constant 0 : i32
      %dma_wait3A_336 = tpu.memref_slice %arg2[%dma_wait3A_334, %dma_wait3A_335] : memref<10000x128xf32, #tpu.memory_space<hbm>> -> memref<10000x128xf32, #tpu.memory_space<hbm>>
      tpu.wait_indirect_dma semaphore(%arg16 : memref<!tpu.dma_semaphore, #tpu.memory_space<semaphore_mem>>) src(%dma_wait3A_336 : memref<10000x128xf32, #tpu.memory_space<hbm>>) dst(%arg20 : memref<80x128xf32, #tpu.memory_space<vmem>>)
      %add3A_337 = arith.constant 4 : i32
      %add3A_338 = arith.addi %mul3A_329, %add3A_337 : i32
      %add3A_339 = arith.constant 0 : i32
      %add3A_340 = arith.addi %add3A_338, %add3A_339 : i32
      %dma_start3A_341 = arith.constant 0 : i32
      %dma_start3A_342 = arith.constant 0 : i32
      %dma_start3A_343 = tpu.memref_slice %arg3[%add3A, %add3A_340, %dma_start3A_341, %dma_start3A_342] : memref<32x125x1x80xi32, #tpu.memory_space<hbm>> -> memref<1x1x1x80xi32, #tpu.memory_space<hbm>>
      %dma_start3A_344 = tpu.memref_squeeze %dma_start3A_343 : memref<1x1x1x80xi32, #tpu.memory_space<hbm>> -> memref<1x80xi32, #tpu.memory_space<hbm>>
      %dma_start3A_345 = arith.constant 0 : i32
      %dma_start3A_346 = arith.constant 0 : i32
      %dma_start3A_347 = tpu.memref_slice %arg3[%add3A, %add3A_340, %dma_start3A_345, %dma_start3A_346] : memref<32x125x1x80xi32, #tpu.memory_space<hbm>> -> memref<1x1x1x80xi32, #tpu.memory_space<hbm>>
      %dma_start3A_348 = tpu.memref_squeeze %dma_start3A_347 : memref<1x1x1x80xi32, #tpu.memory_space<hbm>> -> memref<1x80xi32, #tpu.memory_space<hbm>>
      tpu.enqueue_dma source(%dma_start3A_348 : memref<1x80xi32, #tpu.memory_space<hbm>>) target(%arg24 : memref<1x80xi32, #tpu.memory_space<vmem>>) target_semaphore(%arg28 : memref<!tpu.dma_semaphore, #tpu.memory_space<semaphore_mem>>)
      %add3A_349 = arith.constant 0 : i32
      %add3A_350 = arith.addi %mul3A_329, %add3A_349 : i32
      %dma_wait3A_351 = arith.constant 0 : i32
      %dma_wait3A_352 = arith.constant 0 : i32
      %dma_wait3A_353 = tpu.memref_slice %arg4[%add3A, %add3A_350, %dma_wait3A_351, %dma_wait3A_352] : memref<32x125x1x80xi32, #tpu.memory_space<hbm>> -> memref<1x1x1x80xi32, #tpu.memory_space<hbm>>
      %dma_wait3A_354 = tpu.memref_squeeze %dma_wait3A_353 : memref<1x1x1x80xi32, #tpu.memory_space<hbm>> -> memref<1x80xi32, #tpu.memory_space<hbm>>
      %dma_wait3A_355 = arith.constant 0 : i32
      %dma_wait3A_356 = arith.constant 0 : i32
      %dma_wait3A_357 = tpu.memref_slice %arg4[%add3A, %add3A_350, %dma_wait3A_355, %dma_wait3A_356] : memref<32x125x1x80xi32, #tpu.memory_space<hbm>> -> memref<1x1x1x80xi32, #tpu.memory_space<hbm>>
      %dma_wait3A_358 = tpu.memref_squeeze %dma_wait3A_357 : memref<1x1x1x80xi32, #tpu.memory_space<hbm>> -> memref<1x80xi32, #tpu.memory_space<hbm>>
      tpu.wait_dma2 semaphore(%arg12 : memref<!tpu.dma_semaphore, #tpu.memory_space<semaphore_mem>>) src(%dma_wait3A_358 : memref<1x80xi32, #tpu.memory_space<hbm>>) dst(%arg8 : memref<1x80xi32, #tpu.memory_space<vmem>>)
      %dma_start3A_359 = arith.constant 0 : i32
      %dma_start3A_360 = arith.constant 0 : i32
      %dma_start3A_361 = tpu.memref_slice %arg8[%dma_start3A_359, %dma_start3A_360] : memref<1x80xi32, #tpu.memory_space<vmem>> -> memref<1x80xi32, #tpu.memory_space<vmem>>
      %dma_start3A_362 = tpu.memref_squeeze %dma_start3A_361 : memref<1x80xi32, #tpu.memory_space<vmem>> -> memref<80xi32, #tpu.memory_space<vmem>>
      %dma_start3A_363 = arith.constant 0 : i32
      %dma_start3A_364 = arith.constant 0 : i32
      %dma_start3A_365 = tpu.memref_slice %arg7[%dma_start3A_363, %dma_start3A_364] : memref<10240x128xf32, #tpu.memory_space<vmem_shared>> -> memref<10240x128xf32, #tpu.memory_space<vmem_shared>>
      tpu.enqueue_indirect_dma source(%arg20 : memref<80x128xf32, #tpu.memory_space<vmem>>) target(%dma_start3A_365 : memref<10240x128xf32, #tpu.memory_space<vmem_shared>>) offsets(%dma_start3A_362 : memref<80xi32, #tpu.memory_space<vmem>>) semaphore(%arg32 : memref<!tpu.dma_semaphore, #tpu.memory_space<semaphore_mem>>) {add = true}
      %dma_wait3A_366 = arith.constant 0 : i32
      %dma_wait3A_367 = arith.constant 0 : i32
      %dma_wait3A_368 = tpu.memref_slice %arg25[%dma_wait3A_366, %dma_wait3A_367] : memref<1x80xi32, #tpu.memory_space<vmem>> -> memref<1x80xi32, #tpu.memory_space<vmem>>
      %dma_wait3A_369 = tpu.memref_squeeze %dma_wait3A_368 : memref<1x80xi32, #tpu.memory_space<vmem>> -> memref<80xi32, #tpu.memory_space<vmem>>
      %dma_wait3A_370 = arith.constant 0 : i32
      %dma_wait3A_371 = arith.constant 0 : i32
      %dma_wait3A_372 = tpu.memref_slice %arg2[%dma_wait3A_370, %dma_wait3A_371] : memref<10000x128xf32, #tpu.memory_space<hbm>> -> memref<10000x128xf32, #tpu.memory_space<hbm>>
      tpu.wait_indirect_dma semaphore(%arg17 : memref<!tpu.dma_semaphore, #tpu.memory_space<semaphore_mem>>) src(%dma_wait3A_372 : memref<10000x128xf32, #tpu.memory_space<hbm>>) dst(%arg21 : memref<80x128xf32, #tpu.memory_space<vmem>>)
      %add3A_373 = arith.constant 4 : i32
      %add3A_374 = arith.addi %mul3A_329, %add3A_373 : i32
      %add3A_375 = arith.constant 1 : i32
      %add3A_376 = arith.addi %add3A_374, %add3A_375 : i32
      %dma_start3A_377 = arith.constant 0 : i32
      %dma_start3A_378 = arith.constant 0 : i32
      %dma_start3A_379 = tpu.memref_slice %arg3[%add3A, %add3A_376, %dma_start3A_377, %dma_start3A_378] : memref<32x125x1x80xi32, #tpu.memory_space<hbm>> -> memref<1x1x1x80xi32, #tpu.memory_space<hbm>>
      %dma_start3A_380 = tpu.memref_squeeze %dma_start3A_379 : memref<1x1x1x80xi32, #tpu.memory_space<hbm>> -> memref<1x80xi32, #tpu.memory_space<hbm>>
      %dma_start3A_381 = arith.constant 0 : i32
      %dma_start3A_382 = arith.constant 0 : i32
      %dma_start3A_383 = tpu.memref_slice %arg3[%add3A, %add3A_376, %dma_start3A_381, %dma_start3A_382] : memref<32x125x1x80xi32, #tpu.memory_space<hbm>> -> memref<1x1x1x80xi32, #tpu.memory_space<hbm>>
      %dma_start3A_384 = tpu.memref_squeeze %dma_start3A_383 : memref<1x1x1x80xi32, #tpu.memory_space<hbm>> -> memref<1x80xi32, #tpu.memory_space<hbm>>
      tpu.enqueue_dma source(%dma_start3A_384 : memref<1x80xi32, #tpu.memory_space<hbm>>) target(%arg25 : memref<1x80xi32, #tpu.memory_space<vmem>>) target_semaphore(%arg29 : memref<!tpu.dma_semaphore, #tpu.memory_space<semaphore_mem>>)
      %add3A_385 = arith.constant 1 : i32
      %add3A_386 = arith.addi %mul3A_329, %add3A_385 : i32
      %dma_wait3A_387 = arith.constant 0 : i32
      %dma_wait3A_388 = arith.constant 0 : i32
      %dma_wait3A_389 = tpu.memref_slice %arg4[%add3A, %add3A_386, %dma_wait3A_387, %dma_wait3A_388] : memref<32x125x1x80xi32, #tpu.memory_space<hbm>> -> memref<1x1x1x80xi32, #tpu.memory_space<hbm>>
      %dma_wait3A_390 = tpu.memref_squeeze %dma_wait3A_389 : memref<1x1x1x80xi32, #tpu.memory_space<hbm>> -> memref<1x80xi32, #tpu.memory_space<hbm>>
      %dma_wait3A_391 = arith.constant 0 : i32
      %dma_wait3A_392 = arith.constant 0 : i32
      %dma_wait3A_393 = tpu.memref_slice %arg4[%add3A, %add3A_386, %dma_wait3A_391, %dma_wait3A_392] : memref<32x125x1x80xi32, #tpu.memory_space<hbm>> -> memref<1x1x1x80xi32, #tpu.memory_space<hbm>>
      %dma_wait3A_394 = tpu.memref_squeeze %dma_wait3A_393 : memref<1x1x1x80xi32, #tpu.memory_space<hbm>> -> memref<1x80xi32, #tpu.memory_space<hbm>>
      tpu.wait_dma2 semaphore(%arg13 : memref<!tpu.dma_semaphore, #tpu.memory_space<semaphore_mem>>) src(%dma_wait3A_394 : memref<1x80xi32, #tpu.memory_space<hbm>>) dst(%arg9 : memref<1x80xi32, #tpu.memory_space<vmem>>)
      %dma_start3A_395 = arith.constant 0 : i32
      %dma_start3A_396 = arith.constant 0 : i32
      %dma_start3A_397 = tpu.memref_slice %arg9[%dma_start3A_395, %dma_start3A_396] : memref<1x80xi32, #tpu.memory_space<vmem>> -> memref<1x80xi32, #tpu.memory_space<vmem>>
      %dma_start3A_398 = tpu.memref_squeeze %dma_start3A_397 : memref<1x80xi32, #tpu.memory_space<vmem>> -> memref<80xi32, #tpu.memory_space<vmem>>
      %dma_start3A_399 = arith.constant 0 : i32
      %dma_start3A_400 = arith.constant 0 : i32
      %dma_start3A_401 = tpu.memref_slice %arg7[%dma_start3A_399, %dma_start3A_400] : memref<10240x128xf32, #tpu.memory_space<vmem_shared>> -> memref<10240x128xf32, #tpu.memory_space<vmem_shared>>
      tpu.enqueue_indirect_dma source(%arg21 : memref<80x128xf32, #tpu.memory_space<vmem>>) target(%dma_start3A_401 : memref<10240x128xf32, #tpu.memory_space<vmem_shared>>) offsets(%dma_start3A_398 : memref<80xi32, #tpu.memory_space<vmem>>) semaphore(%arg33 : memref<!tpu.dma_semaphore, #tpu.memory_space<semaphore_mem>>) {add = true}
      %dma_wait3A_402 = arith.constant 0 : i32
      %dma_wait3A_403 = arith.constant 0 : i32
      %dma_wait3A_404 = tpu.memref_slice %arg26[%dma_wait3A_402, %dma_wait3A_403] : memref<1x80xi32, #tpu.memory_space<vmem>> -> memref<1x80xi32, #tpu.memory_space<vmem>>
      %dma_wait3A_405 = tpu.memref_squeeze %dma_wait3A_404 : memref<1x80xi32, #tpu.memory_space<vmem>> -> memref<80xi32, #tpu.memory_space<vmem>>
      %dma_wait3A_406 = arith.constant 0 : i32
      %dma_wait3A_407 = arith.constant 0 : i32
      %dma_wait3A_408 = tpu.memref_slice %arg2[%dma_wait3A_406, %dma_wait3A_407] : memref<10000x128xf32, #tpu.memory_space<hbm>> -> memref<10000x128xf32, #tpu.memory_space<hbm>>
      tpu.wait_indirect_dma semaphore(%arg18 : memref<!tpu.dma_semaphore, #tpu.memory_space<semaphore_mem>>) src(%dma_wait3A_408 : memref<10000x128xf32, #tpu.memory_space<hbm>>) dst(%arg22 : memref<80x128xf32, #tpu.memory_space<vmem>>)
      %add3A_409 = arith.constant 4 : i32
      %add3A_410 = arith.addi %mul3A_329, %add3A_409 : i32
      %add3A_411 = arith.constant 2 : i32
      %add3A_412 = arith.addi %add3A_410, %add3A_411 : i32
      %dma_start3A_413 = arith.constant 0 : i32
      %dma_start3A_414 = arith.constant 0 : i32
      %dma_start3A_415 = tpu.memref_slice %arg3[%add3A, %add3A_412, %dma_start3A_413, %dma_start3A_414] : memref<32x125x1x80xi32, #tpu.memory_space<hbm>> -> memref<1x1x1x80xi32, #tpu.memory_space<hbm>>
      %dma_start3A_416 = tpu.memref_squeeze %dma_start3A_415 : memref<1x1x1x80xi32, #tpu.memory_space<hbm>> -> memref<1x80xi32, #tpu.memory_space<hbm>>
      %dma_start3A_417 = arith.constant 0 : i32
      %dma_start3A_418 = arith.constant 0 : i32
      %dma_start3A_419 = tpu.memref_slice %arg3[%add3A, %add3A_412, %dma_start3A_417, %dma_start3A_418] : memref<32x125x1x80xi32, #tpu.memory_space<hbm>> -> memref<1x1x1x80xi32, #tpu.memory_space<hbm>>
      %dma_start3A_420 = tpu.memref_squeeze %dma_start3A_419 : memref<1x1x1x80xi32, #tpu.memory_space<hbm>> -> memref<1x80xi32, #tpu.memory_space<hbm>>
      tpu.enqueue_dma source(%dma_start3A_420 : memref<1x80xi32, #tpu.memory_space<hbm>>) target(%arg26 : memref<1x80xi32, #tpu.memory_space<vmem>>) target_semaphore(%arg30 : memref<!tpu.dma_semaphore, #tpu.memory_space<semaphore_mem>>)
      %add3A_421 = arith.constant 2 : i32
      %add3A_422 = arith.addi %mul3A_329, %add3A_421 : i32
      %dma_wait3A_423 = arith.constant 0 : i32
      %dma_wait3A_424 = arith.constant 0 : i32
      %dma_wait3A_425 = tpu.memref_slice %arg4[%add3A, %add3A_422, %dma_wait3A_423, %dma_wait3A_424] : memref<32x125x1x80xi32, #tpu.memory_space<hbm>> -> memref<1x1x1x80xi32, #tpu.memory_space<hbm>>
      %dma_wait3A_426 = tpu.memref_squeeze %dma_wait3A_425 : memref<1x1x1x80xi32, #tpu.memory_space<hbm>> -> memref<1x80xi32, #tpu.memory_space<hbm>>
      %dma_wait3A_427 = arith.constant 0 : i32
      %dma_wait3A_428 = arith.constant 0 : i32
      %dma_wait3A_429 = tpu.memref_slice %arg4[%add3A, %add3A_422, %dma_wait3A_427, %dma_wait3A_428] : memref<32x125x1x80xi32, #tpu.memory_space<hbm>> -> memref<1x1x1x80xi32, #tpu.memory_space<hbm>>
      %dma_wait3A_430 = tpu.memref_squeeze %dma_wait3A_429 : memref<1x1x1x80xi32, #tpu.memory_space<hbm>> -> memref<1x80xi32, #tpu.memory_space<hbm>>
      tpu.wait_dma2 semaphore(%arg14 : memref<!tpu.dma_semaphore, #tpu.memory_space<semaphore_mem>>) src(%dma_wait3A_430 : memref<1x80xi32, #tpu.memory_space<hbm>>) dst(%arg10 : memref<1x80xi32, #tpu.memory_space<vmem>>)
      %dma_start3A_431 = arith.constant 0 : i32
      %dma_start3A_432 = arith.constant 0 : i32
      %dma_start3A_433 = tpu.memref_slice %arg10[%dma_start3A_431, %dma_start3A_432] : memref<1x80xi32, #tpu.memory_space<vmem>> -> memref<1x80xi32, #tpu.memory_space<vmem>>
      %dma_start3A_434 = tpu.memref_squeeze %dma_start3A_433 : memref<1x80xi32, #tpu.memory_space<vmem>> -> memref<80xi32, #tpu.memory_space<vmem>>
      %dma_start3A_435 = arith.constant 0 : i32
      %dma_start3A_436 = arith.constant 0 : i32
      %dma_start3A_437 = tpu.memref_slice %arg7[%dma_start3A_435, %dma_start3A_436] : memref<10240x128xf32, #tpu.memory_space<vmem_shared>> -> memref<10240x128xf32, #tpu.memory_space<vmem_shared>>
      tpu.enqueue_indirect_dma source(%arg22 : memref<80x128xf32, #tpu.memory_space<vmem>>) target(%dma_start3A_437 : memref<10240x128xf32, #tpu.memory_space<vmem_shared>>) offsets(%dma_start3A_434 : memref<80xi32, #tpu.memory_space<vmem>>) semaphore(%arg34 : memref<!tpu.dma_semaphore, #tpu.memory_space<semaphore_mem>>) {add = true}
      %dma_wait3A_438 = arith.constant 0 : i32
      %dma_wait3A_439 = arith.constant 0 : i32
      %dma_wait3A_440 = tpu.memref_slice %arg27[%dma_wait3A_438, %dma_wait3A_439] : memref<1x80xi32, #tpu.memory_space<vmem>> -> memref<1x80xi32, #tpu.memory_space<vmem>>
      %dma_wait3A_441 = tpu.memref_squeeze %dma_wait3A_440 : memref<1x80xi32, #tpu.memory_space<vmem>> -> memref<80xi32, #tpu.memory_space<vmem>>
      %dma_wait3A_442 = arith.constant 0 : i32
      %dma_wait3A_443 = arith.constant 0 : i32
      %dma_wait3A_444 = tpu.memref_slice %arg2[%dma_wait3A_442, %dma_wait3A_443] : memref<10000x128xf32, #tpu.memory_space<hbm>> -> memref<10000x128xf32, #tpu.memory_space<hbm>>
      tpu.wait_indirect_dma semaphore(%arg19 : memref<!tpu.dma_semaphore, #tpu.memory_space<semaphore_mem>>) src(%dma_wait3A_444 : memref<10000x128xf32, #tpu.memory_space<hbm>>) dst(%arg23 : memref<80x128xf32, #tpu.memory_space<vmem>>)
      %add3A_445 = arith.constant 4 : i32
      %add3A_446 = arith.addi %mul3A_329, %add3A_445 : i32
      %add3A_447 = arith.constant 3 : i32
      %add3A_448 = arith.addi %add3A_446, %add3A_447 : i32
      %dma_start3A_449 = arith.constant 0 : i32
      %dma_start3A_450 = arith.constant 0 : i32
      %dma_start3A_451 = tpu.memref_slice %arg3[%add3A, %add3A_448, %dma_start3A_449, %dma_start3A_450] : memref<32x125x1x80xi32, #tpu.memory_space<hbm>> -> memref<1x1x1x80xi32, #tpu.memory_space<hbm>>
      %dma_start3A_452 = tpu.memref_squeeze %dma_start3A_451 : memref<1x1x1x80xi32, #tpu.memory_space<hbm>> -> memref<1x80xi32, #tpu.memory_space<hbm>>
      %dma_start3A_453 = arith.constant 0 : i32
      %dma_start3A_454 = arith.constant 0 : i32
      %dma_start3A_455 = tpu.memref_slice %arg3[%add3A, %add3A_448, %dma_start3A_453, %dma_start3A_454] : memref<32x125x1x80xi32, #tpu.memory_space<hbm>> -> memref<1x1x1x80xi32, #tpu.memory_space<hbm>>
      %dma_start3A_456 = tpu.memref_squeeze %dma_start3A_455 : memref<1x1x1x80xi32, #tpu.memory_space<hbm>> -> memref<1x80xi32, #tpu.memory_space<hbm>>
      tpu.enqueue_dma source(%dma_start3A_456 : memref<1x80xi32, #tpu.memory_space<hbm>>) target(%arg27 : memref<1x80xi32, #tpu.memory_space<vmem>>) target_semaphore(%arg31 : memref<!tpu.dma_semaphore, #tpu.memory_space<semaphore_mem>>)
      %add3A_457 = arith.constant 3 : i32
      %add3A_458 = arith.addi %mul3A_329, %add3A_457 : i32
      %dma_wait3A_459 = arith.constant 0 : i32
      %dma_wait3A_460 = arith.constant 0 : i32
      %dma_wait3A_461 = tpu.memref_slice %arg4[%add3A, %add3A_458, %dma_wait3A_459, %dma_wait3A_460] : memref<32x125x1x80xi32, #tpu.memory_space<hbm>> -> memref<1x1x1x80xi32, #tpu.memory_space<hbm>>
      %dma_wait3A_462 = tpu.memref_squeeze %dma_wait3A_461 : memref<1x1x1x80xi32, #tpu.memory_space<hbm>> -> memref<1x80xi32, #tpu.memory_space<hbm>>
      %dma_wait3A_463 = arith.constant 0 : i32
      %dma_wait3A_464 = arith.constant 0 : i32
      %dma_wait3A_465 = tpu.memref_slice %arg4[%add3A, %add3A_458, %dma_wait3A_463, %dma_wait3A_464] : memref<32x125x1x80xi32, #tpu.memory_space<hbm>> -> memref<1x1x1x80xi32, #tpu.memory_space<hbm>>
      %dma_wait3A_466 = tpu.memref_squeeze %dma_wait3A_465 : memref<1x1x1x80xi32, #tpu.memory_space<hbm>> -> memref<1x80xi32, #tpu.memory_space<hbm>>
      tpu.wait_dma2 semaphore(%arg15 : memref<!tpu.dma_semaphore, #tpu.memory_space<semaphore_mem>>) src(%dma_wait3A_466 : memref<1x80xi32, #tpu.memory_space<hbm>>) dst(%arg11 : memref<1x80xi32, #tpu.memory_space<vmem>>)
      %dma_start3A_467 = arith.constant 0 : i32
      %dma_start3A_468 = arith.constant 0 : i32
      %dma_start3A_469 = tpu.memref_slice %arg11[%dma_start3A_467, %dma_start3A_468] : memref<1x80xi32, #tpu.memory_space<vmem>> -> memref<1x80xi32, #tpu.memory_space<vmem>>
      %dma_start3A_470 = tpu.memref_squeeze %dma_start3A_469 : memref<1x80xi32, #tpu.memory_space<vmem>> -> memref<80xi32, #tpu.memory_space<vmem>>
      %dma_start3A_471 = arith.constant 0 : i32
      %dma_start3A_472 = arith.constant 0 : i32
      %dma_start3A_473 = tpu.memref_slice %arg7[%dma_start3A_471, %dma_start3A_472] : memref<10240x128xf32, #tpu.memory_space<vmem_shared>> -> memref<10240x128xf32, #tpu.memory_space<vmem_shared>>
      tpu.enqueue_indirect_dma source(%arg23 : memref<80x128xf32, #tpu.memory_space<vmem>>) target(%dma_start3A_473 : memref<10240x128xf32, #tpu.memory_space<vmem_shared>>) offsets(%dma_start3A_470 : memref<80xi32, #tpu.memory_space<vmem>>) semaphore(%arg35 : memref<!tpu.dma_semaphore, #tpu.memory_space<semaphore_mem>>) {add = true}
      %dma_wait3A_474 = arith.constant 0 : i32
      %dma_wait3A_475 = arith.constant 0 : i32
      %dma_wait3A_476 = tpu.memref_slice %arg8[%dma_wait3A_474, %dma_wait3A_475] : memref<1x80xi32, #tpu.memory_space<vmem>> -> memref<1x80xi32, #tpu.memory_space<vmem>>
      %dma_wait3A_477 = tpu.memref_squeeze %dma_wait3A_476 : memref<1x80xi32, #tpu.memory_space<vmem>> -> memref<80xi32, #tpu.memory_space<vmem>>
      %dma_wait3A_478 = arith.constant 0 : i32
      %dma_wait3A_479 = arith.constant 0 : i32
      %dma_wait3A_480 = tpu.memref_slice %arg7[%dma_wait3A_478, %dma_wait3A_479] : memref<10240x128xf32, #tpu.memory_space<vmem_shared>> -> memref<10240x128xf32, #tpu.memory_space<vmem_shared>>
      tpu.wait_indirect_dma semaphore(%arg32 : memref<!tpu.dma_semaphore, #tpu.memory_space<semaphore_mem>>) src(%arg20 : memref<80x128xf32, #tpu.memory_space<vmem>>) dst(%dma_wait3A_480 : memref<10240x128xf32, #tpu.memory_space<vmem_shared>>)
      %add3A_481 = arith.constant 4 : i32
      %add3A_482 = arith.addi %mul3A_329, %add3A_481 : i32
      %add3A_483 = arith.constant 0 : i32
      %add3A_484 = arith.addi %add3A_482, %add3A_483 : i32
      %dma_start3A_485 = arith.constant 0 : i32
      %dma_start3A_486 = arith.constant 0 : i32
      %dma_start3A_487 = tpu.memref_slice %arg4[%add3A, %add3A_484, %dma_start3A_485, %dma_start3A_486] : memref<32x125x1x80xi32, #tpu.memory_space<hbm>> -> memref<1x1x1x80xi32, #tpu.memory_space<hbm>>
      %dma_start3A_488 = tpu.memref_squeeze %dma_start3A_487 : memref<1x1x1x80xi32, #tpu.memory_space<hbm>> -> memref<1x80xi32, #tpu.memory_space<hbm>>
      %dma_start3A_489 = arith.constant 0 : i32
      %dma_start3A_490 = arith.constant 0 : i32
      %dma_start3A_491 = tpu.memref_slice %arg4[%add3A, %add3A_484, %dma_start3A_489, %dma_start3A_490] : memref<32x125x1x80xi32, #tpu.memory_space<hbm>> -> memref<1x1x1x80xi32, #tpu.memory_space<hbm>>
      %dma_start3A_492 = tpu.memref_squeeze %dma_start3A_491 : memref<1x1x1x80xi32, #tpu.memory_space<hbm>> -> memref<1x80xi32, #tpu.memory_space<hbm>>
      tpu.enqueue_dma source(%dma_start3A_492 : memref<1x80xi32, #tpu.memory_space<hbm>>) target(%arg8 : memref<1x80xi32, #tpu.memory_space<vmem>>) target_semaphore(%arg12 : memref<!tpu.dma_semaphore, #tpu.memory_space<semaphore_mem>>)
      %add3A_493 = arith.constant 4 : i32
      %add3A_494 = arith.addi %mul3A_329, %add3A_493 : i32
      %add3A_495 = arith.constant 0 : i32
      %add3A_496 = arith.addi %add3A_494, %add3A_495 : i32
      %dma_wait3A_497 = arith.constant 0 : i32
      %dma_wait3A_498 = arith.constant 0 : i32
      %dma_wait3A_499 = tpu.memref_slice %arg3[%add3A, %add3A_496, %dma_wait3A_497, %dma_wait3A_498] : memref<32x125x1x80xi32, #tpu.memory_space<hbm>> -> memref<1x1x1x80xi32, #tpu.memory_space<hbm>>
      %dma_wait3A_500 = tpu.memref_squeeze %dma_wait3A_499 : memref<1x1x1x80xi32, #tpu.memory_space<hbm>> -> memref<1x80xi32, #tpu.memory_space<hbm>>
      %dma_wait3A_501 = arith.constant 0 : i32
      %dma_wait3A_502 = arith.constant 0 : i32
      %dma_wait3A_503 = tpu.memref_slice %arg3[%add3A, %add3A_496, %dma_wait3A_501, %dma_wait3A_502] : memref<32x125x1x80xi32, #tpu.memory_space<hbm>> -> memref<1x1x1x80xi32, #tpu.memory_space<hbm>>
      %dma_wait3A_504 = tpu.memref_squeeze %dma_wait3A_503 : memref<1x1x1x80xi32, #tpu.memory_space<hbm>> -> memref<1x80xi32, #tpu.memory_space<hbm>>
      tpu.wait_dma2 semaphore(%arg28 : memref<!tpu.dma_semaphore, #tpu.memory_space<semaphore_mem>>) src(%dma_wait3A_504 : memref<1x80xi32, #tpu.memory_space<hbm>>) dst(%arg24 : memref<1x80xi32, #tpu.memory_space<vmem>>)
      %dma_start3A_505 = arith.constant 0 : i32
      %dma_start3A_506 = arith.constant 0 : i32
      %dma_start3A_507 = tpu.memref_slice %arg24[%dma_start3A_505, %dma_start3A_506] : memref<1x80xi32, #tpu.memory_space<vmem>> -> memref<1x80xi32, #tpu.memory_space<vmem>>
      %dma_start3A_508 = tpu.memref_squeeze %dma_start3A_507 : memref<1x80xi32, #tpu.memory_space<vmem>> -> memref<80xi32, #tpu.memory_space<vmem>>
      %dma_start3A_509 = arith.constant 0 : i32
      %dma_start3A_510 = arith.constant 0 : i32
      %dma_start3A_511 = tpu.memref_slice %arg2[%dma_start3A_509, %dma_start3A_510] : memref<10000x128xf32, #tpu.memory_space<hbm>> -> memref<10000x128xf32, #tpu.memory_space<hbm>>
      tpu.enqueue_indirect_dma source(%dma_start3A_511 : memref<10000x128xf32, #tpu.memory_space<hbm>>) target(%arg20 : memref<80x128xf32, #tpu.memory_space<vmem>>) offsets(%dma_start3A_508 : memref<80xi32, #tpu.memory_space<vmem>>) semaphore(%arg16 : memref<!tpu.dma_semaphore, #tpu.memory_space<semaphore_mem>>)
      %dma_wait3A_512 = arith.constant 0 : i32
      %dma_wait3A_513 = arith.constant 0 : i32
      %dma_wait3A_514 = tpu.memref_slice %arg9[%dma_wait3A_512, %dma_wait3A_513] : memref<1x80xi32, #tpu.memory_space<vmem>> -> memref<1x80xi32, #tpu.memory_space<vmem>>
      %dma_wait3A_515 = tpu.memref_squeeze %dma_wait3A_514 : memref<1x80xi32, #tpu.memory_space<vmem>> -> memref<80xi32, #tpu.memory_space<vmem>>
      %dma_wait3A_516 = arith.constant 0 : i32
      %dma_wait3A_517 = arith.constant 0 : i32
      %dma_wait3A_518 = tpu.memref_slice %arg7[%dma_wait3A_516, %dma_wait3A_517] : memref<10240x128xf32, #tpu.memory_space<vmem_shared>> -> memref<10240x128xf32, #tpu.memory_space<vmem_shared>>
      tpu.wait_indirect_dma semaphore(%arg33 : memref<!tpu.dma_semaphore, #tpu.memory_space<semaphore_mem>>) src(%arg21 : memref<80x128xf32, #tpu.memory_space<vmem>>) dst(%dma_wait3A_518 : memref<10240x128xf32, #tpu.memory_space<vmem_shared>>)
      %add3A_519 = arith.constant 4 : i32
      %add3A_520 = arith.addi %mul3A_329, %add3A_519 : i32
      %add3A_521 = arith.constant 1 : i32
      %add3A_522 = arith.addi %add3A_520, %add3A_521 : i32
      %dma_start3A_523 = arith.constant 0 : i32
      %dma_start3A_524 = arith.constant 0 : i32
      %dma_start3A_525 = tpu.memref_slice %arg4[%add3A, %add3A_522, %dma_start3A_523, %dma_start3A_524] : memref<32x125x1x80xi32, #tpu.memory_space<hbm>> -> memref<1x1x1x80xi32, #tpu.memory_space<hbm>>
      %dma_start3A_526 = tpu.memref_squeeze %dma_start3A_525 : memref<1x1x1x80xi32, #tpu.memory_space<hbm>> -> memref<1x80xi32, #tpu.memory_space<hbm>>
      %dma_start3A_527 = arith.constant 0 : i32
      %dma_start3A_528 = arith.constant 0 : i32
      %dma_start3A_529 = tpu.memref_slice %arg4[%add3A, %add3A_522, %dma_start3A_527, %dma_start3A_528] : memref<32x125x1x80xi32, #tpu.memory_space<hbm>> -> memref<1x1x1x80xi32, #tpu.memory_space<hbm>>
      %dma_start3A_530 = tpu.memref_squeeze %dma_start3A_529 : memref<1x1x1x80xi32, #tpu.memory_space<hbm>> -> memref<1x80xi32, #tpu.memory_space<hbm>>
      tpu.enqueue_dma source(%dma_start3A_530 : memref<1x80xi32, #tpu.memory_space<hbm>>) target(%arg9 : memref<1x80xi32, #tpu.memory_space<vmem>>) target_semaphore(%arg13 : memref<!tpu.dma_semaphore, #tpu.memory_space<semaphore_mem>>)
      %add3A_531 = arith.constant 4 : i32
      %add3A_532 = arith.addi %mul3A_329, %add3A_531 : i32
      %add3A_533 = arith.constant 1 : i32
      %add3A_534 = arith.addi %add3A_532, %add3A_533 : i32
      %dma_wait3A_535 = arith.constant 0 : i32
      %dma_wait3A_536 = arith.constant 0 : i32
      %dma_wait3A_537 = tpu.memref_slice %arg3[%add3A, %add3A_534, %dma_wait3A_535, %dma_wait3A_536] : memref<32x125x1x80xi32, #tpu.memory_space<hbm>> -> memref<1x1x1x80xi32, #tpu.memory_space<hbm>>
      %dma_wait3A_538 = tpu.memref_squeeze %dma_wait3A_537 : memref<1x1x1x80xi32, #tpu.memory_space<hbm>> -> memref<1x80xi32, #tpu.memory_space<hbm>>
      %dma_wait3A_539 = arith.constant 0 : i32
      %dma_wait3A_540 = arith.constant 0 : i32
      %dma_wait3A_541 = tpu.memref_slice %arg3[%add3A, %add3A_534, %dma_wait3A_539, %dma_wait3A_540] : memref<32x125x1x80xi32, #tpu.memory_space<hbm>> -> memref<1x1x1x80xi32, #tpu.memory_space<hbm>>
      %dma_wait3A_542 = tpu.memref_squeeze %dma_wait3A_541 : memref<1x1x1x80xi32, #tpu.memory_space<hbm>> -> memref<1x80xi32, #tpu.memory_space<hbm>>
      tpu.wait_dma2 semaphore(%arg29 : memref<!tpu.dma_semaphore, #tpu.memory_space<semaphore_mem>>) src(%dma_wait3A_542 : memref<1x80xi32, #tpu.memory_space<hbm>>) dst(%arg25 : memref<1x80xi32, #tpu.memory_space<vmem>>)
      %dma_start3A_543 = arith.constant 0 : i32
      %dma_start3A_544 = arith.constant 0 : i32
      %dma_start3A_545 = tpu.memref_slice %arg25[%dma_start3A_543, %dma_start3A_544] : memref<1x80xi32, #tpu.memory_space<vmem>> -> memref<1x80xi32, #tpu.memory_space<vmem>>
      %dma_start3A_546 = tpu.memref_squeeze %dma_start3A_545 : memref<1x80xi32, #tpu.memory_space<vmem>> -> memref<80xi32, #tpu.memory_space<vmem>>
      %dma_start3A_547 = arith.constant 0 : i32
      %dma_start3A_548 = arith.constant 0 : i32
      %dma_start3A_549 = tpu.memref_slice %arg2[%dma_start3A_547, %dma_start3A_548] : memref<10000x128xf32, #tpu.memory_space<hbm>> -> memref<10000x128xf32, #tpu.memory_space<hbm>>
      tpu.enqueue_indirect_dma source(%dma_start3A_549 : memref<10000x128xf32, #tpu.memory_space<hbm>>) target(%arg21 : memref<80x128xf32, #tpu.memory_space<vmem>>) offsets(%dma_start3A_546 : memref<80xi32, #tpu.memory_space<vmem>>) semaphore(%arg17 : memref<!tpu.dma_semaphore, #tpu.memory_space<semaphore_mem>>)
      %dma_wait3A_550 = arith.constant 0 : i32
      %dma_wait3A_551 = arith.constant 0 : i32
      %dma_wait3A_552 = tpu.memref_slice %arg10[%dma_wait3A_550, %dma_wait3A_551] : memref<1x80xi32, #tpu.memory_space<vmem>> -> memref<1x80xi32, #tpu.memory_space<vmem>>
      %dma_wait3A_553 = tpu.memref_squeeze %dma_wait3A_552 : memref<1x80xi32, #tpu.memory_space<vmem>> -> memref<80xi32, #tpu.memory_space<vmem>>
      %dma_wait3A_554 = arith.constant 0 : i32
      %dma_wait3A_555 = arith.constant 0 : i32
      %dma_wait3A_556 = tpu.memref_slice %arg7[%dma_wait3A_554, %dma_wait3A_555] : memref<10240x128xf32, #tpu.memory_space<vmem_shared>> -> memref<10240x128xf32, #tpu.memory_space<vmem_shared>>
      tpu.wait_indirect_dma semaphore(%arg34 : memref<!tpu.dma_semaphore, #tpu.memory_space<semaphore_mem>>) src(%arg22 : memref<80x128xf32, #tpu.memory_space<vmem>>) dst(%dma_wait3A_556 : memref<10240x128xf32, #tpu.memory_space<vmem_shared>>)
      %add3A_557 = arith.constant 4 : i32
      %add3A_558 = arith.addi %mul3A_329, %add3A_557 : i32
      %add3A_559 = arith.constant 2 : i32
      %add3A_560 = arith.addi %add3A_558, %add3A_559 : i32
      %dma_start3A_561 = arith.constant 0 : i32
      %dma_start3A_562 = arith.constant 0 : i32
      %dma_start3A_563 = tpu.memref_slice %arg4[%add3A, %add3A_560, %dma_start3A_561, %dma_start3A_562] : memref<32x125x1x80xi32, #tpu.memory_space<hbm>> -> memref<1x1x1x80xi32, #tpu.memory_space<hbm>>
      %dma_start3A_564 = tpu.memref_squeeze %dma_start3A_563 : memref<1x1x1x80xi32, #tpu.memory_space<hbm>> -> memref<1x80xi32, #tpu.memory_space<hbm>>
      %dma_start3A_565 = arith.constant 0 : i32
      %dma_start3A_566 = arith.constant 0 : i32
      %dma_start3A_567 = tpu.memref_slice %arg4[%add3A, %add3A_560, %dma_start3A_565, %dma_start3A_566] : memref<32x125x1x80xi32, #tpu.memory_space<hbm>> -> memref<1x1x1x80xi32, #tpu.memory_space<hbm>>
      %dma_start3A_568 = tpu.memref_squeeze %dma_start3A_567 : memref<1x1x1x80xi32, #tpu.memory_space<hbm>> -> memref<1x80xi32, #tpu.memory_space<hbm>>
      tpu.enqueue_dma source(%dma_start3A_568 : memref<1x80xi32, #tpu.memory_space<hbm>>) target(%arg10 : memref<1x80xi32, #tpu.memory_space<vmem>>) target_semaphore(%arg14 : memref<!tpu.dma_semaphore, #tpu.memory_space<semaphore_mem>>)
      %add3A_569 = arith.constant 4 : i32
      %add3A_570 = arith.addi %mul3A_329, %add3A_569 : i32
      %add3A_571 = arith.constant 2 : i32
      %add3A_572 = arith.addi %add3A_570, %add3A_571 : i32
      %dma_wait3A_573 = arith.constant 0 : i32
      %dma_wait3A_574 = arith.constant 0 : i32
      %dma_wait3A_575 = tpu.memref_slice %arg3[%add3A, %add3A_572, %dma_wait3A_573, %dma_wait3A_574] : memref<32x125x1x80xi32, #tpu.memory_space<hbm>> -> memref<1x1x1x80xi32, #tpu.memory_space<hbm>>
      %dma_wait3A_576 = tpu.memref_squeeze %dma_wait3A_575 : memref<1x1x1x80xi32, #tpu.memory_space<hbm>> -> memref<1x80xi32, #tpu.memory_space<hbm>>
      %dma_wait3A_577 = arith.constant 0 : i32
      %dma_wait3A_578 = arith.constant 0 : i32
      %dma_wait3A_579 = tpu.memref_slice %arg3[%add3A, %add3A_572, %dma_wait3A_577, %dma_wait3A_578] : memref<32x125x1x80xi32, #tpu.memory_space<hbm>> -> memref<1x1x1x80xi32, #tpu.memory_space<hbm>>
      %dma_wait3A_580 = tpu.memref_squeeze %dma_wait3A_579 : memref<1x1x1x80xi32, #tpu.memory_space<hbm>> -> memref<1x80xi32, #tpu.memory_space<hbm>>
      tpu.wait_dma2 semaphore(%arg30 : memref<!tpu.dma_semaphore, #tpu.memory_space<semaphore_mem>>) src(%dma_wait3A_580 : memref<1x80xi32, #tpu.memory_space<hbm>>) dst(%arg26 : memref<1x80xi32, #tpu.memory_space<vmem>>)
      %dma_start3A_581 = arith.constant 0 : i32
      %dma_start3A_582 = arith.constant 0 : i32
      %dma_start3A_583 = tpu.memref_slice %arg26[%dma_start3A_581, %dma_start3A_582] : memref<1x80xi32, #tpu.memory_space<vmem>> -> memref<1x80xi32, #tpu.memory_space<vmem>>
      %dma_start3A_584 = tpu.memref_squeeze %dma_start3A_583 : memref<1x80xi32, #tpu.memory_space<vmem>> -> memref<80xi32, #tpu.memory_space<vmem>>
      %dma_start3A_585 = arith.constant 0 : i32
      %dma_start3A_586 = arith.constant 0 : i32
      %dma_start3A_587 = tpu.memref_slice %arg2[%dma_start3A_585, %dma_start3A_586] : memref<10000x128xf32, #tpu.memory_space<hbm>> -> memref<10000x128xf32, #tpu.memory_space<hbm>>
      tpu.enqueue_indirect_dma source(%dma_start3A_587 : memref<10000x128xf32, #tpu.memory_space<hbm>>) target(%arg22 : memref<80x128xf32, #tpu.memory_space<vmem>>) offsets(%dma_start3A_584 : memref<80xi32, #tpu.memory_space<vmem>>) semaphore(%arg18 : memref<!tpu.dma_semaphore, #tpu.memory_space<semaphore_mem>>)
      %dma_wait3A_588 = arith.constant 0 : i32
      %dma_wait3A_589 = arith.constant 0 : i32
      %dma_wait3A_590 = tpu.memref_slice %arg11[%dma_wait3A_588, %dma_wait3A_589] : memref<1x80xi32, #tpu.memory_space<vmem>> -> memref<1x80xi32, #tpu.memory_space<vmem>>
      %dma_wait3A_591 = tpu.memref_squeeze %dma_wait3A_590 : memref<1x80xi32, #tpu.memory_space<vmem>> -> memref<80xi32, #tpu.memory_space<vmem>>
      %dma_wait3A_592 = arith.constant 0 : i32
      %dma_wait3A_593 = arith.constant 0 : i32
      %dma_wait3A_594 = tpu.memref_slice %arg7[%dma_wait3A_592, %dma_wait3A_593] : memref<10240x128xf32, #tpu.memory_space<vmem_shared>> -> memref<10240x128xf32, #tpu.memory_space<vmem_shared>>
      tpu.wait_indirect_dma semaphore(%arg35 : memref<!tpu.dma_semaphore, #tpu.memory_space<semaphore_mem>>) src(%arg23 : memref<80x128xf32, #tpu.memory_space<vmem>>) dst(%dma_wait3A_594 : memref<10240x128xf32, #tpu.memory_space<vmem_shared>>)
      %add3A_595 = arith.constant 4 : i32
      %add3A_596 = arith.addi %mul3A_329, %add3A_595 : i32
      %add3A_597 = arith.constant 3 : i32
      %add3A_598 = arith.addi %add3A_596, %add3A_597 : i32
      %dma_start3A_599 = arith.constant 0 : i32
      %dma_start3A_600 = arith.constant 0 : i32
      %dma_start3A_601 = tpu.memref_slice %arg4[%add3A, %add3A_598, %dma_start3A_599, %dma_start3A_600] : memref<32x125x1x80xi32, #tpu.memory_space<hbm>> -> memref<1x1x1x80xi32, #tpu.memory_space<hbm>>
      %dma_start3A_602 = tpu.memref_squeeze %dma_start3A_601 : memref<1x1x1x80xi32, #tpu.memory_space<hbm>> -> memref<1x80xi32, #tpu.memory_space<hbm>>
      %dma_start3A_603 = arith.constant 0 : i32
      %dma_start3A_604 = arith.constant 0 : i32
      %dma_start3A_605 = tpu.memref_slice %arg4[%add3A, %add3A_598, %dma_start3A_603, %dma_start3A_604] : memref<32x125x1x80xi32, #tpu.memory_space<hbm>> -> memref<1x1x1x80xi32, #tpu.memory_space<hbm>>
      %dma_start3A_606 = tpu.memref_squeeze %dma_start3A_605 : memref<1x1x1x80xi32, #tpu.memory_space<hbm>> -> memref<1x80xi32, #tpu.memory_space<hbm>>
      tpu.enqueue_dma source(%dma_start3A_606 : memref<1x80xi32, #tpu.memory_space<hbm>>) target(%arg11 : memref<1x80xi32, #tpu.memory_space<vmem>>) target_semaphore(%arg15 : memref<!tpu.dma_semaphore, #tpu.memory_space<semaphore_mem>>)
      %add3A_607 = arith.constant 4 : i32
      %add3A_608 = arith.addi %mul3A_329, %add3A_607 : i32
      %add3A_609 = arith.constant 3 : i32
      %add3A_610 = arith.addi %add3A_608, %add3A_609 : i32
      %dma_wait3A_611 = arith.constant 0 : i32
      %dma_wait3A_612 = arith.constant 0 : i32
      %dma_wait3A_613 = tpu.memref_slice %arg3[%add3A, %add3A_610, %dma_wait3A_611, %dma_wait3A_612] : memref<32x125x1x80xi32, #tpu.memory_space<hbm>> -> memref<1x1x1x80xi32, #tpu.memory_space<hbm>>
      %dma_wait3A_614 = tpu.memref_squeeze %dma_wait3A_613 : memref<1x1x1x80xi32, #tpu.memory_space<hbm>> -> memref<1x80xi32, #tpu.memory_space<hbm>>
      %dma_wait3A_615 = arith.constant 0 : i32
      %dma_wait3A_616 = arith.constant 0 : i32
      %dma_wait3A_617 = tpu.memref_slice %arg3[%add3A, %add3A_610, %dma_wait3A_615, %dma_wait3A_616] : memref<32x125x1x80xi32, #tpu.memory_space<hbm>> -> memref<1x1x1x80xi32, #tpu.memory_space<hbm>>
      %dma_wait3A_618 = tpu.memref_squeeze %dma_wait3A_617 : memref<1x1x1x80xi32, #tpu.memory_space<hbm>> -> memref<1x80xi32, #tpu.memory_space<hbm>>
      tpu.wait_dma2 semaphore(%arg31 : memref<!tpu.dma_semaphore, #tpu.memory_space<semaphore_mem>>) src(%dma_wait3A_618 : memref<1x80xi32, #tpu.memory_space<hbm>>) dst(%arg27 : memref<1x80xi32, #tpu.memory_space<vmem>>)
      %dma_start3A_619 = arith.constant 0 : i32
      %dma_start3A_620 = arith.constant 0 : i32
      %dma_start3A_621 = tpu.memref_slice %arg27[%dma_start3A_619, %dma_start3A_620] : memref<1x80xi32, #tpu.memory_space<vmem>> -> memref<1x80xi32, #tpu.memory_space<vmem>>
      %dma_start3A_622 = tpu.memref_squeeze %dma_start3A_621 : memref<1x80xi32, #tpu.memory_space<vmem>> -> memref<80xi32, #tpu.memory_space<vmem>>
      %dma_start3A_623 = arith.constant 0 : i32
      %dma_start3A_624 = arith.constant 0 : i32
      %dma_start3A_625 = tpu.memref_slice %arg2[%dma_start3A_623, %dma_start3A_624] : memref<10000x128xf32, #tpu.memory_space<hbm>> -> memref<10000x128xf32, #tpu.memory_space<hbm>>
      tpu.enqueue_indirect_dma source(%dma_start3A_625 : memref<10000x128xf32, #tpu.memory_space<hbm>>) target(%arg23 : memref<80x128xf32, #tpu.memory_space<vmem>>) offsets(%dma_start3A_622 : memref<80xi32, #tpu.memory_space<vmem>>) semaphore(%arg19 : memref<!tpu.dma_semaphore, #tpu.memory_space<semaphore_mem>>)
    }
    %scan3A_141 = arith.constant 30 : i32
    %dma_wait3A_142 = arith.constant 0 : i32
    %dma_wait3A_143 = arith.constant 0 : i32
    %dma_wait3A_144 = tpu.memref_slice %arg24[%dma_wait3A_142, %dma_wait3A_143] : memref<1x80xi32, #tpu.memory_space<vmem>> -> memref<1x80xi32, #tpu.memory_space<vmem>>
    %dma_wait3A_145 = tpu.memref_squeeze %dma_wait3A_144 : memref<1x80xi32, #tpu.memory_space<vmem>> -> memref<80xi32, #tpu.memory_space<vmem>>
    %dma_wait3A_146 = arith.constant 0 : i32
    %dma_wait3A_147 = arith.constant 0 : i32
    %dma_wait3A_148 = tpu.memref_slice %arg2[%dma_wait3A_146, %dma_wait3A_147] : memref<10000x128xf32, #tpu.memory_space<hbm>> -> memref<10000x128xf32, #tpu.memory_space<hbm>>
    tpu.wait_indirect_dma semaphore(%arg16 : memref<!tpu.dma_semaphore, #tpu.memory_space<semaphore_mem>>) src(%dma_wait3A_148 : memref<10000x128xf32, #tpu.memory_space<hbm>>) dst(%arg20 : memref<80x128xf32, #tpu.memory_space<vmem>>)
    %dma_start3A_149 = arith.constant 124 : i32
    %dma_start3A_150 = arith.constant 0 : i32
    %dma_start3A_151 = arith.constant 0 : i32
    %dma_start3A_152 = tpu.memref_slice %arg3[%add3A, %dma_start3A_149, %dma_start3A_150, %dma_start3A_151] : memref<32x125x1x80xi32, #tpu.memory_space<hbm>> -> memref<1x1x1x80xi32, #tpu.memory_space<hbm>>
    %dma_start3A_153 = tpu.memref_squeeze %dma_start3A_152 : memref<1x1x1x80xi32, #tpu.memory_space<hbm>> -> memref<1x80xi32, #tpu.memory_space<hbm>>
    %dma_start3A_154 = arith.constant 0 : i32
    %dma_start3A_155 = arith.constant 0 : i32
    %dma_start3A_156 = tpu.memref_slice %arg3[%add3A, %dma_start3A_149, %dma_start3A_154, %dma_start3A_155] : memref<32x125x1x80xi32, #tpu.memory_space<hbm>> -> memref<1x1x1x80xi32, #tpu.memory_space<hbm>>
    %dma_start3A_157 = tpu.memref_squeeze %dma_start3A_156 : memref<1x1x1x80xi32, #tpu.memory_space<hbm>> -> memref<1x80xi32, #tpu.memory_space<hbm>>
    tpu.enqueue_dma source(%dma_start3A_157 : memref<1x80xi32, #tpu.memory_space<hbm>>) target(%arg24 : memref<1x80xi32, #tpu.memory_space<vmem>>) target_semaphore(%arg28 : memref<!tpu.dma_semaphore, #tpu.memory_space<semaphore_mem>>)
    %dma_wait3A_158 = arith.constant 120 : i32
    %dma_wait3A_159 = arith.constant 0 : i32
    %dma_wait3A_160 = arith.constant 0 : i32
    %dma_wait3A_161 = tpu.memref_slice %arg4[%add3A, %dma_wait3A_158, %dma_wait3A_159, %dma_wait3A_160] : memref<32x125x1x80xi32, #tpu.memory_space<hbm>> -> memref<1x1x1x80xi32, #tpu.memory_space<hbm>>
    %dma_wait3A_162 = tpu.memref_squeeze %dma_wait3A_161 : memref<1x1x1x80xi32, #tpu.memory_space<hbm>> -> memref<1x80xi32, #tpu.memory_space<hbm>>
    %dma_wait3A_163 = arith.constant 0 : i32
    %dma_wait3A_164 = arith.constant 0 : i32
    %dma_wait3A_165 = tpu.memref_slice %arg4[%add3A, %dma_wait3A_158, %dma_wait3A_163, %dma_wait3A_164] : memref<32x125x1x80xi32, #tpu.memory_space<hbm>> -> memref<1x1x1x80xi32, #tpu.memory_space<hbm>>
    %dma_wait3A_166 = tpu.memref_squeeze %dma_wait3A_165 : memref<1x1x1x80xi32, #tpu.memory_space<hbm>> -> memref<1x80xi32, #tpu.memory_space<hbm>>
    tpu.wait_dma2 semaphore(%arg12 : memref<!tpu.dma_semaphore, #tpu.memory_space<semaphore_mem>>) src(%dma_wait3A_166 : memref<1x80xi32, #tpu.memory_space<hbm>>) dst(%arg8 : memref<1x80xi32, #tpu.memory_space<vmem>>)
    %dma_start3A_167 = arith.constant 0 : i32
    %dma_start3A_168 = arith.constant 0 : i32
    %dma_start3A_169 = tpu.memref_slice %arg8[%dma_start3A_167, %dma_start3A_168] : memref<1x80xi32, #tpu.memory_space<vmem>> -> memref<1x80xi32, #tpu.memory_space<vmem>>
    %dma_start3A_170 = tpu.memref_squeeze %dma_start3A_169 : memref<1x80xi32, #tpu.memory_space<vmem>> -> memref<80xi32, #tpu.memory_space<vmem>>
    %dma_start3A_171 = arith.constant 0 : i32
    %dma_start3A_172 = arith.constant 0 : i32
    %dma_start3A_173 = tpu.memref_slice %arg7[%dma_start3A_171, %dma_start3A_172] : memref<10240x128xf32, #tpu.memory_space<vmem_shared>> -> memref<10240x128xf32, #tpu.memory_space<vmem_shared>>
    tpu.enqueue_indirect_dma source(%arg20 : memref<80x128xf32, #tpu.memory_space<vmem>>) target(%dma_start3A_173 : memref<10240x128xf32, #tpu.memory_space<vmem_shared>>) offsets(%dma_start3A_170 : memref<80xi32, #tpu.memory_space<vmem>>) semaphore(%arg32 : memref<!tpu.dma_semaphore, #tpu.memory_space<semaphore_mem>>) {add = true}
    %dma_wait3A_174 = arith.constant 0 : i32
    %dma_wait3A_175 = arith.constant 0 : i32
    %dma_wait3A_176 = tpu.memref_slice %arg25[%dma_wait3A_174, %dma_wait3A_175] : memref<1x80xi32, #tpu.memory_space<vmem>> -> memref<1x80xi32, #tpu.memory_space<vmem>>
    %dma_wait3A_177 = tpu.memref_squeeze %dma_wait3A_176 : memref<1x80xi32, #tpu.memory_space<vmem>> -> memref<80xi32, #tpu.memory_space<vmem>>
    %dma_wait3A_178 = arith.constant 0 : i32
    %dma_wait3A_179 = arith.constant 0 : i32
    %dma_wait3A_180 = tpu.memref_slice %arg2[%dma_wait3A_178, %dma_wait3A_179] : memref<10000x128xf32, #tpu.memory_space<hbm>> -> memref<10000x128xf32, #tpu.memory_space<hbm>>
    tpu.wait_indirect_dma semaphore(%arg17 : memref<!tpu.dma_semaphore, #tpu.memory_space<semaphore_mem>>) src(%dma_wait3A_180 : memref<10000x128xf32, #tpu.memory_space<hbm>>) dst(%arg21 : memref<80x128xf32, #tpu.memory_space<vmem>>)
    %dma_wait3A_181 = arith.constant 121 : i32
    %dma_wait3A_182 = arith.constant 0 : i32
    %dma_wait3A_183 = arith.constant 0 : i32
    %dma_wait3A_184 = tpu.memref_slice %arg4[%add3A, %dma_wait3A_181, %dma_wait3A_182, %dma_wait3A_183] : memref<32x125x1x80xi32, #tpu.memory_space<hbm>> -> memref<1x1x1x80xi32, #tpu.memory_space<hbm>>
    %dma_wait3A_185 = tpu.memref_squeeze %dma_wait3A_184 : memref<1x1x1x80xi32, #tpu.memory_space<hbm>> -> memref<1x80xi32, #tpu.memory_space<hbm>>
    %dma_wait3A_186 = arith.constant 0 : i32
    %dma_wait3A_187 = arith.constant 0 : i32
    %dma_wait3A_188 = tpu.memref_slice %arg4[%add3A, %dma_wait3A_181, %dma_wait3A_186, %dma_wait3A_187] : memref<32x125x1x80xi32, #tpu.memory_space<hbm>> -> memref<1x1x1x80xi32, #tpu.memory_space<hbm>>
    %dma_wait3A_189 = tpu.memref_squeeze %dma_wait3A_188 : memref<1x1x1x80xi32, #tpu.memory_space<hbm>> -> memref<1x80xi32, #tpu.memory_space<hbm>>
    tpu.wait_dma2 semaphore(%arg13 : memref<!tpu.dma_semaphore, #tpu.memory_space<semaphore_mem>>) src(%dma_wait3A_189 : memref<1x80xi32, #tpu.memory_space<hbm>>) dst(%arg9 : memref<1x80xi32, #tpu.memory_space<vmem>>)
    %dma_start3A_190 = arith.constant 0 : i32
    %dma_start3A_191 = arith.constant 0 : i32
    %dma_start3A_192 = tpu.memref_slice %arg9[%dma_start3A_190, %dma_start3A_191] : memref<1x80xi32, #tpu.memory_space<vmem>> -> memref<1x80xi32, #tpu.memory_space<vmem>>
    %dma_start3A_193 = tpu.memref_squeeze %dma_start3A_192 : memref<1x80xi32, #tpu.memory_space<vmem>> -> memref<80xi32, #tpu.memory_space<vmem>>
    %dma_start3A_194 = arith.constant 0 : i32
    %dma_start3A_195 = arith.constant 0 : i32
    %dma_start3A_196 = tpu.memref_slice %arg7[%dma_start3A_194, %dma_start3A_195] : memref<10240x128xf32, #tpu.memory_space<vmem_shared>> -> memref<10240x128xf32, #tpu.memory_space<vmem_shared>>
    tpu.enqueue_indirect_dma source(%arg21 : memref<80x128xf32, #tpu.memory_space<vmem>>) target(%dma_start3A_196 : memref<10240x128xf32, #tpu.memory_space<vmem_shared>>) offsets(%dma_start3A_193 : memref<80xi32, #tpu.memory_space<vmem>>) semaphore(%arg33 : memref<!tpu.dma_semaphore, #tpu.memory_space<semaphore_mem>>) {add = true}
    %dma_wait3A_197 = arith.constant 0 : i32
    %dma_wait3A_198 = arith.constant 0 : i32
    %dma_wait3A_199 = tpu.memref_slice %arg26[%dma_wait3A_197, %dma_wait3A_198] : memref<1x80xi32, #tpu.memory_space<vmem>> -> memref<1x80xi32, #tpu.memory_space<vmem>>
    %dma_wait3A_200 = tpu.memref_squeeze %dma_wait3A_199 : memref<1x80xi32, #tpu.memory_space<vmem>> -> memref<80xi32, #tpu.memory_space<vmem>>
    %dma_wait3A_201 = arith.constant 0 : i32
    %dma_wait3A_202 = arith.constant 0 : i32
    %dma_wait3A_203 = tpu.memref_slice %arg2[%dma_wait3A_201, %dma_wait3A_202] : memref<10000x128xf32, #tpu.memory_space<hbm>> -> memref<10000x128xf32, #tpu.memory_space<hbm>>
    tpu.wait_indirect_dma semaphore(%arg18 : memref<!tpu.dma_semaphore, #tpu.memory_space<semaphore_mem>>) src(%dma_wait3A_203 : memref<10000x128xf32, #tpu.memory_space<hbm>>) dst(%arg22 : memref<80x128xf32, #tpu.memory_space<vmem>>)
    %dma_wait3A_204 = arith.constant 122 : i32
    %dma_wait3A_205 = arith.constant 0 : i32
    %dma_wait3A_206 = arith.constant 0 : i32
    %dma_wait3A_207 = tpu.memref_slice %arg4[%add3A, %dma_wait3A_204, %dma_wait3A_205, %dma_wait3A_206] : memref<32x125x1x80xi32, #tpu.memory_space<hbm>> -> memref<1x1x1x80xi32, #tpu.memory_space<hbm>>
    %dma_wait3A_208 = tpu.memref_squeeze %dma_wait3A_207 : memref<1x1x1x80xi32, #tpu.memory_space<hbm>> -> memref<1x80xi32, #tpu.memory_space<hbm>>
    %dma_wait3A_209 = arith.constant 0 : i32
    %dma_wait3A_210 = arith.constant 0 : i32
    %dma_wait3A_211 = tpu.memref_slice %arg4[%add3A, %dma_wait3A_204, %dma_wait3A_209, %dma_wait3A_210] : memref<32x125x1x80xi32, #tpu.memory_space<hbm>> -> memref<1x1x1x80xi32, #tpu.memory_space<hbm>>
    %dma_wait3A_212 = tpu.memref_squeeze %dma_wait3A_211 : memref<1x1x1x80xi32, #tpu.memory_space<hbm>> -> memref<1x80xi32, #tpu.memory_space<hbm>>
    tpu.wait_dma2 semaphore(%arg14 : memref<!tpu.dma_semaphore, #tpu.memory_space<semaphore_mem>>) src(%dma_wait3A_212 : memref<1x80xi32, #tpu.memory_space<hbm>>) dst(%arg10 : memref<1x80xi32, #tpu.memory_space<vmem>>)
    %dma_start3A_213 = arith.constant 0 : i32
    %dma_start3A_214 = arith.constant 0 : i32
    %dma_start3A_215 = tpu.memref_slice %arg10[%dma_start3A_213, %dma_start3A_214] : memref<1x80xi32, #tpu.memory_space<vmem>> -> memref<1x80xi32, #tpu.memory_space<vmem>>
    %dma_start3A_216 = tpu.memref_squeeze %dma_start3A_215 : memref<1x80xi32, #tpu.memory_space<vmem>> -> memref<80xi32, #tpu.memory_space<vmem>>
    %dma_start3A_217 = arith.constant 0 : i32
    %dma_start3A_218 = arith.constant 0 : i32
    %dma_start3A_219 = tpu.memref_slice %arg7[%dma_start3A_217, %dma_start3A_218] : memref<10240x128xf32, #tpu.memory_space<vmem_shared>> -> memref<10240x128xf32, #tpu.memory_space<vmem_shared>>
    tpu.enqueue_indirect_dma source(%arg22 : memref<80x128xf32, #tpu.memory_space<vmem>>) target(%dma_start3A_219 : memref<10240x128xf32, #tpu.memory_space<vmem_shared>>) offsets(%dma_start3A_216 : memref<80xi32, #tpu.memory_space<vmem>>) semaphore(%arg34 : memref<!tpu.dma_semaphore, #tpu.memory_space<semaphore_mem>>) {add = true}
    %dma_wait3A_220 = arith.constant 0 : i32
    %dma_wait3A_221 = arith.constant 0 : i32
    %dma_wait3A_222 = tpu.memref_slice %arg27[%dma_wait3A_220, %dma_wait3A_221] : memref<1x80xi32, #tpu.memory_space<vmem>> -> memref<1x80xi32, #tpu.memory_space<vmem>>
    %dma_wait3A_223 = tpu.memref_squeeze %dma_wait3A_222 : memref<1x80xi32, #tpu.memory_space<vmem>> -> memref<80xi32, #tpu.memory_space<vmem>>
    %dma_wait3A_224 = arith.constant 0 : i32
    %dma_wait3A_225 = arith.constant 0 : i32
    %dma_wait3A_226 = tpu.memref_slice %arg2[%dma_wait3A_224, %dma_wait3A_225] : memref<10000x128xf32, #tpu.memory_space<hbm>> -> memref<10000x128xf32, #tpu.memory_space<hbm>>
    tpu.wait_indirect_dma semaphore(%arg19 : memref<!tpu.dma_semaphore, #tpu.memory_space<semaphore_mem>>) src(%dma_wait3A_226 : memref<10000x128xf32, #tpu.memory_space<hbm>>) dst(%arg23 : memref<80x128xf32, #tpu.memory_space<vmem>>)
    %dma_wait3A_227 = arith.constant 123 : i32
    %dma_wait3A_228 = arith.constant 0 : i32
    %dma_wait3A_229 = arith.constant 0 : i32
    %dma_wait3A_230 = tpu.memref_slice %arg4[%add3A, %dma_wait3A_227, %dma_wait3A_228, %dma_wait3A_229] : memref<32x125x1x80xi32, #tpu.memory_space<hbm>> -> memref<1x1x1x80xi32, #tpu.memory_space<hbm>>
    %dma_wait3A_231 = tpu.memref_squeeze %dma_wait3A_230 : memref<1x1x1x80xi32, #tpu.memory_space<hbm>> -> memref<1x80xi32, #tpu.memory_space<hbm>>
    %dma_wait3A_232 = arith.constant 0 : i32
    %dma_wait3A_233 = arith.constant 0 : i32
    %dma_wait3A_234 = tpu.memref_slice %arg4[%add3A, %dma_wait3A_227, %dma_wait3A_232, %dma_wait3A_233] : memref<32x125x1x80xi32, #tpu.memory_space<hbm>> -> memref<1x1x1x80xi32, #tpu.memory_space<hbm>>
    %dma_wait3A_235 = tpu.memref_squeeze %dma_wait3A_234 : memref<1x1x1x80xi32, #tpu.memory_space<hbm>> -> memref<1x80xi32, #tpu.memory_space<hbm>>
    tpu.wait_dma2 semaphore(%arg15 : memref<!tpu.dma_semaphore, #tpu.memory_space<semaphore_mem>>) src(%dma_wait3A_235 : memref<1x80xi32, #tpu.memory_space<hbm>>) dst(%arg11 : memref<1x80xi32, #tpu.memory_space<vmem>>)
    %dma_start3A_236 = arith.constant 0 : i32
    %dma_start3A_237 = arith.constant 0 : i32
    %dma_start3A_238 = tpu.memref_slice %arg11[%dma_start3A_236, %dma_start3A_237] : memref<1x80xi32, #tpu.memory_space<vmem>> -> memref<1x80xi32, #tpu.memory_space<vmem>>
    %dma_start3A_239 = tpu.memref_squeeze %dma_start3A_238 : memref<1x80xi32, #tpu.memory_space<vmem>> -> memref<80xi32, #tpu.memory_space<vmem>>
    %dma_start3A_240 = arith.constant 0 : i32
    %dma_start3A_241 = arith.constant 0 : i32
    %dma_start3A_242 = tpu.memref_slice %arg7[%dma_start3A_240, %dma_start3A_241] : memref<10240x128xf32, #tpu.memory_space<vmem_shared>> -> memref<10240x128xf32, #tpu.memory_space<vmem_shared>>
    tpu.enqueue_indirect_dma source(%arg23 : memref<80x128xf32, #tpu.memory_space<vmem>>) target(%dma_start3A_242 : memref<10240x128xf32, #tpu.memory_space<vmem_shared>>) offsets(%dma_start3A_239 : memref<80xi32, #tpu.memory_space<vmem>>) semaphore(%arg35 : memref<!tpu.dma_semaphore, #tpu.memory_space<semaphore_mem>>) {add = true}
    %dma_wait3A_243 = arith.constant 0 : i32
    %dma_wait3A_244 = arith.constant 0 : i32
    %dma_wait3A_245 = tpu.memref_slice %arg8[%dma_wait3A_243, %dma_wait3A_244] : memref<1x80xi32, #tpu.memory_space<vmem>> -> memref<1x80xi32, #tpu.memory_space<vmem>>
    %dma_wait3A_246 = tpu.memref_squeeze %dma_wait3A_245 : memref<1x80xi32, #tpu.memory_space<vmem>> -> memref<80xi32, #tpu.memory_space<vmem>>
    %dma_wait3A_247 = arith.constant 0 : i32
    %dma_wait3A_248 = arith.constant 0 : i32
    %dma_wait3A_249 = tpu.memref_slice %arg7[%dma_wait3A_247, %dma_wait3A_248] : memref<10240x128xf32, #tpu.memory_space<vmem_shared>> -> memref<10240x128xf32, #tpu.memory_space<vmem_shared>>
    tpu.wait_indirect_dma semaphore(%arg32 : memref<!tpu.dma_semaphore, #tpu.memory_space<semaphore_mem>>) src(%arg20 : memref<80x128xf32, #tpu.memory_space<vmem>>) dst(%dma_wait3A_249 : memref<10240x128xf32, #tpu.memory_space<vmem_shared>>)
    %dma_start3A_250 = arith.constant 124 : i32
    %dma_start3A_251 = arith.constant 0 : i32
    %dma_start3A_252 = arith.constant 0 : i32
    %dma_start3A_253 = tpu.memref_slice %arg4[%add3A, %dma_start3A_250, %dma_start3A_251, %dma_start3A_252] : memref<32x125x1x80xi32, #tpu.memory_space<hbm>> -> memref<1x1x1x80xi32, #tpu.memory_space<hbm>>
    %dma_start3A_254 = tpu.memref_squeeze %dma_start3A_253 : memref<1x1x1x80xi32, #tpu.memory_space<hbm>> -> memref<1x80xi32, #tpu.memory_space<hbm>>
    %dma_start3A_255 = arith.constant 0 : i32
    %dma_start3A_256 = arith.constant 0 : i32
    %dma_start3A_257 = tpu.memref_slice %arg4[%add3A, %dma_start3A_250, %dma_start3A_255, %dma_start3A_256] : memref<32x125x1x80xi32, #tpu.memory_space<hbm>> -> memref<1x1x1x80xi32, #tpu.memory_space<hbm>>
    %dma_start3A_258 = tpu.memref_squeeze %dma_start3A_257 : memref<1x1x1x80xi32, #tpu.memory_space<hbm>> -> memref<1x80xi32, #tpu.memory_space<hbm>>
    tpu.enqueue_dma source(%dma_start3A_258 : memref<1x80xi32, #tpu.memory_space<hbm>>) target(%arg8 : memref<1x80xi32, #tpu.memory_space<vmem>>) target_semaphore(%arg12 : memref<!tpu.dma_semaphore, #tpu.memory_space<semaphore_mem>>)
    %dma_wait3A_259 = arith.constant 124 : i32
    %dma_wait3A_260 = arith.constant 0 : i32
    %dma_wait3A_261 = arith.constant 0 : i32
    %dma_wait3A_262 = tpu.memref_slice %arg3[%add3A, %dma_wait3A_259, %dma_wait3A_260, %dma_wait3A_261] : memref<32x125x1x80xi32, #tpu.memory_space<hbm>> -> memref<1x1x1x80xi32, #tpu.memory_space<hbm>>
    %dma_wait3A_263 = tpu.memref_squeeze %dma_wait3A_262 : memref<1x1x1x80xi32, #tpu.memory_space<hbm>> -> memref<1x80xi32, #tpu.memory_space<hbm>>
    %dma_wait3A_264 = arith.constant 0 : i32
    %dma_wait3A_265 = arith.constant 0 : i32
    %dma_wait3A_266 = tpu.memref_slice %arg3[%add3A, %dma_wait3A_259, %dma_wait3A_264, %dma_wait3A_265] : memref<32x125x1x80xi32, #tpu.memory_space<hbm>> -> memref<1x1x1x80xi32, #tpu.memory_space<hbm>>
    %dma_wait3A_267 = tpu.memref_squeeze %dma_wait3A_266 : memref<1x1x1x80xi32, #tpu.memory_space<hbm>> -> memref<1x80xi32, #tpu.memory_space<hbm>>
    tpu.wait_dma2 semaphore(%arg28 : memref<!tpu.dma_semaphore, #tpu.memory_space<semaphore_mem>>) src(%dma_wait3A_267 : memref<1x80xi32, #tpu.memory_space<hbm>>) dst(%arg24 : memref<1x80xi32, #tpu.memory_space<vmem>>)
    %dma_start3A_268 = arith.constant 0 : i32
    %dma_start3A_269 = arith.constant 0 : i32
    %dma_start3A_270 = tpu.memref_slice %arg24[%dma_start3A_268, %dma_start3A_269] : memref<1x80xi32, #tpu.memory_space<vmem>> -> memref<1x80xi32, #tpu.memory_space<vmem>>
    %dma_start3A_271 = tpu.memref_squeeze %dma_start3A_270 : memref<1x80xi32, #tpu.memory_space<vmem>> -> memref<80xi32, #tpu.memory_space<vmem>>
    %dma_start3A_272 = arith.constant 0 : i32
    %dma_start3A_273 = arith.constant 0 : i32
    %dma_start3A_274 = tpu.memref_slice %arg2[%dma_start3A_272, %dma_start3A_273] : memref<10000x128xf32, #tpu.memory_space<hbm>> -> memref<10000x128xf32, #tpu.memory_space<hbm>>
    tpu.enqueue_indirect_dma source(%dma_start3A_274 : memref<10000x128xf32, #tpu.memory_space<hbm>>) target(%arg20 : memref<80x128xf32, #tpu.memory_space<vmem>>) offsets(%dma_start3A_271 : memref<80xi32, #tpu.memory_space<vmem>>) semaphore(%arg16 : memref<!tpu.dma_semaphore, #tpu.memory_space<semaphore_mem>>)
    %dma_wait3A_275 = arith.constant 0 : i32
    %dma_wait3A_276 = arith.constant 0 : i32
    %dma_wait3A_277 = tpu.memref_slice %arg24[%dma_wait3A_275, %dma_wait3A_276] : memref<1x80xi32, #tpu.memory_space<vmem>> -> memref<1x80xi32, #tpu.memory_space<vmem>>
    %dma_wait3A_278 = tpu.memref_squeeze %dma_wait3A_277 : memref<1x80xi32, #tpu.memory_space<vmem>> -> memref<80xi32, #tpu.memory_space<vmem>>
    %dma_wait3A_279 = arith.constant 0 : i32
    %dma_wait3A_280 = arith.constant 0 : i32
    %dma_wait3A_281 = tpu.memref_slice %arg2[%dma_wait3A_279, %dma_wait3A_280] : memref<10000x128xf32, #tpu.memory_space<hbm>> -> memref<10000x128xf32, #tpu.memory_space<hbm>>
    tpu.wait_indirect_dma semaphore(%arg16 : memref<!tpu.dma_semaphore, #tpu.memory_space<semaphore_mem>>) src(%dma_wait3A_281 : memref<10000x128xf32, #tpu.memory_space<hbm>>) dst(%arg20 : memref<80x128xf32, #tpu.memory_space<vmem>>)
    %dma_wait3A_282 = arith.constant 124 : i32
    %dma_wait3A_283 = arith.constant 0 : i32
    %dma_wait3A_284 = arith.constant 0 : i32
    %dma_wait3A_285 = tpu.memref_slice %arg4[%add3A, %dma_wait3A_282, %dma_wait3A_283, %dma_wait3A_284] : memref<32x125x1x80xi32, #tpu.memory_space<hbm>> -> memref<1x1x1x80xi32, #tpu.memory_space<hbm>>
    %dma_wait3A_286 = tpu.memref_squeeze %dma_wait3A_285 : memref<1x1x1x80xi32, #tpu.memory_space<hbm>> -> memref<1x80xi32, #tpu.memory_space<hbm>>
    %dma_wait3A_287 = arith.constant 0 : i32
    %dma_wait3A_288 = arith.constant 0 : i32
    %dma_wait3A_289 = tpu.memref_slice %arg4[%add3A, %dma_wait3A_282, %dma_wait3A_287, %dma_wait3A_288] : memref<32x125x1x80xi32, #tpu.memory_space<hbm>> -> memref<1x1x1x80xi32, #tpu.memory_space<hbm>>
    %dma_wait3A_290 = tpu.memref_squeeze %dma_wait3A_289 : memref<1x1x1x80xi32, #tpu.memory_space<hbm>> -> memref<1x80xi32, #tpu.memory_space<hbm>>
    tpu.wait_dma2 semaphore(%arg12 : memref<!tpu.dma_semaphore, #tpu.memory_space<semaphore_mem>>) src(%dma_wait3A_290 : memref<1x80xi32, #tpu.memory_space<hbm>>) dst(%arg8 : memref<1x80xi32, #tpu.memory_space<vmem>>)
    %dma_start3A_291 = arith.constant 0 : i32
    %dma_start3A_292 = arith.constant 0 : i32
    %dma_start3A_293 = tpu.memref_slice %arg8[%dma_start3A_291, %dma_start3A_292] : memref<1x80xi32, #tpu.memory_space<vmem>> -> memref<1x80xi32, #tpu.memory_space<vmem>>
    %dma_start3A_294 = tpu.memref_squeeze %dma_start3A_293 : memref<1x80xi32, #tpu.memory_space<vmem>> -> memref<80xi32, #tpu.memory_space<vmem>>
    %dma_start3A_295 = arith.constant 0 : i32
    %dma_start3A_296 = arith.constant 0 : i32
    %dma_start3A_297 = tpu.memref_slice %arg7[%dma_start3A_295, %dma_start3A_296] : memref<10240x128xf32, #tpu.memory_space<vmem_shared>> -> memref<10240x128xf32, #tpu.memory_space<vmem_shared>>
    tpu.enqueue_indirect_dma source(%arg20 : memref<80x128xf32, #tpu.memory_space<vmem>>) target(%dma_start3A_297 : memref<10240x128xf32, #tpu.memory_space<vmem_shared>>) offsets(%dma_start3A_294 : memref<80xi32, #tpu.memory_space<vmem>>) semaphore(%arg32 : memref<!tpu.dma_semaphore, #tpu.memory_space<semaphore_mem>>) {add = true}
    %dma_wait3A_298 = arith.constant 0 : i32
    %dma_wait3A_299 = arith.constant 0 : i32
    %dma_wait3A_300 = tpu.memref_slice %arg9[%dma_wait3A_298, %dma_wait3A_299] : memref<1x80xi32, #tpu.memory_space<vmem>> -> memref<1x80xi32, #tpu.memory_space<vmem>>
    %dma_wait3A_301 = tpu.memref_squeeze %dma_wait3A_300 : memref<1x80xi32, #tpu.memory_space<vmem>> -> memref<80xi32, #tpu.memory_space<vmem>>
    %dma_wait3A_302 = arith.constant 0 : i32
    %dma_wait3A_303 = arith.constant 0 : i32
    %dma_wait3A_304 = tpu.memref_slice %arg7[%dma_wait3A_302, %dma_wait3A_303] : memref<10240x128xf32, #tpu.memory_space<vmem_shared>> -> memref<10240x128xf32, #tpu.memory_space<vmem_shared>>
    tpu.wait_indirect_dma semaphore(%arg33 : memref<!tpu.dma_semaphore, #tpu.memory_space<semaphore_mem>>) src(%arg21 : memref<80x128xf32, #tpu.memory_space<vmem>>) dst(%dma_wait3A_304 : memref<10240x128xf32, #tpu.memory_space<vmem_shared>>)
    %dma_wait3A_305 = arith.constant 0 : i32
    %dma_wait3A_306 = arith.constant 0 : i32
    %dma_wait3A_307 = tpu.memref_slice %arg10[%dma_wait3A_305, %dma_wait3A_306] : memref<1x80xi32, #tpu.memory_space<vmem>> -> memref<1x80xi32, #tpu.memory_space<vmem>>
    %dma_wait3A_308 = tpu.memref_squeeze %dma_wait3A_307 : memref<1x80xi32, #tpu.memory_space<vmem>> -> memref<80xi32, #tpu.memory_space<vmem>>
    %dma_wait3A_309 = arith.constant 0 : i32
    %dma_wait3A_310 = arith.constant 0 : i32
    %dma_wait3A_311 = tpu.memref_slice %arg7[%dma_wait3A_309, %dma_wait3A_310] : memref<10240x128xf32, #tpu.memory_space<vmem_shared>> -> memref<10240x128xf32, #tpu.memory_space<vmem_shared>>
    tpu.wait_indirect_dma semaphore(%arg34 : memref<!tpu.dma_semaphore, #tpu.memory_space<semaphore_mem>>) src(%arg22 : memref<80x128xf32, #tpu.memory_space<vmem>>) dst(%dma_wait3A_311 : memref<10240x128xf32, #tpu.memory_space<vmem_shared>>)
    %dma_wait3A_312 = arith.constant 0 : i32
    %dma_wait3A_313 = arith.constant 0 : i32
    %dma_wait3A_314 = tpu.memref_slice %arg11[%dma_wait3A_312, %dma_wait3A_313] : memref<1x80xi32, #tpu.memory_space<vmem>> -> memref<1x80xi32, #tpu.memory_space<vmem>>
    %dma_wait3A_315 = tpu.memref_squeeze %dma_wait3A_314 : memref<1x80xi32, #tpu.memory_space<vmem>> -> memref<80xi32, #tpu.memory_space<vmem>>
    %dma_wait3A_316 = arith.constant 0 : i32
    %dma_wait3A_317 = arith.constant 0 : i32
    %dma_wait3A_318 = tpu.memref_slice %arg7[%dma_wait3A_316, %dma_wait3A_317] : memref<10240x128xf32, #tpu.memory_space<vmem_shared>> -> memref<10240x128xf32, #tpu.memory_space<vmem_shared>>
    tpu.wait_indirect_dma semaphore(%arg35 : memref<!tpu.dma_semaphore, #tpu.memory_space<semaphore_mem>>) src(%arg23 : memref<80x128xf32, #tpu.memory_space<vmem>>) dst(%dma_wait3A_318 : memref<10240x128xf32, #tpu.memory_space<vmem_shared>>)
    %dma_wait3A_319 = arith.constant 0 : i32
    %dma_wait3A_320 = arith.constant 0 : i32
    %dma_wait3A_321 = tpu.memref_slice %arg8[%dma_wait3A_319, %dma_wait3A_320] : memref<1x80xi32, #tpu.memory_space<vmem>> -> memref<1x80xi32, #tpu.memory_space<vmem>>
    %dma_wait3A_322 = tpu.memref_squeeze %dma_wait3A_321 : memref<1x80xi32, #tpu.memory_space<vmem>> -> memref<80xi32, #tpu.memory_space<vmem>>
    %dma_wait3A_323 = arith.constant 0 : i32
    %dma_wait3A_324 = arith.constant 0 : i32
    %dma_wait3A_325 = tpu.memref_slice %arg7[%dma_wait3A_323, %dma_wait3A_324] : memref<10240x128xf32, #tpu.memory_space<vmem_shared>> -> memref<10240x128xf32, #tpu.memory_space<vmem_shared>>
    tpu.wait_indirect_dma semaphore(%arg32 : memref<!tpu.dma_semaphore, #tpu.memory_space<semaphore_mem>>) src(%arg20 : memref<80x128xf32, #tpu.memory_space<vmem>>) dst(%dma_wait3A_325 : memref<10240x128xf32, #tpu.memory_space<vmem_shared>>)
    %barrier3A_326 = arith.constant 0 : index
    tpu.barrier barrier_id(%barrier3A_326)
    "tpu.region"() ({
      %run_scoped3A = tpu.sem_alloc : memref<!tpu.dma_semaphore, #tpu.memory_space<semaphore_mem>>
      %dma_start3A_327 = arith.constant 0 : i32
      %dma_start3A_328 = tpu.memref_slice %arg6[%arg0, %mul3A_2, %dma_start3A_327] : memref<2x10240x128xf32, #tpu.memory_space<hbm>> -> memref<1x640x128xf32, #tpu.memory_space<hbm>>
      %dma_start3A_329 = tpu.memref_squeeze %dma_start3A_328 : memref<1x640x128xf32, #tpu.memory_space<hbm>> -> memref<640x128xf32, #tpu.memory_space<hbm>>
      %dma_start3A_330 = arith.constant 0 : i32
      %dma_start3A_331 = tpu.memref_slice %arg7[%mul3A_2, %dma_start3A_330] : memref<10240x128xf32, #tpu.memory_space<vmem_shared>> -> memref<640x128xf32, #tpu.memory_space<vmem_shared>>
      tpu.enqueue_dma source(%dma_start3A_331 : memref<640x128xf32, #tpu.memory_space<vmem_shared>>) target(%dma_start3A_329 : memref<640x128xf32, #tpu.memory_space<hbm>>) target_semaphore(%run_scoped3A : memref<!tpu.dma_semaphore, #tpu.memory_space<semaphore_mem>>)
      %dma_wait3A_332 = arith.constant 0 : i32
      %dma_wait3A_333 = tpu.memref_slice %arg6[%arg0, %mul3A_2, %dma_wait3A_332] : memref<2x10240x128xf32, #tpu.memory_space<hbm>> -> memref<1x640x128xf32, #tpu.memory_space<hbm>>
      %dma_wait3A_334 = tpu.memref_squeeze %dma_wait3A_333 : memref<1x640x128xf32, #tpu.memory_space<hbm>> -> memref<640x128xf32, #tpu.memory_space<hbm>>
      %dma_wait3A_335 = arith.constant 0 : i32
      %dma_wait3A_336 = tpu.memref_slice %arg7[%mul3A_2, %dma_wait3A_335] : memref<10240x128xf32, #tpu.memory_space<vmem_shared>> -> memref<640x128xf32, #tpu.memory_space<vmem_shared>>
      tpu.wait_dma2 semaphore(%run_scoped3A : memref<!tpu.dma_semaphore, #tpu.memory_space<semaphore_mem>>) src(%dma_wait3A_336 : memref<640x128xf32, #tpu.memory_space<vmem_shared>>) dst(%dma_wait3A_334 : memref<640x128xf32, #tpu.memory_space<hbm>>)
      tpu.yield
    }) : () -> ()
    return
  }
}

#map = affine_map<(d0, d1) -> (0, 0)>
#map1 = affine_map<(d0, d1) -> (0, 0, 0, 0)>
#map2 = affine_map<(d0, d1) -> (0, 0, 0)>
module attributes {stable_mosaic.version = 14 : i64} {
  func.func @_spmm_kernel(%arg0: i32, %arg1: i32, %arg2: memref<10000x128xf32, #tpu.memory_space<hbm>>, %arg3: memref<32x125x1x80xi32, #tpu.memory_space<hbm>>, %arg4: memref<32x125x1x80xi32, #tpu.memory_space<hbm>>, %arg5: memref<10240x128xf32, #tpu.memory_space<hbm>>, %arg6: memref<2x10240x128xf32, #tpu.memory_space<hbm>>, %arg7: memref<10240x128xf32, #tpu.memory_space<vmem_shared>>, %arg8: memref<1x80xi32, #tpu.memory_space<vmem>>, %arg9: memref<1x80xi32, #tpu.memory_space<vmem>>, %arg10: memref<1x80xi32, #tpu.memory_space<vmem>>, %arg11: memref<1x80xi32, #tpu.memory_space<vmem>>, %arg12: memref<!tpu.dma_semaphore, #tpu.memory_space<semaphore_mem>>, %arg13: memref<!tpu.dma_semaphore, #tpu.memory_space<semaphore_mem>>, %arg14: memref<!tpu.dma_semaphore, #tpu.memory_space<semaphore_mem>>, %arg15: memref<!tpu.dma_semaphore, #tpu.memory_space<semaphore_mem>>, %arg16: memref<!tpu.dma_semaphore, #tpu.memory_space<semaphore_mem>>, %arg17: memref<!tpu.dma_semaphore, #tpu.memory_space<semaphore_mem>>, %arg18: memref<!tpu.dma_semaphore, #tpu.memory_space<semaphore_mem>>, %arg19: memref<!tpu.dma_semaphore, #tpu.memory_space<semaphore_mem>>, %arg20: memref<80x128xf32, #tpu.memory_space<vmem>>, %arg21: memref<80x128xf32, #tpu.memory_space<vmem>>, %arg22: memref<80x128xf32, #tpu.memory_space<vmem>>, %arg23: memref<80x128xf32, #tpu.memory_space<vmem>>, %arg24: memref<1x80xi32, #tpu.memory_space<vmem>>, %arg25: memref<1x80xi32, #tpu.memory_space<vmem>>, %arg26: memref<1x80xi32, #tpu.memory_space<vmem>>, %arg27: memref<1x80xi32, #tpu.memory_space<vmem>>, %arg28: memref<!tpu.dma_semaphore, #tpu.memory_space<semaphore_mem>>, %arg29: memref<!tpu.dma_semaphore, #tpu.memory_space<semaphore_mem>>, %arg30: memref<!tpu.dma_semaphore, #tpu.memory_space<semaphore_mem>>, %arg31: memref<!tpu.dma_semaphore, #tpu.memory_space<semaphore_mem>>, %arg32: memref<!tpu.dma_semaphore, #tpu.memory_space<semaphore_mem>>, %arg33: memref<!tpu.dma_semaphore, #tpu.memory_space<semaphore_mem>>, %arg34: memref<!tpu.dma_semaphore, #tpu.memory_space<semaphore_mem>>, %arg35: memref<!tpu.dma_semaphore, #tpu.memory_space<semaphore_mem>>) attributes {dimension_semantics = [#tpu.dimension_semantics<core_parallel>, #tpu.dimension_semantics<subcore_parallel>], iteration_bounds = array<i64: 2, 16>, scalar_prefetch = 0 : i64, scratch_operands = 29 : i64, tpu.core_type = #tpu.core_type<sc_vector_subcore>, window_params = [{transform_indices = #map}, {transform_indices = #map1}, {transform_indices = #map1}, {transform_indices = #map}, {transform_indices = #map2}]} {
    %mul3A = arith.constant 16 : i32
    %mul3A_0 = arith.muli %arg0, %mul3A : i32
    %add3A = arith.addi %mul3A_0, %arg1 : i32
    %mul3A_1 = arith.constant 640 : i32
    %mul3A_2 = arith.muli %arg1, %mul3A_1 : i32
    "tpu.region"() ({
      %run_scoped3A = tpu.sem_alloc : memref<!tpu.dma_semaphore, #tpu.memory_space<semaphore_mem>>
      %dma_start3A_327 = arith.constant 0 : i32
      %dma_start3A_328 = tpu.memref_slice %arg7[%mul3A_2, %dma_start3A_327] : memref<10240x128xf32, #tpu.memory_space<vmem_shared>> -> memref<640x128xf32, #tpu.memory_space<vmem_shared>>
      %dma_start3A_329 = arith.constant 0 : i32
      %dma_start3A_330 = tpu.memref_slice %arg5[%mul3A_2, %dma_start3A_329] : memref<10240x128xf32, #tpu.memory_space<hbm>> -> memref<640x128xf32, #tpu.memory_space<hbm>>
      tpu.enqueue_dma source(%dma_start3A_330 : memref<640x128xf32, #tpu.memory_space<hbm>>) target(%dma_start3A_328 : memref<640x128xf32, #tpu.memory_space<vmem_shared>>) target_semaphore(%run_scoped3A : memref<!tpu.dma_semaphore, #tpu.memory_space<semaphore_mem>>)
      %dma_wait3A_331 = arith.constant 0 : i32
      %dma_wait3A_332 = tpu.memref_slice %arg7[%mul3A_2, %dma_wait3A_331] : memref<10240x128xf32, #tpu.memory_space<vmem_shared>> -> memref<640x128xf32, #tpu.memory_space<vmem_shared>>
      %dma_wait3A_333 = arith.constant 0 : i32
      %dma_wait3A_334 = tpu.memref_slice %arg5[%mul3A_2, %dma_wait3A_333] : memref<10240x128xf32, #tpu.memory_space<hbm>> -> memref<640x128xf32, #tpu.memory_space<hbm>>
      tpu.wait_dma2 semaphore(%run_scoped3A : memref<!tpu.dma_semaphore, #tpu.memory_space<semaphore_mem>>) src(%dma_wait3A_334 : memref<640x128xf32, #tpu.memory_space<hbm>>) dst(%dma_wait3A_332 : memref<640x128xf32, #tpu.memory_space<vmem_shared>>)
      tpu.yield
    }) : () -> ()
    %barrier3A = arith.constant 0 : index
    tpu.barrier barrier_id(%barrier3A)
    %dma_start3A = arith.constant 0 : i32
    %dma_start3A_3 = arith.constant 0 : i32
    %dma_start3A_4 = arith.constant 0 : i32
    %dma_start3A_5 = tpu.memref_slice %arg3[%add3A, %dma_start3A, %dma_start3A_3, %dma_start3A_4] : memref<32x125x1x80xi32, #tpu.memory_space<hbm>> -> memref<1x1x1x80xi32, #tpu.memory_space<hbm>>
    %dma_start3A_6 = tpu.memref_squeeze %dma_start3A_5 : memref<1x1x1x80xi32, #tpu.memory_space<hbm>> -> memref<1x80xi32, #tpu.memory_space<hbm>>
    %dma_start3A_7 = arith.constant 0 : i32
    %dma_start3A_8 = arith.constant 0 : i32
    %dma_start3A_9 = tpu.memref_slice %arg3[%add3A, %dma_start3A, %dma_start3A_7, %dma_start3A_8] : memref<32x125x1x80xi32, #tpu.memory_space<hbm>> -> memref<1x1x1x80xi32, #tpu.memory_space<hbm>>
    %dma_start3A_10 = tpu.memref_squeeze %dma_start3A_9 : memref<1x1x1x80xi32, #tpu.memory_space<hbm>> -> memref<1x80xi32, #tpu.memory_space<hbm>>
    tpu.enqueue_dma source(%dma_start3A_10 : memref<1x80xi32, #tpu.memory_space<hbm>>) target(%arg24 : memref<1x80xi32, #tpu.memory_space<vmem>>) target_semaphore(%arg28 : memref<!tpu.dma_semaphore, #tpu.memory_space<semaphore_mem>>)
    %dma_start3A_11 = arith.constant 0 : i32
    %dma_start3A_12 = arith.constant 0 : i32
    %dma_start3A_13 = arith.constant 0 : i32
    %dma_start3A_14 = tpu.memref_slice %arg4[%add3A, %dma_start3A_11, %dma_start3A_12, %dma_start3A_13] : memref<32x125x1x80xi32, #tpu.memory_space<hbm>> -> memref<1x1x1x80xi32, #tpu.memory_space<hbm>>
    %dma_start3A_15 = tpu.memref_squeeze %dma_start3A_14 : memref<1x1x1x80xi32, #tpu.memory_space<hbm>> -> memref<1x80xi32, #tpu.memory_space<hbm>>
    %dma_start3A_16 = arith.constant 0 : i32
    %dma_start3A_17 = arith.constant 0 : i32
    %dma_start3A_18 = tpu.memref_slice %arg4[%add3A, %dma_start3A_11, %dma_start3A_16, %dma_start3A_17] : memref<32x125x1x80xi32, #tpu.memory_space<hbm>> -> memref<1x1x1x80xi32, #tpu.memory_space<hbm>>
    %dma_start3A_19 = tpu.memref_squeeze %dma_start3A_18 : memref<1x1x1x80xi32, #tpu.memory_space<hbm>> -> memref<1x80xi32, #tpu.memory_space<hbm>>
    tpu.enqueue_dma source(%dma_start3A_19 : memref<1x80xi32, #tpu.memory_space<hbm>>) target(%arg8 : memref<1x80xi32, #tpu.memory_space<vmem>>) target_semaphore(%arg12 : memref<!tpu.dma_semaphore, #tpu.memory_space<semaphore_mem>>)
    %dma_start3A_20 = arith.constant 1 : i32
    %dma_start3A_21 = arith.constant 0 : i32
    %dma_start3A_22 = arith.constant 0 : i32
    %dma_start3A_23 = tpu.memref_slice %arg3[%add3A, %dma_start3A_20, %dma_start3A_21, %dma_start3A_22] : memref<32x125x1x80xi32, #tpu.memory_space<hbm>> -> memref<1x1x1x80xi32, #tpu.memory_space<hbm>>
    %dma_start3A_24 = tpu.memref_squeeze %dma_start3A_23 : memref<1x1x1x80xi32, #tpu.memory_space<hbm>> -> memref<1x80xi32, #tpu.memory_space<hbm>>
    %dma_start3A_25 = arith.constant 0 : i32
    %dma_start3A_26 = arith.constant 0 : i32
    %dma_start3A_27 = tpu.memref_slice %arg3[%add3A, %dma_start3A_20, %dma_start3A_25, %dma_start3A_26] : memref<32x125x1x80xi32, #tpu.memory_space<hbm>> -> memref<1x1x1x80xi32, #tpu.memory_space<hbm>>
    %dma_start3A_28 = tpu.memref_squeeze %dma_start3A_27 : memref<1x1x1x80xi32, #tpu.memory_space<hbm>> -> memref<1x80xi32, #tpu.memory_space<hbm>>
    tpu.enqueue_dma source(%dma_start3A_28 : memref<1x80xi32, #tpu.memory_space<hbm>>) target(%arg25 : memref<1x80xi32, #tpu.memory_space<vmem>>) target_semaphore(%arg29 : memref<!tpu.dma_semaphore, #tpu.memory_space<semaphore_mem>>)
    %dma_start3A_29 = arith.constant 1 : i32
    %dma_start3A_30 = arith.constant 0 : i32
    %dma_start3A_31 = arith.constant 0 : i32
    %dma_start3A_32 = tpu.memref_slice %arg4[%add3A, %dma_start3A_29, %dma_start3A_30, %dma_start3A_31] : memref<32x125x1x80xi32, #tpu.memory_space<hbm>> -> memref<1x1x1x80xi32, #tpu.memory_space<hbm>>
    %dma_start3A_33 = tpu.memref_squeeze %dma_start3A_32 : memref<1x1x1x80xi32, #tpu.memory_space<hbm>> -> memref<1x80xi32, #tpu.memory_space<hbm>>
    %dma_start3A_34 = arith.constant 0 : i32
    %dma_start3A_35 = arith.constant 0 : i32
    %dma_start3A_36 = tpu.memref_slice %arg4[%add3A, %dma_start3A_29, %dma_start3A_34, %dma_start3A_35] : memref<32x125x1x80xi32, #tpu.memory_space<hbm>> -> memref<1x1x1x80xi32, #tpu.memory_space<hbm>>
    %dma_start3A_37 = tpu.memref_squeeze %dma_start3A_36 : memref<1x1x1x80xi32, #tpu.memory_space<hbm>> -> memref<1x80xi32, #tpu.memory_space<hbm>>
    tpu.enqueue_dma source(%dma_start3A_37 : memref<1x80xi32, #tpu.memory_space<hbm>>) target(%arg9 : memref<1x80xi32, #tpu.memory_space<vmem>>) target_semaphore(%arg13 : memref<!tpu.dma_semaphore, #tpu.memory_space<semaphore_mem>>)
    %dma_start3A_38 = arith.constant 2 : i32
    %dma_start3A_39 = arith.constant 0 : i32
    %dma_start3A_40 = arith.constant 0 : i32
    %dma_start3A_41 = tpu.memref_slice %arg3[%add3A, %dma_start3A_38, %dma_start3A_39, %dma_start3A_40] : memref<32x125x1x80xi32, #tpu.memory_space<hbm>> -> memref<1x1x1x80xi32, #tpu.memory_space<hbm>>
    %dma_start3A_42 = tpu.memref_squeeze %dma_start3A_41 : memref<1x1x1x80xi32, #tpu.memory_space<hbm>> -> memref<1x80xi32, #tpu.memory_space<hbm>>
    %dma_start3A_43 = arith.constant 0 : i32
    %dma_start3A_44 = arith.constant 0 : i32
    %dma_start3A_45 = tpu.memref_slice %arg3[%add3A, %dma_start3A_38, %dma_start3A_43, %dma_start3A_44] : memref<32x125x1x80xi32, #tpu.memory_space<hbm>> -> memref<1x1x1x80xi32, #tpu.memory_space<hbm>>
    %dma_start3A_46 = tpu.memref_squeeze %dma_start3A_45 : memref<1x1x1x80xi32, #tpu.memory_space<hbm>> -> memref<1x80xi32, #tpu.memory_space<hbm>>
    tpu.enqueue_dma source(%dma_start3A_46 : memref<1x80xi32, #tpu.memory_space<hbm>>) target(%arg26 : memref<1x80xi32, #tpu.memory_space<vmem>>) target_semaphore(%arg30 : memref<!tpu.dma_semaphore, #tpu.memory_space<semaphore_mem>>)
    %dma_start3A_47 = arith.constant 2 : i32
    %dma_start3A_48 = arith.constant 0 : i32
    %dma_start3A_49 = arith.constant 0 : i32
    %dma_start3A_50 = tpu.memref_slice %arg4[%add3A, %dma_start3A_47, %dma_start3A_48, %dma_start3A_49] : memref<32x125x1x80xi32, #tpu.memory_space<hbm>> -> memref<1x1x1x80xi32, #tpu.memory_space<hbm>>
    %dma_start3A_51 = tpu.memref_squeeze %dma_start3A_50 : memref<1x1x1x80xi32, #tpu.memory_space<hbm>> -> memref<1x80xi32, #tpu.memory_space<hbm>>
    %dma_start3A_52 = arith.constant 0 : i32
    %dma_start3A_53 = arith.constant 0 : i32
    %dma_start3A_54 = tpu.memref_slice %arg4[%add3A, %dma_start3A_47, %dma_start3A_52, %dma_start3A_53] : memref<32x125x1x80xi32, #tpu.memory_space<hbm>> -> memref<1x1x1x80xi32, #tpu.memory_space<hbm>>
    %dma_start3A_55 = tpu.memref_squeeze %dma_start3A_54 : memref<1x1x1x80xi32, #tpu.memory_space<hbm>> -> memref<1x80xi32, #tpu.memory_space<hbm>>
    tpu.enqueue_dma source(%dma_start3A_55 : memref<1x80xi32, #tpu.memory_space<hbm>>) target(%arg10 : memref<1x80xi32, #tpu.memory_space<vmem>>) target_semaphore(%arg14 : memref<!tpu.dma_semaphore, #tpu.memory_space<semaphore_mem>>)
    %dma_start3A_56 = arith.constant 3 : i32
    %dma_start3A_57 = arith.constant 0 : i32
    %dma_start3A_58 = arith.constant 0 : i32
    %dma_start3A_59 = tpu.memref_slice %arg3[%add3A, %dma_start3A_56, %dma_start3A_57, %dma_start3A_58] : memref<32x125x1x80xi32, #tpu.memory_space<hbm>> -> memref<1x1x1x80xi32, #tpu.memory_space<hbm>>
    %dma_start3A_60 = tpu.memref_squeeze %dma_start3A_59 : memref<1x1x1x80xi32, #tpu.memory_space<hbm>> -> memref<1x80xi32, #tpu.memory_space<hbm>>
    %dma_start3A_61 = arith.constant 0 : i32
    %dma_start3A_62 = arith.constant 0 : i32
    %dma_start3A_63 = tpu.memref_slice %arg3[%add3A, %dma_start3A_56, %dma_start3A_61, %dma_start3A_62] : memref<32x125x1x80xi32, #tpu.memory_space<hbm>> -> memref<1x1x1x80xi32, #tpu.memory_space<hbm>>
    %dma_start3A_64 = tpu.memref_squeeze %dma_start3A_63 : memref<1x1x1x80xi32, #tpu.memory_space<hbm>> -> memref<1x80xi32, #tpu.memory_space<hbm>>
    tpu.enqueue_dma source(%dma_start3A_64 : memref<1x80xi32, #tpu.memory_space<hbm>>) target(%arg27 : memref<1x80xi32, #tpu.memory_space<vmem>>) target_semaphore(%arg31 : memref<!tpu.dma_semaphore, #tpu.memory_space<semaphore_mem>>)
    %dma_start3A_65 = arith.constant 3 : i32
    %dma_start3A_66 = arith.constant 0 : i32
    %dma_start3A_67 = arith.constant 0 : i32
    %dma_start3A_68 = tpu.memref_slice %arg4[%add3A, %dma_start3A_65, %dma_start3A_66, %dma_start3A_67] : memref<32x125x1x80xi32, #tpu.memory_space<hbm>> -> memref<1x1x1x80xi32, #tpu.memory_space<hbm>>
    %dma_start3A_69 = tpu.memref_squeeze %dma_start3A_68 : memref<1x1x1x80xi32, #tpu.memory_space<hbm>> -> memref<1x80xi32, #tpu.memory_space<hbm>>
    %dma_start3A_70 = arith.constant 0 : i32
    %dma_start3A_71 = arith.constant 0 : i32
    %dma_start3A_72 = tpu.memref_slice %arg4[%add3A, %dma_start3A_65, %dma_start3A_70, %dma_start3A_71] : memref<32x125x1x80xi32, #tpu.memory_space<hbm>> -> memref<1x1x1x80xi32, #tpu.memory_space<hbm>>
    %dma_start3A_73 = tpu.memref_squeeze %dma_start3A_72 : memref<1x1x1x80xi32, #tpu.memory_space<hbm>> -> memref<1x80xi32, #tpu.memory_space<hbm>>
    tpu.enqueue_dma source(%dma_start3A_73 : memref<1x80xi32, #tpu.memory_space<hbm>>) target(%arg11 : memref<1x80xi32, #tpu.memory_space<vmem>>) target_semaphore(%arg15 : memref<!tpu.dma_semaphore, #tpu.memory_space<semaphore_mem>>)
    %dma_wait3A = arith.constant 0 : i32
    %dma_wait3A_74 = arith.constant 0 : i32
    %dma_wait3A_75 = arith.constant 0 : i32
    %dma_wait3A_76 = tpu.memref_slice %arg3[%add3A, %dma_wait3A, %dma_wait3A_74, %dma_wait3A_75] : memref<32x125x1x80xi32, #tpu.memory_space<hbm>> -> memref<1x1x1x80xi32, #tpu.memory_space<hbm>>
    %dma_wait3A_77 = tpu.memref_squeeze %dma_wait3A_76 : memref<1x1x1x80xi32, #tpu.memory_space<hbm>> -> memref<1x80xi32, #tpu.memory_space<hbm>>
    %dma_wait3A_78 = arith.constant 0 : i32
    %dma_wait3A_79 = arith.constant 0 : i32
    %dma_wait3A_80 = tpu.memref_slice %arg3[%add3A, %dma_wait3A, %dma_wait3A_78, %dma_wait3A_79] : memref<32x125x1x80xi32, #tpu.memory_space<hbm>> -> memref<1x1x1x80xi32, #tpu.memory_space<hbm>>
    %dma_wait3A_81 = tpu.memref_squeeze %dma_wait3A_80 : memref<1x1x1x80xi32, #tpu.memory_space<hbm>> -> memref<1x80xi32, #tpu.memory_space<hbm>>
    tpu.wait_dma2 semaphore(%arg28 : memref<!tpu.dma_semaphore, #tpu.memory_space<semaphore_mem>>) src(%dma_wait3A_81 : memref<1x80xi32, #tpu.memory_space<hbm>>) dst(%arg24 : memref<1x80xi32, #tpu.memory_space<vmem>>)
    %dma_start3A_82 = arith.constant 0 : i32
    %dma_start3A_83 = arith.constant 0 : i32
    %dma_start3A_84 = tpu.memref_slice %arg24[%dma_start3A_82, %dma_start3A_83] : memref<1x80xi32, #tpu.memory_space<vmem>> -> memref<1x80xi32, #tpu.memory_space<vmem>>
    %dma_start3A_85 = tpu.memref_squeeze %dma_start3A_84 : memref<1x80xi32, #tpu.memory_space<vmem>> -> memref<80xi32, #tpu.memory_space<vmem>>
    %dma_start3A_86 = arith.constant 0 : i32
    %dma_start3A_87 = arith.constant 0 : i32
    %dma_start3A_88 = tpu.memref_slice %arg2[%dma_start3A_86, %dma_start3A_87] : memref<10000x128xf32, #tpu.memory_space<hbm>> -> memref<10000x128xf32, #tpu.memory_space<hbm>>
    tpu.enqueue_indirect_dma source(%dma_start3A_88 : memref<10000x128xf32, #tpu.memory_space<hbm>>) target(%arg20 : memref<80x128xf32, #tpu.memory_space<vmem>>) offsets(%dma_start3A_85 : memref<80xi32, #tpu.memory_space<vmem>>) semaphore(%arg16 : memref<!tpu.dma_semaphore, #tpu.memory_space<semaphore_mem>>)
    %dma_wait3A_89 = arith.constant 1 : i32
    %dma_wait3A_90 = arith.constant 0 : i32
    %dma_wait3A_91 = arith.constant 0 : i32
    %dma_wait3A_92 = tpu.memref_slice %arg3[%add3A, %dma_wait3A_89, %dma_wait3A_90, %dma_wait3A_91] : memref<32x125x1x80xi32, #tpu.memory_space<hbm>> -> memref<1x1x1x80xi32, #tpu.memory_space<hbm>>
    %dma_wait3A_93 = tpu.memref_squeeze %dma_wait3A_92 : memref<1x1x1x80xi32, #tpu.memory_space<hbm>> -> memref<1x80xi32, #tpu.memory_space<hbm>>
    %dma_wait3A_94 = arith.constant 0 : i32
    %dma_wait3A_95 = arith.constant 0 : i32
    %dma_wait3A_96 = tpu.memref_slice %arg3[%add3A, %dma_wait3A_89, %dma_wait3A_94, %dma_wait3A_95] : memref<32x125x1x80xi32, #tpu.memory_space<hbm>> -> memref<1x1x1x80xi32, #tpu.memory_space<hbm>>
    %dma_wait3A_97 = tpu.memref_squeeze %dma_wait3A_96 : memref<1x1x1x80xi32, #tpu.memory_space<hbm>> -> memref<1x80xi32, #tpu.memory_space<hbm>>
    tpu.wait_dma2 semaphore(%arg29 : memref<!tpu.dma_semaphore, #tpu.memory_space<semaphore_mem>>) src(%dma_wait3A_97 : memref<1x80xi32, #tpu.memory_space<hbm>>) dst(%arg25 : memref<1x80xi32, #tpu.memory_space<vmem>>)
    %dma_start3A_98 = arith.constant 0 : i32
    %dma_start3A_99 = arith.constant 0 : i32
    %dma_start3A_100 = tpu.memref_slice %arg25[%dma_start3A_98, %dma_start3A_99] : memref<1x80xi32, #tpu.memory_space<vmem>> -> memref<1x80xi32, #tpu.memory_space<vmem>>
    %dma_start3A_101 = tpu.memref_squeeze %dma_start3A_100 : memref<1x80xi32, #tpu.memory_space<vmem>> -> memref<80xi32, #tpu.memory_space<vmem>>
    %dma_start3A_102 = arith.constant 0 : i32
    %dma_start3A_103 = arith.constant 0 : i32
    %dma_start3A_104 = tpu.memref_slice %arg2[%dma_start3A_102, %dma_start3A_103] : memref<10000x128xf32, #tpu.memory_space<hbm>> -> memref<10000x128xf32, #tpu.memory_space<hbm>>
    tpu.enqueue_indirect_dma source(%dma_start3A_104 : memref<10000x128xf32, #tpu.memory_space<hbm>>) target(%arg21 : memref<80x128xf32, #tpu.memory_space<vmem>>) offsets(%dma_start3A_101 : memref<80xi32, #tpu.memory_space<vmem>>) semaphore(%arg17 : memref<!tpu.dma_semaphore, #tpu.memory_space<semaphore_mem>>)
    %dma_wait3A_105 = arith.constant 2 : i32
    %dma_wait3A_106 = arith.constant 0 : i32
    %dma_wait3A_107 = arith.constant 0 : i32
    %dma_wait3A_108 = tpu.memref_slice %arg3[%add3A, %dma_wait3A_105, %dma_wait3A_106, %dma_wait3A_107] : memref<32x125x1x80xi32, #tpu.memory_space<hbm>> -> memref<1x1x1x80xi32, #tpu.memory_space<hbm>>
    %dma_wait3A_109 = tpu.memref_squeeze %dma_wait3A_108 : memref<1x1x1x80xi32, #tpu.memory_space<hbm>> -> memref<1x80xi32, #tpu.memory_space<hbm>>
    %dma_wait3A_110 = arith.constant 0 : i32
    %dma_wait3A_111 = arith.constant 0 : i32
    %dma_wait3A_112 = tpu.memref_slice %arg3[%add3A, %dma_wait3A_105, %dma_wait3A_110, %dma_wait3A_111] : memref<32x125x1x80xi32, #tpu.memory_space<hbm>> -> memref<1x1x1x80xi32, #tpu.memory_space<hbm>>
    %dma_wait3A_113 = tpu.memref_squeeze %dma_wait3A_112 : memref<1x1x1x80xi32, #tpu.memory_space<hbm>> -> memref<1x80xi32, #tpu.memory_space<hbm>>
    tpu.wait_dma2 semaphore(%arg30 : memref<!tpu.dma_semaphore, #tpu.memory_space<semaphore_mem>>) src(%dma_wait3A_113 : memref<1x80xi32, #tpu.memory_space<hbm>>) dst(%arg26 : memref<1x80xi32, #tpu.memory_space<vmem>>)
    %dma_start3A_114 = arith.constant 0 : i32
    %dma_start3A_115 = arith.constant 0 : i32
    %dma_start3A_116 = tpu.memref_slice %arg26[%dma_start3A_114, %dma_start3A_115] : memref<1x80xi32, #tpu.memory_space<vmem>> -> memref<1x80xi32, #tpu.memory_space<vmem>>
    %dma_start3A_117 = tpu.memref_squeeze %dma_start3A_116 : memref<1x80xi32, #tpu.memory_space<vmem>> -> memref<80xi32, #tpu.memory_space<vmem>>
    %dma_start3A_118 = arith.constant 0 : i32
    %dma_start3A_119 = arith.constant 0 : i32
    %dma_start3A_120 = tpu.memref_slice %arg2[%dma_start3A_118, %dma_start3A_119] : memref<10000x128xf32, #tpu.memory_space<hbm>> -> memref<10000x128xf32, #tpu.memory_space<hbm>>
    tpu.enqueue_indirect_dma source(%dma_start3A_120 : memref<10000x128xf32, #tpu.memory_space<hbm>>) target(%arg22 : memref<80x128xf32, #tpu.memory_space<vmem>>) offsets(%dma_start3A_117 : memref<80xi32, #tpu.memory_space<vmem>>) semaphore(%arg18 : memref<!tpu.dma_semaphore, #tpu.memory_space<semaphore_mem>>)
    %dma_wait3A_121 = arith.constant 3 : i32
    %dma_wait3A_122 = arith.constant 0 : i32
    %dma_wait3A_123 = arith.constant 0 : i32
    %dma_wait3A_124 = tpu.memref_slice %arg3[%add3A, %dma_wait3A_121, %dma_wait3A_122, %dma_wait3A_123] : memref<32x125x1x80xi32, #tpu.memory_space<hbm>> -> memref<1x1x1x80xi32, #tpu.memory_space<hbm>>
    %dma_wait3A_125 = tpu.memref_squeeze %dma_wait3A_124 : memref<1x1x1x80xi32, #tpu.memory_space<hbm>> -> memref<1x80xi32, #tpu.memory_space<hbm>>
    %dma_wait3A_126 = arith.constant 0 : i32
    %dma_wait3A_127 = arith.constant 0 : i32
    %dma_wait3A_128 = tpu.memref_slice %arg3[%add3A, %dma_wait3A_121, %dma_wait3A_126, %dma_wait3A_127] : memref<32x125x1x80xi32, #tpu.memory_space<hbm>> -> memref<1x1x1x80xi32, #tpu.memory_space<hbm>>
    %dma_wait3A_129 = tpu.memref_squeeze %dma_wait3A_128 : memref<1x1x1x80xi32, #tpu.memory_space<hbm>> -> memref<1x80xi32, #tpu.memory_space<hbm>>
    tpu.wait_dma2 semaphore(%arg31 : memref<!tpu.dma_semaphore, #tpu.memory_space<semaphore_mem>>) src(%dma_wait3A_129 : memref<1x80xi32, #tpu.memory_space<hbm>>) dst(%arg27 : memref<1x80xi32, #tpu.memory_space<vmem>>)
    %dma_start3A_130 = arith.constant 0 : i32
    %dma_start3A_131 = arith.constant 0 : i32
    %dma_start3A_132 = tpu.memref_slice %arg27[%dma_start3A_130, %dma_start3A_131] : memref<1x80xi32, #tpu.memory_space<vmem>> -> memref<1x80xi32, #tpu.memory_space<vmem>>
    %dma_start3A_133 = tpu.memref_squeeze %dma_start3A_132 : memref<1x80xi32, #tpu.memory_space<vmem>> -> memref<80xi32, #tpu.memory_space<vmem>>
    %dma_start3A_134 = arith.constant 0 : i32
    %dma_start3A_135 = arith.constant 0 : i32
    %dma_start3A_136 = tpu.memref_slice %arg2[%dma_start3A_134, %dma_start3A_135] : memref<10000x128xf32, #tpu.memory_space<hbm>> -> memref<10000x128xf32, #tpu.memory_space<hbm>>
    tpu.enqueue_indirect_dma source(%dma_start3A_136 : memref<10000x128xf32, #tpu.memory_space<hbm>>) target(%arg23 : memref<80x128xf32, #tpu.memory_space<vmem>>) offsets(%dma_start3A_133 : memref<80xi32, #tpu.memory_space<vmem>>) semaphore(%arg19 : memref<!tpu.dma_semaphore, #tpu.memory_space<semaphore_mem>>)
    %scan3A = arith.constant 0 : i32
    %scan3A_137 = arith.constant 0 : i32
    %scan3A_138 = arith.constant 30 : i32
    %scan3A_139 = arith.addi %scan3A_137, %scan3A_138 : i32
    %scan3A_140 = arith.constant 1 : i32
    scf.for %scan3A_327 = %scan3A_137 to %scan3A_139 step %scan3A_140  : i32 {
      %mul3A_328 = arith.constant 4 : i32
      %mul3A_329 = arith.muli %mul3A_328, %scan3A_327 : i32
      %dma_wait3A_330 = arith.constant 0 : i32
      %dma_wait3A_331 = arith.constant 0 : i32
      %dma_wait3A_332 = tpu.memref_slice %arg24[%dma_wait3A_330, %dma_wait3A_331] : memref<1x80xi32, #tpu.memory_space<vmem>> -> memref<1x80xi32, #tpu.memory_space<vmem>>
      %dma_wait3A_333 = tpu.memref_squeeze %dma_wait3A_332 : memref<1x80xi32, #tpu.memory_space<vmem>> -> memref<80xi32, #tpu.memory_space<vmem>>
      %dma_wait3A_334 = arith.constant 0 : i32
      %dma_wait3A_335 = arith.constant 0 : i32
      %dma_wait3A_336 = tpu.memref_slice %arg2[%dma_wait3A_334, %dma_wait3A_335] : memref<10000x128xf32, #tpu.memory_space<hbm>> -> memref<10000x128xf32, #tpu.memory_space<hbm>>
      tpu.wait_indirect_dma semaphore(%arg16 : memref<!tpu.dma_semaphore, #tpu.memory_space<semaphore_mem>>) src(%dma_wait3A_336 : memref<10000x128xf32, #tpu.memory_space<hbm>>) dst(%arg20 : memref<80x128xf32, #tpu.memory_space<vmem>>)
      %add3A_337 = arith.constant 4 : i32
      %add3A_338 = arith.addi %mul3A_329, %add3A_337 : i32
      %add3A_339 = arith.constant 0 : i32
      %add3A_340 = arith.addi %add3A_338, %add3A_339 : i32
      %dma_start3A_341 = arith.constant 0 : i32
      %dma_start3A_342 = arith.constant 0 : i32
      %dma_start3A_343 = tpu.memref_slice %arg3[%add3A, %add3A_340, %dma_start3A_341, %dma_start3A_342] : memref<32x125x1x80xi32, #tpu.memory_space<hbm>> -> memref<1x1x1x80xi32, #tpu.memory_space<hbm>>
      %dma_start3A_344 = tpu.memref_squeeze %dma_start3A_343 : memref<1x1x1x80xi32, #tpu.memory_space<hbm>> -> memref<1x80xi32, #tpu.memory_space<hbm>>
      %dma_start3A_345 = arith.constant 0 : i32
      %dma_start3A_346 = arith.constant 0 : i32
      %dma_start3A_347 = tpu.memref_slice %arg3[%add3A, %add3A_340, %dma_start3A_345, %dma_start3A_346] : memref<32x125x1x80xi32, #tpu.memory_space<hbm>> -> memref<1x1x1x80xi32, #tpu.memory_space<hbm>>
      %dma_start3A_348 = tpu.memref_squeeze %dma_start3A_347 : memref<1x1x1x80xi32, #tpu.memory_space<hbm>> -> memref<1x80xi32, #tpu.memory_space<hbm>>
      tpu.enqueue_dma source(%dma_start3A_348 : memref<1x80xi32, #tpu.memory_space<hbm>>) target(%arg24 : memref<1x80xi32, #tpu.memory_space<vmem>>) target_semaphore(%arg28 : memref<!tpu.dma_semaphore, #tpu.memory_space<semaphore_mem>>)
      %add3A_349 = arith.constant 0 : i32
      %add3A_350 = arith.addi %mul3A_329, %add3A_349 : i32
      %dma_wait3A_351 = arith.constant 0 : i32
      %dma_wait3A_352 = arith.constant 0 : i32
      %dma_wait3A_353 = tpu.memref_slice %arg4[%add3A, %add3A_350, %dma_wait3A_351, %dma_wait3A_352] : memref<32x125x1x80xi32, #tpu.memory_space<hbm>> -> memref<1x1x1x80xi32, #tpu.memory_space<hbm>>
      %dma_wait3A_354 = tpu.memref_squeeze %dma_wait3A_353 : memref<1x1x1x80xi32, #tpu.memory_space<hbm>> -> memref<1x80xi32, #tpu.memory_space<hbm>>
      %dma_wait3A_355 = arith.constant 0 : i32
      %dma_wait3A_356 = arith.constant 0 : i32
      %dma_wait3A_357 = tpu.memref_slice %arg4[%add3A, %add3A_350, %dma_wait3A_355, %dma_wait3A_356] : memref<32x125x1x80xi32, #tpu.memory_space<hbm>> -> memref<1x1x1x80xi32, #tpu.memory_space<hbm>>
      %dma_wait3A_358 = tpu.memref_squeeze %dma_wait3A_357 : memref<1x1x1x80xi32, #tpu.memory_space<hbm>> -> memref<1x80xi32, #tpu.memory_space<hbm>>
      tpu.wait_dma2 semaphore(%arg12 : memref<!tpu.dma_semaphore, #tpu.memory_space<semaphore_mem>>) src(%dma_wait3A_358 : memref<1x80xi32, #tpu.memory_space<hbm>>) dst(%arg8 : memref<1x80xi32, #tpu.memory_space<vmem>>)
      %dma_start3A_359 = arith.constant 0 : i32
      %dma_start3A_360 = arith.constant 0 : i32
      %dma_start3A_361 = tpu.memref_slice %arg8[%dma_start3A_359, %dma_start3A_360] : memref<1x80xi32, #tpu.memory_space<vmem>> -> memref<1x80xi32, #tpu.memory_space<vmem>>
      %dma_start3A_362 = tpu.memref_squeeze %dma_start3A_361 : memref<1x80xi32, #tpu.memory_space<vmem>> -> memref<80xi32, #tpu.memory_space<vmem>>
      %dma_start3A_363 = arith.constant 0 : i32
      %dma_start3A_364 = arith.constant 0 : i32
      %dma_start3A_365 = tpu.memref_slice %arg7[%dma_start3A_363, %dma_start3A_364] : memref<10240x128xf32, #tpu.memory_space<vmem_shared>> -> memref<10240x128xf32, #tpu.memory_space<vmem_shared>>
      tpu.enqueue_indirect_dma source(%arg20 : memref<80x128xf32, #tpu.memory_space<vmem>>) target(%dma_start3A_365 : memref<10240x128xf32, #tpu.memory_space<vmem_shared>>) offsets(%dma_start3A_362 : memref<80xi32, #tpu.memory_space<vmem>>) semaphore(%arg32 : memref<!tpu.dma_semaphore, #tpu.memory_space<semaphore_mem>>) {add = true}
      %dma_wait3A_366 = arith.constant 0 : i32
      %dma_wait3A_367 = arith.constant 0 : i32
      %dma_wait3A_368 = tpu.memref_slice %arg25[%dma_wait3A_366, %dma_wait3A_367] : memref<1x80xi32, #tpu.memory_space<vmem>> -> memref<1x80xi32, #tpu.memory_space<vmem>>
      %dma_wait3A_369 = tpu.memref_squeeze %dma_wait3A_368 : memref<1x80xi32, #tpu.memory_space<vmem>> -> memref<80xi32, #tpu.memory_space<vmem>>
      %dma_wait3A_370 = arith.constant 0 : i32
      %dma_wait3A_371 = arith.constant 0 : i32
      %dma_wait3A_372 = tpu.memref_slice %arg2[%dma_wait3A_370, %dma_wait3A_371] : memref<10000x128xf32, #tpu.memory_space<hbm>> -> memref<10000x128xf32, #tpu.memory_space<hbm>>
      tpu.wait_indirect_dma semaphore(%arg17 : memref<!tpu.dma_semaphore, #tpu.memory_space<semaphore_mem>>) src(%dma_wait3A_372 : memref<10000x128xf32, #tpu.memory_space<hbm>>) dst(%arg21 : memref<80x128xf32, #tpu.memory_space<vmem>>)
      %add3A_373 = arith.constant 4 : i32
      %add3A_374 = arith.addi %mul3A_329, %add3A_373 : i32
      %add3A_375 = arith.constant 1 : i32
      %add3A_376 = arith.addi %add3A_374, %add3A_375 : i32
      %dma_start3A_377 = arith.constant 0 : i32
      %dma_start3A_378 = arith.constant 0 : i32
      %dma_start3A_379 = tpu.memref_slice %arg3[%add3A, %add3A_376, %dma_start3A_377, %dma_start3A_378] : memref<32x125x1x80xi32, #tpu.memory_space<hbm>> -> memref<1x1x1x80xi32, #tpu.memory_space<hbm>>
      %dma_start3A_380 = tpu.memref_squeeze %dma_start3A_379 : memref<1x1x1x80xi32, #tpu.memory_space<hbm>> -> memref<1x80xi32, #tpu.memory_space<hbm>>
      %dma_start3A_381 = arith.constant 0 : i32
      %dma_start3A_382 = arith.constant 0 : i32
      %dma_start3A_383 = tpu.memref_slice %arg3[%add3A, %add3A_376, %dma_start3A_381, %dma_start3A_382] : memref<32x125x1x80xi32, #tpu.memory_space<hbm>> -> memref<1x1x1x80xi32, #tpu.memory_space<hbm>>
      %dma_start3A_384 = tpu.memref_squeeze %dma_start3A_383 : memref<1x1x1x80xi32, #tpu.memory_space<hbm>> -> memref<1x80xi32, #tpu.memory_space<hbm>>
      tpu.enqueue_dma source(%dma_start3A_384 : memref<1x80xi32, #tpu.memory_space<hbm>>) target(%arg25 : memref<1x80xi32, #tpu.memory_space<vmem>>) target_semaphore(%arg29 : memref<!tpu.dma_semaphore, #tpu.memory_space<semaphore_mem>>)
      %add3A_385 = arith.constant 1 : i32
      %add3A_386 = arith.addi %mul3A_329, %add3A_385 : i32
      %dma_wait3A_387 = arith.constant 0 : i32
      %dma_wait3A_388 = arith.constant 0 : i32
      %dma_wait3A_389 = tpu.memref_slice %arg4[%add3A, %add3A_386, %dma_wait3A_387, %dma_wait3A_388] : memref<32x125x1x80xi32, #tpu.memory_space<hbm>> -> memref<1x1x1x80xi32, #tpu.memory_space<hbm>>
      %dma_wait3A_390 = tpu.memref_squeeze %dma_wait3A_389 : memref<1x1x1x80xi32, #tpu.memory_space<hbm>> -> memref<1x80xi32, #tpu.memory_space<hbm>>
      %dma_wait3A_391 = arith.constant 0 : i32
      %dma_wait3A_392 = arith.constant 0 : i32
      %dma_wait3A_393 = tpu.memref_slice %arg4[%add3A, %add3A_386, %dma_wait3A_391, %dma_wait3A_392] : memref<32x125x1x80xi32, #tpu.memory_space<hbm>> -> memref<1x1x1x80xi32, #tpu.memory_space<hbm>>
      %dma_wait3A_394 = tpu.memref_squeeze %dma_wait3A_393 : memref<1x1x1x80xi32, #tpu.memory_space<hbm>> -> memref<1x80xi32, #tpu.memory_space<hbm>>
      tpu.wait_dma2 semaphore(%arg13 : memref<!tpu.dma_semaphore, #tpu.memory_space<semaphore_mem>>) src(%dma_wait3A_394 : memref<1x80xi32, #tpu.memory_space<hbm>>) dst(%arg9 : memref<1x80xi32, #tpu.memory_space<vmem>>)
      %dma_start3A_395 = arith.constant 0 : i32
      %dma_start3A_396 = arith.constant 0 : i32
      %dma_start3A_397 = tpu.memref_slice %arg9[%dma_start3A_395, %dma_start3A_396] : memref<1x80xi32, #tpu.memory_space<vmem>> -> memref<1x80xi32, #tpu.memory_space<vmem>>
      %dma_start3A_398 = tpu.memref_squeeze %dma_start3A_397 : memref<1x80xi32, #tpu.memory_space<vmem>> -> memref<80xi32, #tpu.memory_space<vmem>>
      %dma_start3A_399 = arith.constant 0 : i32
      %dma_start3A_400 = arith.constant 0 : i32
      %dma_start3A_401 = tpu.memref_slice %arg7[%dma_start3A_399, %dma_start3A_400] : memref<10240x128xf32, #tpu.memory_space<vmem_shared>> -> memref<10240x128xf32, #tpu.memory_space<vmem_shared>>
      tpu.enqueue_indirect_dma source(%arg21 : memref<80x128xf32, #tpu.memory_space<vmem>>) target(%dma_start3A_401 : memref<10240x128xf32, #tpu.memory_space<vmem_shared>>) offsets(%dma_start3A_398 : memref<80xi32, #tpu.memory_space<vmem>>) semaphore(%arg33 : memref<!tpu.dma_semaphore, #tpu.memory_space<semaphore_mem>>) {add = true}
      %dma_wait3A_402 = arith.constant 0 : i32
      %dma_wait3A_403 = arith.constant 0 : i32
      %dma_wait3A_404 = tpu.memref_slice %arg26[%dma_wait3A_402, %dma_wait3A_403] : memref<1x80xi32, #tpu.memory_space<vmem>> -> memref<1x80xi32, #tpu.memory_space<vmem>>
      %dma_wait3A_405 = tpu.memref_squeeze %dma_wait3A_404 : memref<1x80xi32, #tpu.memory_space<vmem>> -> memref<80xi32, #tpu.memory_space<vmem>>
      %dma_wait3A_406 = arith.constant 0 : i32
      %dma_wait3A_407 = arith.constant 0 : i32
      %dma_wait3A_408 = tpu.memref_slice %arg2[%dma_wait3A_406, %dma_wait3A_407] : memref<10000x128xf32, #tpu.memory_space<hbm>> -> memref<10000x128xf32, #tpu.memory_space<hbm>>
      tpu.wait_indirect_dma semaphore(%arg18 : memref<!tpu.dma_semaphore, #tpu.memory_space<semaphore_mem>>) src(%dma_wait3A_408 : memref<10000x128xf32, #tpu.memory_space<hbm>>) dst(%arg22 : memref<80x128xf32, #tpu.memory_space<vmem>>)
      %add3A_409 = arith.constant 4 : i32
      %add3A_410 = arith.addi %mul3A_329, %add3A_409 : i32
      %add3A_411 = arith.constant 2 : i32
      %add3A_412 = arith.addi %add3A_410, %add3A_411 : i32
      %dma_start3A_413 = arith.constant 0 : i32
      %dma_start3A_414 = arith.constant 0 : i32
      %dma_start3A_415 = tpu.memref_slice %arg3[%add3A, %add3A_412, %dma_start3A_413, %dma_start3A_414] : memref<32x125x1x80xi32, #tpu.memory_space<hbm>> -> memref<1x1x1x80xi32, #tpu.memory_space<hbm>>
      %dma_start3A_416 = tpu.memref_squeeze %dma_start3A_415 : memref<1x1x1x80xi32, #tpu.memory_space<hbm>> -> memref<1x80xi32, #tpu.memory_space<hbm>>
      %dma_start3A_417 = arith.constant 0 : i32
      %dma_start3A_418 = arith.constant 0 : i32
      %dma_start3A_419 = tpu.memref_slice %arg3[%add3A, %add3A_412, %dma_start3A_417, %dma_start3A_418] : memref<32x125x1x80xi32, #tpu.memory_space<hbm>> -> memref<1x1x1x80xi32, #tpu.memory_space<hbm>>
      %dma_start3A_420 = tpu.memref_squeeze %dma_start3A_419 : memref<1x1x1x80xi32, #tpu.memory_space<hbm>> -> memref<1x80xi32, #tpu.memory_space<hbm>>
      tpu.enqueue_dma source(%dma_start3A_420 : memref<1x80xi32, #tpu.memory_space<hbm>>) target(%arg26 : memref<1x80xi32, #tpu.memory_space<vmem>>) target_semaphore(%arg30 : memref<!tpu.dma_semaphore, #tpu.memory_space<semaphore_mem>>)
      %add3A_421 = arith.constant 2 : i32
      %add3A_422 = arith.addi %mul3A_329, %add3A_421 : i32
      %dma_wait3A_423 = arith.constant 0 : i32
      %dma_wait3A_424 = arith.constant 0 : i32
      %dma_wait3A_425 = tpu.memref_slice %arg4[%add3A, %add3A_422, %dma_wait3A_423, %dma_wait3A_424] : memref<32x125x1x80xi32, #tpu.memory_space<hbm>> -> memref<1x1x1x80xi32, #tpu.memory_space<hbm>>
      %dma_wait3A_426 = tpu.memref_squeeze %dma_wait3A_425 : memref<1x1x1x80xi32, #tpu.memory_space<hbm>> -> memref<1x80xi32, #tpu.memory_space<hbm>>
      %dma_wait3A_427 = arith.constant 0 : i32
      %dma_wait3A_428 = arith.constant 0 : i32
      %dma_wait3A_429 = tpu.memref_slice %arg4[%add3A, %add3A_422, %dma_wait3A_427, %dma_wait3A_428] : memref<32x125x1x80xi32, #tpu.memory_space<hbm>> -> memref<1x1x1x80xi32, #tpu.memory_space<hbm>>
      %dma_wait3A_430 = tpu.memref_squeeze %dma_wait3A_429 : memref<1x1x1x80xi32, #tpu.memory_space<hbm>> -> memref<1x80xi32, #tpu.memory_space<hbm>>
      tpu.wait_dma2 semaphore(%arg14 : memref<!tpu.dma_semaphore, #tpu.memory_space<semaphore_mem>>) src(%dma_wait3A_430 : memref<1x80xi32, #tpu.memory_space<hbm>>) dst(%arg10 : memref<1x80xi32, #tpu.memory_space<vmem>>)
      %dma_start3A_431 = arith.constant 0 : i32
      %dma_start3A_432 = arith.constant 0 : i32
      %dma_start3A_433 = tpu.memref_slice %arg10[%dma_start3A_431, %dma_start3A_432] : memref<1x80xi32, #tpu.memory_space<vmem>> -> memref<1x80xi32, #tpu.memory_space<vmem>>
      %dma_start3A_434 = tpu.memref_squeeze %dma_start3A_433 : memref<1x80xi32, #tpu.memory_space<vmem>> -> memref<80xi32, #tpu.memory_space<vmem>>
      %dma_start3A_435 = arith.constant 0 : i32
      %dma_start3A_436 = arith.constant 0 : i32
      %dma_start3A_437 = tpu.memref_slice %arg7[%dma_start3A_435, %dma_start3A_436] : memref<10240x128xf32, #tpu.memory_space<vmem_shared>> -> memref<10240x128xf32, #tpu.memory_space<vmem_shared>>
      tpu.enqueue_indirect_dma source(%arg22 : memref<80x128xf32, #tpu.memory_space<vmem>>) target(%dma_start3A_437 : memref<10240x128xf32, #tpu.memory_space<vmem_shared>>) offsets(%dma_start3A_434 : memref<80xi32, #tpu.memory_space<vmem>>) semaphore(%arg34 : memref<!tpu.dma_semaphore, #tpu.memory_space<semaphore_mem>>) {add = true}
      %dma_wait3A_438 = arith.constant 0 : i32
      %dma_wait3A_439 = arith.constant 0 : i32
      %dma_wait3A_440 = tpu.memref_slice %arg27[%dma_wait3A_438, %dma_wait3A_439] : memref<1x80xi32, #tpu.memory_space<vmem>> -> memref<1x80xi32, #tpu.memory_space<vmem>>
      %dma_wait3A_441 = tpu.memref_squeeze %dma_wait3A_440 : memref<1x80xi32, #tpu.memory_space<vmem>> -> memref<80xi32, #tpu.memory_space<vmem>>
      %dma_wait3A_442 = arith.constant 0 : i32
      %dma_wait3A_443 = arith.constant 0 : i32
      %dma_wait3A_444 = tpu.memref_slice %arg2[%dma_wait3A_442, %dma_wait3A_443] : memref<10000x128xf32, #tpu.memory_space<hbm>> -> memref<10000x128xf32, #tpu.memory_space<hbm>>
      tpu.wait_indirect_dma semaphore(%arg19 : memref<!tpu.dma_semaphore, #tpu.memory_space<semaphore_mem>>) src(%dma_wait3A_444 : memref<10000x128xf32, #tpu.memory_space<hbm>>) dst(%arg23 : memref<80x128xf32, #tpu.memory_space<vmem>>)
      %add3A_445 = arith.constant 4 : i32
      %add3A_446 = arith.addi %mul3A_329, %add3A_445 : i32
      %add3A_447 = arith.constant 3 : i32
      %add3A_448 = arith.addi %add3A_446, %add3A_447 : i32
      %dma_start3A_449 = arith.constant 0 : i32
      %dma_start3A_450 = arith.constant 0 : i32
      %dma_start3A_451 = tpu.memref_slice %arg3[%add3A, %add3A_448, %dma_start3A_449, %dma_start3A_450] : memref<32x125x1x80xi32, #tpu.memory_space<hbm>> -> memref<1x1x1x80xi32, #tpu.memory_space<hbm>>
      %dma_start3A_452 = tpu.memref_squeeze %dma_start3A_451 : memref<1x1x1x80xi32, #tpu.memory_space<hbm>> -> memref<1x80xi32, #tpu.memory_space<hbm>>
      %dma_start3A_453 = arith.constant 0 : i32
      %dma_start3A_454 = arith.constant 0 : i32
      %dma_start3A_455 = tpu.memref_slice %arg3[%add3A, %add3A_448, %dma_start3A_453, %dma_start3A_454] : memref<32x125x1x80xi32, #tpu.memory_space<hbm>> -> memref<1x1x1x80xi32, #tpu.memory_space<hbm>>
      %dma_start3A_456 = tpu.memref_squeeze %dma_start3A_455 : memref<1x1x1x80xi32, #tpu.memory_space<hbm>> -> memref<1x80xi32, #tpu.memory_space<hbm>>
      tpu.enqueue_dma source(%dma_start3A_456 : memref<1x80xi32, #tpu.memory_space<hbm>>) target(%arg27 : memref<1x80xi32, #tpu.memory_space<vmem>>) target_semaphore(%arg31 : memref<!tpu.dma_semaphore, #tpu.memory_space<semaphore_mem>>)
      %add3A_457 = arith.constant 3 : i32
      %add3A_458 = arith.addi %mul3A_329, %add3A_457 : i32
      %dma_wait3A_459 = arith.constant 0 : i32
      %dma_wait3A_460 = arith.constant 0 : i32
      %dma_wait3A_461 = tpu.memref_slice %arg4[%add3A, %add3A_458, %dma_wait3A_459, %dma_wait3A_460] : memref<32x125x1x80xi32, #tpu.memory_space<hbm>> -> memref<1x1x1x80xi32, #tpu.memory_space<hbm>>
      %dma_wait3A_462 = tpu.memref_squeeze %dma_wait3A_461 : memref<1x1x1x80xi32, #tpu.memory_space<hbm>> -> memref<1x80xi32, #tpu.memory_space<hbm>>
      %dma_wait3A_463 = arith.constant 0 : i32
      %dma_wait3A_464 = arith.constant 0 : i32
      %dma_wait3A_465 = tpu.memref_slice %arg4[%add3A, %add3A_458, %dma_wait3A_463, %dma_wait3A_464] : memref<32x125x1x80xi32, #tpu.memory_space<hbm>> -> memref<1x1x1x80xi32, #tpu.memory_space<hbm>>
      %dma_wait3A_466 = tpu.memref_squeeze %dma_wait3A_465 : memref<1x1x1x80xi32, #tpu.memory_space<hbm>> -> memref<1x80xi32, #tpu.memory_space<hbm>>
      tpu.wait_dma2 semaphore(%arg15 : memref<!tpu.dma_semaphore, #tpu.memory_space<semaphore_mem>>) src(%dma_wait3A_466 : memref<1x80xi32, #tpu.memory_space<hbm>>) dst(%arg11 : memref<1x80xi32, #tpu.memory_space<vmem>>)
      %dma_start3A_467 = arith.constant 0 : i32
      %dma_start3A_468 = arith.constant 0 : i32
      %dma_start3A_469 = tpu.memref_slice %arg11[%dma_start3A_467, %dma_start3A_468] : memref<1x80xi32, #tpu.memory_space<vmem>> -> memref<1x80xi32, #tpu.memory_space<vmem>>
      %dma_start3A_470 = tpu.memref_squeeze %dma_start3A_469 : memref<1x80xi32, #tpu.memory_space<vmem>> -> memref<80xi32, #tpu.memory_space<vmem>>
      %dma_start3A_471 = arith.constant 0 : i32
      %dma_start3A_472 = arith.constant 0 : i32
      %dma_start3A_473 = tpu.memref_slice %arg7[%dma_start3A_471, %dma_start3A_472] : memref<10240x128xf32, #tpu.memory_space<vmem_shared>> -> memref<10240x128xf32, #tpu.memory_space<vmem_shared>>
      tpu.enqueue_indirect_dma source(%arg23 : memref<80x128xf32, #tpu.memory_space<vmem>>) target(%dma_start3A_473 : memref<10240x128xf32, #tpu.memory_space<vmem_shared>>) offsets(%dma_start3A_470 : memref<80xi32, #tpu.memory_space<vmem>>) semaphore(%arg35 : memref<!tpu.dma_semaphore, #tpu.memory_space<semaphore_mem>>) {add = true}
      %dma_wait3A_474 = arith.constant 0 : i32
      %dma_wait3A_475 = arith.constant 0 : i32
      %dma_wait3A_476 = tpu.memref_slice %arg8[%dma_wait3A_474, %dma_wait3A_475] : memref<1x80xi32, #tpu.memory_space<vmem>> -> memref<1x80xi32, #tpu.memory_space<vmem>>
      %dma_wait3A_477 = tpu.memref_squeeze %dma_wait3A_476 : memref<1x80xi32, #tpu.memory_space<vmem>> -> memref<80xi32, #tpu.memory_space<vmem>>
      %dma_wait3A_478 = arith.constant 0 : i32
      %dma_wait3A_479 = arith.constant 0 : i32
      %dma_wait3A_480 = tpu.memref_slice %arg7[%dma_wait3A_478, %dma_wait3A_479] : memref<10240x128xf32, #tpu.memory_space<vmem_shared>> -> memref<10240x128xf32, #tpu.memory_space<vmem_shared>>
      tpu.wait_indirect_dma semaphore(%arg32 : memref<!tpu.dma_semaphore, #tpu.memory_space<semaphore_mem>>) src(%arg20 : memref<80x128xf32, #tpu.memory_space<vmem>>) dst(%dma_wait3A_480 : memref<10240x128xf32, #tpu.memory_space<vmem_shared>>)
      %add3A_481 = arith.constant 4 : i32
      %add3A_482 = arith.addi %mul3A_329, %add3A_481 : i32
      %add3A_483 = arith.constant 0 : i32
      %add3A_484 = arith.addi %add3A_482, %add3A_483 : i32
      %dma_start3A_485 = arith.constant 0 : i32
      %dma_start3A_486 = arith.constant 0 : i32
      %dma_start3A_487 = tpu.memref_slice %arg4[%add3A, %add3A_484, %dma_start3A_485, %dma_start3A_486] : memref<32x125x1x80xi32, #tpu.memory_space<hbm>> -> memref<1x1x1x80xi32, #tpu.memory_space<hbm>>
      %dma_start3A_488 = tpu.memref_squeeze %dma_start3A_487 : memref<1x1x1x80xi32, #tpu.memory_space<hbm>> -> memref<1x80xi32, #tpu.memory_space<hbm>>
      %dma_start3A_489 = arith.constant 0 : i32
      %dma_start3A_490 = arith.constant 0 : i32
      %dma_start3A_491 = tpu.memref_slice %arg4[%add3A, %add3A_484, %dma_start3A_489, %dma_start3A_490] : memref<32x125x1x80xi32, #tpu.memory_space<hbm>> -> memref<1x1x1x80xi32, #tpu.memory_space<hbm>>
      %dma_start3A_492 = tpu.memref_squeeze %dma_start3A_491 : memref<1x1x1x80xi32, #tpu.memory_space<hbm>> -> memref<1x80xi32, #tpu.memory_space<hbm>>
      tpu.enqueue_dma source(%dma_start3A_492 : memref<1x80xi32, #tpu.memory_space<hbm>>) target(%arg8 : memref<1x80xi32, #tpu.memory_space<vmem>>) target_semaphore(%arg12 : memref<!tpu.dma_semaphore, #tpu.memory_space<semaphore_mem>>)
      %add3A_493 = arith.constant 4 : i32
      %add3A_494 = arith.addi %mul3A_329, %add3A_493 : i32
      %add3A_495 = arith.constant 0 : i32
      %add3A_496 = arith.addi %add3A_494, %add3A_495 : i32
      %dma_wait3A_497 = arith.constant 0 : i32
      %dma_wait3A_498 = arith.constant 0 : i32
      %dma_wait3A_499 = tpu.memref_slice %arg3[%add3A, %add3A_496, %dma_wait3A_497, %dma_wait3A_498] : memref<32x125x1x80xi32, #tpu.memory_space<hbm>> -> memref<1x1x1x80xi32, #tpu.memory_space<hbm>>
      %dma_wait3A_500 = tpu.memref_squeeze %dma_wait3A_499 : memref<1x1x1x80xi32, #tpu.memory_space<hbm>> -> memref<1x80xi32, #tpu.memory_space<hbm>>
      %dma_wait3A_501 = arith.constant 0 : i32
      %dma_wait3A_502 = arith.constant 0 : i32
      %dma_wait3A_503 = tpu.memref_slice %arg3[%add3A, %add3A_496, %dma_wait3A_501, %dma_wait3A_502] : memref<32x125x1x80xi32, #tpu.memory_space<hbm>> -> memref<1x1x1x80xi32, #tpu.memory_space<hbm>>
      %dma_wait3A_504 = tpu.memref_squeeze %dma_wait3A_503 : memref<1x1x1x80xi32, #tpu.memory_space<hbm>> -> memref<1x80xi32, #tpu.memory_space<hbm>>
      tpu.wait_dma2 semaphore(%arg28 : memref<!tpu.dma_semaphore, #tpu.memory_space<semaphore_mem>>) src(%dma_wait3A_504 : memref<1x80xi32, #tpu.memory_space<hbm>>) dst(%arg24 : memref<1x80xi32, #tpu.memory_space<vmem>>)
      %dma_start3A_505 = arith.constant 0 : i32
      %dma_start3A_506 = arith.constant 0 : i32
      %dma_start3A_507 = tpu.memref_slice %arg24[%dma_start3A_505, %dma_start3A_506] : memref<1x80xi32, #tpu.memory_space<vmem>> -> memref<1x80xi32, #tpu.memory_space<vmem>>
      %dma_start3A_508 = tpu.memref_squeeze %dma_start3A_507 : memref<1x80xi32, #tpu.memory_space<vmem>> -> memref<80xi32, #tpu.memory_space<vmem>>
      %dma_start3A_509 = arith.constant 0 : i32
      %dma_start3A_510 = arith.constant 0 : i32
      %dma_start3A_511 = tpu.memref_slice %arg2[%dma_start3A_509, %dma_start3A_510] : memref<10000x128xf32, #tpu.memory_space<hbm>> -> memref<10000x128xf32, #tpu.memory_space<hbm>>
      tpu.enqueue_indirect_dma source(%dma_start3A_511 : memref<10000x128xf32, #tpu.memory_space<hbm>>) target(%arg20 : memref<80x128xf32, #tpu.memory_space<vmem>>) offsets(%dma_start3A_508 : memref<80xi32, #tpu.memory_space<vmem>>) semaphore(%arg16 : memref<!tpu.dma_semaphore, #tpu.memory_space<semaphore_mem>>)
      %dma_wait3A_512 = arith.constant 0 : i32
      %dma_wait3A_513 = arith.constant 0 : i32
      %dma_wait3A_514 = tpu.memref_slice %arg9[%dma_wait3A_512, %dma_wait3A_513] : memref<1x80xi32, #tpu.memory_space<vmem>> -> memref<1x80xi32, #tpu.memory_space<vmem>>
      %dma_wait3A_515 = tpu.memref_squeeze %dma_wait3A_514 : memref<1x80xi32, #tpu.memory_space<vmem>> -> memref<80xi32, #tpu.memory_space<vmem>>
      %dma_wait3A_516 = arith.constant 0 : i32
      %dma_wait3A_517 = arith.constant 0 : i32
      %dma_wait3A_518 = tpu.memref_slice %arg7[%dma_wait3A_516, %dma_wait3A_517] : memref<10240x128xf32, #tpu.memory_space<vmem_shared>> -> memref<10240x128xf32, #tpu.memory_space<vmem_shared>>
      tpu.wait_indirect_dma semaphore(%arg33 : memref<!tpu.dma_semaphore, #tpu.memory_space<semaphore_mem>>) src(%arg21 : memref<80x128xf32, #tpu.memory_space<vmem>>) dst(%dma_wait3A_518 : memref<10240x128xf32, #tpu.memory_space<vmem_shared>>)
      %add3A_519 = arith.constant 4 : i32
      %add3A_520 = arith.addi %mul3A_329, %add3A_519 : i32
      %add3A_521 = arith.constant 1 : i32
      %add3A_522 = arith.addi %add3A_520, %add3A_521 : i32
      %dma_start3A_523 = arith.constant 0 : i32
      %dma_start3A_524 = arith.constant 0 : i32
      %dma_start3A_525 = tpu.memref_slice %arg4[%add3A, %add3A_522, %dma_start3A_523, %dma_start3A_524] : memref<32x125x1x80xi32, #tpu.memory_space<hbm>> -> memref<1x1x1x80xi32, #tpu.memory_space<hbm>>
      %dma_start3A_526 = tpu.memref_squeeze %dma_start3A_525 : memref<1x1x1x80xi32, #tpu.memory_space<hbm>> -> memref<1x80xi32, #tpu.memory_space<hbm>>
      %dma_start3A_527 = arith.constant 0 : i32
      %dma_start3A_528 = arith.constant 0 : i32
      %dma_start3A_529 = tpu.memref_slice %arg4[%add3A, %add3A_522, %dma_start3A_527, %dma_start3A_528] : memref<32x125x1x80xi32, #tpu.memory_space<hbm>> -> memref<1x1x1x80xi32, #tpu.memory_space<hbm>>
      %dma_start3A_530 = tpu.memref_squeeze %dma_start3A_529 : memref<1x1x1x80xi32, #tpu.memory_space<hbm>> -> memref<1x80xi32, #tpu.memory_space<hbm>>
      tpu.enqueue_dma source(%dma_start3A_530 : memref<1x80xi32, #tpu.memory_space<hbm>>) target(%arg9 : memref<1x80xi32, #tpu.memory_space<vmem>>) target_semaphore(%arg13 : memref<!tpu.dma_semaphore, #tpu.memory_space<semaphore_mem>>)
      %add3A_531 = arith.constant 4 : i32
      %add3A_532 = arith.addi %mul3A_329, %add3A_531 : i32
      %add3A_533 = arith.constant 1 : i32
      %add3A_534 = arith.addi %add3A_532, %add3A_533 : i32
      %dma_wait3A_535 = arith.constant 0 : i32
      %dma_wait3A_536 = arith.constant 0 : i32
      %dma_wait3A_537 = tpu.memref_slice %arg3[%add3A, %add3A_534, %dma_wait3A_535, %dma_wait3A_536] : memref<32x125x1x80xi32, #tpu.memory_space<hbm>> -> memref<1x1x1x80xi32, #tpu.memory_space<hbm>>
      %dma_wait3A_538 = tpu.memref_squeeze %dma_wait3A_537 : memref<1x1x1x80xi32, #tpu.memory_space<hbm>> -> memref<1x80xi32, #tpu.memory_space<hbm>>
      %dma_wait3A_539 = arith.constant 0 : i32
      %dma_wait3A_540 = arith.constant 0 : i32
      %dma_wait3A_541 = tpu.memref_slice %arg3[%add3A, %add3A_534, %dma_wait3A_539, %dma_wait3A_540] : memref<32x125x1x80xi32, #tpu.memory_space<hbm>> -> memref<1x1x1x80xi32, #tpu.memory_space<hbm>>
      %dma_wait3A_542 = tpu.memref_squeeze %dma_wait3A_541 : memref<1x1x1x80xi32, #tpu.memory_space<hbm>> -> memref<1x80xi32, #tpu.memory_space<hbm>>
      tpu.wait_dma2 semaphore(%arg29 : memref<!tpu.dma_semaphore, #tpu.memory_space<semaphore_mem>>) src(%dma_wait3A_542 : memref<1x80xi32, #tpu.memory_space<hbm>>) dst(%arg25 : memref<1x80xi32, #tpu.memory_space<vmem>>)
      %dma_start3A_543 = arith.constant 0 : i32
      %dma_start3A_544 = arith.constant 0 : i32
      %dma_start3A_545 = tpu.memref_slice %arg25[%dma_start3A_543, %dma_start3A_544] : memref<1x80xi32, #tpu.memory_space<vmem>> -> memref<1x80xi32, #tpu.memory_space<vmem>>
      %dma_start3A_546 = tpu.memref_squeeze %dma_start3A_545 : memref<1x80xi32, #tpu.memory_space<vmem>> -> memref<80xi32, #tpu.memory_space<vmem>>
      %dma_start3A_547 = arith.constant 0 : i32
      %dma_start3A_548 = arith.constant 0 : i32
      %dma_start3A_549 = tpu.memref_slice %arg2[%dma_start3A_547, %dma_start3A_548] : memref<10000x128xf32, #tpu.memory_space<hbm>> -> memref<10000x128xf32, #tpu.memory_space<hbm>>
      tpu.enqueue_indirect_dma source(%dma_start3A_549 : memref<10000x128xf32, #tpu.memory_space<hbm>>) target(%arg21 : memref<80x128xf32, #tpu.memory_space<vmem>>) offsets(%dma_start3A_546 : memref<80xi32, #tpu.memory_space<vmem>>) semaphore(%arg17 : memref<!tpu.dma_semaphore, #tpu.memory_space<semaphore_mem>>)
      %dma_wait3A_550 = arith.constant 0 : i32
      %dma_wait3A_551 = arith.constant 0 : i32
      %dma_wait3A_552 = tpu.memref_slice %arg10[%dma_wait3A_550, %dma_wait3A_551] : memref<1x80xi32, #tpu.memory_space<vmem>> -> memref<1x80xi32, #tpu.memory_space<vmem>>
      %dma_wait3A_553 = tpu.memref_squeeze %dma_wait3A_552 : memref<1x80xi32, #tpu.memory_space<vmem>> -> memref<80xi32, #tpu.memory_space<vmem>>
      %dma_wait3A_554 = arith.constant 0 : i32
      %dma_wait3A_555 = arith.constant 0 : i32
      %dma_wait3A_556 = tpu.memref_slice %arg7[%dma_wait3A_554, %dma_wait3A_555] : memref<10240x128xf32, #tpu.memory_space<vmem_shared>> -> memref<10240x128xf32, #tpu.memory_space<vmem_shared>>
      tpu.wait_indirect_dma semaphore(%arg34 : memref<!tpu.dma_semaphore, #tpu.memory_space<semaphore_mem>>) src(%arg22 : memref<80x128xf32, #tpu.memory_space<vmem>>) dst(%dma_wait3A_556 : memref<10240x128xf32, #tpu.memory_space<vmem_shared>>)
      %add3A_557 = arith.constant 4 : i32
      %add3A_558 = arith.addi %mul3A_329, %add3A_557 : i32
      %add3A_559 = arith.constant 2 : i32
      %add3A_560 = arith.addi %add3A_558, %add3A_559 : i32
      %dma_start3A_561 = arith.constant 0 : i32
      %dma_start3A_562 = arith.constant 0 : i32
      %dma_start3A_563 = tpu.memref_slice %arg4[%add3A, %add3A_560, %dma_start3A_561, %dma_start3A_562] : memref<32x125x1x80xi32, #tpu.memory_space<hbm>> -> memref<1x1x1x80xi32, #tpu.memory_space<hbm>>
      %dma_start3A_564 = tpu.memref_squeeze %dma_start3A_563 : memref<1x1x1x80xi32, #tpu.memory_space<hbm>> -> memref<1x80xi32, #tpu.memory_space<hbm>>
      %dma_start3A_565 = arith.constant 0 : i32
      %dma_start3A_566 = arith.constant 0 : i32
      %dma_start3A_567 = tpu.memref_slice %arg4[%add3A, %add3A_560, %dma_start3A_565, %dma_start3A_566] : memref<32x125x1x80xi32, #tpu.memory_space<hbm>> -> memref<1x1x1x80xi32, #tpu.memory_space<hbm>>
      %dma_start3A_568 = tpu.memref_squeeze %dma_start3A_567 : memref<1x1x1x80xi32, #tpu.memory_space<hbm>> -> memref<1x80xi32, #tpu.memory_space<hbm>>
      tpu.enqueue_dma source(%dma_start3A_568 : memref<1x80xi32, #tpu.memory_space<hbm>>) target(%arg10 : memref<1x80xi32, #tpu.memory_space<vmem>>) target_semaphore(%arg14 : memref<!tpu.dma_semaphore, #tpu.memory_space<semaphore_mem>>)
      %add3A_569 = arith.constant 4 : i32
      %add3A_570 = arith.addi %mul3A_329, %add3A_569 : i32
      %add3A_571 = arith.constant 2 : i32
      %add3A_572 = arith.addi %add3A_570, %add3A_571 : i32
      %dma_wait3A_573 = arith.constant 0 : i32
      %dma_wait3A_574 = arith.constant 0 : i32
      %dma_wait3A_575 = tpu.memref_slice %arg3[%add3A, %add3A_572, %dma_wait3A_573, %dma_wait3A_574] : memref<32x125x1x80xi32, #tpu.memory_space<hbm>> -> memref<1x1x1x80xi32, #tpu.memory_space<hbm>>
      %dma_wait3A_576 = tpu.memref_squeeze %dma_wait3A_575 : memref<1x1x1x80xi32, #tpu.memory_space<hbm>> -> memref<1x80xi32, #tpu.memory_space<hbm>>
      %dma_wait3A_577 = arith.constant 0 : i32
      %dma_wait3A_578 = arith.constant 0 : i32
      %dma_wait3A_579 = tpu.memref_slice %arg3[%add3A, %add3A_572, %dma_wait3A_577, %dma_wait3A_578] : memref<32x125x1x80xi32, #tpu.memory_space<hbm>> -> memref<1x1x1x80xi32, #tpu.memory_space<hbm>>
      %dma_wait3A_580 = tpu.memref_squeeze %dma_wait3A_579 : memref<1x1x1x80xi32, #tpu.memory_space<hbm>> -> memref<1x80xi32, #tpu.memory_space<hbm>>
      tpu.wait_dma2 semaphore(%arg30 : memref<!tpu.dma_semaphore, #tpu.memory_space<semaphore_mem>>) src(%dma_wait3A_580 : memref<1x80xi32, #tpu.memory_space<hbm>>) dst(%arg26 : memref<1x80xi32, #tpu.memory_space<vmem>>)
      %dma_start3A_581 = arith.constant 0 : i32
      %dma_start3A_582 = arith.constant 0 : i32
      %dma_start3A_583 = tpu.memref_slice %arg26[%dma_start3A_581, %dma_start3A_582] : memref<1x80xi32, #tpu.memory_space<vmem>> -> memref<1x80xi32, #tpu.memory_space<vmem>>
      %dma_start3A_584 = tpu.memref_squeeze %dma_start3A_583 : memref<1x80xi32, #tpu.memory_space<vmem>> -> memref<80xi32, #tpu.memory_space<vmem>>
      %dma_start3A_585 = arith.constant 0 : i32
      %dma_start3A_586 = arith.constant 0 : i32
      %dma_start3A_587 = tpu.memref_slice %arg2[%dma_start3A_585, %dma_start3A_586] : memref<10000x128xf32, #tpu.memory_space<hbm>> -> memref<10000x128xf32, #tpu.memory_space<hbm>>
      tpu.enqueue_indirect_dma source(%dma_start3A_587 : memref<10000x128xf32, #tpu.memory_space<hbm>>) target(%arg22 : memref<80x128xf32, #tpu.memory_space<vmem>>) offsets(%dma_start3A_584 : memref<80xi32, #tpu.memory_space<vmem>>) semaphore(%arg18 : memref<!tpu.dma_semaphore, #tpu.memory_space<semaphore_mem>>)
      %dma_wait3A_588 = arith.constant 0 : i32
      %dma_wait3A_589 = arith.constant 0 : i32
      %dma_wait3A_590 = tpu.memref_slice %arg11[%dma_wait3A_588, %dma_wait3A_589] : memref<1x80xi32, #tpu.memory_space<vmem>> -> memref<1x80xi32, #tpu.memory_space<vmem>>
      %dma_wait3A_591 = tpu.memref_squeeze %dma_wait3A_590 : memref<1x80xi32, #tpu.memory_space<vmem>> -> memref<80xi32, #tpu.memory_space<vmem>>
      %dma_wait3A_592 = arith.constant 0 : i32
      %dma_wait3A_593 = arith.constant 0 : i32
      %dma_wait3A_594 = tpu.memref_slice %arg7[%dma_wait3A_592, %dma_wait3A_593] : memref<10240x128xf32, #tpu.memory_space<vmem_shared>> -> memref<10240x128xf32, #tpu.memory_space<vmem_shared>>
      tpu.wait_indirect_dma semaphore(%arg35 : memref<!tpu.dma_semaphore, #tpu.memory_space<semaphore_mem>>) src(%arg23 : memref<80x128xf32, #tpu.memory_space<vmem>>) dst(%dma_wait3A_594 : memref<10240x128xf32, #tpu.memory_space<vmem_shared>>)
      %add3A_595 = arith.constant 4 : i32
      %add3A_596 = arith.addi %mul3A_329, %add3A_595 : i32
      %add3A_597 = arith.constant 3 : i32
      %add3A_598 = arith.addi %add3A_596, %add3A_597 : i32
      %dma_start3A_599 = arith.constant 0 : i32
      %dma_start3A_600 = arith.constant 0 : i32
      %dma_start3A_601 = tpu.memref_slice %arg4[%add3A, %add3A_598, %dma_start3A_599, %dma_start3A_600] : memref<32x125x1x80xi32, #tpu.memory_space<hbm>> -> memref<1x1x1x80xi32, #tpu.memory_space<hbm>>
      %dma_start3A_602 = tpu.memref_squeeze %dma_start3A_601 : memref<1x1x1x80xi32, #tpu.memory_space<hbm>> -> memref<1x80xi32, #tpu.memory_space<hbm>>
      %dma_start3A_603 = arith.constant 0 : i32
      %dma_start3A_604 = arith.constant 0 : i32
      %dma_start3A_605 = tpu.memref_slice %arg4[%add3A, %add3A_598, %dma_start3A_603, %dma_start3A_604] : memref<32x125x1x80xi32, #tpu.memory_space<hbm>> -> memref<1x1x1x80xi32, #tpu.memory_space<hbm>>
      %dma_start3A_606 = tpu.memref_squeeze %dma_start3A_605 : memref<1x1x1x80xi32, #tpu.memory_space<hbm>> -> memref<1x80xi32, #tpu.memory_space<hbm>>
      tpu.enqueue_dma source(%dma_start3A_606 : memref<1x80xi32, #tpu.memory_space<hbm>>) target(%arg11 : memref<1x80xi32, #tpu.memory_space<vmem>>) target_semaphore(%arg15 : memref<!tpu.dma_semaphore, #tpu.memory_space<semaphore_mem>>)
      %add3A_607 = arith.constant 4 : i32
      %add3A_608 = arith.addi %mul3A_329, %add3A_607 : i32
      %add3A_609 = arith.constant 3 : i32
      %add3A_610 = arith.addi %add3A_608, %add3A_609 : i32
      %dma_wait3A_611 = arith.constant 0 : i32
      %dma_wait3A_612 = arith.constant 0 : i32
      %dma_wait3A_613 = tpu.memref_slice %arg3[%add3A, %add3A_610, %dma_wait3A_611, %dma_wait3A_612] : memref<32x125x1x80xi32, #tpu.memory_space<hbm>> -> memref<1x1x1x80xi32, #tpu.memory_space<hbm>>
      %dma_wait3A_614 = tpu.memref_squeeze %dma_wait3A_613 : memref<1x1x1x80xi32, #tpu.memory_space<hbm>> -> memref<1x80xi32, #tpu.memory_space<hbm>>
      %dma_wait3A_615 = arith.constant 0 : i32
      %dma_wait3A_616 = arith.constant 0 : i32
      %dma_wait3A_617 = tpu.memref_slice %arg3[%add3A, %add3A_610, %dma_wait3A_615, %dma_wait3A_616] : memref<32x125x1x80xi32, #tpu.memory_space<hbm>> -> memref<1x1x1x80xi32, #tpu.memory_space<hbm>>
      %dma_wait3A_618 = tpu.memref_squeeze %dma_wait3A_617 : memref<1x1x1x80xi32, #tpu.memory_space<hbm>> -> memref<1x80xi32, #tpu.memory_space<hbm>>
      tpu.wait_dma2 semaphore(%arg31 : memref<!tpu.dma_semaphore, #tpu.memory_space<semaphore_mem>>) src(%dma_wait3A_618 : memref<1x80xi32, #tpu.memory_space<hbm>>) dst(%arg27 : memref<1x80xi32, #tpu.memory_space<vmem>>)
      %dma_start3A_619 = arith.constant 0 : i32
      %dma_start3A_620 = arith.constant 0 : i32
      %dma_start3A_621 = tpu.memref_slice %arg27[%dma_start3A_619, %dma_start3A_620] : memref<1x80xi32, #tpu.memory_space<vmem>> -> memref<1x80xi32, #tpu.memory_space<vmem>>
      %dma_start3A_622 = tpu.memref_squeeze %dma_start3A_621 : memref<1x80xi32, #tpu.memory_space<vmem>> -> memref<80xi32, #tpu.memory_space<vmem>>
      %dma_start3A_623 = arith.constant 0 : i32
      %dma_start3A_624 = arith.constant 0 : i32
      %dma_start3A_625 = tpu.memref_slice %arg2[%dma_start3A_623, %dma_start3A_624] : memref<10000x128xf32, #tpu.memory_space<hbm>> -> memref<10000x128xf32, #tpu.memory_space<hbm>>
      tpu.enqueue_indirect_dma source(%dma_start3A_625 : memref<10000x128xf32, #tpu.memory_space<hbm>>) target(%arg23 : memref<80x128xf32, #tpu.memory_space<vmem>>) offsets(%dma_start3A_622 : memref<80xi32, #tpu.memory_space<vmem>>) semaphore(%arg19 : memref<!tpu.dma_semaphore, #tpu.memory_space<semaphore_mem>>)
    }
    %scan3A_141 = arith.constant 30 : i32
    %dma_wait3A_142 = arith.constant 0 : i32
    %dma_wait3A_143 = arith.constant 0 : i32
    %dma_wait3A_144 = tpu.memref_slice %arg24[%dma_wait3A_142, %dma_wait3A_143] : memref<1x80xi32, #tpu.memory_space<vmem>> -> memref<1x80xi32, #tpu.memory_space<vmem>>
    %dma_wait3A_145 = tpu.memref_squeeze %dma_wait3A_144 : memref<1x80xi32, #tpu.memory_space<vmem>> -> memref<80xi32, #tpu.memory_space<vmem>>
    %dma_wait3A_146 = arith.constant 0 : i32
    %dma_wait3A_147 = arith.constant 0 : i32
    %dma_wait3A_148 = tpu.memref_slice %arg2[%dma_wait3A_146, %dma_wait3A_147] : memref<10000x128xf32, #tpu.memory_space<hbm>> -> memref<10000x128xf32, #tpu.memory_space<hbm>>
    tpu.wait_indirect_dma semaphore(%arg16 : memref<!tpu.dma_semaphore, #tpu.memory_space<semaphore_mem>>) src(%dma_wait3A_148 : memref<10000x128xf32, #tpu.memory_space<hbm>>) dst(%arg20 : memref<80x128xf32, #tpu.memory_space<vmem>>)
    %dma_start3A_149 = arith.constant 124 : i32
    %dma_start3A_150 = arith.constant 0 : i32
    %dma_start3A_151 = arith.constant 0 : i32
    %dma_start3A_152 = tpu.memref_slice %arg3[%add3A, %dma_start3A_149, %dma_start3A_150, %dma_start3A_151] : memref<32x125x1x80xi32, #tpu.memory_space<hbm>> -> memref<1x1x1x80xi32, #tpu.memory_space<hbm>>
    %dma_start3A_153 = tpu.memref_squeeze %dma_start3A_152 : memref<1x1x1x80xi32, #tpu.memory_space<hbm>> -> memref<1x80xi32, #tpu.memory_space<hbm>>
    %dma_start3A_154 = arith.constant 0 : i32
    %dma_start3A_155 = arith.constant 0 : i32
    %dma_start3A_156 = tpu.memref_slice %arg3[%add3A, %dma_start3A_149, %dma_start3A_154, %dma_start3A_155] : memref<32x125x1x80xi32, #tpu.memory_space<hbm>> -> memref<1x1x1x80xi32, #tpu.memory_space<hbm>>
    %dma_start3A_157 = tpu.memref_squeeze %dma_start3A_156 : memref<1x1x1x80xi32, #tpu.memory_space<hbm>> -> memref<1x80xi32, #tpu.memory_space<hbm>>
    tpu.enqueue_dma source(%dma_start3A_157 : memref<1x80xi32, #tpu.memory_space<hbm>>) target(%arg24 : memref<1x80xi32, #tpu.memory_space<vmem>>) target_semaphore(%arg28 : memref<!tpu.dma_semaphore, #tpu.memory_space<semaphore_mem>>)
    %dma_wait3A_158 = arith.constant 120 : i32
    %dma_wait3A_159 = arith.constant 0 : i32
    %dma_wait3A_160 = arith.constant 0 : i32
    %dma_wait3A_161 = tpu.memref_slice %arg4[%add3A, %dma_wait3A_158, %dma_wait3A_159, %dma_wait3A_160] : memref<32x125x1x80xi32, #tpu.memory_space<hbm>> -> memref<1x1x1x80xi32, #tpu.memory_space<hbm>>
    %dma_wait3A_162 = tpu.memref_squeeze %dma_wait3A_161 : memref<1x1x1x80xi32, #tpu.memory_space<hbm>> -> memref<1x80xi32, #tpu.memory_space<hbm>>
    %dma_wait3A_163 = arith.constant 0 : i32
    %dma_wait3A_164 = arith.constant 0 : i32
    %dma_wait3A_165 = tpu.memref_slice %arg4[%add3A, %dma_wait3A_158, %dma_wait3A_163, %dma_wait3A_164] : memref<32x125x1x80xi32, #tpu.memory_space<hbm>> -> memref<1x1x1x80xi32, #tpu.memory_space<hbm>>
    %dma_wait3A_166 = tpu.memref_squeeze %dma_wait3A_165 : memref<1x1x1x80xi32, #tpu.memory_space<hbm>> -> memref<1x80xi32, #tpu.memory_space<hbm>>
    tpu.wait_dma2 semaphore(%arg12 : memref<!tpu.dma_semaphore, #tpu.memory_space<semaphore_mem>>) src(%dma_wait3A_166 : memref<1x80xi32, #tpu.memory_space<hbm>>) dst(%arg8 : memref<1x80xi32, #tpu.memory_space<vmem>>)
    %dma_start3A_167 = arith.constant 0 : i32
    %dma_start3A_168 = arith.constant 0 : i32
    %dma_start3A_169 = tpu.memref_slice %arg8[%dma_start3A_167, %dma_start3A_168] : memref<1x80xi32, #tpu.memory_space<vmem>> -> memref<1x80xi32, #tpu.memory_space<vmem>>
    %dma_start3A_170 = tpu.memref_squeeze %dma_start3A_169 : memref<1x80xi32, #tpu.memory_space<vmem>> -> memref<80xi32, #tpu.memory_space<vmem>>
    %dma_start3A_171 = arith.constant 0 : i32
    %dma_start3A_172 = arith.constant 0 : i32
    %dma_start3A_173 = tpu.memref_slice %arg7[%dma_start3A_171, %dma_start3A_172] : memref<10240x128xf32, #tpu.memory_space<vmem_shared>> -> memref<10240x128xf32, #tpu.memory_space<vmem_shared>>
    tpu.enqueue_indirect_dma source(%arg20 : memref<80x128xf32, #tpu.memory_space<vmem>>) target(%dma_start3A_173 : memref<10240x128xf32, #tpu.memory_space<vmem_shared>>) offsets(%dma_start3A_170 : memref<80xi32, #tpu.memory_space<vmem>>) semaphore(%arg32 : memref<!tpu.dma_semaphore, #tpu.memory_space<semaphore_mem>>) {add = true}
    %dma_wait3A_174 = arith.constant 0 : i32
    %dma_wait3A_175 = arith.constant 0 : i32
    %dma_wait3A_176 = tpu.memref_slice %arg25[%dma_wait3A_174, %dma_wait3A_175] : memref<1x80xi32, #tpu.memory_space<vmem>> -> memref<1x80xi32, #tpu.memory_space<vmem>>
    %dma_wait3A_177 = tpu.memref_squeeze %dma_wait3A_176 : memref<1x80xi32, #tpu.memory_space<vmem>> -> memref<80xi32, #tpu.memory_space<vmem>>
    %dma_wait3A_178 = arith.constant 0 : i32
    %dma_wait3A_179 = arith.constant 0 : i32
    %dma_wait3A_180 = tpu.memref_slice %arg2[%dma_wait3A_178, %dma_wait3A_179] : memref<10000x128xf32, #tpu.memory_space<hbm>> -> memref<10000x128xf32, #tpu.memory_space<hbm>>
    tpu.wait_indirect_dma semaphore(%arg17 : memref<!tpu.dma_semaphore, #tpu.memory_space<semaphore_mem>>) src(%dma_wait3A_180 : memref<10000x128xf32, #tpu.memory_space<hbm>>) dst(%arg21 : memref<80x128xf32, #tpu.memory_space<vmem>>)
    %dma_wait3A_181 = arith.constant 121 : i32
    %dma_wait3A_182 = arith.constant 0 : i32
    %dma_wait3A_183 = arith.constant 0 : i32
    %dma_wait3A_184 = tpu.memref_slice %arg4[%add3A, %dma_wait3A_181, %dma_wait3A_182, %dma_wait3A_183] : memref<32x125x1x80xi32, #tpu.memory_space<hbm>> -> memref<1x1x1x80xi32, #tpu.memory_space<hbm>>
    %dma_wait3A_185 = tpu.memref_squeeze %dma_wait3A_184 : memref<1x1x1x80xi32, #tpu.memory_space<hbm>> -> memref<1x80xi32, #tpu.memory_space<hbm>>
    %dma_wait3A_186 = arith.constant 0 : i32
    %dma_wait3A_187 = arith.constant 0 : i32
    %dma_wait3A_188 = tpu.memref_slice %arg4[%add3A, %dma_wait3A_181, %dma_wait3A_186, %dma_wait3A_187] : memref<32x125x1x80xi32, #tpu.memory_space<hbm>> -> memref<1x1x1x80xi32, #tpu.memory_space<hbm>>
    %dma_wait3A_189 = tpu.memref_squeeze %dma_wait3A_188 : memref<1x1x1x80xi32, #tpu.memory_space<hbm>> -> memref<1x80xi32, #tpu.memory_space<hbm>>
    tpu.wait_dma2 semaphore(%arg13 : memref<!tpu.dma_semaphore, #tpu.memory_space<semaphore_mem>>) src(%dma_wait3A_189 : memref<1x80xi32, #tpu.memory_space<hbm>>) dst(%arg9 : memref<1x80xi32, #tpu.memory_space<vmem>>)
    %dma_start3A_190 = arith.constant 0 : i32
    %dma_start3A_191 = arith.constant 0 : i32
    %dma_start3A_192 = tpu.memref_slice %arg9[%dma_start3A_190, %dma_start3A_191] : memref<1x80xi32, #tpu.memory_space<vmem>> -> memref<1x80xi32, #tpu.memory_space<vmem>>
    %dma_start3A_193 = tpu.memref_squeeze %dma_start3A_192 : memref<1x80xi32, #tpu.memory_space<vmem>> -> memref<80xi32, #tpu.memory_space<vmem>>
    %dma_start3A_194 = arith.constant 0 : i32
    %dma_start3A_195 = arith.constant 0 : i32
    %dma_start3A_196 = tpu.memref_slice %arg7[%dma_start3A_194, %dma_start3A_195] : memref<10240x128xf32, #tpu.memory_space<vmem_shared>> -> memref<10240x128xf32, #tpu.memory_space<vmem_shared>>
    tpu.enqueue_indirect_dma source(%arg21 : memref<80x128xf32, #tpu.memory_space<vmem>>) target(%dma_start3A_196 : memref<10240x128xf32, #tpu.memory_space<vmem_shared>>) offsets(%dma_start3A_193 : memref<80xi32, #tpu.memory_space<vmem>>) semaphore(%arg33 : memref<!tpu.dma_semaphore, #tpu.memory_space<semaphore_mem>>) {add = true}
    %dma_wait3A_197 = arith.constant 0 : i32
    %dma_wait3A_198 = arith.constant 0 : i32
    %dma_wait3A_199 = tpu.memref_slice %arg26[%dma_wait3A_197, %dma_wait3A_198] : memref<1x80xi32, #tpu.memory_space<vmem>> -> memref<1x80xi32, #tpu.memory_space<vmem>>
    %dma_wait3A_200 = tpu.memref_squeeze %dma_wait3A_199 : memref<1x80xi32, #tpu.memory_space<vmem>> -> memref<80xi32, #tpu.memory_space<vmem>>
    %dma_wait3A_201 = arith.constant 0 : i32
    %dma_wait3A_202 = arith.constant 0 : i32
    %dma_wait3A_203 = tpu.memref_slice %arg2[%dma_wait3A_201, %dma_wait3A_202] : memref<10000x128xf32, #tpu.memory_space<hbm>> -> memref<10000x128xf32, #tpu.memory_space<hbm>>
    tpu.wait_indirect_dma semaphore(%arg18 : memref<!tpu.dma_semaphore, #tpu.memory_space<semaphore_mem>>) src(%dma_wait3A_203 : memref<10000x128xf32, #tpu.memory_space<hbm>>) dst(%arg22 : memref<80x128xf32, #tpu.memory_space<vmem>>)
    %dma_wait3A_204 = arith.constant 122 : i32
    %dma_wait3A_205 = arith.constant 0 : i32
    %dma_wait3A_206 = arith.constant 0 : i32
    %dma_wait3A_207 = tpu.memref_slice %arg4[%add3A, %dma_wait3A_204, %dma_wait3A_205, %dma_wait3A_206] : memref<32x125x1x80xi32, #tpu.memory_space<hbm>> -> memref<1x1x1x80xi32, #tpu.memory_space<hbm>>
    %dma_wait3A_208 = tpu.memref_squeeze %dma_wait3A_207 : memref<1x1x1x80xi32, #tpu.memory_space<hbm>> -> memref<1x80xi32, #tpu.memory_space<hbm>>
    %dma_wait3A_209 = arith.constant 0 : i32
    %dma_wait3A_210 = arith.constant 0 : i32
    %dma_wait3A_211 = tpu.memref_slice %arg4[%add3A, %dma_wait3A_204, %dma_wait3A_209, %dma_wait3A_210] : memref<32x125x1x80xi32, #tpu.memory_space<hbm>> -> memref<1x1x1x80xi32, #tpu.memory_space<hbm>>
    %dma_wait3A_212 = tpu.memref_squeeze %dma_wait3A_211 : memref<1x1x1x80xi32, #tpu.memory_space<hbm>> -> memref<1x80xi32, #tpu.memory_space<hbm>>
    tpu.wait_dma2 semaphore(%arg14 : memref<!tpu.dma_semaphore, #tpu.memory_space<semaphore_mem>>) src(%dma_wait3A_212 : memref<1x80xi32, #tpu.memory_space<hbm>>) dst(%arg10 : memref<1x80xi32, #tpu.memory_space<vmem>>)
    %dma_start3A_213 = arith.constant 0 : i32
    %dma_start3A_214 = arith.constant 0 : i32
    %dma_start3A_215 = tpu.memref_slice %arg10[%dma_start3A_213, %dma_start3A_214] : memref<1x80xi32, #tpu.memory_space<vmem>> -> memref<1x80xi32, #tpu.memory_space<vmem>>
    %dma_start3A_216 = tpu.memref_squeeze %dma_start3A_215 : memref<1x80xi32, #tpu.memory_space<vmem>> -> memref<80xi32, #tpu.memory_space<vmem>>
    %dma_start3A_217 = arith.constant 0 : i32
    %dma_start3A_218 = arith.constant 0 : i32
    %dma_start3A_219 = tpu.memref_slice %arg7[%dma_start3A_217, %dma_start3A_218] : memref<10240x128xf32, #tpu.memory_space<vmem_shared>> -> memref<10240x128xf32, #tpu.memory_space<vmem_shared>>
    tpu.enqueue_indirect_dma source(%arg22 : memref<80x128xf32, #tpu.memory_space<vmem>>) target(%dma_start3A_219 : memref<10240x128xf32, #tpu.memory_space<vmem_shared>>) offsets(%dma_start3A_216 : memref<80xi32, #tpu.memory_space<vmem>>) semaphore(%arg34 : memref<!tpu.dma_semaphore, #tpu.memory_space<semaphore_mem>>) {add = true}
    %dma_wait3A_220 = arith.constant 0 : i32
    %dma_wait3A_221 = arith.constant 0 : i32
    %dma_wait3A_222 = tpu.memref_slice %arg27[%dma_wait3A_220, %dma_wait3A_221] : memref<1x80xi32, #tpu.memory_space<vmem>> -> memref<1x80xi32, #tpu.memory_space<vmem>>
    %dma_wait3A_223 = tpu.memref_squeeze %dma_wait3A_222 : memref<1x80xi32, #tpu.memory_space<vmem>> -> memref<80xi32, #tpu.memory_space<vmem>>
    %dma_wait3A_224 = arith.constant 0 : i32
    %dma_wait3A_225 = arith.constant 0 : i32
    %dma_wait3A_226 = tpu.memref_slice %arg2[%dma_wait3A_224, %dma_wait3A_225] : memref<10000x128xf32, #tpu.memory_space<hbm>> -> memref<10000x128xf32, #tpu.memory_space<hbm>>
    tpu.wait_indirect_dma semaphore(%arg19 : memref<!tpu.dma_semaphore, #tpu.memory_space<semaphore_mem>>) src(%dma_wait3A_226 : memref<10000x128xf32, #tpu.memory_space<hbm>>) dst(%arg23 : memref<80x128xf32, #tpu.memory_space<vmem>>)
    %dma_wait3A_227 = arith.constant 123 : i32
    %dma_wait3A_228 = arith.constant 0 : i32
    %dma_wait3A_229 = arith.constant 0 : i32
    %dma_wait3A_230 = tpu.memref_slice %arg4[%add3A, %dma_wait3A_227, %dma_wait3A_228, %dma_wait3A_229] : memref<32x125x1x80xi32, #tpu.memory_space<hbm>> -> memref<1x1x1x80xi32, #tpu.memory_space<hbm>>
    %dma_wait3A_231 = tpu.memref_squeeze %dma_wait3A_230 : memref<1x1x1x80xi32, #tpu.memory_space<hbm>> -> memref<1x80xi32, #tpu.memory_space<hbm>>
    %dma_wait3A_232 = arith.constant 0 : i32
    %dma_wait3A_233 = arith.constant 0 : i32
    %dma_wait3A_234 = tpu.memref_slice %arg4[%add3A, %dma_wait3A_227, %dma_wait3A_232, %dma_wait3A_233] : memref<32x125x1x80xi32, #tpu.memory_space<hbm>> -> memref<1x1x1x80xi32, #tpu.memory_space<hbm>>
    %dma_wait3A_235 = tpu.memref_squeeze %dma_wait3A_234 : memref<1x1x1x80xi32, #tpu.memory_space<hbm>> -> memref<1x80xi32, #tpu.memory_space<hbm>>
    tpu.wait_dma2 semaphore(%arg15 : memref<!tpu.dma_semaphore, #tpu.memory_space<semaphore_mem>>) src(%dma_wait3A_235 : memref<1x80xi32, #tpu.memory_space<hbm>>) dst(%arg11 : memref<1x80xi32, #tpu.memory_space<vmem>>)
    %dma_start3A_236 = arith.constant 0 : i32
    %dma_start3A_237 = arith.constant 0 : i32
    %dma_start3A_238 = tpu.memref_slice %arg11[%dma_start3A_236, %dma_start3A_237] : memref<1x80xi32, #tpu.memory_space<vmem>> -> memref<1x80xi32, #tpu.memory_space<vmem>>
    %dma_start3A_239 = tpu.memref_squeeze %dma_start3A_238 : memref<1x80xi32, #tpu.memory_space<vmem>> -> memref<80xi32, #tpu.memory_space<vmem>>
    %dma_start3A_240 = arith.constant 0 : i32
    %dma_start3A_241 = arith.constant 0 : i32
    %dma_start3A_242 = tpu.memref_slice %arg7[%dma_start3A_240, %dma_start3A_241] : memref<10240x128xf32, #tpu.memory_space<vmem_shared>> -> memref<10240x128xf32, #tpu.memory_space<vmem_shared>>
    tpu.enqueue_indirect_dma source(%arg23 : memref<80x128xf32, #tpu.memory_space<vmem>>) target(%dma_start3A_242 : memref<10240x128xf32, #tpu.memory_space<vmem_shared>>) offsets(%dma_start3A_239 : memref<80xi32, #tpu.memory_space<vmem>>) semaphore(%arg35 : memref<!tpu.dma_semaphore, #tpu.memory_space<semaphore_mem>>) {add = true}
    %dma_wait3A_243 = arith.constant 0 : i32
    %dma_wait3A_244 = arith.constant 0 : i32
    %dma_wait3A_245 = tpu.memref_slice %arg8[%dma_wait3A_243, %dma_wait3A_244] : memref<1x80xi32, #tpu.memory_space<vmem>> -> memref<1x80xi32, #tpu.memory_space<vmem>>
    %dma_wait3A_246 = tpu.memref_squeeze %dma_wait3A_245 : memref<1x80xi32, #tpu.memory_space<vmem>> -> memref<80xi32, #tpu.memory_space<vmem>>
    %dma_wait3A_247 = arith.constant 0 : i32
    %dma_wait3A_248 = arith.constant 0 : i32
    %dma_wait3A_249 = tpu.memref_slice %arg7[%dma_wait3A_247, %dma_wait3A_248] : memref<10240x128xf32, #tpu.memory_space<vmem_shared>> -> memref<10240x128xf32, #tpu.memory_space<vmem_shared>>
    tpu.wait_indirect_dma semaphore(%arg32 : memref<!tpu.dma_semaphore, #tpu.memory_space<semaphore_mem>>) src(%arg20 : memref<80x128xf32, #tpu.memory_space<vmem>>) dst(%dma_wait3A_249 : memref<10240x128xf32, #tpu.memory_space<vmem_shared>>)
    %dma_start3A_250 = arith.constant 124 : i32
    %dma_start3A_251 = arith.constant 0 : i32
    %dma_start3A_252 = arith.constant 0 : i32
    %dma_start3A_253 = tpu.memref_slice %arg4[%add3A, %dma_start3A_250, %dma_start3A_251, %dma_start3A_252] : memref<32x125x1x80xi32, #tpu.memory_space<hbm>> -> memref<1x1x1x80xi32, #tpu.memory_space<hbm>>
    %dma_start3A_254 = tpu.memref_squeeze %dma_start3A_253 : memref<1x1x1x80xi32, #tpu.memory_space<hbm>> -> memref<1x80xi32, #tpu.memory_space<hbm>>
    %dma_start3A_255 = arith.constant 0 : i32
    %dma_start3A_256 = arith.constant 0 : i32
    %dma_start3A_257 = tpu.memref_slice %arg4[%add3A, %dma_start3A_250, %dma_start3A_255, %dma_start3A_256] : memref<32x125x1x80xi32, #tpu.memory_space<hbm>> -> memref<1x1x1x80xi32, #tpu.memory_space<hbm>>
    %dma_start3A_258 = tpu.memref_squeeze %dma_start3A_257 : memref<1x1x1x80xi32, #tpu.memory_space<hbm>> -> memref<1x80xi32, #tpu.memory_space<hbm>>
    tpu.enqueue_dma source(%dma_start3A_258 : memref<1x80xi32, #tpu.memory_space<hbm>>) target(%arg8 : memref<1x80xi32, #tpu.memory_space<vmem>>) target_semaphore(%arg12 : memref<!tpu.dma_semaphore, #tpu.memory_space<semaphore_mem>>)
    %dma_wait3A_259 = arith.constant 124 : i32
    %dma_wait3A_260 = arith.constant 0 : i32
    %dma_wait3A_261 = arith.constant 0 : i32
    %dma_wait3A_262 = tpu.memref_slice %arg3[%add3A, %dma_wait3A_259, %dma_wait3A_260, %dma_wait3A_261] : memref<32x125x1x80xi32, #tpu.memory_space<hbm>> -> memref<1x1x1x80xi32, #tpu.memory_space<hbm>>
    %dma_wait3A_263 = tpu.memref_squeeze %dma_wait3A_262 : memref<1x1x1x80xi32, #tpu.memory_space<hbm>> -> memref<1x80xi32, #tpu.memory_space<hbm>>
    %dma_wait3A_264 = arith.constant 0 : i32
    %dma_wait3A_265 = arith.constant 0 : i32
    %dma_wait3A_266 = tpu.memref_slice %arg3[%add3A, %dma_wait3A_259, %dma_wait3A_264, %dma_wait3A_265] : memref<32x125x1x80xi32, #tpu.memory_space<hbm>> -> memref<1x1x1x80xi32, #tpu.memory_space<hbm>>
    %dma_wait3A_267 = tpu.memref_squeeze %dma_wait3A_266 : memref<1x1x1x80xi32, #tpu.memory_space<hbm>> -> memref<1x80xi32, #tpu.memory_space<hbm>>
    tpu.wait_dma2 semaphore(%arg28 : memref<!tpu.dma_semaphore, #tpu.memory_space<semaphore_mem>>) src(%dma_wait3A_267 : memref<1x80xi32, #tpu.memory_space<hbm>>) dst(%arg24 : memref<1x80xi32, #tpu.memory_space<vmem>>)
    %dma_start3A_268 = arith.constant 0 : i32
    %dma_start3A_269 = arith.constant 0 : i32
    %dma_start3A_270 = tpu.memref_slice %arg24[%dma_start3A_268, %dma_start3A_269] : memref<1x80xi32, #tpu.memory_space<vmem>> -> memref<1x80xi32, #tpu.memory_space<vmem>>
    %dma_start3A_271 = tpu.memref_squeeze %dma_start3A_270 : memref<1x80xi32, #tpu.memory_space<vmem>> -> memref<80xi32, #tpu.memory_space<vmem>>
    %dma_start3A_272 = arith.constant 0 : i32
    %dma_start3A_273 = arith.constant 0 : i32
    %dma_start3A_274 = tpu.memref_slice %arg2[%dma_start3A_272, %dma_start3A_273] : memref<10000x128xf32, #tpu.memory_space<hbm>> -> memref<10000x128xf32, #tpu.memory_space<hbm>>
    tpu.enqueue_indirect_dma source(%dma_start3A_274 : memref<10000x128xf32, #tpu.memory_space<hbm>>) target(%arg20 : memref<80x128xf32, #tpu.memory_space<vmem>>) offsets(%dma_start3A_271 : memref<80xi32, #tpu.memory_space<vmem>>) semaphore(%arg16 : memref<!tpu.dma_semaphore, #tpu.memory_space<semaphore_mem>>)
    %dma_wait3A_275 = arith.constant 0 : i32
    %dma_wait3A_276 = arith.constant 0 : i32
    %dma_wait3A_277 = tpu.memref_slice %arg24[%dma_wait3A_275, %dma_wait3A_276] : memref<1x80xi32, #tpu.memory_space<vmem>> -> memref<1x80xi32, #tpu.memory_space<vmem>>
    %dma_wait3A_278 = tpu.memref_squeeze %dma_wait3A_277 : memref<1x80xi32, #tpu.memory_space<vmem>> -> memref<80xi32, #tpu.memory_space<vmem>>
    %dma_wait3A_279 = arith.constant 0 : i32
    %dma_wait3A_280 = arith.constant 0 : i32
    %dma_wait3A_281 = tpu.memref_slice %arg2[%dma_wait3A_279, %dma_wait3A_280] : memref<10000x128xf32, #tpu.memory_space<hbm>> -> memref<10000x128xf32, #tpu.memory_space<hbm>>
    tpu.wait_indirect_dma semaphore(%arg16 : memref<!tpu.dma_semaphore, #tpu.memory_space<semaphore_mem>>) src(%dma_wait3A_281 : memref<10000x128xf32, #tpu.memory_space<hbm>>) dst(%arg20 : memref<80x128xf32, #tpu.memory_space<vmem>>)
    %dma_wait3A_282 = arith.constant 124 : i32
    %dma_wait3A_283 = arith.constant 0 : i32
    %dma_wait3A_284 = arith.constant 0 : i32
    %dma_wait3A_285 = tpu.memref_slice %arg4[%add3A, %dma_wait3A_282, %dma_wait3A_283, %dma_wait3A_284] : memref<32x125x1x80xi32, #tpu.memory_space<hbm>> -> memref<1x1x1x80xi32, #tpu.memory_space<hbm>>
    %dma_wait3A_286 = tpu.memref_squeeze %dma_wait3A_285 : memref<1x1x1x80xi32, #tpu.memory_space<hbm>> -> memref<1x80xi32, #tpu.memory_space<hbm>>
    %dma_wait3A_287 = arith.constant 0 : i32
    %dma_wait3A_288 = arith.constant 0 : i32
    %dma_wait3A_289 = tpu.memref_slice %arg4[%add3A, %dma_wait3A_282, %dma_wait3A_287, %dma_wait3A_288] : memref<32x125x1x80xi32, #tpu.memory_space<hbm>> -> memref<1x1x1x80xi32, #tpu.memory_space<hbm>>
    %dma_wait3A_290 = tpu.memref_squeeze %dma_wait3A_289 : memref<1x1x1x80xi32, #tpu.memory_space<hbm>> -> memref<1x80xi32, #tpu.memory_space<hbm>>
    tpu.wait_dma2 semaphore(%arg12 : memref<!tpu.dma_semaphore, #tpu.memory_space<semaphore_mem>>) src(%dma_wait3A_290 : memref<1x80xi32, #tpu.memory_space<hbm>>) dst(%arg8 : memref<1x80xi32, #tpu.memory_space<vmem>>)
    %dma_start3A_291 = arith.constant 0 : i32
    %dma_start3A_292 = arith.constant 0 : i32
    %dma_start3A_293 = tpu.memref_slice %arg8[%dma_start3A_291, %dma_start3A_292] : memref<1x80xi32, #tpu.memory_space<vmem>> -> memref<1x80xi32, #tpu.memory_space<vmem>>
    %dma_start3A_294 = tpu.memref_squeeze %dma_start3A_293 : memref<1x80xi32, #tpu.memory_space<vmem>> -> memref<80xi32, #tpu.memory_space<vmem>>
    %dma_start3A_295 = arith.constant 0 : i32
    %dma_start3A_296 = arith.constant 0 : i32
    %dma_start3A_297 = tpu.memref_slice %arg7[%dma_start3A_295, %dma_start3A_296] : memref<10240x128xf32, #tpu.memory_space<vmem_shared>> -> memref<10240x128xf32, #tpu.memory_space<vmem_shared>>
    tpu.enqueue_indirect_dma source(%arg20 : memref<80x128xf32, #tpu.memory_space<vmem>>) target(%dma_start3A_297 : memref<10240x128xf32, #tpu.memory_space<vmem_shared>>) offsets(%dma_start3A_294 : memref<80xi32, #tpu.memory_space<vmem>>) semaphore(%arg32 : memref<!tpu.dma_semaphore, #tpu.memory_space<semaphore_mem>>) {add = true}
    %dma_wait3A_298 = arith.constant 0 : i32
    %dma_wait3A_299 = arith.constant 0 : i32
    %dma_wait3A_300 = tpu.memref_slice %arg9[%dma_wait3A_298, %dma_wait3A_299] : memref<1x80xi32, #tpu.memory_space<vmem>> -> memref<1x80xi32, #tpu.memory_space<vmem>>
    %dma_wait3A_301 = tpu.memref_squeeze %dma_wait3A_300 : memref<1x80xi32, #tpu.memory_space<vmem>> -> memref<80xi32, #tpu.memory_space<vmem>>
    %dma_wait3A_302 = arith.constant 0 : i32
    %dma_wait3A_303 = arith.constant 0 : i32
    %dma_wait3A_304 = tpu.memref_slice %arg7[%dma_wait3A_302, %dma_wait3A_303] : memref<10240x128xf32, #tpu.memory_space<vmem_shared>> -> memref<10240x128xf32, #tpu.memory_space<vmem_shared>>
    tpu.wait_indirect_dma semaphore(%arg33 : memref<!tpu.dma_semaphore, #tpu.memory_space<semaphore_mem>>) src(%arg21 : memref<80x128xf32, #tpu.memory_space<vmem>>) dst(%dma_wait3A_304 : memref<10240x128xf32, #tpu.memory_space<vmem_shared>>)
    %dma_wait3A_305 = arith.constant 0 : i32
    %dma_wait3A_306 = arith.constant 0 : i32
    %dma_wait3A_307 = tpu.memref_slice %arg10[%dma_wait3A_305, %dma_wait3A_306] : memref<1x80xi32, #tpu.memory_space<vmem>> -> memref<1x80xi32, #tpu.memory_space<vmem>>
    %dma_wait3A_308 = tpu.memref_squeeze %dma_wait3A_307 : memref<1x80xi32, #tpu.memory_space<vmem>> -> memref<80xi32, #tpu.memory_space<vmem>>
    %dma_wait3A_309 = arith.constant 0 : i32
    %dma_wait3A_310 = arith.constant 0 : i32
    %dma_wait3A_311 = tpu.memref_slice %arg7[%dma_wait3A_309, %dma_wait3A_310] : memref<10240x128xf32, #tpu.memory_space<vmem_shared>> -> memref<10240x128xf32, #tpu.memory_space<vmem_shared>>
    tpu.wait_indirect_dma semaphore(%arg34 : memref<!tpu.dma_semaphore, #tpu.memory_space<semaphore_mem>>) src(%arg22 : memref<80x128xf32, #tpu.memory_space<vmem>>) dst(%dma_wait3A_311 : memref<10240x128xf32, #tpu.memory_space<vmem_shared>>)
    %dma_wait3A_312 = arith.constant 0 : i32
    %dma_wait3A_313 = arith.constant 0 : i32
    %dma_wait3A_314 = tpu.memref_slice %arg11[%dma_wait3A_312, %dma_wait3A_313] : memref<1x80xi32, #tpu.memory_space<vmem>> -> memref<1x80xi32, #tpu.memory_space<vmem>>
    %dma_wait3A_315 = tpu.memref_squeeze %dma_wait3A_314 : memref<1x80xi32, #tpu.memory_space<vmem>> -> memref<80xi32, #tpu.memory_space<vmem>>
    %dma_wait3A_316 = arith.constant 0 : i32
    %dma_wait3A_317 = arith.constant 0 : i32
    %dma_wait3A_318 = tpu.memref_slice %arg7[%dma_wait3A_316, %dma_wait3A_317] : memref<10240x128xf32, #tpu.memory_space<vmem_shared>> -> memref<10240x128xf32, #tpu.memory_space<vmem_shared>>
    tpu.wait_indirect_dma semaphore(%arg35 : memref<!tpu.dma_semaphore, #tpu.memory_space<semaphore_mem>>) src(%arg23 : memref<80x128xf32, #tpu.memory_space<vmem>>) dst(%dma_wait3A_318 : memref<10240x128xf32, #tpu.memory_space<vmem_shared>>)
    %dma_wait3A_319 = arith.constant 0 : i32
    %dma_wait3A_320 = arith.constant 0 : i32
    %dma_wait3A_321 = tpu.memref_slice %arg8[%dma_wait3A_319, %dma_wait3A_320] : memref<1x80xi32, #tpu.memory_space<vmem>> -> memref<1x80xi32, #tpu.memory_space<vmem>>
    %dma_wait3A_322 = tpu.memref_squeeze %dma_wait3A_321 : memref<1x80xi32, #tpu.memory_space<vmem>> -> memref<80xi32, #tpu.memory_space<vmem>>
    %dma_wait3A_323 = arith.constant 0 : i32
    %dma_wait3A_324 = arith.constant 0 : i32
    %dma_wait3A_325 = tpu.memref_slice %arg7[%dma_wait3A_323, %dma_wait3A_324] : memref<10240x128xf32, #tpu.memory_space<vmem_shared>> -> memref<10240x128xf32, #tpu.memory_space<vmem_shared>>
    tpu.wait_indirect_dma semaphore(%arg32 : memref<!tpu.dma_semaphore, #tpu.memory_space<semaphore_mem>>) src(%arg20 : memref<80x128xf32, #tpu.memory_space<vmem>>) dst(%dma_wait3A_325 : memref<10240x128xf32, #tpu.memory_space<vmem_shared>>)
    %barrier3A_326 = arith.constant 0 : index
    tpu.barrier barrier_id(%barrier3A_326)
    "tpu.region"() ({
      %run_scoped3A = tpu.sem_alloc : memref<!tpu.dma_semaphore, #tpu.memory_space<semaphore_mem>>
      %dma_start3A_327 = arith.constant 0 : i32
      %dma_start3A_328 = tpu.memref_slice %arg6[%arg0, %mul3A_2, %dma_start3A_327] : memref<2x10240x128xf32, #tpu.memory_space<hbm>> -> memref<1x640x128xf32, #tpu.memory_space<hbm>>
      %dma_start3A_329 = tpu.memref_squeeze %dma_start3A_328 : memref<1x640x128xf32, #tpu.memory_space<hbm>> -> memref<640x128xf32, #tpu.memory_space<hbm>>
      %dma_start3A_330 = arith.constant 0 : i32
      %dma_start3A_331 = tpu.memref_slice %arg7[%mul3A_2, %dma_start3A_330] : memref<10240x128xf32, #tpu.memory_space<vmem_shared>> -> memref<640x128xf32, #tpu.memory_space<vmem_shared>>
      tpu.enqueue_dma source(%dma_start3A_331 : memref<640x128xf32, #tpu.memory_space<vmem_shared>>) target(%dma_start3A_329 : memref<640x128xf32, #tpu.memory_space<hbm>>) target_semaphore(%run_scoped3A : memref<!tpu.dma_semaphore, #tpu.memory_space<semaphore_mem>>)
      %dma_wait3A_332 = arith.constant 0 : i32
      %dma_wait3A_333 = tpu.memref_slice %arg6[%arg0, %mul3A_2, %dma_wait3A_332] : memref<2x10240x128xf32, #tpu.memory_space<hbm>> -> memref<1x640x128xf32, #tpu.memory_space<hbm>>
      %dma_wait3A_334 = tpu.memref_squeeze %dma_wait3A_333 : memref<1x640x128xf32, #tpu.memory_space<hbm>> -> memref<640x128xf32, #tpu.memory_space<hbm>>
      %dma_wait3A_335 = arith.constant 0 : i32
      %dma_wait3A_336 = tpu.memref_slice %arg7[%mul3A_2, %dma_wait3A_335] : memref<10240x128xf32, #tpu.memory_space<vmem_shared>> -> memref<640x128xf32, #tpu.memory_space<vmem_shared>>
      tpu.wait_dma2 semaphore(%run_scoped3A : memref<!tpu.dma_semaphore, #tpu.memory_space<semaphore_mem>>) src(%dma_wait3A_336 : memref<640x128xf32, #tpu.memory_space<vmem_shared>>) dst(%dma_wait3A_334 : memref<640x128xf32, #tpu.memory_space<hbm>>)
      tpu.yield
    }) : () -> ()
    return
  }
}

module attributes {stable_mosaic.version = 14 : i64} {
  func.func @_tc1_body(%arg0: i32, %arg1: memref<2000x128xf32, #tpu.memory_space<vmem>>, %arg2: memref<128x256xf32, #tpu.memory_space<vmem>>, %arg3: memref<2x2000x128xf32, #tpu.memory_space<vmem>>, %arg4: memref<2000x128xf32, #tpu.memory_space<vmem>>, %arg5: memref<2000x128xf32, #tpu.memory_space<vmem>>) attributes {dimension_semantics = [#tpu.dimension_semantics<arbitrary>], iteration_bounds = array<i64: 5>, scalar_prefetch = 0 : i64, scratch_operands = 0 : i64, tpu.core_type = #tpu.core_type<tc>, window_params = [{transform_indices = @transform_0, window_bounds = array<i64: 2000, 128>}, {pipeline_mode = #tpu.pipeline_mode<synchronous>, transform_indices = @transform_1, window_bounds = array<i64: 128, 256>}, {transform_indices = @transform_2, window_bounds = array<i64: 2, 2000, 128>}, {transform_indices = @transform_3, window_bounds = array<i64: 2000, 128>}, {transform_indices = @transform_4, window_bounds = array<i64: 2000, 128>}]} {
    %get3A = arith.constant 0 : index
    %get3A_0 = arith.constant 0 : index
    %get3A_1 = vector.load %arg1[%get3A, %get3A_0] : memref<2000x128xf32, #tpu.memory_space<vmem>>, vector<2000x128xf32>
    %get3A_2 = arith.constant 0 : index
    %get3A_3 = arith.constant 0 : index
    %get3A_4 = vector.load %arg2[%get3A_2, %get3A_3] : memref<128x256xf32, #tpu.memory_space<vmem>>, vector<128x256xf32>
    %dot_general3A = arith.constant dense<0.000000e+00> : vector<2000x256xf32>
    %dot_general3A_5 = tpu.matmul %get3A_1, %get3A_4, %dot_general3A {dimension_numbers = #tpu.dot_dimension_numbers<[1], [0], [0], [1], [0, 0, 1, 1], [], []>, transpose_lhs_hint = false} : vector<2000x128xf32>, vector<128x256xf32>, vector<2000x256xf32> -> vector<2000x256xf32>
    %get3A_6 = arith.constant 0 : index
    %get3A_7 = arith.constant 0 : index
    %get3A_8 = arith.constant 0 : index
    %get3A_9 = vector.load %arg3[%get3A_6, %get3A_7, %get3A_8] : memref<2x2000x128xf32, #tpu.memory_space<vmem>>, vector<1x2000x1xf32>
    %get3A_10 = vector.shape_cast %get3A_9 : vector<1x2000x1xf32> to vector<2000x1xf32>
    %get3A_11 = arith.constant 1 : index
    %get3A_12 = arith.constant 0 : index
    %get3A_13 = arith.constant 0 : index
    %get3A_14 = vector.load %arg3[%get3A_11, %get3A_12, %get3A_13] : memref<2x2000x128xf32, #tpu.memory_space<vmem>>, vector<1x2000x1xf32>
    %get3A_15 = vector.shape_cast %get3A_14 : vector<1x2000x1xf32> to vector<2000x1xf32>
    %add3A = arith.addf %get3A_10, %get3A_15 : vector<2000x1xf32>
    %add3A_16 = arith.constant 1.000000e+00 : f32
    %add3A_17 = vector.broadcast %add3A_16 : f32 to vector<2000x1xf32>
    %add3A_18 = arith.addf %add3A, %add3A_17 : vector<2000x1xf32>
    %rsqrt3A = math.rsqrt %add3A_18 : vector<2000x1xf32>
    %mul3A = vector.broadcast %rsqrt3A : vector<2000x1xf32> to vector<2000x256xf32>
    %mul3A_19 = arith.mulf %dot_general3A_5, %mul3A : vector<2000x256xf32>
    %slice3A = vector.extract_strided_slice %mul3A_19 {offsets = [0, 0], sizes = [2000, 128], strides = [1, 1]} : vector<2000x256xf32> to vector<2000x128xf32>
    %swap3A = arith.constant 0 : index
    %swap3A_20 = arith.constant 0 : index
    %swap3A_21 = vector.load %arg4[%swap3A, %swap3A_20] : memref<2000x128xf32, #tpu.memory_space<vmem>>, vector<2000x128xf32>
    tpu.vector_store %arg4[%swap3A, %swap3A_20], %slice3A {strides = array<i32>} : memref<2000x128xf32, #tpu.memory_space<vmem>>, vector<2000x128xf32>,
    %slice3A_22 = vector.extract_strided_slice %mul3A_19 {offsets = [0, 128], sizes = [2000, 128], strides = [1, 1]} : vector<2000x256xf32> to vector<2000x128xf32>
    %swap3A_23 = arith.constant 0 : index
    %swap3A_24 = arith.constant 0 : index
    %swap3A_25 = vector.load %arg5[%swap3A_23, %swap3A_24] : memref<2000x128xf32, #tpu.memory_space<vmem>>, vector<2000x128xf32>
    tpu.vector_store %arg5[%swap3A_23, %swap3A_24], %slice3A_22 {strides = array<i32>} : memref<2000x128xf32, #tpu.memory_space<vmem>>, vector<2000x128xf32>,
    return
  }
  func.func @transform_0(%arg0: i32) -> (i32, i32) {
    %c0_i32 = arith.constant 0 : i32
    %c0_i32_0 = arith.constant 0 : i32
    return %arg0, %c0_i32 : i32, i32
  }
  func.func @transform_1(%arg0: i32) -> (i32, i32) {
    %c0_i32 = arith.constant 0 : i32
    %c0_i32_0 = arith.constant 0 : i32
    %c0_i32_1 = arith.constant 0 : i32
    return %c0_i32, %c0_i32_0 : i32, i32
  }
  func.func @transform_2(%arg0: i32) -> (i32, i32, i32) {
    %c0_i32 = arith.constant 0 : i32
    %c0_i32_0 = arith.constant 0 : i32
    %c0_i32_1 = arith.constant 0 : i32
    return %c0_i32, %arg0, %c0_i32_0 : i32, i32, i32
  }
  func.func @transform_3(%arg0: i32) -> (i32, i32) {
    %c0_i32 = arith.constant 0 : i32
    %c0_i32_0 = arith.constant 0 : i32
    return %arg0, %c0_i32 : i32, i32
  }
  func.func @transform_4(%arg0: i32) -> (i32, i32) {
    %c0_i32 = arith.constant 0 : i32
    %c0_i32_0 = arith.constant 0 : i32
    return %arg0, %c0_i32 : i32, i32
  }
}

module attributes {stable_mosaic.version = 14 : i64} {
  func.func @_tc2_body(%arg0: i32, %arg1: memref<2x2000x128xf32, #tpu.memory_space<vmem>>, %arg2: memref<2x2000x128xf32, #tpu.memory_space<vmem>>, %arg3: memref<2000x128xf32, #tpu.memory_space<vmem>>, %arg4: memref<2000x128xf32, #tpu.memory_space<vmem>>, %arg5: memref<2x2000x128xf32, #tpu.memory_space<vmem>>, %arg6: memref<128x128xf32, #tpu.memory_space<vmem>>, %arg7: memref<128x128xf32, #tpu.memory_space<vmem>>, %arg8: memref<1x256xf32, #tpu.memory_space<vmem>>, %arg9: memref<2000x128xf32, #tpu.memory_space<vmem>>) attributes {dimension_semantics = [#tpu.dimension_semantics<arbitrary>], iteration_bounds = array<i64: 5>, scalar_prefetch = 0 : i64, scratch_operands = 0 : i64, tpu.core_type = #tpu.core_type<tc>, window_params = [{transform_indices = @transform_0, window_bounds = array<i64: 2, 2000, 128>}, {transform_indices = @transform_1, window_bounds = array<i64: 2, 2000, 128>}, {transform_indices = @transform_2, window_bounds = array<i64: 2000, 128>}, {transform_indices = @transform_3, window_bounds = array<i64: 2000, 128>}, {transform_indices = @transform_4, window_bounds = array<i64: 2, 2000, 128>}, {pipeline_mode = #tpu.pipeline_mode<synchronous>, transform_indices = @transform_5, window_bounds = array<i64: 128, 128>}, {pipeline_mode = #tpu.pipeline_mode<synchronous>, transform_indices = @transform_6, window_bounds = array<i64: 128, 128>}, {pipeline_mode = #tpu.pipeline_mode<synchronous>, transform_indices = @transform_7, window_bounds = array<i64: 1, 256>}, {transform_indices = @transform_8, window_bounds = array<i64: 2000, 128>}]} {
    %get3A = arith.constant 0 : index
    %get3A_0 = arith.constant 0 : index
    %get3A_1 = arith.constant 0 : index
    %get3A_2 = vector.load %arg5[%get3A, %get3A_0, %get3A_1] : memref<2x2000x128xf32, #tpu.memory_space<vmem>>, vector<1x2000x1xf32>
    %get3A_3 = vector.shape_cast %get3A_2 : vector<1x2000x1xf32> to vector<2000x1xf32>
    %get3A_4 = arith.constant 1 : index
    %get3A_5 = arith.constant 0 : index
    %get3A_6 = arith.constant 0 : index
    %get3A_7 = vector.load %arg5[%get3A_4, %get3A_5, %get3A_6] : memref<2x2000x128xf32, #tpu.memory_space<vmem>>, vector<1x2000x1xf32>
    %get3A_8 = vector.shape_cast %get3A_7 : vector<1x2000x1xf32> to vector<2000x1xf32>
    %add3A = arith.addf %get3A_3, %get3A_8 : vector<2000x1xf32>
    %add3A_9 = arith.constant 1.000000e+00 : f32
    %add3A_10 = vector.broadcast %add3A_9 : f32 to vector<2000x1xf32>
    %add3A_11 = arith.addf %add3A, %add3A_10 : vector<2000x1xf32>
    %rsqrt3A = math.rsqrt %add3A_11 : vector<2000x1xf32>
    %get3A_12 = arith.constant 0 : index
    %get3A_13 = arith.constant 0 : index
    %get3A_14 = arith.constant 0 : index
    %get3A_15 = vector.load %arg1[%get3A_12, %get3A_13, %get3A_14] : memref<2x2000x128xf32, #tpu.memory_space<vmem>>, vector<1x2000x128xf32>
    %get3A_16 = vector.shape_cast %get3A_15 : vector<1x2000x128xf32> to vector<2000x128xf32>
    %get3A_17 = arith.constant 1 : index
    %get3A_18 = arith.constant 0 : index
    %get3A_19 = arith.constant 0 : index
    %get3A_20 = vector.load %arg1[%get3A_17, %get3A_18, %get3A_19] : memref<2x2000x128xf32, #tpu.memory_space<vmem>>, vector<1x2000x128xf32>
    %get3A_21 = vector.shape_cast %get3A_20 : vector<1x2000x128xf32> to vector<2000x128xf32>
    %add3A_22 = arith.addf %get3A_16, %get3A_21 : vector<2000x128xf32>
    %get3A_23 = arith.constant 0 : index
    %get3A_24 = arith.constant 0 : index
    %get3A_25 = vector.load %arg3[%get3A_23, %get3A_24] : memref<2000x128xf32, #tpu.memory_space<vmem>>, vector<2000x128xf32>
    %add3A_26 = arith.addf %add3A_22, %get3A_25 : vector<2000x128xf32>
    %mul3A = vector.broadcast %rsqrt3A : vector<2000x1xf32> to vector<2000x128xf32>
    %mul3A_27 = arith.mulf %mul3A, %add3A_26 : vector<2000x128xf32>
    %get3A_28 = arith.constant 0 : index
    %get3A_29 = arith.constant 0 : index
    %get3A_30 = vector.load %arg8[%get3A_28, %get3A_29] : memref<1x256xf32, #tpu.memory_space<vmem>>, vector<1x128xf32>
    %add3A_31 = vector.broadcast %get3A_30 : vector<1x128xf32> to vector<2000x128xf32>
    %add3A_32 = arith.addf %mul3A_27, %add3A_31 : vector<2000x128xf32>
    %get3A_33 = arith.constant 0 : index
    %get3A_34 = arith.constant 0 : index
    %get3A_35 = arith.constant 0 : index
    %get3A_36 = vector.load %arg2[%get3A_33, %get3A_34, %get3A_35] : memref<2x2000x128xf32, #tpu.memory_space<vmem>>, vector<1x2000x128xf32>
    %get3A_37 = vector.shape_cast %get3A_36 : vector<1x2000x128xf32> to vector<2000x128xf32>
    %get3A_38 = arith.constant 1 : index
    %get3A_39 = arith.constant 0 : index
    %get3A_40 = arith.constant 0 : index
    %get3A_41 = vector.load %arg2[%get3A_38, %get3A_39, %get3A_40] : memref<2x2000x128xf32, #tpu.memory_space<vmem>>, vector<1x2000x128xf32>
    %get3A_42 = vector.shape_cast %get3A_41 : vector<1x2000x128xf32> to vector<2000x128xf32>
    %add3A_43 = arith.addf %get3A_37, %get3A_42 : vector<2000x128xf32>
    %get3A_44 = arith.constant 0 : index
    %get3A_45 = arith.constant 0 : index
    %get3A_46 = vector.load %arg4[%get3A_44, %get3A_45] : memref<2000x128xf32, #tpu.memory_space<vmem>>, vector<2000x128xf32>
    %add3A_47 = arith.addf %add3A_43, %get3A_46 : vector<2000x128xf32>
    %mul3A_48 = vector.broadcast %rsqrt3A : vector<2000x1xf32> to vector<2000x128xf32>
    %mul3A_49 = arith.mulf %mul3A_48, %add3A_47 : vector<2000x128xf32>
    %get3A_50 = arith.constant 0 : index
    %get3A_51 = arith.constant 128 : index
    %get3A_52 = vector.load %arg8[%get3A_50, %get3A_51] : memref<1x256xf32, #tpu.memory_space<vmem>>, vector<1x128xf32>
    %add3A_53 = vector.broadcast %get3A_52 : vector<1x128xf32> to vector<2000x128xf32>
    %add3A_54 = arith.addf %mul3A_49, %add3A_53 : vector<2000x128xf32>
    %ge3A = arith.constant 0.000000e+00 : f32
    %ge3A_55 = vector.broadcast %ge3A : f32 to vector<2000x128xf32>
    %ge3A_56 = arith.cmpf oge, %add3A_32, %ge3A_55 : vector<2000x128xf32>
    %mul3A_57 = arith.constant 0.229166672 : f32
    %mul3A_58 = vector.broadcast %mul3A_57 : f32 to vector<2000x128xf32>
    %mul3A_59 = arith.mulf %add3A_32, %mul3A_58 : vector<2000x128xf32>
    %select_n3A = arith.select %ge3A_56, %add3A_32, %mul3A_59 : vector<2000x128xi1>, vector<2000x128xf32>
    %ge3A_60 = arith.constant 0.000000e+00 : f32
    %ge3A_61 = vector.broadcast %ge3A_60 : f32 to vector<2000x128xf32>
    %ge3A_62 = arith.cmpf oge, %add3A_54, %ge3A_61 : vector<2000x128xf32>
    %mul3A_63 = arith.constant 0.229166672 : f32
    %mul3A_64 = vector.broadcast %mul3A_63 : f32 to vector<2000x128xf32>
    %mul3A_65 = arith.mulf %add3A_54, %mul3A_64 : vector<2000x128xf32>
    %select_n3A_66 = arith.select %ge3A_62, %add3A_54, %mul3A_65 : vector<2000x128xi1>, vector<2000x128xf32>
    %get3A_67 = arith.constant 0 : index
    %get3A_68 = arith.constant 0 : index
    %get3A_69 = vector.load %arg6[%get3A_67, %get3A_68] : memref<128x128xf32, #tpu.memory_space<vmem>>, vector<128x128xf32>
    %dot_general3A = arith.constant dense<0.000000e+00> : vector<2000x128xf32>
    %dot_general3A_70 = tpu.matmul %select_n3A, %get3A_69, %dot_general3A {dimension_numbers = #tpu.dot_dimension_numbers<[1], [0], [0], [1], [0, 0, 1, 1], [], []>, transpose_lhs_hint = false} : vector<2000x128xf32>, vector<128x128xf32>, vector<2000x128xf32> -> vector<2000x128xf32>
    %get3A_71 = arith.constant 0 : index
    %get3A_72 = arith.constant 0 : index
    %get3A_73 = vector.load %arg7[%get3A_71, %get3A_72] : memref<128x128xf32, #tpu.memory_space<vmem>>, vector<128x128xf32>
    %dot_general3A_74 = arith.constant dense<0.000000e+00> : vector<2000x128xf32>
    %dot_general3A_75 = tpu.matmul %select_n3A_66, %get3A_73, %dot_general3A_74 {dimension_numbers = #tpu.dot_dimension_numbers<[1], [0], [0], [1], [0, 0, 1, 1], [], []>, transpose_lhs_hint = false} : vector<2000x128xf32>, vector<128x128xf32>, vector<2000x128xf32> -> vector<2000x128xf32>
    %add3A_76 = arith.addf %dot_general3A_70, %dot_general3A_75 : vector<2000x128xf32>
    %mul3A_77 = vector.broadcast %rsqrt3A : vector<2000x1xf32> to vector<2000x128xf32>
    %mul3A_78 = arith.mulf %add3A_76, %mul3A_77 : vector<2000x128xf32>
    %swap3A = arith.constant 0 : index
    %swap3A_79 = arith.constant 0 : index
    %swap3A_80 = vector.load %arg9[%swap3A, %swap3A_79] : memref<2000x128xf32, #tpu.memory_space<vmem>>, vector<2000x128xf32>
    tpu.vector_store %arg9[%swap3A, %swap3A_79], %mul3A_78 {strides = array<i32>} : memref<2000x128xf32, #tpu.memory_space<vmem>>, vector<2000x128xf32>,
    return
  }
  func.func @transform_0(%arg0: i32) -> (i32, i32, i32) {
    %c0_i32 = arith.constant 0 : i32
    %c0_i32_0 = arith.constant 0 : i32
    %c0_i32_1 = arith.constant 0 : i32
    return %c0_i32, %arg0, %c0_i32_0 : i32, i32, i32
  }
  func.func @transform_1(%arg0: i32) -> (i32, i32, i32) {
    %c0_i32 = arith.constant 0 : i32
    %c0_i32_0 = arith.constant 0 : i32
    %c0_i32_1 = arith.constant 0 : i32
    return %c0_i32, %arg0, %c0_i32_0 : i32, i32, i32
  }
  func.func @transform_2(%arg0: i32) -> (i32, i32) {
    %c0_i32 = arith.constant 0 : i32
    %c0_i32_0 = arith.constant 0 : i32
    return %arg0, %c0_i32 : i32, i32
  }
  func.func @transform_3(%arg0: i32) -> (i32, i32) {
    %c0_i32 = arith.constant 0 : i32
    %c0_i32_0 = arith.constant 0 : i32
    return %arg0, %c0_i32 : i32, i32
  }
  func.func @transform_4(%arg0: i32) -> (i32, i32, i32) {
    %c0_i32 = arith.constant 0 : i32
    %c0_i32_0 = arith.constant 0 : i32
    %c0_i32_1 = arith.constant 0 : i32
    return %c0_i32, %arg0, %c0_i32_0 : i32, i32, i32
  }
  func.func @transform_5(%arg0: i32) -> (i32, i32) {
    %c0_i32 = arith.constant 0 : i32
    %c0_i32_0 = arith.constant 0 : i32
    %c0_i32_1 = arith.constant 0 : i32
    return %c0_i32, %c0_i32_0 : i32, i32
  }
  func.func @transform_6(%arg0: i32) -> (i32, i32) {
    %c0_i32 = arith.constant 0 : i32
    %c0_i32_0 = arith.constant 0 : i32
    %c0_i32_1 = arith.constant 0 : i32
    return %c0_i32, %c0_i32_0 : i32, i32
  }
  func.func @transform_7(%arg0: i32) -> (i32, i32) {
    %c0_i32 = arith.constant 0 : i32
    %c0_i32_0 = arith.constant 0 : i32
    %c0_i32_1 = arith.constant 0 : i32
    return %c0_i32, %c0_i32_0 : i32, i32
  }
  func.func @transform_8(%arg0: i32) -> (i32, i32) {
    %c0_i32 = arith.constant 0 : i32
    %c0_i32_0 = arith.constant 0 : i32
    return %arg0, %c0_i32 : i32, i32
  }
}

module attributes {stable_mosaic.version = 14 : i64} {
  func.func @_tc3_body(%arg0: i32, %arg1: memref<2x2000x128xf32, #tpu.memory_space<vmem>>, %arg2: memref<2000x128xf32, #tpu.memory_space<vmem>>, %arg3: memref<2x2000x128xf32, #tpu.memory_space<vmem>>, %arg4: memref<1x128xf32, #tpu.memory_space<vmem>>, %arg5: memref<2000x128xf32, #tpu.memory_space<vmem>>) attributes {dimension_semantics = [#tpu.dimension_semantics<arbitrary>], iteration_bounds = array<i64: 5>, scalar_prefetch = 0 : i64, scratch_operands = 0 : i64, tpu.core_type = #tpu.core_type<tc>, window_params = [{transform_indices = @transform_0, window_bounds = array<i64: 2, 2000, 128>}, {transform_indices = @transform_1, window_bounds = array<i64: 2000, 128>}, {transform_indices = @transform_2, window_bounds = array<i64: 2, 2000, 128>}, {pipeline_mode = #tpu.pipeline_mode<synchronous>, transform_indices = @transform_3, window_bounds = array<i64: 1, 128>}, {transform_indices = @transform_4, window_bounds = array<i64: 2000, 128>}]} {
    %get3A = arith.constant 0 : index
    %get3A_0 = arith.constant 0 : index
    %get3A_1 = arith.constant 0 : index
    %get3A_2 = vector.load %arg3[%get3A, %get3A_0, %get3A_1] : memref<2x2000x128xf32, #tpu.memory_space<vmem>>, vector<1x2000x1xf32>
    %get3A_3 = vector.shape_cast %get3A_2 : vector<1x2000x1xf32> to vector<2000x1xf32>
    %get3A_4 = arith.constant 1 : index
    %get3A_5 = arith.constant 0 : index
    %get3A_6 = arith.constant 0 : index
    %get3A_7 = vector.load %arg3[%get3A_4, %get3A_5, %get3A_6] : memref<2x2000x128xf32, #tpu.memory_space<vmem>>, vector<1x2000x1xf32>
    %get3A_8 = vector.shape_cast %get3A_7 : vector<1x2000x1xf32> to vector<2000x1xf32>
    %add3A = arith.addf %get3A_3, %get3A_8 : vector<2000x1xf32>
    %add3A_9 = arith.constant 1.000000e+00 : f32
    %add3A_10 = vector.broadcast %add3A_9 : f32 to vector<2000x1xf32>
    %add3A_11 = arith.addf %add3A, %add3A_10 : vector<2000x1xf32>
    %rsqrt3A = math.rsqrt %add3A_11 : vector<2000x1xf32>
    %get3A_12 = arith.constant 0 : index
    %get3A_13 = arith.constant 0 : index
    %get3A_14 = arith.constant 0 : index
    %get3A_15 = vector.load %arg1[%get3A_12, %get3A_13, %get3A_14] : memref<2x2000x128xf32, #tpu.memory_space<vmem>>, vector<1x2000x128xf32>
    %get3A_16 = vector.shape_cast %get3A_15 : vector<1x2000x128xf32> to vector<2000x128xf32>
    %get3A_17 = arith.constant 1 : index
    %get3A_18 = arith.constant 0 : index
    %get3A_19 = arith.constant 0 : index
    %get3A_20 = vector.load %arg1[%get3A_17, %get3A_18, %get3A_19] : memref<2x2000x128xf32, #tpu.memory_space<vmem>>, vector<1x2000x128xf32>
    %get3A_21 = vector.shape_cast %get3A_20 : vector<1x2000x128xf32> to vector<2000x128xf32>
    %add3A_22 = arith.addf %get3A_16, %get3A_21 : vector<2000x128xf32>
    %get3A_23 = arith.constant 0 : index
    %get3A_24 = arith.constant 0 : index
    %get3A_25 = vector.load %arg2[%get3A_23, %get3A_24] : memref<2000x128xf32, #tpu.memory_space<vmem>>, vector<2000x128xf32>
    %add3A_26 = arith.addf %add3A_22, %get3A_25 : vector<2000x128xf32>
    %mul3A = vector.broadcast %rsqrt3A : vector<2000x1xf32> to vector<2000x128xf32>
    %mul3A_27 = arith.mulf %mul3A, %add3A_26 : vector<2000x128xf32>
    %get3A_28 = arith.constant 0 : index
    %get3A_29 = arith.constant 0 : index
    %get3A_30 = vector.load %arg4[%get3A_28, %get3A_29] : memref<1x128xf32, #tpu.memory_space<vmem>>, vector<1x128xf32>
    %add3A_31 = vector.broadcast %get3A_30 : vector<1x128xf32> to vector<2000x128xf32>
    %add3A_32 = arith.addf %mul3A_27, %add3A_31 : vector<2000x128xf32>
    %swap3A = arith.constant 0 : index
    %swap3A_33 = arith.constant 0 : index
    %swap3A_34 = vector.load %arg5[%swap3A, %swap3A_33] : memref<2000x128xf32, #tpu.memory_space<vmem>>, vector<2000x128xf32>
    tpu.vector_store %arg5[%swap3A, %swap3A_33], %add3A_32 {strides = array<i32>} : memref<2000x128xf32, #tpu.memory_space<vmem>>, vector<2000x128xf32>,
    return
  }
  func.func @transform_0(%arg0: i32) -> (i32, i32, i32) {
    %c0_i32 = arith.constant 0 : i32
    %c0_i32_0 = arith.constant 0 : i32
    %c0_i32_1 = arith.constant 0 : i32
    return %c0_i32, %arg0, %c0_i32_0 : i32, i32, i32
  }
  func.func @transform_1(%arg0: i32) -> (i32, i32) {
    %c0_i32 = arith.constant 0 : i32
    %c0_i32_0 = arith.constant 0 : i32
    return %arg0, %c0_i32 : i32, i32
  }
  func.func @transform_2(%arg0: i32) -> (i32, i32, i32) {
    %c0_i32 = arith.constant 0 : i32
    %c0_i32_0 = arith.constant 0 : i32
    %c0_i32_1 = arith.constant 0 : i32
    return %c0_i32, %arg0, %c0_i32_0 : i32, i32, i32
  }
  func.func @transform_3(%arg0: i32) -> (i32, i32) {
    %c0_i32 = arith.constant 0 : i32
    %c0_i32_0 = arith.constant 0 : i32
    %c0_i32_1 = arith.constant 0 : i32
    return %c0_i32, %c0_i32_0 : i32, i32
  }
  func.func @transform_4(%arg0: i32) -> (i32, i32) {
    %c0_i32 = arith.constant 0 : i32
    %c0_i32_0 = arith.constant 0 : i32
    return %arg0, %c0_i32 : i32, i32
  }
}

</mosaic_0001>

<sc_bundles>
// kernel: kernel.12.cloned.1.call-start
scs
__scs_entry_jumppad:
0x0: {  	(pc) =	sbr.rel $0x88, $3  }
0x1: {  	(tag) =	ssettag $0x0;
	lr =	simm.s32 $0x1  }
0x2: {  	[smem:$0x3F9B] =	sst lr;
	_ =	strace $0xD0000000  }
0x3: {  	_ = 	snop  }
0x4: {  	_ = 	snop  }
0x5: {  	_ = 	snop  }
0x6: {  	_ = 	snop  }
0x7: {  	_ = 	snop  }
__scs_overlays_trampoline_lowered:
0x8: {  	[smem:$0x3FAA] =	sst s0  }
0x9: {  	[smem:$0x3FAB] =	sst s1  }
0xa: {  	[smem:$0x3FAC] =	sst s2  }
0xb: {  	[smem:$0x3FAD] =	sst s3  }
0xc: {  	[smem:$0x3FAE] =	sst s4  }
0xd: {  	[smem:$0x3FAF] =	sst s5  }
0xe: {  	[smem:$0x3FB0] =	sst s6  }
0xf: {  	[smem:$0x3FB1] =	sst s7  }
0x10: {  	[smem:$0x3FB2] =	sst s8  }
0x11: {  	[smem:$0x3FB3] =	sst s9;
	s0 =	simm.s32 @!p0 $0x0  }
0x12: {  	s1 =	sld [smem:$0x3F99];
	s0 =	simm.s32 @p0 $0x1  }
0x13: {  	[smem:$0x3FB4] =	sst s0;
	s0 =	simm.s32 @!p1 $0x0  }
0x14: {  	s2 =	sld [smem:$0x3F98];
	s0 =	simm.s32 @p1 $0x1  }
0x15: {  	[smem:$0x3FB5] =	sst s0;
	s0 =	simm.s32 @!p2 $0x0  }
0x16: {  	s3 =	sld [smem:$0x3FDB];
	s0 =	simm.s32 @p2 $0x1  }
0x17: {  	s4 =	simm.s32 $0x1BF5;
	[smem:$0x3FB7] =	sst s0  }
0x18: {  	s0 =	sld [smem:$0x3F9A];
	_ =	swait.ge [sflag:s4], $0x0  }
0x19: {  	s7 =	sld [smem:$0x3F9B]  }
0x1a: {  	s8 =	sadd.s32 $0xFFFFE003, lr  }
0x1b: {  	s9 =	sadd.s32 $0xFFFFFEF7, lr;
	s5 =	simm.s32 $0xFFFFFFFF;
	p2 =	slt.u32 s8, $0xFFFFF086  }
0x1c: {  	p1 =	slt.u32 s9, $0xF7A;
	s5 =	simm.s32 @!p2 $0x0  }
0x1d: {  	s5 =	simm.s32 @p1 $0x1;
	p0 =	seq.s32 s7, s2  }
0x1e: {  	s7 =	smul.u32 @!p0 $0xF7A, s2;
	p2 =	seq.s32 @!p0 s5, $0x0  }
0x1f: {  	s9 =	smul.u32 $0xF7A, s1;
	s8 =	simm.s32 @!p0 $0x1BF5;
	p2 =	por !p2, p0  }
0x20: {  	[sflag:s8] =	ssyncset.s32 @!p0 $0xFFFFF086;
	s6 =	sadd.s32 @!p0 s3, s7;
	s7 =	simm.s32 @!p0 $0x108  }
0x21: {  	s3 =	sadd.s32 s3, s9;
	s6 =	sadd.s32 @!p0 $0x88, s6;
	s7 =	simm.s32 @p2 $0x1082  }
0x22: {  	[simem:s7], [sflag:s8] =	dma.local @!p0 [hbm:s6], $0xF7A  }
0x23: {  	s9 =	sor.u32 $0xD0000000, s2;
	s6 =	simm.s32 $0x108;
	_ =	swait.ge @!p0 [sflag:s8], $0x0  }
0x24: {  	s3 =	sadd.s32 $0x88, s3;
	s6 =	simm.s32 @!p1 $0x1082;
	[sflag:s4] =	ssyncset.s32 $0xFFFFF086  }
0x25: {  	[simem:s6], [sflag:s4] =	dma.local [hbm:s3], $0xF7A  }
0x26: {  	[smem:$0x3F9B] =	sst s1;
	(tag) =	ssettag s2;
	_ =	strace s9  }
0x27: {  	s1 =	sld [smem:$0x3FAB]  }
0x28: {  	s2 =	sld [smem:$0x3FAC]  }
0x29: {  	s4 =	sld [smem:$0x3FAE]  }
0x2a: {  	p0 =	seq.s32 s5, $0x0;
	s5 =	sld [smem:$0x3FAF]  }
0x2b: {  	s6 =	sld [smem:$0x3FB0]  }
0x2c: {  	s7 =	sld [smem:$0x3FB1]  }
0x2d: {  	s3 =	simm.s32 $0x108;
	s8 =	sld [smem:$0x3FB2]  }
0x2e: {  	s3 =	simm.s32 @!p0 $0x1082;
	s9 =	sld [smem:$0x3FB3]  }
0x2f: {  	lr =	sadd.s32 s0, s3;
	s0 =	sld [smem:$0x3FAA]  }
0x30: {  	s3 =	sld [smem:$0x3FAD]  }
0x31: {  	[smem:$0x3FB6] =	sst s10  }
0x32: {  	s10 =	sld [smem:$0x3FB4];
	_ =	sdelay $0x3  }
0x33: {  	p0 =	seq.s32 s10, $0x1;
	s10 =	sld [smem:$0x3FB6];
	_ =	sdelay $0x3  }
0x34: {  	[smem:$0x3FB6] =	sst s10  }
0x35: {  	s10 =	sld [smem:$0x3FB5];
	_ =	sdelay $0x3  }
0x36: {  	p1 =	seq.s32 s10, $0x1;
	s10 =	sld [smem:$0x3FB6];
	_ =	sdelay $0x3  }
0x37: {  	[smem:$0x3FB6] =	sst s10  }
0x38: {  	s10 =	sld [smem:$0x3FB7]  }
0x39: {  	_ = 	snop;
	(pc) =	sbr.ind lr, $3  }
0x3a: {  	_ = 	snop  }
0x3b: {  	_ = 	snop  }
0x3c: {  	p2 =	seq.s32 s10, $0x1;
	s10 =	sld [smem:$0x3FB6]  }
0x3d: {  	_ =	shalt  }
0x3e: {  	_ =	shalt  }
0x3f: {  	_ =	shalt  }
0x40: {  	_ =	shalt  }
0x41: {  	_ =	shalt  }
0x42: {  	_ =	shalt  }
0x43: {  	_ =	shalt  }
0x44: {  	_ =	shalt  }
0x45: {  	_ =	shalt  }
0x46: {  	_ =	shalt  }
0x47: {  	_ =	shalt  }
0x48: {  	_ =	shalt  }
0x49: {  	_ =	shalt  }
0x4a: {  	_ =	shalt  }
0x4b: {  	_ =	shalt  }
0x4c: {  	_ =	shalt  }
0x4d: {  	_ =	shalt  }
0x4e: {  	_ =	shalt  }
0x4f: {  	_ =	shalt  }
0x50: {  	_ =	shalt  }
0x51: {  	_ =	shalt  }
0x52: {  	_ =	shalt  }
0x53: {  	_ =	shalt  }
0x54: {  	_ =	shalt  }
0x55: {  	_ =	shalt  }
0x56: {  	_ =	shalt  }
0x57: {  	_ =	shalt  }
0x58: {  	_ =	shalt  }
0x59: {  	_ =	shalt  }
0x5a: {  	_ =	shalt  }
0x5b: {  	_ =	shalt  }
0x5c: {  	_ =	shalt  }
0x5d: {  	_ =	shalt  }
0x5e: {  	_ =	shalt  }
0x5f: {  	_ =	shalt  }
0x60: {  	_ =	shalt  }
0x61: {  	_ =	shalt  }
0x62: {  	_ =	shalt  }
0x63: {  	_ =	shalt  }
0x64: {  	_ =	shalt  }
0x65: {  	_ =	shalt  }
0x66: {  	_ =	shalt  }
0x67: {  	_ =	shalt  }
0x68: {  	_ =	shalt  }
0x69: {  	_ =	shalt  }
0x6a: {  	_ =	shalt  }
0x6b: {  	_ =	shalt  }
0x6c: {  	_ =	shalt  }
0x6d: {  	_ =	shalt  }
0x6e: {  	_ =	shalt  }
0x6f: {  	_ =	shalt  }
0x70: {  	_ =	shalt  }
0x71: {  	_ =	shalt  }
0x72: {  	_ =	shalt  }
0x73: {  	_ =	shalt  }
0x74: {  	_ =	shalt  }
0x75: {  	_ =	shalt  }
0x76: {  	_ =	shalt  }
0x77: {  	_ =	shalt  }
0x78: {  	_ =	shalt  }
0x79: {  	_ =	shalt  }
0x7a: {  	_ =	shalt  }
0x7b: {  	_ =	shalt  }
0x7c: {  	_ =	shalt  }
0x7d: {  	_ =	shalt  }
0x7e: {  	_ =	shalt  }
0x7f: {  	_ =	shalt  }
0x80: {  	_ =	shalt  }
0x81: {  	_ =	shalt  }
0x82: {  	_ =	shalt  }
0x83: {  	_ =	shalt  }
0x84: {  	_ =	shalt  }
0x85: {  	_ =	shalt  }
0x86: {  	_ =	shalt  }
0x87: {  	_ =	shalt  }
.Lfunc_end0:
.L_simem_size_0:
called_computation.1_lowered:
.L_overlay_start_0:
0x88: {  	s2 =	sld [smem:$0x3FD9]  }
0x89: {  	s3 =	sld [smem:$0x3FFE];
	_ =	sdelay $0x1  }
0x8a: {  	s1 =	srdreg.scid  }
0x8b: {  	s0 =	sand.u32 $0x1, s1  }
0x8c: {  	s17 =	sshll.u32 s0, $0xA;
	s2 =	sadd.s32 s3, s2  }
0x8d: {  	s2 =	sadd.s32 s2, s17  }
0x8e: {  	[smem:$0x3FC2] =	sst s2  }
0x8f: {  	_ = 	snop  }
0x90: {  	s2 =	sld [smem:$0x3FD0];
	(tm) =	ssettm $0x1  }
0x91: {  	s18 =	sld [smem:$0x3FFB];
	_ =	sdelay $0x3  }
0x92: {  	_ =	strace s18  }
0x93: {  	s3 =	sld [smem:$0x3FFC];
	_ =	sdelay $0x3  }
0x94: {  	_ =	strace s3  }
0x95: {  	s3 =	sld [smem:$0x3FFD];
	_ =	sdelay $0x3  }
0x96: {  	_ =	strace s3  }
0x97: {  	_ =	strace $0x8FFFFFFF  }
0x98: {  	s19 =	sld [smem:$0x3FDB];
	_ =	sdelay $0x1  }
0x99: {  	s4 =	simm.s32 $_scs_section_size  }
0x9a: {  	s5 =	simm.s32 $_size__tile_overlayer_lowered;
	s6 =	simm.s32 $_tile_overlayer_lowered  }
0x9b: {  	s22 =	simm.s32 $0x1BFF;
	s21 =	sshll.u32 s6, $0x1;
	s3 =	sadd.s32 s4, s19  }
0x9c: {  	s7 =	simm.s32 $0x0;
	s20 =	sshll.u32 s5, $0x1;
	s5 =	sadd.s32 s21, s3  }
0x9d: {  	[timem:s7], [sflag:s22] =	dma.local [hbm:s5], s20  }
0x9e: {  	_ =	swait.ge [sflag:s22], s20  }
0x9f: {  	s4 =	ssub.s32 $0x0, s20;
	[sflag:s22] =	ssyncset.done $0x0  }
0xa0: {  	[sflag:s22] =	ssyncadd.s32 s4;
	_ =	sdelay $0x1  }
0xa1: {  	s23 =	simm.s32 $0x1B8B  }
0xa2: {  	_ =	swait.ge [sflag:s23], $0x1  }
0xa3: {  	[sflag:s23] =	ssyncset.done $0x0  }
0xa4: {  	s25 =	simm.s32 $0x1B8E;
	s24 =	sld [smem:$0x3FFE];
	[sflag:s23] =	ssyncadd.s32 $0xFFFFFFFF  }
0xa5: {  	s26 =	simm.s32 $execute0_lowered;
	[smem:$0x3FD2] =	sst s25  }
0xa6: {  	s5 =	sshll.u32 s26, $0x1;
	_ =	strace $0x80000049;
	[dreg:$0x1] =	wrdreg $0xFFFFFFFF  }
0xa7: {  	s28 =	simm.s32 $_size_execute0_lowered;
	s3 =	sadd.s32 s3, s5;
	[dreg:$0x0] =	wrdreg $0x0  }
0xa8: {  	s5 =	sshll.u32 s28, $0x1;
	[dreg:$0x2] =	wrdreg s3  }
0xa9: {  	[dreg:$0x3] =	wrdreg s5  }
0xaa: {  	[dreg:$0x4] =	wrdreg $0xC0  }
0xab: {  	_ =	task [dreg:s7], $0x5FFFF  }
0xac: {  	[dreg:$0x1] =	wrdreg $0xFFFFFFFF  }
0xad: {  	[dreg:$0x0] =	wrdreg $0x60  }
0xae: {  	[dreg:$0x2] =	wrdreg s2  }
0xaf: {  	[dreg:$0x3] =	wrdreg s24  }
0xb0: {  	[dreg:$0x4] =	wrdreg $0x0  }
0xb1: {  	[dreg:$0x5] =	wrdreg $0x9  }
0xb2: {  	_ =	task.clear_ibuf [dreg:s7], $0x6FFFF;
	_ =	strace $0x90000049  }
0xb3: {  	s29 =	simm.s32 $0x9;
	_ =	strace $0x8000004B  }
0xb4: {  	_ =	swait.ge [sflag:s29], $0x1  }
0xb5: {  	[sflag:s29] =	ssyncadd.s32 $0xFFFFFFFF  }
0xb6: {  	_ =	strace $0x9000004B  }
0xb7: {  	_ =	sfence  }
0xb8: {  	s30 =	sld [smem:$0x0];
	_ =	sdelay $0x2  }
0xb9: {  	s31 =	sshll.u32 s1, $0xD;
	s1 =	sshrl.u32 s1, $0x2  }
0xba: {  	s3 =	sand.u32 $0x4000, s31;
	s1 =	sadd.s32 s1, s30  }
0xbb: {  	s0 =	sor.u32 s3, s0;
	s1 =	sshll.u32 s1, $0x11  }
0xbc: {  	s0 =	sor.u32 s1, s0  }
0xbd: {  	s0 =	sadd.s32 $0x8F2B, s0  }
0xbe: {  	[sflag:s0] =	ssyncadd.remote.s32 $0x1  }
0xbf: {  	_ =	sfence.sel $0xFFFF  }
0xc0: {  	[dreg:$0x0] =	wrdreg $0xFFFFFFFF;
	(pc) =	sbr.abs _section_cstart, $3  }
0xc1: {  	[dreg:$0x1] =	wrdreg $0xFFFFFFFF  }
0xc2: {  	_ =	task.clear_ibuf [dreg:s7], $0x2FFFF;
	_ =	strace $0x9FFFFFFF  }
0xc3: {  	(tm) =	ssettm $0x7FFFFFFF  }
tec
execute0_lowered:
.L_overlay_start_1:
0x0: {  	(tag) =	ssettag $0x1  }
0x1: {  	s2 =	rddreg [dreg:$0x0]  }
0x2: {  	s0 =	rddreg [dreg:$0x1]  }
0x3: {  	s3 =	rddreg [dreg:$0x2];
	s10 =	stileid.u32  }
0x4: {  	s1 =	srdreg.scid;
	s5 =	smul.u32 $0x14000, s10  }
0x5: {  	s4 =	simm.s32 $0x0;
	s1 =	sand.u32 $0x1, s1;
	s17 =	smul.u32 $0x50000, s10  }
0x6: {  	[smem:$0x7FF] =	sst s4;
	s30 =	sadd.s32 $0x8B600, s0;
	s24 =	smul.u32 $0x3E80, s10  }
0x7: {  	s31 =	sadd.s32 $0x7BC00, s0;
	s19 =	sshll.u32 s10, $0x6;
	s6 =	smul.u32 $0x140000, s1  }
0x8: {  	_ =	strace $0x8000004A;
	s8 =	sshll.u32 s1, $0x4;
	s18 =	ssub.s32 $0x2, s1  }
0x9: {  	s25 =	sor.u32 $0x1C11, s19;
	s1 =	smul.u32 $0x3E800, s1;
	s7 =	sshrl.u32 s5, $0x3  }
0xa: {  	s8 =	sor.u32 s10, s8;
	s9 =	sshrl.u32 s18, $0x1;
	[dreg:$0xc] =	wrdreg s25  }
0xb: {  	s7 =	sadd.s32 s7, s0;
	s5 =	sadd.s32 s5, s6;
	s6 =	sshrl.u32 s17, $0x2  }
0xc: {  	s8 =	smul.u32 $0x3E80, s8;
	s1 =	sadd.s32 s24, s1;
	s5 =	sshrl.u32 s5, $0x3  }
0xd: {  	s6 =	sadd.s32 s6, s3;
	s7 =	sadd.s32 $0x3C00, s7;
	s13 =	sadd.s32 $0x380, s1  }
0xe: {  	s17 =	sadd.s32 $0x300, s1;
	s0 =	sadd.s32 s5, s0;
	[dreg:$0xa] =	wrdreg s6  }
0xf: {  	s5 =	ssub.s32 s18, s9;
	[dreg:$0xb] =	wrdreg s7;
	s20 =	sshrl.u32 s8, $0x3  }
0x10: {  	s15 =	sshrl.u32 s13, $0x3;
	s19 =	sshrl.u32 s17, $0x3;
	s21 =	sadd.s32 s30, s20  }
0x11: {  	s22 =	sadd.s32 s31, s20;
	s23 =	sadd.s32 $0x10, s20;
	[dreg:$0xd] =	wrdreg s21  }
0x12: {  	s8 =	sadd.s32 $0x20, s20;
	s16 =	sadd.s32 s15, s31;
	[dreg:$0xe] =	wrdreg s22  }
0x13: {  	s11 =	sadd.s32 $0x30, s20;
	s18 =	sadd.s32 s15, s30;
	[dreg:$0x4] =	wrdreg s16  }
0x14: {  	s6 =	sadd.s32 $0x7C0, s20;
	s20 =	sadd.s32 s19, s31;
	[dreg:$0x5] =	wrdreg s18  }
0x15: {  	s29 =	simm.s32 $0xC;
	s0 =	sadd.s32 $0xC2200, s0;
	[dreg:$0x6] =	wrdreg s20  }
0x16: {  	s13 =	simm.s32 $0x1E280;
	s5 =	smax.u32 s5, $0x1;
	[dreg:$0x17] =	wrdreg s0  }
0x17: {  	s17 =	simm.s32 $0xA;
	s26 =	sadd.s32 s30, s23;
	[dreg:$0x18] =	wrdreg s5  }
0x18: {  	s9 =	simm.s32 $0x8;
	s7 =	sadd.s32 s31, s23;
	[dreg:$0xf] =	wrdreg s26  }
0x19: {  	s28 =	sadd.s32 s30, s8;
	s10 =	sadd.s32 s31, s8;
	[dreg:$0x10] =	wrdreg s7  }
0x1a: {  	s12 =	sadd.s32 s30, s11;
	s14 =	sadd.s32 s30, s6;
	[dreg:$0x11] =	wrdreg s28  }
0x1b: {  	s6 =	sadd.s32 s31, s6;
	s21 =	sadd.s32 $0x280, s1;
	[dreg:$0x12] =	wrdreg s10  }
0x1c: {  	s22 =	sadd.s32 s19, s30;
	s19 =	simm.s32 $0xB;
	[dreg:$0x13] =	wrdreg s12  }
0x1d: {  	s5 =	simm.s32 $0xE;
	s8 =	simm.s32 $0x0;
	[dreg:$0x15] =	wrdreg s14  }
0x1e: {  	s7 =	sadd.s32 s31, s11;
	[dreg:$0x16] =	wrdreg s6;
	s23 =	sshrl.u32 s21, $0x3  }
0x1f: {  	[dreg:$0x7] =	wrdreg s22;
	s28 =	sadd.s32 $0x200, s1;
	s1 =	simm.s32 $0x1E300  }
0x20: {  	s22 =	simm.s32 $0x4;
	s6 =	simm.s32 $0xF;
	[dreg:$0x14] =	wrdreg s7  }
0x21: {  	s24 =	sadd.s32 s23, s31;
	s26 =	sadd.s32 s23, s30;
	[dreg:$0x19] =	wrdreg s28  }
0x22: {  	s7 =	simm.s32 $0x50;
	s23 =	simm.s32 $0xD;
	[dreg:$0x8] =	wrdreg s24  }
0x23: {  	[dreg:$0x9] =	wrdreg s26;
	s26 =	simm.s32 $0x11;
	s24 =	simm.s32 $0x10  }
.LBB2_1:
0x24: {  	[dreg:$0x1a] =	wrdreg s8  }
0x25: {  	s0 =	rddreg [dreg:$0xa]  }
0x26: {  	s11 =	rddreg [dreg:$0xb];
	s10 =	sshrl.u32 s0, $0x3  }
0x27: {  	[dreg:$0x1b] =	wrdreg s10  }
0x28: {  	[spmem:s10], [sflag:s25] =	dma.local [hbm:s11], $0x2800  }
0x29: {  	_ =	swait.ge [sflag:s26], $0x2800  }
0x2a: {  	[sflag:s26] =	ssyncset.done $0x0  }
0x2b: {  	[sflag:s26] =	ssyncadd.s32 $0xFFFFD800  }
0x2c: {  	[bflag:$0x0] =	sbarrier.arrive $0xFFFF  }
0x2d: {  	s10 =	simm.s32 $0x1E200;
	s12 =	rddreg [dreg:$0xd]  }
0x2e: {  	[tilespmem:s10], [sflag:$0x9] =	stream.linear.gather [hbm4b:s12+s4], $0x80, $0x38;
	[tilespmem:$0x1E400] =	vst v63  }
0x2f: {  	s14 =	rddreg [dreg:$0xe];
	s12 =	simm.s32 $0x14000  }
0x30: {  	[tilespmem:s12], [sflag:$0x1] =	stream.linear.gather [hbm4b:s14+s4], $0x80, $0x38;
	[tilespmem:$0x1E400] =	vst v63  }
0x31: {  	s15 =	rddreg [dreg:$0xf]  }
0x32: {  	[tilespmem:s13], [sflag:$0xA] =	stream.linear.gather [hbm4b:s15+s4], $0x80, $0x38;
	[tilespmem:$0x1E400] =	vst v63  }
0x33: {  	s28 =	simm.s32 $0x14080;
	s16 =	rddreg [dreg:$0x10]  }
0x34: {  	[tilespmem:s28], [sflag:$0x2] =	stream.linear.gather [hbm4b:s16+s4], $0x80, $0x38;
	[tilespmem:$0x1E400] =	vst v63  }
0x35: {  	s18 =	rddreg [dreg:$0x11]  }
0x36: {  	[tilespmem:s1], [sflag:$0xB] =	stream.linear.gather [hbm4b:s18+s4], $0x80, $0x38;
	[tilespmem:$0x1E400] =	vst v63  }
0x37: {  	s20 =	rddreg [dreg:$0x12];
	s15 =	simm.s32 $0x14100  }
0x38: {  	[tilespmem:s15], [sflag:$0x3] =	stream.linear.gather [hbm4b:s20+s4], $0x80, $0x38;
	[tilespmem:$0x1E400] =	vst v63  }
0x39: {  	s11 =	simm.s32 $0x1E380;
	s21 =	rddreg [dreg:$0x13]  }
0x3a: {  	[tilespmem:s11], [sflag:$0xC] =	stream.linear.gather [hbm4b:s21+s4], $0x80, $0x38;
	[tilespmem:$0x1E400] =	vst v63  }
0x3b: {  	s26 =	simm.s32 $0x14180;
	s25 =	rddreg [dreg:$0x14];
	s14 =	simm.s32 $0x9  }
0x3c: {  	[tilespmem:s26], [sflag:$0x4] =	stream.linear.gather [hbm4b:s25+s4], $0x80, $0x38;
	[tilespmem:$0x1E400] =	vst v63  }
0x3d: {  	_ =	swait.ge [sflag:s14], $0x80  }
0x3e: {  	[sflag:s14] =	ssyncset.done $0x0  }
0x3f: {  	s16 =	simm.s32 $0x14200;
	[sflag:s14] =	ssyncadd.s32 $0xFFFFFF80  }
0x40: {  	[tilespmem:s16], [sflag:$0x5] =	stream.indirect.gather [hbm4b:s2+s7], $0x80, s10, s7, $0xb8;
	[tilespmem:$0x1E400] =	vst v63  }
0x41: {  	_ =	swait.ge [sflag:s17], $0x80  }
0x42: {  	[sflag:s17] =	ssyncset.done $0x0  }
0x43: {  	s18 =	simm.s32 $0x16A00;
	[sflag:s17] =	ssyncadd.s32 $0xFFFFFF80  }
0x44: {  	[tilespmem:s18], [sflag:$0x6] =	stream.indirect.gather [hbm4b:s2+s7], $0x80, s13, s7, $0xb8;
	[tilespmem:$0x1E400] =	vst v63  }
0x45: {  	_ =	swait.ge [sflag:s19], $0x80  }
0x46: {  	[sflag:s19] =	ssyncset.done $0x0  }
0x47: {  	s20 =	simm.s32 $0x19200;
	[sflag:s19] =	ssyncadd.s32 $0xFFFFFF80  }
0x48: {  	[tilespmem:s20], [sflag:$0x7] =	stream.indirect.gather [hbm4b:s2+s7], $0x80, s1, s7, $0xb8;
	[tilespmem:$0x1E400] =	vst v63  }
0x49: {  	_ =	swait.ge [sflag:s29], $0x80  }
0x4a: {  	[sflag:s29] =	ssyncset.done $0x0  }
0x4b: {  	s0 =	simm.s32 $0x5;
	s21 =	simm.s32 $0x1BA00;
	[sflag:s29] =	ssyncadd.s32 $0xFFFFFF80  }
0x4c: {  	[tilespmem:s21], [sflag:$0x8] =	stream.indirect.gather [hbm4b:s2+s7], $0x80, s11, s7, $0xb8;
	[tilespmem:$0x1E400] =	vst v63  }
0x4d: {  	_ =	swait.ge [sflag:s0], $0x2800  }
0x4e: {  	s8 =	rddreg [dreg:$0x19]  }
0x4f: {  	[sflag:s0] =	ssyncset.done $0x0;
	s25 =	sshrl.u32 s8, $0x3  }
0x50: {  	[sflag:s0] =	ssyncadd.s32 $0xFFFFD800;
	s0 =	sadd.s32 s30, s25  }
0x51: {  	[tilespmem:s10], [sflag:$0x9] =	stream.linear.gather [hbm4b:s0+s4], $0x80, $0x38;
	[tilespmem:$0x1E400] =	vst v63  }
0x52: {  	s0 =	simm.s32 $0x1  }
0x53: {  	_ =	swait.ge [sflag:s0], $0x80  }
0x54: {  	[sflag:s0] =	ssyncset.done $0x0  }
0x55: {  	[sflag:s0] =	ssyncadd.s32 $0xFFFFFF80;
	s0 =	simm.s32 $0x6  }
0x56: {  	[spmem:s3] =	stream.indirect.scatter.add.f32 [tilespmem:s16], [sflag:$0xD], $0x80, s12, s7, $0xb8;
	[tilespmem:$0x1E400] =	vst v63  }
0x57: {  	_ =	swait.ge [sflag:s0], $0x2800  }
0x58: {  	s26 =	rddreg [dreg:$0x9];
	[sflag:s0] =	ssyncset.done $0x0  }
0x59: {  	[sflag:s0] =	ssyncadd.s32 $0xFFFFD800;
	s26 =	sadd.s32 $0x0, s26  }
0x5a: {  	[tilespmem:s13], [sflag:$0xA] =	stream.linear.gather [hbm4b:s26+s4], $0x80, $0x38;
	[tilespmem:$0x1E400] =	vst v63  }
0x5b: {  	s26 =	simm.s32 $0x2  }
0x5c: {  	_ =	swait.ge [sflag:s26], $0x80  }
0x5d: {  	[sflag:s26] =	ssyncset.done $0x0  }
0x5e: {  	s0 =	simm.s32 $0x7;
	[sflag:s26] =	ssyncadd.s32 $0xFFFFFF80  }
0x5f: {  	[spmem:s3] =	stream.indirect.scatter.add.f32 [tilespmem:s18], [sflag:$0xE], $0x80, s28, s7, $0xb8;
	[tilespmem:$0x1E400] =	vst v63  }
0x60: {  	_ =	swait.ge [sflag:s0], $0x2800  }
0x61: {  	s26 =	rddreg [dreg:$0x7];
	[sflag:s0] =	ssyncset.done $0x0  }
0x62: {  	[sflag:s0] =	ssyncadd.s32 $0xFFFFD800;
	s26 =	sadd.s32 $0x0, s26  }
0x63: {  	[tilespmem:s1], [sflag:$0xB] =	stream.linear.gather [hbm4b:s26+s4], $0x80, $0x38;
	[tilespmem:$0x1E400] =	vst v63  }
0x64: {  	s26 =	simm.s32 $0x3  }
0x65: {  	_ =	swait.ge [sflag:s26], $0x80  }
0x66: {  	[sflag:s26] =	ssyncset.done $0x0  }
0x67: {  	[sflag:s26] =	ssyncadd.s32 $0xFFFFFF80  }
0x68: {  	[spmem:s3] =	stream.indirect.scatter.add.f32 [tilespmem:s20], [sflag:$0xF], $0x80, s15, s7, $0xb8;
	[tilespmem:$0x1E400] =	vst v63  }
0x69: {  	_ =	swait.ge [sflag:s9], $0x2800  }
0x6a: {  	s0 =	rddreg [dreg:$0x5];
	[sflag:s9] =	ssyncset.done $0x0  }
0x6b: {  	[sflag:s9] =	ssyncadd.s32 $0xFFFFD800;
	s26 =	sadd.s32 $0x0, s0  }
0x6c: {  	[tilespmem:s11], [sflag:$0xC] =	stream.linear.gather [hbm4b:s26+s4], $0x80, $0x38;
	[tilespmem:$0x1E400] =	vst v63  }
0x6d: {  	_ =	swait.ge [sflag:s22], $0x80  }
0x6e: {  	[sflag:s22] =	ssyncset.done $0x0  }
0x6f: {  	s11 =	simm.s32 $0x14180;
	[sflag:s22] =	ssyncadd.s32 $0xFFFFFF80  }
0x70: {  	[spmem:s3] =	stream.indirect.scatter.add.f32 [tilespmem:s21], [sflag:$0x10], $0x80, s11, s7, $0xb8;
	[tilespmem:$0x1E400] =	vst v63  }
0x71: {  	_ =	swait.ge [sflag:s23], $0x2800  }
0x72: {  	[sflag:s23] =	ssyncset.done $0x0  }
0x73: {  	s25 =	sadd.s32 s31, s25;
	[sflag:s23] =	ssyncadd.s32 $0xFFFFD800  }
0x74: {  	[tilespmem:s12], [sflag:$0x1] =	stream.linear.gather [hbm4b:s25+s4], $0x80, $0x38;
	[tilespmem:$0x1E400] =	vst v63  }
0x75: {  	_ =	swait.ge [sflag:s14], $0x80  }
0x76: {  	[sflag:s14] =	ssyncset.done $0x0  }
0x77: {  	[sflag:s14] =	ssyncadd.s32 $0xFFFFFF80  }
0x78: {  	[tilespmem:s16], [sflag:$0x5] =	stream.indirect.gather [hbm4b:s2+s7], $0x80, s10, s7, $0xb8;
	[tilespmem:$0x1E400] =	vst v63  }
0x79: {  	_ =	swait.ge [sflag:s5], $0x2800  }
0x7a: {  	s21 =	rddreg [dreg:$0x8];
	[sflag:s5] =	ssyncset.done $0x0  }
0x7b: {  	[sflag:s5] =	ssyncadd.s32 $0xFFFFD800;
	s25 =	sadd.s32 $0x0, s21  }
0x7c: {  	[tilespmem:s28], [sflag:$0x2] =	stream.linear.gather [hbm4b:s25+s4], $0x80, $0x38;
	[tilespmem:$0x1E400] =	vst v63  }
0x7d: {  	_ =	swait.ge [sflag:s17], $0x80  }
0x7e: {  	[sflag:s17] =	ssyncset.done $0x0  }
0x7f: {  	[sflag:s17] =	ssyncadd.s32 $0xFFFFFF80  }
0x80: {  	[tilespmem:s18], [sflag:$0x6] =	stream.indirect.gather [hbm4b:s2+s7], $0x80, s13, s7, $0xb8;
	[tilespmem:$0x1E400] =	vst v63  }
0x81: {  	_ =	swait.ge [sflag:s6], $0x2800  }
0x82: {  	s26 =	rddreg [dreg:$0x6];
	[sflag:s6] =	ssyncset.done $0x0  }
0x83: {  	[sflag:s6] =	ssyncadd.s32 $0xFFFFD800;
	s25 =	sadd.s32 $0x0, s26  }
0x84: {  	[tilespmem:s15], [sflag:$0x3] =	stream.linear.gather [hbm4b:s25+s4], $0x80, $0x38;
	[tilespmem:$0x1E400] =	vst v63  }
0x85: {  	_ =	swait.ge [sflag:s19], $0x80  }
0x86: {  	[sflag:s19] =	ssyncset.done $0x0  }
0x87: {  	[sflag:s19] =	ssyncadd.s32 $0xFFFFFF80  }
0x88: {  	[tilespmem:s20], [sflag:$0x7] =	stream.indirect.gather [hbm4b:s2+s7], $0x80, s1, s7, $0xb8;
	[tilespmem:$0x1E400] =	vst v63  }
0x89: {  	_ =	swait.ge [sflag:s24], $0x2800  }
0x8a: {  	s28 =	rddreg [dreg:$0x4];
	[sflag:s24] =	ssyncset.done $0x0  }
0x8b: {  	[sflag:s24] =	ssyncadd.s32 $0xFFFFD800;
	s25 =	sadd.s32 $0x0, s28  }
0x8c: {  	[tilespmem:s11], [sflag:$0x4] =	stream.linear.gather [hbm4b:s25+s4], $0x80, $0x38;
	[tilespmem:$0x1E400] =	vst v63  }
0x8d: {  	s17 =	simm.s32 $0xA;
	s13 =	simm.s32 $0x1E280;
	_ =	swait.ge [sflag:s29], $0x80  }
0x8e: {  	s26 =	sadd.s32 $0x200, s8;
	s19 =	simm.s32 $0xB;
	[sflag:s29] =	ssyncset.done $0x0  }
0x8f: {  	s1 =	simm.s32 $0x1E300;
	s25 =	simm.s32 $0x40;
	[sflag:s29] =	ssyncadd.s32 $0xFFFFFF80  }
.LBB2_2:
0x90: {  	s14 =	simm.s32 $0x1E380;
	s21 =	simm.s32 $0x1BA00;
	s0 =	simm.s32 $0x5  }
0x91: {  	[tilespmem:s21], [sflag:$0x8] =	stream.indirect.gather [hbm4b:s2+s7], $0x80, s14, s7, $0xb8;
	[tilespmem:$0x1E400] =	vst v63  }
0x92: {  	_ =	swait.ge [sflag:s0], $0x2800  }
0x93: {  	s29 =	sshrl.u32 s26, $0x3;
	[sflag:s0] =	ssyncset.done $0x0  }
0x94: {  	s8 =	simm.s32 $0x1E200;
	s10 =	simm.s32 $0x1;
	[sflag:s0] =	ssyncadd.s32 $0xFFFFD800  }
0x95: {  	s0 =	smov.u32 s31;
	s31 =	smov.u32 s30;
	s30 =	sadd.s32 s30, s29  }
0x96: {  	[tilespmem:s8], [sflag:$0x9] =	stream.linear.gather [hbm4b:s30+s4], $0x80, $0x38;
	[tilespmem:$0x1E400] =	vst v63  }
0x97: {  	_ =	swait.ge [sflag:s10], $0x80  }
0x98: {  	s11 =	simm.s32 $0x14000;
	[sflag:s10] =	ssyncset.done $0x0  }
0x99: {  	s16 =	simm.s32 $0x14200;
	s18 =	simm.s32 $0x6;
	[sflag:s10] =	ssyncadd.s32 $0xFFFFFF80  }
0x9a: {  	[spmem:s3] =	stream.indirect.scatter.add.f32 [tilespmem:s16], [sflag:$0xD], $0x80, s11, s7, $0xb8;
	[tilespmem:$0x1E400] =	vst v63  }
0x9b: {  	_ =	swait.ge [sflag:s18], $0x2800  }
0x9c: {  	s28 =	smov.u32 s25;
	s30 =	rddreg [dreg:$0x9];
	[sflag:s18] =	ssyncset.done $0x0  }
0x9d: {  	s20 =	simm.s32 $0x2;
	[sflag:s18] =	ssyncadd.s32 $0xFFFFD800;
	s30 =	sadd.s32 s28, s30  }
0x9e: {  	[tilespmem:s13], [sflag:$0xA] =	stream.linear.gather [hbm4b:s30+s4], $0x80, $0x38;
	[tilespmem:$0x1E400] =	vst v63  }
0x9f: {  	_ =	swait.ge [sflag:s20], $0x80  }
0xa0: {  	s15 =	simm.s32 $0x14080;
	[sflag:s20] =	ssyncset.done $0x0  }
0xa1: {  	s12 =	simm.s32 $0x7;
	s18 =	simm.s32 $0x16A00;
	[sflag:s20] =	ssyncadd.s32 $0xFFFFFF80  }
0xa2: {  	[spmem:s3] =	stream.indirect.scatter.add.f32 [tilespmem:s18], [sflag:$0xE], $0x80, s15, s7, $0xb8;
	[tilespmem:$0x1E400] =	vst v63  }
0xa3: {  	_ =	swait.ge [sflag:s12], $0x2800  }
0xa4: {  	s30 =	rddreg [dreg:$0x7];
	[sflag:s12] =	ssyncset.done $0x0  }
0xa5: {  	s20 =	simm.s32 $0x3;
	[sflag:s12] =	ssyncadd.s32 $0xFFFFD800;
	s30 =	sadd.s32 s28, s30  }
0xa6: {  	[tilespmem:s1], [sflag:$0xB] =	stream.linear.gather [hbm4b:s30+s4], $0x80, $0x38;
	[tilespmem:$0x1E400] =	vst v63  }
0xa7: {  	_ =	swait.ge [sflag:s20], $0x80  }
0xa8: {  	[sflag:s20] =	ssyncset.done $0x0  }
0xa9: {  	s10 =	simm.s32 $0x14100;
	[sflag:s20] =	ssyncadd.s32 $0xFFFFFF80;
	s20 =	simm.s32 $0x19200  }
0xaa: {  	[spmem:s3] =	stream.indirect.scatter.add.f32 [tilespmem:s20], [sflag:$0xF], $0x80, s10, s7, $0xb8;
	[tilespmem:$0x1E400] =	vst v63  }
0xab: {  	_ =	swait.ge [sflag:s9], $0x2800  }
0xac: {  	s30 =	rddreg [dreg:$0x5];
	[sflag:s9] =	ssyncset.done $0x0  }
0xad: {  	[sflag:s9] =	ssyncadd.s32 $0xFFFFD800;
	s30 =	sadd.s32 s28, s30  }
0xae: {  	[tilespmem:s14], [sflag:$0xC] =	stream.linear.gather [hbm4b:s30+s4], $0x80, $0x38;
	[tilespmem:$0x1E400] =	vst v63  }
0xaf: {  	_ =	swait.ge [sflag:s22], $0x80  }
0xb0: {  	s30 =	smov.u32 s31;
	[sflag:s22] =	ssyncset.done $0x0  }
0xb1: {  	s31 =	smov.u32 s0;
	s0 =	simm.s32 $0x14180;
	[sflag:s22] =	ssyncadd.s32 $0xFFFFFF80  }
0xb2: {  	[spmem:s3] =	stream.indirect.scatter.add.f32 [tilespmem:s21], [sflag:$0x10], $0x80, s0, s7, $0xb8;
	[tilespmem:$0x1E400] =	vst v63  }
0xb3: {  	_ =	swait.ge [sflag:s23], $0x2800  }
0xb4: {  	[sflag:s23] =	ssyncset.done $0x0  }
0xb5: {  	s29 =	sadd.s32 s31, s29;
	s21 =	simm.s32 $0x9;
	[sflag:s23] =	ssyncadd.s32 $0xFFFFD800  }
0xb6: {  	[tilespmem:s11], [sflag:$0x1] =	stream.linear.gather [hbm4b:s29+s4], $0x80, $0x38;
	[tilespmem:$0x1E400] =	vst v63  }
0xb7: {  	_ =	swait.ge [sflag:s21], $0x80  }
0xb8: {  	[sflag:s21] =	ssyncset.done $0x0  }
0xb9: {  	[sflag:s21] =	ssyncadd.s32 $0xFFFFFF80  }
0xba: {  	[tilespmem:s16], [sflag:$0x5] =	stream.indirect.gather [hbm4b:s2+s7], $0x80, s8, s7, $0xb8;
	[tilespmem:$0x1E400] =	vst v63  }
0xbb: {  	_ =	swait.ge [sflag:s5], $0x2800  }
0xbc: {  	s29 =	rddreg [dreg:$0x8];
	[sflag:s5] =	ssyncset.done $0x0  }
0xbd: {  	[sflag:s5] =	ssyncadd.s32 $0xFFFFD800;
	s29 =	sadd.s32 s28, s29  }
0xbe: {  	[tilespmem:s15], [sflag:$0x2] =	stream.linear.gather [hbm4b:s29+s4], $0x80, $0x38;
	[tilespmem:$0x1E400] =	vst v63  }
0xbf: {  	_ =	swait.ge [sflag:s17], $0x80  }
0xc0: {  	[sflag:s17] =	ssyncset.done $0x0  }
0xc1: {  	[sflag:s17] =	ssyncadd.s32 $0xFFFFFF80  }
0xc2: {  	[tilespmem:s18], [sflag:$0x6] =	stream.indirect.gather [hbm4b:s2+s7], $0x80, s13, s7, $0xb8;
	[tilespmem:$0x1E400] =	vst v63  }
0xc3: {  	_ =	swait.ge [sflag:s6], $0x2800  }
0xc4: {  	s29 =	rddreg [dreg:$0x6];
	[sflag:s6] =	ssyncset.done $0x0  }
0xc5: {  	[sflag:s6] =	ssyncadd.s32 $0xFFFFD800;
	s29 =	sadd.s32 s28, s29  }
0xc6: {  	[tilespmem:s10], [sflag:$0x3] =	stream.linear.gather [hbm4b:s29+s4], $0x80, $0x38;
	[tilespmem:$0x1E400] =	vst v63  }
0xc7: {  	_ =	swait.ge [sflag:s19], $0x80  }
0xc8: {  	[sflag:s19] =	ssyncset.done $0x0  }
0xc9: {  	[sflag:s19] =	ssyncadd.s32 $0xFFFFFF80  }
0xca: {  	[tilespmem:s20], [sflag:$0x7] =	stream.indirect.gather [hbm4b:s2+s7], $0x80, s1, s7, $0xb8;
	[tilespmem:$0x1E400] =	vst v63  }
0xcb: {  	_ =	swait.ge [sflag:s24], $0x2800  }
0xcc: {  	p0 =	sne.s32 s25, $0x740;
	s25 =	sadd.s32 $0x40, s25;
	[sflag:s24] =	ssyncset.done $0x0  }
0xcd: {  	s26 =	sadd.s32 $0x200, s26;
	s29 =	rddreg [dreg:$0x4];
	[sflag:s24] =	ssyncadd.s32 $0xFFFFD800  }
.Ltmp0:
0xce: {  	s28 =	sadd.s32 s28, s29;
	s29 =	simm.s32 $0xC;
	(pc) =	sbr.rel @p0 .LBB2_2-.Ltmp0, $4  }
0xcf: {  	[tilespmem:s0], [sflag:$0x4] =	stream.linear.gather [hbm4b:s28+s4], $0x80, $0x38;
	[tilespmem:$0x1E400] =	vst v63  }
0xd0: {  	s12 =	simm.s32 $0x1E380;
	s14 =	simm.s32 $0x16A00;
	_ =	swait.ge [sflag:s29], $0x80  }
0xd1: {  	s8 =	simm.s32 $0x14080;
	s16 =	simm.s32 $0x19200;
	[sflag:s29] =	ssyncset.done $0x0  }
0xd2: {  	s15 =	simm.s32 $0x14100;
	s10 =	simm.s32 $0x14180;
	[sflag:s29] =	ssyncadd.s32 $0xFFFFFF80  }
0xd3: {  	s17 =	simm.s32 $0x1BA00;
	s25 =	simm.s32 $0x5  }
0xd4: {  	[tilespmem:s17], [sflag:$0x8] =	stream.indirect.gather [hbm4b:s2+s7], $0x80, s12, s7, $0xb8;
	[tilespmem:$0x1E400] =	vst v63  }
0xd5: {  	_ =	swait.ge [sflag:s25], $0x2800  }
0xd6: {  	s13 =	simm.s32 $0x1E200;
	[sflag:s25] =	ssyncset.done $0x0  }
0xd7: {  	s18 =	simm.s32 $0x1;
	s0 =	rddreg [dreg:$0x15];
	[sflag:s25] =	ssyncadd.s32 $0xFFFFD800  }
0xd8: {  	[tilespmem:s13], [sflag:$0x9] =	stream.linear.gather [hbm4b:s0+s4], $0x80, $0x38;
	[tilespmem:$0x1E400] =	vst v63  }
0xd9: {  	_ =	swait.ge [sflag:s18], $0x80  }
0xda: {  	s11 =	simm.s32 $0x14000;
	[sflag:s18] =	ssyncset.done $0x0  }
0xdb: {  	s1 =	simm.s32 $0x14200;
	s26 =	simm.s32 $0x6;
	[sflag:s18] =	ssyncadd.s32 $0xFFFFFF80  }
0xdc: {  	[spmem:s3] =	stream.indirect.scatter.add.f32 [tilespmem:s1], [sflag:$0xD], $0x80, s11, s7, $0xb8;
	[tilespmem:$0x1E400] =	vst v63  }
0xdd: {  	_ =	swait.ge [sflag:s26], $0x2800  }
0xde: {  	[sflag:s26] =	ssyncset.done $0x0  }
0xdf: {  	s28 =	simm.s32 $0x2;
	[sflag:s26] =	ssyncadd.s32 $0xFFFFD800  }
0xe0: {  	_ =	swait.ge [sflag:s28], $0x80  }
0xe1: {  	[sflag:s28] =	ssyncset.done $0x0  }
0xe2: {  	[sflag:s28] =	ssyncadd.s32 $0xFFFFFF80  }
0xe3: {  	[spmem:s3] =	stream.indirect.scatter.add.f32 [tilespmem:s14], [sflag:$0xE], $0x80, s8, s7, $0xb8;
	[tilespmem:$0x1E400] =	vst v63  }
0xe4: {  	s8 =	simm.s32 $0x7  }
0xe5: {  	_ =	swait.ge [sflag:s8], $0x2800  }
0xe6: {  	[sflag:s8] =	ssyncset.done $0x0  }
0xe7: {  	s14 =	simm.s32 $0x3;
	[sflag:s8] =	ssyncadd.s32 $0xFFFFD800  }
0xe8: {  	_ =	swait.ge [sflag:s14], $0x80  }
0xe9: {  	[sflag:s14] =	ssyncset.done $0x0  }
0xea: {  	[sflag:s14] =	ssyncadd.s32 $0xFFFFFF80  }
0xeb: {  	[spmem:s3] =	stream.indirect.scatter.add.f32 [tilespmem:s16], [sflag:$0xF], $0x80, s15, s7, $0xb8;
	[tilespmem:$0x1E400] =	vst v63  }
0xec: {  	_ =	swait.ge [sflag:s9], $0x2800  }
0xed: {  	[sflag:s9] =	ssyncset.done $0x0  }
0xee: {  	[sflag:s9] =	ssyncadd.s32 $0xFFFFD800  }
0xef: {  	_ =	swait.ge [sflag:s22], $0x80  }
0xf0: {  	[sflag:s22] =	ssyncset.done $0x0  }
0xf1: {  	[sflag:s22] =	ssyncadd.s32 $0xFFFFFF80  }
0xf2: {  	[spmem:s3] =	stream.indirect.scatter.add.f32 [tilespmem:s17], [sflag:$0x10], $0x80, s10, s7, $0xb8;
	[tilespmem:$0x1E400] =	vst v63  }
0xf3: {  	_ =	swait.ge [sflag:s23], $0x2800  }
0xf4: {  	[sflag:s23] =	ssyncset.done $0x0  }
0xf5: {  	s17 =	simm.s32 $0x9;
	s16 =	rddreg [dreg:$0x16];
	[sflag:s23] =	ssyncadd.s32 $0xFFFFD800  }
0xf6: {  	[tilespmem:s11], [sflag:$0x1] =	stream.linear.gather [hbm4b:s16+s4], $0x80, $0x38;
	[tilespmem:$0x1E400] =	vst v63  }
0xf7: {  	_ =	swait.ge [sflag:s17], $0x80  }
0xf8: {  	[sflag:s17] =	ssyncset.done $0x0  }
0xf9: {  	[sflag:s17] =	ssyncadd.s32 $0xFFFFFF80  }
0xfa: {  	[tilespmem:s1], [sflag:$0x5] =	stream.indirect.gather [hbm4b:s2+s7], $0x80, s13, s7, $0xb8;
	[tilespmem:$0x1E400] =	vst v63  }
0xfb: {  	_ =	swait.ge [sflag:s25], $0x2800  }
0xfc: {  	[sflag:s25] =	ssyncset.done $0x0  }
0xfd: {  	[sflag:s25] =	ssyncadd.s32 $0xFFFFD800  }
0xfe: {  	_ =	swait.ge [sflag:s18], $0x80  }
0xff: {  	[sflag:s18] =	ssyncset.done $0x0  }
0x100: {  	[sflag:s18] =	ssyncadd.s32 $0xFFFFFF80  }
0x101: {  	[spmem:s3] =	stream.indirect.scatter.add.f32 [tilespmem:s1], [sflag:$0xD], $0x80, s11, s7, $0xb8;
	[tilespmem:$0x1E400] =	vst v63  }
0x102: {  	_ =	swait.ge [sflag:s5], $0x2800  }
0x103: {  	[sflag:s5] =	ssyncset.done $0x0  }
0x104: {  	[sflag:s5] =	ssyncadd.s32 $0xFFFFD800  }
0x105: {  	_ =	swait.ge [sflag:s6], $0x2800  }
0x106: {  	[sflag:s6] =	ssyncset.done $0x0  }
0x107: {  	[sflag:s6] =	ssyncadd.s32 $0xFFFFD800  }
0x108: {  	_ =	swait.ge [sflag:s24], $0x2800  }
0x109: {  	[sflag:s24] =	ssyncset.done $0x0  }
0x10a: {  	[sflag:s24] =	ssyncadd.s32 $0xFFFFD800  }
0x10b: {  	_ =	swait.ge [sflag:s23], $0x2800  }
0x10c: {  	[sflag:s23] =	ssyncset.done $0x0  }
0x10d: {  	[sflag:s23] =	ssyncadd.s32 $0xFFFFD800  }
0x10e: {  	[bflag:$0x0] =	sbarrier.arrive $0xFFFF  }
0x10f: {  	s25 =	rddreg [dreg:$0xc]  }
0x110: {  	s19 =	rddreg [dreg:$0x17]  }
0x111: {  	s26 =	simm.s32 $0x11;
	s20 =	rddreg [dreg:$0x1b]  }
0x112: {  	[hbm:s19], [sflag:s25] =	dma.local [spmem:s20], $0x2800  }
0x113: {  	_ =	swait.ge [sflag:s26], $0x2800  }
0x114: {  	s21 =	rddreg [dreg:$0x1a]  }
0x115: {  	s28 =	rddreg [dreg:$0x18];
	s8 =	sadd.s32 $0x1, s21  }
0x116: {  	p0 =	sne.s32 s8, s28  }
.Ltmp1:
0x117: {  	_ = 	snop;
	(pc) =	sbr.rel @p0 .LBB2_1-.Ltmp1, $3  }
0x118: {  	_ =	sdelay $0x1  }
0x119: {  	s17 =	simm.s32 $0xA;
	s13 =	simm.s32 $0x1E280;
	[sflag:s26] =	ssyncset.done $0x0  }
0x11a: {  	s1 =	simm.s32 $0x1E300;
	s19 =	simm.s32 $0xB;
	[sflag:s26] =	ssyncadd.s32 $0xFFFFD800  }
0x11b: {  	_ =	sfence.sel $0x180000  }
0x11c: {  	[bflag:$0x0] =	sbarrier.arrive $0xFFFF  }
0x11d: {  	_ =	strace $0x9000004A  }
0x11e: {  	s0 =	stileid.u32;
	[bflag:$0x2] =	sbarrier.arrive $0xFFFF  }
0x11f: {  	p0 =	sne.s32 s0, $0x0;
	s0 =	rddreg [dreg:$0x3]  }
0x120: {  	s0 =	sadd.s32 @!p0 $0x100000, s0  }
0x121: {  	[sflag:s0] =	ssyncadd.tile.s32 @!p0 $0x1;
	_ =	shalt  }
.Lfunc_end2:
_tile_overlayer_lowered:
.L_overlay_start_2:
0x122: {  	(tag) =	ssettag $0x2  }
0x123: {  	s0 =	rddreg [dreg:$0x0];
	s2 =	stileid.u32  }
0x124: {  	s1 =	rddreg [dreg:$0x1];
	p0 =	sne.s32 s2, $0x0  }
0x125: {  	s3 =	rddreg [dreg:$0x2];
	[bflag:$0x3] =	sbarrier.arrive $0xFFFF;
	s2 =	simm.s32 @!p0 $0x1C11  }
0x126: {  	[timem:s3], [sflag:s2] =	dma.local @!p0 [hbm:s0], s1  }
0x127: {  	s0 =	simm.s32 @!p0 $0x11  }
0x128: {  	_ =	swait.ge @!p0 [sflag:s0], s1  }
0x129: {  	s1 =	ssub.s32 @!p0 $0x0, s1;
	[sflag:s0] =	ssyncset.done @!p0 $0x0  }
0x12a: {  	[sflag:s0] =	ssyncadd.s32 @!p0 s1  }
0x12b: {  	[bflag:$0x3] =	sbarrier.arrive $0xFFFF  }
0x12c: {  	_ =	shalt  }

// kernel: kernel.15.cloned.1.call-start
scs
__scs_entry_jumppad:
0x0: {  	(pc) =	sbr.rel $0x88, $3  }
0x1: {  	(tag) =	ssettag $0x0;
	lr =	simm.s32 $0x1  }
0x2: {  	[smem:$0x3F9B] =	sst lr;
	_ =	strace $0xD0000000  }
0x3: {  	_ = 	snop  }
0x4: {  	_ = 	snop  }
0x5: {  	_ = 	snop  }
0x6: {  	_ = 	snop  }
0x7: {  	_ = 	snop  }
__scs_overlays_trampoline_lowered:
0x8: {  	[smem:$0x3FAA] =	sst s0  }
0x9: {  	[smem:$0x3FAB] =	sst s1  }
0xa: {  	[smem:$0x3FAC] =	sst s2  }
0xb: {  	[smem:$0x3FAD] =	sst s3  }
0xc: {  	[smem:$0x3FAE] =	sst s4  }
0xd: {  	[smem:$0x3FAF] =	sst s5  }
0xe: {  	[smem:$0x3FB0] =	sst s6  }
0xf: {  	[smem:$0x3FB1] =	sst s7  }
0x10: {  	[smem:$0x3FB2] =	sst s8  }
0x11: {  	[smem:$0x3FB3] =	sst s9;
	s0 =	simm.s32 @!p0 $0x0  }
0x12: {  	s1 =	sld [smem:$0x3F99];
	s0 =	simm.s32 @p0 $0x1  }
0x13: {  	[smem:$0x3FB4] =	sst s0;
	s0 =	simm.s32 @!p1 $0x0  }
0x14: {  	s2 =	sld [smem:$0x3F98];
	s0 =	simm.s32 @p1 $0x1  }
0x15: {  	[smem:$0x3FB5] =	sst s0;
	s0 =	simm.s32 @!p2 $0x0  }
0x16: {  	s3 =	sld [smem:$0x3FDB];
	s0 =	simm.s32 @p2 $0x1  }
0x17: {  	s4 =	simm.s32 $0x1BF5;
	[smem:$0x3FB7] =	sst s0  }
0x18: {  	s0 =	sld [smem:$0x3F9A];
	_ =	swait.ge [sflag:s4], $0x0  }
0x19: {  	s7 =	sld [smem:$0x3F9B]  }
0x1a: {  	s8 =	sadd.s32 $0xFFFFE003, lr  }
0x1b: {  	s9 =	sadd.s32 $0xFFFFFEF7, lr;
	s5 =	simm.s32 $0xFFFFFFFF;
	p2 =	slt.u32 s8, $0xFFFFF086  }
0x1c: {  	p1 =	slt.u32 s9, $0xF7A;
	s5 =	simm.s32 @!p2 $0x0  }
0x1d: {  	s5 =	simm.s32 @p1 $0x1;
	p0 =	seq.s32 s7, s2  }
0x1e: {  	s7 =	smul.u32 @!p0 $0xF7A, s2;
	p2 =	seq.s32 @!p0 s5, $0x0  }
0x1f: {  	s9 =	smul.u32 $0xF7A, s1;
	s8 =	simm.s32 @!p0 $0x1BF5;
	p2 =	por !p2, p0  }
0x20: {  	[sflag:s8] =	ssyncset.s32 @!p0 $0xFFFFF086;
	s6 =	sadd.s32 @!p0 s3, s7;
	s7 =	simm.s32 @!p0 $0x108  }
0x21: {  	s3 =	sadd.s32 s3, s9;
	s6 =	sadd.s32 @!p0 $0x88, s6;
	s7 =	simm.s32 @p2 $0x1082  }
0x22: {  	[simem:s7], [sflag:s8] =	dma.local @!p0 [hbm:s6], $0xF7A  }
0x23: {  	s9 =	sor.u32 $0xD0000000, s2;
	s6 =	simm.s32 $0x108;
	_ =	swait.ge @!p0 [sflag:s8], $0x0  }
0x24: {  	s3 =	sadd.s32 $0x88, s3;
	s6 =	simm.s32 @!p1 $0x1082;
	[sflag:s4] =	ssyncset.s32 $0xFFFFF086  }
0x25: {  	[simem:s6], [sflag:s4] =	dma.local [hbm:s3], $0xF7A  }
0x26: {  	[smem:$0x3F9B] =	sst s1;
	(tag) =	ssettag s2;
	_ =	strace s9  }
0x27: {  	s1 =	sld [smem:$0x3FAB]  }
0x28: {  	s2 =	sld [smem:$0x3FAC]  }
0x29: {  	s4 =	sld [smem:$0x3FAE]  }
0x2a: {  	p0 =	seq.s32 s5, $0x0;
	s5 =	sld [smem:$0x3FAF]  }
0x2b: {  	s6 =	sld [smem:$0x3FB0]  }
0x2c: {  	s7 =	sld [smem:$0x3FB1]  }
0x2d: {  	s3 =	simm.s32 $0x108;
	s8 =	sld [smem:$0x3FB2]  }
0x2e: {  	s3 =	simm.s32 @!p0 $0x1082;
	s9 =	sld [smem:$0x3FB3]  }
0x2f: {  	lr =	sadd.s32 s0, s3;
	s0 =	sld [smem:$0x3FAA]  }
0x30: {  	s3 =	sld [smem:$0x3FAD]  }
0x31: {  	[smem:$0x3FB6] =	sst s10  }
0x32: {  	s10 =	sld [smem:$0x3FB4];
	_ =	sdelay $0x3  }
0x33: {  	p0 =	seq.s32 s10, $0x1;
	s10 =	sld [smem:$0x3FB6];
	_ =	sdelay $0x3  }
0x34: {  	[smem:$0x3FB6] =	sst s10  }
0x35: {  	s10 =	sld [smem:$0x3FB5];
	_ =	sdelay $0x3  }
0x36: {  	p1 =	seq.s32 s10, $0x1;
	s10 =	sld [smem:$0x3FB6];
	_ =	sdelay $0x3  }
0x37: {  	[smem:$0x3FB6] =	sst s10  }
0x38: {  	s10 =	sld [smem:$0x3FB7]  }
0x39: {  	_ = 	snop;
	(pc) =	sbr.ind lr, $3  }
0x3a: {  	_ = 	snop  }
0x3b: {  	_ = 	snop  }
0x3c: {  	p2 =	seq.s32 s10, $0x1;
	s10 =	sld [smem:$0x3FB6]  }
0x3d: {  	_ =	shalt  }
0x3e: {  	_ =	shalt  }
0x3f: {  	_ =	shalt  }
0x40: {  	_ =	shalt  }
0x41: {  	_ =	shalt  }
0x42: {  	_ =	shalt  }
0x43: {  	_ =	shalt  }
0x44: {  	_ =	shalt  }
0x45: {  	_ =	shalt  }
0x46: {  	_ =	shalt  }
0x47: {  	_ =	shalt  }
0x48: {  	_ =	shalt  }
0x49: {  	_ =	shalt  }
0x4a: {  	_ =	shalt  }
0x4b: {  	_ =	shalt  }
0x4c: {  	_ =	shalt  }
0x4d: {  	_ =	shalt  }
0x4e: {  	_ =	shalt  }
0x4f: {  	_ =	shalt  }
0x50: {  	_ =	shalt  }
0x51: {  	_ =	shalt  }
0x52: {  	_ =	shalt  }
0x53: {  	_ =	shalt  }
0x54: {  	_ =	shalt  }
0x55: {  	_ =	shalt  }
0x56: {  	_ =	shalt  }
0x57: {  	_ =	shalt  }
0x58: {  	_ =	shalt  }
0x59: {  	_ =	shalt  }
0x5a: {  	_ =	shalt  }
0x5b: {  	_ =	shalt  }
0x5c: {  	_ =	shalt  }
0x5d: {  	_ =	shalt  }
0x5e: {  	_ =	shalt  }
0x5f: {  	_ =	shalt  }
0x60: {  	_ =	shalt  }
0x61: {  	_ =	shalt  }
0x62: {  	_ =	shalt  }
0x63: {  	_ =	shalt  }
0x64: {  	_ =	shalt  }
0x65: {  	_ =	shalt  }
0x66: {  	_ =	shalt  }
0x67: {  	_ =	shalt  }
0x68: {  	_ =	shalt  }
0x69: {  	_ =	shalt  }
0x6a: {  	_ =	shalt  }
0x6b: {  	_ =	shalt  }
0x6c: {  	_ =	shalt  }
0x6d: {  	_ =	shalt  }
0x6e: {  	_ =	shalt  }
0x6f: {  	_ =	shalt  }
0x70: {  	_ =	shalt  }
0x71: {  	_ =	shalt  }
0x72: {  	_ =	shalt  }
0x73: {  	_ =	shalt  }
0x74: {  	_ =	shalt  }
0x75: {  	_ =	shalt  }
0x76: {  	_ =	shalt  }
0x77: {  	_ =	shalt  }
0x78: {  	_ =	shalt  }
0x79: {  	_ =	shalt  }
0x7a: {  	_ =	shalt  }
0x7b: {  	_ =	shalt  }
0x7c: {  	_ =	shalt  }
0x7d: {  	_ =	shalt  }
0x7e: {  	_ =	shalt  }
0x7f: {  	_ =	shalt  }
0x80: {  	_ =	shalt  }
0x81: {  	_ =	shalt  }
0x82: {  	_ =	shalt  }
0x83: {  	_ =	shalt  }
0x84: {  	_ =	shalt  }
0x85: {  	_ =	shalt  }
0x86: {  	_ =	shalt  }
0x87: {  	_ =	shalt  }
.Lfunc_end0:
.L_simem_size_0:
called_computation.2_lowered:
.L_overlay_start_0:
0x88: {  	s2 =	sld [smem:$0x3FD9]  }
0x89: {  	s3 =	sld [smem:$0x3FFE];
	_ =	sdelay $0x1  }
0x8a: {  	s1 =	srdreg.scid  }
0x8b: {  	s0 =	sand.u32 $0x1, s1  }
0x8c: {  	s17 =	sshll.u32 s0, $0xA;
	s2 =	sadd.s32 s3, s2  }
0x8d: {  	s2 =	sadd.s32 s2, s17  }
0x8e: {  	[smem:$0x3FC2] =	sst s2  }
0x8f: {  	_ = 	snop  }
0x90: {  	(tm) =	ssettm $0x1  }
0x91: {  	s18 =	sld [smem:$0x3FFB];
	_ =	sdelay $0x3  }
0x92: {  	_ =	strace s18  }
0x93: {  	s2 =	sld [smem:$0x3FFC];
	_ =	sdelay $0x3  }
0x94: {  	_ =	strace s2  }
0x95: {  	s2 =	sld [smem:$0x3FFD];
	_ =	sdelay $0x3  }
0x96: {  	_ =	strace s2  }
0x97: {  	_ =	strace $0x8FFFFFFF  }
0x98: {  	s19 =	sld [smem:$0x3FDB];
	_ =	sdelay $0x1  }
0x99: {  	s20 =	simm.s32 $_scs_section_size  }
0x9a: {  	s4 =	simm.s32 $_size__tile_overlayer_lowered;
	s5 =	simm.s32 $_tile_overlayer_lowered  }
0x9b: {  	s6 =	simm.s32 $0x1BFF;
	s21 =	sshll.u32 s5, $0x1;
	s3 =	sadd.s32 s20, s19  }
0x9c: {  	s22 =	simm.s32 $0x0;
	s4 =	sshll.u32 s4, $0x1;
	s5 =	sadd.s32 s21, s3  }
0x9d: {  	[timem:s22], [sflag:s6] =	dma.local [hbm:s5], s4  }
0x9e: {  	_ =	swait.ge [sflag:s6], s4  }
0x9f: {  	s4 =	ssub.s32 $0x0, s4;
	[sflag:s6] =	ssyncset.done $0x0  }
0xa0: {  	[sflag:s6] =	ssyncadd.s32 s4;
	_ =	sdelay $0x1  }
0xa1: {  	s23 =	simm.s32 $0x1B8B  }
0xa2: {  	_ =	swait.ge [sflag:s23], $0x1  }
0xa3: {  	[sflag:s23] =	ssyncset.done $0x0  }
0xa4: {  	[sflag:s23] =	ssyncadd.s32 $0xFFFFFFFF  }
0xa5: {  	s4 =	sld [smem:$0x0]  }
0xa6: {  	s5 =	sand.u32 $0xFFFFFFFE, s1  }
0xa7: {  	p0 =	sne.s32 s1, s5  }
0xa8: {  	s5 =	sshll.u32 @p0 s5, $0xE  }
0xa9: {  	s5 =	sadd.s32 @p0 $0x11B8D, s5;
	s6 =	sshll.u32 @p0 s4, $0x11  }
0xaa: {  	s5 =	sor.u32 @p0 s6, s5  }
0xab: {  	[sflag:s5] =	ssyncadd.remote.s32 @p0 $0x1;
	_ =	sdelay $0x1  }
0xac: {  	s5 =	simm.s32 @p0 $0x1B8D  }
0xad: {  	_ =	swait.eq @p0 [sflag:s5], $0x1  }
0xae: {  	[sflag:s5] =	ssyncadd.s32 @p0 $0xFFFFFFFF  }
0xaf: {  	s6 =	sshll.u32 @!p0 s1, $0xE  }
0xb0: {  	s6 =	sor.u32 @!p0 $0x4000, s6;
	s5 =	simm.s32 @!p0 $0x1B8D  }
0xb1: {  	s4 =	sshll.u32 @!p0 s4, $0x11;
	s6 =	sadd.s32 @!p0 $0x11B8D, s6;
	_ =	swait.eq @!p0 [sflag:s5], $0x1  }
0xb2: {  	s4 =	sor.u32 @!p0 s4, s6;
	[sflag:s5] =	ssyncadd.s32 @!p0 $0xFFFFFFFF  }
0xb3: {  	s25 =	simm.s32 $0x1B8E;
	s24 =	sld [smem:$0x3FFE];
	[sflag:s4] =	ssyncadd.remote.s32 @!p0 $0x1  }
0xb4: {  	s26 =	simm.s32 $execute0_lowered;
	[smem:$0x3FD2] =	sst s25  }
0xb5: {  	s5 =	sshll.u32 s26, $0x1;
	_ =	strace $0x8000004C;
	[dreg:$0x1] =	wrdreg $0xFFFFFFFF  }
0xb6: {  	s28 =	simm.s32 $_size_execute0_lowered;
	s3 =	sadd.s32 s3, s5;
	[dreg:$0x0] =	wrdreg $0x0  }
0xb7: {  	s5 =	sshll.u32 s28, $0x1;
	[dreg:$0x2] =	wrdreg s3  }
0xb8: {  	[dreg:$0x3] =	wrdreg s5  }
0xb9: {  	[dreg:$0x4] =	wrdreg $0xC0  }
0xba: {  	_ =	task [dreg:s22], $0x5FFFF  }
0xbb: {  	[dreg:$0x1] =	wrdreg $0xFFFFFFFF  }
0xbc: {  	[dreg:$0x0] =	wrdreg $0x60  }
0xbd: {  	[dreg:$0x2] =	wrdreg s24  }
0xbe: {  	[dreg:$0x3] =	wrdreg $0x0  }
0xbf: {  	[dreg:$0x4] =	wrdreg $0xA  }
0xc0: {  	_ =	task.clear_ibuf [dreg:s22], $0x5FFFF;
	_ =	strace $0x9000004C  }
0xc1: {  	s29 =	simm.s32 $0xA;
	_ =	strace $0x8000004E  }
0xc2: {  	_ =	swait.ge [sflag:s29], $0x1  }
0xc3: {  	[sflag:s29] =	ssyncadd.s32 $0xFFFFFFFF  }
0xc4: {  	_ =	strace $0x9000004E  }
0xc5: {  	_ =	sfence  }
0xc6: {  	s30 =	sld [smem:$0x0];
	_ =	sdelay $0x2  }
0xc7: {  	s31 =	sshll.u32 s1, $0xD;
	s1 =	sshrl.u32 s1, $0x2  }
0xc8: {  	s4 =	sand.u32 $0x4000, s31;
	s1 =	sadd.s32 s1, s30  }
0xc9: {  	s0 =	sor.u32 s4, s0;
	s1 =	sshll.u32 s1, $0x11  }
0xca: {  	s0 =	sor.u32 s1, s0  }
0xcb: {  	s0 =	sadd.s32 $0x8F2B, s0  }
0xcc: {  	[sflag:s0] =	ssyncadd.remote.s32 $0x1  }
0xcd: {  	_ =	sfence.sel $0xFFFF  }
0xce: {  	[dreg:$0x0] =	wrdreg $0xFFFFFFFF;
	(pc) =	sbr.abs _section_cstart, $3  }
0xcf: {  	[dreg:$0x1] =	wrdreg $0xFFFFFFFF  }
0xd0: {  	_ =	task.clear_ibuf [dreg:s22], $0x2FFFF;
	_ =	strace $0x9FFFFFFF  }
0xd1: {  	(tm) =	ssettm $0x7FFFFFFF  }
tec
execute0_lowered:
.L_overlay_start_1:
0x0: {  	(tag) =	ssettag $0x1  }
0x1: {  	s0 =	rddreg [dreg:$0x0]  }
0x2: {  	s2 =	rddreg [dreg:$0x1];
	s3 =	simm.s32 $0x0;
	s10 =	stileid.u32  }
0x3: {  	s1 =	srdreg.scid;
	[smem:$0x7FF] =	sst s3  }
0x4: {  	s5 =	smul.u32 $0x14000, s10;
	s1 =	sand.u32 $0x1, s1;
	s4 =	sadd.s32 $0x9B000, s0  }
0x5: {  	s30 =	sadd.s32 $0x8B600, s0;
	s31 =	sadd.s32 $0x7BC00, s0;
	s17 =	smul.u32 $0x50000, s10  }
0x6: {  	s19 =	sshll.u32 s10, $0x6;
	s24 =	smul.u32 $0x3E80, s10;
	_ =	strace $0x8000004D  }
0x7: {  	s6 =	smul.u32 $0x140000, s1;
	s8 =	sshll.u32 s1, $0x4;
	s18 =	ssub.s32 $0x2, s1  }
0x8: {  	s25 =	sor.u32 $0x1C11, s19;
	s1 =	smul.u32 $0x3E800, s1;
	s7 =	sshrl.u32 s5, $0x3  }
0x9: {  	s8 =	sor.u32 s10, s8;
	s9 =	sshrl.u32 s18, $0x1;
	[dreg:$0xb] =	wrdreg s25  }
0xa: {  	s7 =	sadd.s32 s7, s0;
	s5 =	sadd.s32 s5, s6;
	s6 =	sshrl.u32 s17, $0x2  }
0xb: {  	s8 =	smul.u32 $0x3E80, s8;
	s1 =	sadd.s32 s24, s1;
	s5 =	sshrl.u32 s5, $0x3  }
0xc: {  	s6 =	sadd.s32 s6, s2;
	s7 =	sadd.s32 $0x3C00, s7;
	s13 =	sadd.s32 $0x380, s1  }
0xd: {  	s17 =	sadd.s32 $0x300, s1;
	s0 =	sadd.s32 s5, s0;
	[dreg:$0x9] =	wrdreg s6  }
0xe: {  	s5 =	ssub.s32 s18, s9;
	[dreg:$0xa] =	wrdreg s7;
	s20 =	sshrl.u32 s8, $0x3  }
0xf: {  	s15 =	sshrl.u32 s13, $0x3;
	s19 =	sshrl.u32 s17, $0x3;
	s21 =	sadd.s32 s30, s20  }
0x10: {  	s22 =	sadd.s32 s31, s20;
	s23 =	sadd.s32 $0x10, s20;
	[dreg:$0xc] =	wrdreg s21  }
0x11: {  	s8 =	sadd.s32 $0x20, s20;
	s16 =	sadd.s32 s15, s31;
	[dreg:$0xd] =	wrdreg s22  }
0x12: {  	s11 =	sadd.s32 $0x30, s20;
	s18 =	sadd.s32 s15, s30;
	[dreg:$0x3] =	wrdreg s16  }
0x13: {  	s6 =	sadd.s32 $0x7C0, s20;
	s20 =	sadd.s32 s19, s31;
	[dreg:$0x4] =	wrdreg s18  }
0x14: {  	s29 =	simm.s32 $0xC;
	s0 =	sadd.s32 $0x112200, s0;
	[dreg:$0x5] =	wrdreg s20  }
0x15: {  	s13 =	simm.s32 $0x1E280;
	s5 =	smax.u32 s5, $0x1;
	[dreg:$0x16] =	wrdreg s0  }
0x16: {  	s17 =	simm.s32 $0xA;
	s26 =	sadd.s32 s30, s23;
	[dreg:$0x17] =	wrdreg s5  }
0x17: {  	s9 =	simm.s32 $0x8;
	s7 =	sadd.s32 s31, s23;
	[dreg:$0xe] =	wrdreg s26  }
0x18: {  	s28 =	sadd.s32 s30, s8;
	s10 =	sadd.s32 s31, s8;
	[dreg:$0xf] =	wrdreg s7  }
0x19: {  	s12 =	sadd.s32 s30, s11;
	s14 =	sadd.s32 s30, s6;
	[dreg:$0x10] =	wrdreg s28  }
0x1a: {  	s6 =	sadd.s32 s31, s6;
	s21 =	sadd.s32 $0x280, s1;
	[dreg:$0x11] =	wrdreg s10  }
0x1b: {  	s22 =	sadd.s32 s19, s30;
	s19 =	simm.s32 $0xB;
	[dreg:$0x12] =	wrdreg s12  }
0x1c: {  	s5 =	simm.s32 $0xE;
	s8 =	simm.s32 $0x0;
	[dreg:$0x14] =	wrdreg s14  }
0x1d: {  	s7 =	sadd.s32 s31, s11;
	[dreg:$0x15] =	wrdreg s6;
	s23 =	sshrl.u32 s21, $0x3  }
0x1e: {  	[dreg:$0x6] =	wrdreg s22;
	s28 =	sadd.s32 $0x200, s1;
	s1 =	simm.s32 $0x1E300  }
0x1f: {  	s22 =	simm.s32 $0x4;
	s6 =	simm.s32 $0xF;
	[dreg:$0x13] =	wrdreg s7  }
0x20: {  	s24 =	sadd.s32 s23, s31;
	s26 =	sadd.s32 s23, s30;
	[dreg:$0x18] =	wrdreg s28  }
0x21: {  	s7 =	simm.s32 $0x50;
	s23 =	simm.s32 $0xD;
	[dreg:$0x7] =	wrdreg s24  }
0x22: {  	[dreg:$0x8] =	wrdreg s26;
	s26 =	simm.s32 $0x11;
	s24 =	simm.s32 $0x10  }
.LBB2_1:
0x23: {  	[dreg:$0x19] =	wrdreg s8  }
0x24: {  	s0 =	rddreg [dreg:$0x9]  }
0x25: {  	s11 =	rddreg [dreg:$0xa];
	s10 =	sshrl.u32 s0, $0x3  }
0x26: {  	[dreg:$0x1a] =	wrdreg s10  }
0x27: {  	[spmem:s10], [sflag:s25] =	dma.local [hbm:s11], $0x2800  }
0x28: {  	_ =	swait.ge [sflag:s26], $0x2800  }
0x29: {  	[sflag:s26] =	ssyncset.done $0x0  }
0x2a: {  	[sflag:s26] =	ssyncadd.s32 $0xFFFFD800  }
0x2b: {  	[bflag:$0x0] =	sbarrier.arrive $0xFFFF  }
0x2c: {  	s10 =	simm.s32 $0x1E200;
	s12 =	rddreg [dreg:$0xc]  }
0x2d: {  	[tilespmem:s10], [sflag:$0x9] =	stream.linear.gather [hbm4b:s12+s3], $0x80, $0x38;
	[tilespmem:$0x1E400] =	vst v63  }
0x2e: {  	s14 =	rddreg [dreg:$0xd];
	s12 =	simm.s32 $0x14000  }
0x2f: {  	[tilespmem:s12], [sflag:$0x1] =	stream.linear.gather [hbm4b:s14+s3], $0x80, $0x38;
	[tilespmem:$0x1E400] =	vst v63  }
0x30: {  	s15 =	rddreg [dreg:$0xe]  }
0x31: {  	[tilespmem:s13], [sflag:$0xA] =	stream.linear.gather [hbm4b:s15+s3], $0x80, $0x38;
	[tilespmem:$0x1E400] =	vst v63  }
0x32: {  	s28 =	simm.s32 $0x14080;
	s16 =	rddreg [dreg:$0xf]  }
0x33: {  	[tilespmem:s28], [sflag:$0x2] =	stream.linear.gather [hbm4b:s16+s3], $0x80, $0x38;
	[tilespmem:$0x1E400] =	vst v63  }
0x34: {  	s18 =	rddreg [dreg:$0x10]  }
0x35: {  	[tilespmem:s1], [sflag:$0xB] =	stream.linear.gather [hbm4b:s18+s3], $0x80, $0x38;
	[tilespmem:$0x1E400] =	vst v63  }
0x36: {  	s20 =	rddreg [dreg:$0x11];
	s15 =	simm.s32 $0x14100  }
0x37: {  	[tilespmem:s15], [sflag:$0x3] =	stream.linear.gather [hbm4b:s20+s3], $0x80, $0x38;
	[tilespmem:$0x1E400] =	vst v63  }
0x38: {  	s11 =	simm.s32 $0x1E380;
	s21 =	rddreg [dreg:$0x12]  }
0x39: {  	[tilespmem:s11], [sflag:$0xC] =	stream.linear.gather [hbm4b:s21+s3], $0x80, $0x38;
	[tilespmem:$0x1E400] =	vst v63  }
0x3a: {  	s26 =	simm.s32 $0x14180;
	s25 =	rddreg [dreg:$0x13];
	s14 =	simm.s32 $0x9  }
0x3b: {  	[tilespmem:s26], [sflag:$0x4] =	stream.linear.gather [hbm4b:s25+s3], $0x80, $0x38;
	[tilespmem:$0x1E400] =	vst v63  }
0x3c: {  	_ =	swait.ge [sflag:s14], $0x80  }
0x3d: {  	[sflag:s14] =	ssyncset.done $0x0  }
0x3e: {  	s16 =	simm.s32 $0x14200;
	[sflag:s14] =	ssyncadd.s32 $0xFFFFFF80  }
0x3f: {  	[tilespmem:s16], [sflag:$0x5] =	stream.indirect.gather [hbm4b:s4+s7], $0x80, s10, s7, $0xb8;
	[tilespmem:$0x1E400] =	vst v63  }
0x40: {  	_ =	swait.ge [sflag:s17], $0x80  }
0x41: {  	[sflag:s17] =	ssyncset.done $0x0  }
0x42: {  	s18 =	simm.s32 $0x16A00;
	[sflag:s17] =	ssyncadd.s32 $0xFFFFFF80  }
0x43: {  	[tilespmem:s18], [sflag:$0x6] =	stream.indirect.gather [hbm4b:s4+s7], $0x80, s13, s7, $0xb8;
	[tilespmem:$0x1E400] =	vst v63  }
0x44: {  	_ =	swait.ge [sflag:s19], $0x80  }
0x45: {  	[sflag:s19] =	ssyncset.done $0x0  }
0x46: {  	s20 =	simm.s32 $0x19200;
	[sflag:s19] =	ssyncadd.s32 $0xFFFFFF80  }
0x47: {  	[tilespmem:s20], [sflag:$0x7] =	stream.indirect.gather [hbm4b:s4+s7], $0x80, s1, s7, $0xb8;
	[tilespmem:$0x1E400] =	vst v63  }
0x48: {  	_ =	swait.ge [sflag:s29], $0x80  }
0x49: {  	[sflag:s29] =	ssyncset.done $0x0  }
0x4a: {  	s0 =	simm.s32 $0x5;
	s21 =	simm.s32 $0x1BA00;
	[sflag:s29] =	ssyncadd.s32 $0xFFFFFF80  }
0x4b: {  	[tilespmem:s21], [sflag:$0x8] =	stream.indirect.gather [hbm4b:s4+s7], $0x80, s11, s7, $0xb8;
	[tilespmem:$0x1E400] =	vst v63  }
0x4c: {  	_ =	swait.ge [sflag:s0], $0x2800  }
0x4d: {  	s8 =	rddreg [dreg:$0x18]  }
0x4e: {  	[sflag:s0] =	ssyncset.done $0x0;
	s25 =	sshrl.u32 s8, $0x3  }
0x4f: {  	[sflag:s0] =	ssyncadd.s32 $0xFFFFD800;
	s0 =	sadd.s32 s30, s25  }
0x50: {  	[tilespmem:s10], [sflag:$0x9] =	stream.linear.gather [hbm4b:s0+s3], $0x80, $0x38;
	[tilespmem:$0x1E400] =	vst v63  }
0x51: {  	s0 =	simm.s32 $0x1  }
0x52: {  	_ =	swait.ge [sflag:s0], $0x80  }
0x53: {  	[sflag:s0] =	ssyncset.done $0x0  }
0x54: {  	[sflag:s0] =	ssyncadd.s32 $0xFFFFFF80;
	s0 =	simm.s32 $0x6  }
0x55: {  	[spmem:s2] =	stream.indirect.scatter.add.f32 [tilespmem:s16], [sflag:$0xD], $0x80, s12, s7, $0xb8;
	[tilespmem:$0x1E400] =	vst v63  }
0x56: {  	_ =	swait.ge [sflag:s0], $0x2800  }
0x57: {  	s26 =	rddreg [dreg:$0x8];
	[sflag:s0] =	ssyncset.done $0x0  }
0x58: {  	[sflag:s0] =	ssyncadd.s32 $0xFFFFD800;
	s26 =	sadd.s32 $0x0, s26  }
0x59: {  	[tilespmem:s13], [sflag:$0xA] =	stream.linear.gather [hbm4b:s26+s3], $0x80, $0x38;
	[tilespmem:$0x1E400] =	vst v63  }
0x5a: {  	s26 =	simm.s32 $0x2  }
0x5b: {  	_ =	swait.ge [sflag:s26], $0x80  }
0x5c: {  	[sflag:s26] =	ssyncset.done $0x0  }
0x5d: {  	s0 =	simm.s32 $0x7;
	[sflag:s26] =	ssyncadd.s32 $0xFFFFFF80  }
0x5e: {  	[spmem:s2] =	stream.indirect.scatter.add.f32 [tilespmem:s18], [sflag:$0xE], $0x80, s28, s7, $0xb8;
	[tilespmem:$0x1E400] =	vst v63  }
0x5f: {  	_ =	swait.ge [sflag:s0], $0x2800  }
0x60: {  	s26 =	rddreg [dreg:$0x6];
	[sflag:s0] =	ssyncset.done $0x0  }
0x61: {  	[sflag:s0] =	ssyncadd.s32 $0xFFFFD800;
	s26 =	sadd.s32 $0x0, s26  }
0x62: {  	[tilespmem:s1], [sflag:$0xB] =	stream.linear.gather [hbm4b:s26+s3], $0x80, $0x38;
	[tilespmem:$0x1E400] =	vst v63  }
0x63: {  	s26 =	simm.s32 $0x3  }
0x64: {  	_ =	swait.ge [sflag:s26], $0x80  }
0x65: {  	[sflag:s26] =	ssyncset.done $0x0  }
0x66: {  	[sflag:s26] =	ssyncadd.s32 $0xFFFFFF80  }
0x67: {  	[spmem:s2] =	stream.indirect.scatter.add.f32 [tilespmem:s20], [sflag:$0xF], $0x80, s15, s7, $0xb8;
	[tilespmem:$0x1E400] =	vst v63  }
0x68: {  	_ =	swait.ge [sflag:s9], $0x2800  }
0x69: {  	s0 =	rddreg [dreg:$0x4];
	[sflag:s9] =	ssyncset.done $0x0  }
0x6a: {  	[sflag:s9] =	ssyncadd.s32 $0xFFFFD800;
	s26 =	sadd.s32 $0x0, s0  }
0x6b: {  	[tilespmem:s11], [sflag:$0xC] =	stream.linear.gather [hbm4b:s26+s3], $0x80, $0x38;
	[tilespmem:$0x1E400] =	vst v63  }
0x6c: {  	_ =	swait.ge [sflag:s22], $0x80  }
0x6d: {  	[sflag:s22] =	ssyncset.done $0x0  }
0x6e: {  	s11 =	simm.s32 $0x14180;
	[sflag:s22] =	ssyncadd.s32 $0xFFFFFF80  }
0x6f: {  	[spmem:s2] =	stream.indirect.scatter.add.f32 [tilespmem:s21], [sflag:$0x10], $0x80, s11, s7, $0xb8;
	[tilespmem:$0x1E400] =	vst v63  }
0x70: {  	_ =	swait.ge [sflag:s23], $0x2800  }
0x71: {  	[sflag:s23] =	ssyncset.done $0x0  }
0x72: {  	s25 =	sadd.s32 s31, s25;
	[sflag:s23] =	ssyncadd.s32 $0xFFFFD800  }
0x73: {  	[tilespmem:s12], [sflag:$0x1] =	stream.linear.gather [hbm4b:s25+s3], $0x80, $0x38;
	[tilespmem:$0x1E400] =	vst v63  }
0x74: {  	_ =	swait.ge [sflag:s14], $0x80  }
0x75: {  	[sflag:s14] =	ssyncset.done $0x0  }
0x76: {  	[sflag:s14] =	ssyncadd.s32 $0xFFFFFF80  }
0x77: {  	[tilespmem:s16], [sflag:$0x5] =	stream.indirect.gather [hbm4b:s4+s7], $0x80, s10, s7, $0xb8;
	[tilespmem:$0x1E400] =	vst v63  }
0x78: {  	_ =	swait.ge [sflag:s5], $0x2800  }
0x79: {  	s21 =	rddreg [dreg:$0x7];
	[sflag:s5] =	ssyncset.done $0x0  }
0x7a: {  	[sflag:s5] =	ssyncadd.s32 $0xFFFFD800;
	s25 =	sadd.s32 $0x0, s21  }
0x7b: {  	[tilespmem:s28], [sflag:$0x2] =	stream.linear.gather [hbm4b:s25+s3], $0x80, $0x38;
	[tilespmem:$0x1E400] =	vst v63  }
0x7c: {  	_ =	swait.ge [sflag:s17], $0x80  }
0x7d: {  	[sflag:s17] =	ssyncset.done $0x0  }
0x7e: {  	[sflag:s17] =	ssyncadd.s32 $0xFFFFFF80  }
0x7f: {  	[tilespmem:s18], [sflag:$0x6] =	stream.indirect.gather [hbm4b:s4+s7], $0x80, s13, s7, $0xb8;
	[tilespmem:$0x1E400] =	vst v63  }
0x80: {  	_ =	swait.ge [sflag:s6], $0x2800  }
0x81: {  	s26 =	rddreg [dreg:$0x5];
	[sflag:s6] =	ssyncset.done $0x0  }
0x82: {  	[sflag:s6] =	ssyncadd.s32 $0xFFFFD800;
	s25 =	sadd.s32 $0x0, s26  }
0x83: {  	[tilespmem:s15], [sflag:$0x3] =	stream.linear.gather [hbm4b:s25+s3], $0x80, $0x38;
	[tilespmem:$0x1E400] =	vst v63  }
0x84: {  	_ =	swait.ge [sflag:s19], $0x80  }
0x85: {  	[sflag:s19] =	ssyncset.done $0x0  }
0x86: {  	[sflag:s19] =	ssyncadd.s32 $0xFFFFFF80  }
0x87: {  	[tilespmem:s20], [sflag:$0x7] =	stream.indirect.gather [hbm4b:s4+s7], $0x80, s1, s7, $0xb8;
	[tilespmem:$0x1E400] =	vst v63  }
0x88: {  	_ =	swait.ge [sflag:s24], $0x2800  }
0x89: {  	s28 =	rddreg [dreg:$0x3];
	[sflag:s24] =	ssyncset.done $0x0  }
0x8a: {  	[sflag:s24] =	ssyncadd.s32 $0xFFFFD800;
	s25 =	sadd.s32 $0x0, s28  }
0x8b: {  	[tilespmem:s11], [sflag:$0x4] =	stream.linear.gather [hbm4b:s25+s3], $0x80, $0x38;
	[tilespmem:$0x1E400] =	vst v63  }
0x8c: {  	s17 =	simm.s32 $0xA;
	s13 =	simm.s32 $0x1E280;
	_ =	swait.ge [sflag:s29], $0x80  }
0x8d: {  	s26 =	sadd.s32 $0x200, s8;
	s19 =	simm.s32 $0xB;
	[sflag:s29] =	ssyncset.done $0x0  }
0x8e: {  	s1 =	simm.s32 $0x1E300;
	s25 =	simm.s32 $0x40;
	[sflag:s29] =	ssyncadd.s32 $0xFFFFFF80  }
.LBB2_2:
0x8f: {  	s14 =	simm.s32 $0x1E380;
	s21 =	simm.s32 $0x1BA00;
	s0 =	simm.s32 $0x5  }
0x90: {  	[tilespmem:s21], [sflag:$0x8] =	stream.indirect.gather [hbm4b:s4+s7], $0x80, s14, s7, $0xb8;
	[tilespmem:$0x1E400] =	vst v63  }
0x91: {  	_ =	swait.ge [sflag:s0], $0x2800  }
0x92: {  	s29 =	sshrl.u32 s26, $0x3;
	[sflag:s0] =	ssyncset.done $0x0  }
0x93: {  	s8 =	simm.s32 $0x1E200;
	s10 =	simm.s32 $0x1;
	[sflag:s0] =	ssyncadd.s32 $0xFFFFD800  }
0x94: {  	s0 =	smov.u32 s31;
	s31 =	smov.u32 s30;
	s30 =	sadd.s32 s30, s29  }
0x95: {  	[tilespmem:s8], [sflag:$0x9] =	stream.linear.gather [hbm4b:s30+s3], $0x80, $0x38;
	[tilespmem:$0x1E400] =	vst v63  }
0x96: {  	_ =	swait.ge [sflag:s10], $0x80  }
0x97: {  	s11 =	simm.s32 $0x14000;
	[sflag:s10] =	ssyncset.done $0x0  }
0x98: {  	s16 =	simm.s32 $0x14200;
	s18 =	simm.s32 $0x6;
	[sflag:s10] =	ssyncadd.s32 $0xFFFFFF80  }
0x99: {  	[spmem:s2] =	stream.indirect.scatter.add.f32 [tilespmem:s16], [sflag:$0xD], $0x80, s11, s7, $0xb8;
	[tilespmem:$0x1E400] =	vst v63  }
0x9a: {  	_ =	swait.ge [sflag:s18], $0x2800  }
0x9b: {  	s28 =	smov.u32 s25;
	s30 =	rddreg [dreg:$0x8];
	[sflag:s18] =	ssyncset.done $0x0  }
0x9c: {  	s20 =	simm.s32 $0x2;
	[sflag:s18] =	ssyncadd.s32 $0xFFFFD800;
	s30 =	sadd.s32 s28, s30  }
0x9d: {  	[tilespmem:s13], [sflag:$0xA] =	stream.linear.gather [hbm4b:s30+s3], $0x80, $0x38;
	[tilespmem:$0x1E400] =	vst v63  }
0x9e: {  	_ =	swait.ge [sflag:s20], $0x80  }
0x9f: {  	s15 =	simm.s32 $0x14080;
	[sflag:s20] =	ssyncset.done $0x0  }
0xa0: {  	s12 =	simm.s32 $0x7;
	s18 =	simm.s32 $0x16A00;
	[sflag:s20] =	ssyncadd.s32 $0xFFFFFF80  }
0xa1: {  	[spmem:s2] =	stream.indirect.scatter.add.f32 [tilespmem:s18], [sflag:$0xE], $0x80, s15, s7, $0xb8;
	[tilespmem:$0x1E400] =	vst v63  }
0xa2: {  	_ =	swait.ge [sflag:s12], $0x2800  }
0xa3: {  	s30 =	rddreg [dreg:$0x6];
	[sflag:s12] =	ssyncset.done $0x0  }
0xa4: {  	s20 =	simm.s32 $0x3;
	[sflag:s12] =	ssyncadd.s32 $0xFFFFD800;
	s30 =	sadd.s32 s28, s30  }
0xa5: {  	[tilespmem:s1], [sflag:$0xB] =	stream.linear.gather [hbm4b:s30+s3], $0x80, $0x38;
	[tilespmem:$0x1E400] =	vst v63  }
0xa6: {  	_ =	swait.ge [sflag:s20], $0x80  }
0xa7: {  	[sflag:s20] =	ssyncset.done $0x0  }
0xa8: {  	s10 =	simm.s32 $0x14100;
	[sflag:s20] =	ssyncadd.s32 $0xFFFFFF80;
	s20 =	simm.s32 $0x19200  }
0xa9: {  	[spmem:s2] =	stream.indirect.scatter.add.f32 [tilespmem:s20], [sflag:$0xF], $0x80, s10, s7, $0xb8;
	[tilespmem:$0x1E400] =	vst v63  }
0xaa: {  	_ =	swait.ge [sflag:s9], $0x2800  }
0xab: {  	s30 =	rddreg [dreg:$0x4];
	[sflag:s9] =	ssyncset.done $0x0  }
0xac: {  	[sflag:s9] =	ssyncadd.s32 $0xFFFFD800;
	s30 =	sadd.s32 s28, s30  }
0xad: {  	[tilespmem:s14], [sflag:$0xC] =	stream.linear.gather [hbm4b:s30+s3], $0x80, $0x38;
	[tilespmem:$0x1E400] =	vst v63  }
0xae: {  	_ =	swait.ge [sflag:s22], $0x80  }
0xaf: {  	s30 =	smov.u32 s31;
	[sflag:s22] =	ssyncset.done $0x0  }
0xb0: {  	s31 =	smov.u32 s0;
	s0 =	simm.s32 $0x14180;
	[sflag:s22] =	ssyncadd.s32 $0xFFFFFF80  }
0xb1: {  	[spmem:s2] =	stream.indirect.scatter.add.f32 [tilespmem:s21], [sflag:$0x10], $0x80, s0, s7, $0xb8;
	[tilespmem:$0x1E400] =	vst v63  }
0xb2: {  	_ =	swait.ge [sflag:s23], $0x2800  }
0xb3: {  	[sflag:s23] =	ssyncset.done $0x0  }
0xb4: {  	s29 =	sadd.s32 s31, s29;
	s21 =	simm.s32 $0x9;
	[sflag:s23] =	ssyncadd.s32 $0xFFFFD800  }
0xb5: {  	[tilespmem:s11], [sflag:$0x1] =	stream.linear.gather [hbm4b:s29+s3], $0x80, $0x38;
	[tilespmem:$0x1E400] =	vst v63  }
0xb6: {  	_ =	swait.ge [sflag:s21], $0x80  }
0xb7: {  	[sflag:s21] =	ssyncset.done $0x0  }
0xb8: {  	[sflag:s21] =	ssyncadd.s32 $0xFFFFFF80  }
0xb9: {  	[tilespmem:s16], [sflag:$0x5] =	stream.indirect.gather [hbm4b:s4+s7], $0x80, s8, s7, $0xb8;
	[tilespmem:$0x1E400] =	vst v63  }
0xba: {  	_ =	swait.ge [sflag:s5], $0x2800  }
0xbb: {  	s29 =	rddreg [dreg:$0x7];
	[sflag:s5] =	ssyncset.done $0x0  }
0xbc: {  	[sflag:s5] =	ssyncadd.s32 $0xFFFFD800;
	s29 =	sadd.s32 s28, s29  }
0xbd: {  	[tilespmem:s15], [sflag:$0x2] =	stream.linear.gather [hbm4b:s29+s3], $0x80, $0x38;
	[tilespmem:$0x1E400] =	vst v63  }
0xbe: {  	_ =	swait.ge [sflag:s17], $0x80  }
0xbf: {  	[sflag:s17] =	ssyncset.done $0x0  }
0xc0: {  	[sflag:s17] =	ssyncadd.s32 $0xFFFFFF80  }
0xc1: {  	[tilespmem:s18], [sflag:$0x6] =	stream.indirect.gather [hbm4b:s4+s7], $0x80, s13, s7, $0xb8;
	[tilespmem:$0x1E400] =	vst v63  }
0xc2: {  	_ =	swait.ge [sflag:s6], $0x2800  }
0xc3: {  	s29 =	rddreg [dreg:$0x5];
	[sflag:s6] =	ssyncset.done $0x0  }
0xc4: {  	[sflag:s6] =	ssyncadd.s32 $0xFFFFD800;
	s29 =	sadd.s32 s28, s29  }
0xc5: {  	[tilespmem:s10], [sflag:$0x3] =	stream.linear.gather [hbm4b:s29+s3], $0x80, $0x38;
	[tilespmem:$0x1E400] =	vst v63  }
0xc6: {  	_ =	swait.ge [sflag:s19], $0x80  }
0xc7: {  	[sflag:s19] =	ssyncset.done $0x0  }
0xc8: {  	[sflag:s19] =	ssyncadd.s32 $0xFFFFFF80  }
0xc9: {  	[tilespmem:s20], [sflag:$0x7] =	stream.indirect.gather [hbm4b:s4+s7], $0x80, s1, s7, $0xb8;
	[tilespmem:$0x1E400] =	vst v63  }
0xca: {  	_ =	swait.ge [sflag:s24], $0x2800  }
0xcb: {  	p0 =	sne.s32 s25, $0x740;
	s25 =	sadd.s32 $0x40, s25;
	[sflag:s24] =	ssyncset.done $0x0  }
0xcc: {  	s26 =	sadd.s32 $0x200, s26;
	s29 =	rddreg [dreg:$0x3];
	[sflag:s24] =	ssyncadd.s32 $0xFFFFD800  }
.Ltmp0:
0xcd: {  	s28 =	sadd.s32 s28, s29;
	s29 =	simm.s32 $0xC;
	(pc) =	sbr.rel @p0 .LBB2_2-.Ltmp0, $4  }
0xce: {  	[tilespmem:s0], [sflag:$0x4] =	stream.linear.gather [hbm4b:s28+s3], $0x80, $0x38;
	[tilespmem:$0x1E400] =	vst v63  }
0xcf: {  	s12 =	simm.s32 $0x1E380;
	s14 =	simm.s32 $0x16A00;
	_ =	swait.ge [sflag:s29], $0x80  }
0xd0: {  	s8 =	simm.s32 $0x14080;
	s16 =	simm.s32 $0x19200;
	[sflag:s29] =	ssyncset.done $0x0  }
0xd1: {  	s15 =	simm.s32 $0x14100;
	s10 =	simm.s32 $0x14180;
	[sflag:s29] =	ssyncadd.s32 $0xFFFFFF80  }
0xd2: {  	s17 =	simm.s32 $0x1BA00;
	s25 =	simm.s32 $0x5  }
0xd3: {  	[tilespmem:s17], [sflag:$0x8] =	stream.indirect.gather [hbm4b:s4+s7], $0x80, s12, s7, $0xb8;
	[tilespmem:$0x1E400] =	vst v63  }
0xd4: {  	_ =	swait.ge [sflag:s25], $0x2800  }
0xd5: {  	s13 =	simm.s32 $0x1E200;
	[sflag:s25] =	ssyncset.done $0x0  }
0xd6: {  	s18 =	simm.s32 $0x1;
	s0 =	rddreg [dreg:$0x14];
	[sflag:s25] =	ssyncadd.s32 $0xFFFFD800  }
0xd7: {  	[tilespmem:s13], [sflag:$0x9] =	stream.linear.gather [hbm4b:s0+s3], $0x80, $0x38;
	[tilespmem:$0x1E400] =	vst v63  }
0xd8: {  	_ =	swait.ge [sflag:s18], $0x80  }
0xd9: {  	s11 =	simm.s32 $0x14000;
	[sflag:s18] =	ssyncset.done $0x0  }
0xda: {  	s1 =	simm.s32 $0x14200;
	s26 =	simm.s32 $0x6;
	[sflag:s18] =	ssyncadd.s32 $0xFFFFFF80  }
0xdb: {  	[spmem:s2] =	stream.indirect.scatter.add.f32 [tilespmem:s1], [sflag:$0xD], $0x80, s11, s7, $0xb8;
	[tilespmem:$0x1E400] =	vst v63  }
0xdc: {  	_ =	swait.ge [sflag:s26], $0x2800  }
0xdd: {  	[sflag:s26] =	ssyncset.done $0x0  }
0xde: {  	s28 =	simm.s32 $0x2;
	[sflag:s26] =	ssyncadd.s32 $0xFFFFD800  }
0xdf: {  	_ =	swait.ge [sflag:s28], $0x80  }
0xe0: {  	[sflag:s28] =	ssyncset.done $0x0  }
0xe1: {  	[sflag:s28] =	ssyncadd.s32 $0xFFFFFF80  }
0xe2: {  	[spmem:s2] =	stream.indirect.scatter.add.f32 [tilespmem:s14], [sflag:$0xE], $0x80, s8, s7, $0xb8;
	[tilespmem:$0x1E400] =	vst v63  }
0xe3: {  	s8 =	simm.s32 $0x7  }
0xe4: {  	_ =	swait.ge [sflag:s8], $0x2800  }
0xe5: {  	[sflag:s8] =	ssyncset.done $0x0  }
0xe6: {  	s14 =	simm.s32 $0x3;
	[sflag:s8] =	ssyncadd.s32 $0xFFFFD800  }
0xe7: {  	_ =	swait.ge [sflag:s14], $0x80  }
0xe8: {  	[sflag:s14] =	ssyncset.done $0x0  }
0xe9: {  	[sflag:s14] =	ssyncadd.s32 $0xFFFFFF80  }
0xea: {  	[spmem:s2] =	stream.indirect.scatter.add.f32 [tilespmem:s16], [sflag:$0xF], $0x80, s15, s7, $0xb8;
	[tilespmem:$0x1E400] =	vst v63  }
0xeb: {  	_ =	swait.ge [sflag:s9], $0x2800  }
0xec: {  	[sflag:s9] =	ssyncset.done $0x0  }
0xed: {  	[sflag:s9] =	ssyncadd.s32 $0xFFFFD800  }
0xee: {  	_ =	swait.ge [sflag:s22], $0x80  }
0xef: {  	[sflag:s22] =	ssyncset.done $0x0  }
0xf0: {  	[sflag:s22] =	ssyncadd.s32 $0xFFFFFF80  }
0xf1: {  	[spmem:s2] =	stream.indirect.scatter.add.f32 [tilespmem:s17], [sflag:$0x10], $0x80, s10, s7, $0xb8;
	[tilespmem:$0x1E400] =	vst v63  }
0xf2: {  	_ =	swait.ge [sflag:s23], $0x2800  }
0xf3: {  	[sflag:s23] =	ssyncset.done $0x0  }
0xf4: {  	s17 =	simm.s32 $0x9;
	s16 =	rddreg [dreg:$0x15];
	[sflag:s23] =	ssyncadd.s32 $0xFFFFD800  }
0xf5: {  	[tilespmem:s11], [sflag:$0x1] =	stream.linear.gather [hbm4b:s16+s3], $0x80, $0x38;
	[tilespmem:$0x1E400] =	vst v63  }
0xf6: {  	_ =	swait.ge [sflag:s17], $0x80  }
0xf7: {  	[sflag:s17] =	ssyncset.done $0x0  }
0xf8: {  	[sflag:s17] =	ssyncadd.s32 $0xFFFFFF80  }
0xf9: {  	[tilespmem:s1], [sflag:$0x5] =	stream.indirect.gather [hbm4b:s4+s7], $0x80, s13, s7, $0xb8;
	[tilespmem:$0x1E400] =	vst v63  }
0xfa: {  	_ =	swait.ge [sflag:s25], $0x2800  }
0xfb: {  	[sflag:s25] =	ssyncset.done $0x0  }
0xfc: {  	[sflag:s25] =	ssyncadd.s32 $0xFFFFD800  }
0xfd: {  	_ =	swait.ge [sflag:s18], $0x80  }
0xfe: {  	[sflag:s18] =	ssyncset.done $0x0  }
0xff: {  	[sflag:s18] =	ssyncadd.s32 $0xFFFFFF80  }
0x100: {  	[spmem:s2] =	stream.indirect.scatter.add.f32 [tilespmem:s1], [sflag:$0xD], $0x80, s11, s7, $0xb8;
	[tilespmem:$0x1E400] =	vst v63  }
0x101: {  	_ =	swait.ge [sflag:s5], $0x2800  }
0x102: {  	[sflag:s5] =	ssyncset.done $0x0  }
0x103: {  	[sflag:s5] =	ssyncadd.s32 $0xFFFFD800  }
0x104: {  	_ =	swait.ge [sflag:s6], $0x2800  }
0x105: {  	[sflag:s6] =	ssyncset.done $0x0  }
0x106: {  	[sflag:s6] =	ssyncadd.s32 $0xFFFFD800  }
0x107: {  	_ =	swait.ge [sflag:s24], $0x2800  }
0x108: {  	[sflag:s24] =	ssyncset.done $0x0  }
0x109: {  	[sflag:s24] =	ssyncadd.s32 $0xFFFFD800  }
0x10a: {  	_ =	swait.ge [sflag:s23], $0x2800  }
0x10b: {  	[sflag:s23] =	ssyncset.done $0x0  }
0x10c: {  	[sflag:s23] =	ssyncadd.s32 $0xFFFFD800  }
0x10d: {  	[bflag:$0x0] =	sbarrier.arrive $0xFFFF  }
0x10e: {  	s25 =	rddreg [dreg:$0xb]  }
0x10f: {  	s19 =	rddreg [dreg:$0x16]  }
0x110: {  	s26 =	simm.s32 $0x11;
	s20 =	rddreg [dreg:$0x1a]  }
0x111: {  	[hbm:s19], [sflag:s25] =	dma.local [spmem:s20], $0x2800  }
0x112: {  	_ =	swait.ge [sflag:s26], $0x2800  }
0x113: {  	s21 =	rddreg [dreg:$0x19]  }
0x114: {  	s28 =	rddreg [dreg:$0x17];
	s8 =	sadd.s32 $0x1, s21  }
0x115: {  	p0 =	sne.s32 s8, s28  }
.Ltmp1:
0x116: {  	_ = 	snop;
	(pc) =	sbr.rel @p0 .LBB2_1-.Ltmp1, $3  }
0x117: {  	_ =	sdelay $0x1  }
0x118: {  	s17 =	simm.s32 $0xA;
	s13 =	simm.s32 $0x1E280;
	[sflag:s26] =	ssyncset.done $0x0  }
0x119: {  	s1 =	simm.s32 $0x1E300;
	s19 =	simm.s32 $0xB;
	[sflag:s26] =	ssyncadd.s32 $0xFFFFD800  }
0x11a: {  	_ =	sfence.sel $0x180000  }
0x11b: {  	[bflag:$0x0] =	sbarrier.arrive $0xFFFF  }
0x11c: {  	_ =	strace $0x9000004D  }
0x11d: {  	s0 =	stileid.u32;
	[bflag:$0x2] =	sbarrier.arrive $0xFFFF  }
0x11e: {  	p0 =	sne.s32 s0, $0x0;
	s0 =	rddreg [dreg:$0x2]  }
0x11f: {  	s0 =	sadd.s32 @!p0 $0x100000, s0  }
0x120: {  	[sflag:s0] =	ssyncadd.tile.s32 @!p0 $0x1;
	_ =	shalt  }
.Lfunc_end2:
_tile_overlayer_lowered:
.L_overlay_start_2:
0x121: {  	(tag) =	ssettag $0x2  }
0x122: {  	s0 =	rddreg [dreg:$0x0];
	s2 =	stileid.u32  }
0x123: {  	s1 =	rddreg [dreg:$0x1];
	p0 =	sne.s32 s2, $0x0  }
0x124: {  	s3 =	rddreg [dreg:$0x2];
	[bflag:$0x3] =	sbarrier.arrive $0xFFFF;
	s2 =	simm.s32 @!p0 $0x1C11  }
0x125: {  	[timem:s3], [sflag:s2] =	dma.local @!p0 [hbm:s0], s1  }
0x126: {  	s0 =	simm.s32 @!p0 $0x11  }
0x127: {  	_ =	swait.ge @!p0 [sflag:s0], s1  }
0x128: {  	s1 =	ssub.s32 @!p0 $0x0, s1;
	[sflag:s0] =	ssyncset.done @!p0 $0x0  }
0x129: {  	[sflag:s0] =	ssyncadd.s32 @!p0 s1  }
0x12a: {  	[bflag:$0x3] =	sbarrier.arrive $0xFFFF  }
0x12b: {  	_ =	shalt  }

// kernel: kernel.18.cloned.1.call-start
scs
__scs_entry_jumppad:
0x0: {  	(pc) =	sbr.rel $0x88, $3  }
0x1: {  	(tag) =	ssettag $0x0;
	lr =	simm.s32 $0x1  }
0x2: {  	[smem:$0x3F9B] =	sst lr;
	_ =	strace $0xD0000000  }
0x3: {  	_ = 	snop  }
0x4: {  	_ = 	snop  }
0x5: {  	_ = 	snop  }
0x6: {  	_ = 	snop  }
0x7: {  	_ = 	snop  }
__scs_overlays_trampoline_lowered:
0x8: {  	[smem:$0x3FAA] =	sst s0  }
0x9: {  	[smem:$0x3FAB] =	sst s1  }
0xa: {  	[smem:$0x3FAC] =	sst s2  }
0xb: {  	[smem:$0x3FAD] =	sst s3  }
0xc: {  	[smem:$0x3FAE] =	sst s4  }
0xd: {  	[smem:$0x3FAF] =	sst s5  }
0xe: {  	[smem:$0x3FB0] =	sst s6  }
0xf: {  	[smem:$0x3FB1] =	sst s7  }
0x10: {  	[smem:$0x3FB2] =	sst s8  }
0x11: {  	[smem:$0x3FB3] =	sst s9;
	s0 =	simm.s32 @!p0 $0x0  }
0x12: {  	s1 =	sld [smem:$0x3F99];
	s0 =	simm.s32 @p0 $0x1  }
0x13: {  	[smem:$0x3FB4] =	sst s0;
	s0 =	simm.s32 @!p1 $0x0  }
0x14: {  	s2 =	sld [smem:$0x3F98];
	s0 =	simm.s32 @p1 $0x1  }
0x15: {  	[smem:$0x3FB5] =	sst s0;
	s0 =	simm.s32 @!p2 $0x0  }
0x16: {  	s3 =	sld [smem:$0x3FDB];
	s0 =	simm.s32 @p2 $0x1  }
0x17: {  	s4 =	simm.s32 $0x1BF5;
	[smem:$0x3FB7] =	sst s0  }
0x18: {  	s0 =	sld [smem:$0x3F9A];
	_ =	swait.ge [sflag:s4], $0x0  }
0x19: {  	s7 =	sld [smem:$0x3F9B]  }
0x1a: {  	s8 =	sadd.s32 $0xFFFFE003, lr  }
0x1b: {  	s9 =	sadd.s32 $0xFFFFFEF7, lr;
	s5 =	simm.s32 $0xFFFFFFFF;
	p2 =	slt.u32 s8, $0xFFFFF086  }
0x1c: {  	p1 =	slt.u32 s9, $0xF7A;
	s5 =	simm.s32 @!p2 $0x0  }
0x1d: {  	s5 =	simm.s32 @p1 $0x1;
	p0 =	seq.s32 s7, s2  }
0x1e: {  	s7 =	smul.u32 @!p0 $0xF7A, s2;
	p2 =	seq.s32 @!p0 s5, $0x0  }
0x1f: {  	s9 =	smul.u32 $0xF7A, s1;
	s8 =	simm.s32 @!p0 $0x1BF5;
	p2 =	por !p2, p0  }
0x20: {  	[sflag:s8] =	ssyncset.s32 @!p0 $0xFFFFF086;
	s6 =	sadd.s32 @!p0 s3, s7;
	s7 =	simm.s32 @!p0 $0x108  }
0x21: {  	s3 =	sadd.s32 s3, s9;
	s6 =	sadd.s32 @!p0 $0x88, s6;
	s7 =	simm.s32 @p2 $0x1082  }
0x22: {  	[simem:s7], [sflag:s8] =	dma.local @!p0 [hbm:s6], $0xF7A  }
0x23: {  	s9 =	sor.u32 $0xD0000000, s2;
	s6 =	simm.s32 $0x108;
	_ =	swait.ge @!p0 [sflag:s8], $0x0  }
0x24: {  	s3 =	sadd.s32 $0x88, s3;
	s6 =	simm.s32 @!p1 $0x1082;
	[sflag:s4] =	ssyncset.s32 $0xFFFFF086  }
0x25: {  	[simem:s6], [sflag:s4] =	dma.local [hbm:s3], $0xF7A  }
0x26: {  	[smem:$0x3F9B] =	sst s1;
	(tag) =	ssettag s2;
	_ =	strace s9  }
0x27: {  	s1 =	sld [smem:$0x3FAB]  }
0x28: {  	s2 =	sld [smem:$0x3FAC]  }
0x29: {  	s4 =	sld [smem:$0x3FAE]  }
0x2a: {  	p0 =	seq.s32 s5, $0x0;
	s5 =	sld [smem:$0x3FAF]  }
0x2b: {  	s6 =	sld [smem:$0x3FB0]  }
0x2c: {  	s7 =	sld [smem:$0x3FB1]  }
0x2d: {  	s3 =	simm.s32 $0x108;
	s8 =	sld [smem:$0x3FB2]  }
0x2e: {  	s3 =	simm.s32 @!p0 $0x1082;
	s9 =	sld [smem:$0x3FB3]  }
0x2f: {  	lr =	sadd.s32 s0, s3;
	s0 =	sld [smem:$0x3FAA]  }
0x30: {  	s3 =	sld [smem:$0x3FAD]  }
0x31: {  	[smem:$0x3FB6] =	sst s10  }
0x32: {  	s10 =	sld [smem:$0x3FB4];
	_ =	sdelay $0x3  }
0x33: {  	p0 =	seq.s32 s10, $0x1;
	s10 =	sld [smem:$0x3FB6];
	_ =	sdelay $0x3  }
0x34: {  	[smem:$0x3FB6] =	sst s10  }
0x35: {  	s10 =	sld [smem:$0x3FB5];
	_ =	sdelay $0x3  }
0x36: {  	p1 =	seq.s32 s10, $0x1;
	s10 =	sld [smem:$0x3FB6];
	_ =	sdelay $0x3  }
0x37: {  	[smem:$0x3FB6] =	sst s10  }
0x38: {  	s10 =	sld [smem:$0x3FB7]  }
0x39: {  	_ = 	snop;
	(pc) =	sbr.ind lr, $3  }
0x3a: {  	_ = 	snop  }
0x3b: {  	_ = 	snop  }
0x3c: {  	p2 =	seq.s32 s10, $0x1;
	s10 =	sld [smem:$0x3FB6]  }
0x3d: {  	_ =	shalt  }
0x3e: {  	_ =	shalt  }
0x3f: {  	_ =	shalt  }
0x40: {  	_ =	shalt  }
0x41: {  	_ =	shalt  }
0x42: {  	_ =	shalt  }
0x43: {  	_ =	shalt  }
0x44: {  	_ =	shalt  }
0x45: {  	_ =	shalt  }
0x46: {  	_ =	shalt  }
0x47: {  	_ =	shalt  }
0x48: {  	_ =	shalt  }
0x49: {  	_ =	shalt  }
0x4a: {  	_ =	shalt  }
0x4b: {  	_ =	shalt  }
0x4c: {  	_ =	shalt  }
0x4d: {  	_ =	shalt  }
0x4e: {  	_ =	shalt  }
0x4f: {  	_ =	shalt  }
0x50: {  	_ =	shalt  }
0x51: {  	_ =	shalt  }
0x52: {  	_ =	shalt  }
0x53: {  	_ =	shalt  }
0x54: {  	_ =	shalt  }
0x55: {  	_ =	shalt  }
0x56: {  	_ =	shalt  }
0x57: {  	_ =	shalt  }
0x58: {  	_ =	shalt  }
0x59: {  	_ =	shalt  }
0x5a: {  	_ =	shalt  }
0x5b: {  	_ =	shalt  }
0x5c: {  	_ =	shalt  }
0x5d: {  	_ =	shalt  }
0x5e: {  	_ =	shalt  }
0x5f: {  	_ =	shalt  }
0x60: {  	_ =	shalt  }
0x61: {  	_ =	shalt  }
0x62: {  	_ =	shalt  }
0x63: {  	_ =	shalt  }
0x64: {  	_ =	shalt  }
0x65: {  	_ =	shalt  }
0x66: {  	_ =	shalt  }
0x67: {  	_ =	shalt  }
0x68: {  	_ =	shalt  }
0x69: {  	_ =	shalt  }
0x6a: {  	_ =	shalt  }
0x6b: {  	_ =	shalt  }
0x6c: {  	_ =	shalt  }
0x6d: {  	_ =	shalt  }
0x6e: {  	_ =	shalt  }
0x6f: {  	_ =	shalt  }
0x70: {  	_ =	shalt  }
0x71: {  	_ =	shalt  }
0x72: {  	_ =	shalt  }
0x73: {  	_ =	shalt  }
0x74: {  	_ =	shalt  }
0x75: {  	_ =	shalt  }
0x76: {  	_ =	shalt  }
0x77: {  	_ =	shalt  }
0x78: {  	_ =	shalt  }
0x79: {  	_ =	shalt  }
0x7a: {  	_ =	shalt  }
0x7b: {  	_ =	shalt  }
0x7c: {  	_ =	shalt  }
0x7d: {  	_ =	shalt  }
0x7e: {  	_ =	shalt  }
0x7f: {  	_ =	shalt  }
0x80: {  	_ =	shalt  }
0x81: {  	_ =	shalt  }
0x82: {  	_ =	shalt  }
0x83: {  	_ =	shalt  }
0x84: {  	_ =	shalt  }
0x85: {  	_ =	shalt  }
0x86: {  	_ =	shalt  }
0x87: {  	_ =	shalt  }
.Lfunc_end0:
.L_simem_size_0:
called_computation.3_lowered:
.L_overlay_start_0:
0x88: {  	s2 =	sld [smem:$0x3FD9]  }
0x89: {  	s3 =	sld [smem:$0x3FFE];
	_ =	sdelay $0x1  }
0x8a: {  	s1 =	srdreg.scid  }
0x8b: {  	s0 =	sand.u32 $0x1, s1  }
0x8c: {  	s17 =	sshll.u32 s0, $0xA;
	s2 =	sadd.s32 s3, s2  }
0x8d: {  	s2 =	sadd.s32 s2, s17  }
0x8e: {  	[smem:$0x3FC2] =	sst s2  }
0x8f: {  	_ = 	snop  }
0x90: {  	s2 =	sld [smem:$0x3FD0];
	(tm) =	ssettm $0x1  }
0x91: {  	s18 =	sld [smem:$0x3FFB];
	_ =	sdelay $0x3  }
0x92: {  	_ =	strace s18  }
0x93: {  	s3 =	sld [smem:$0x3FFC];
	_ =	sdelay $0x3  }
0x94: {  	_ =	strace s3  }
0x95: {  	s3 =	sld [smem:$0x3FFD];
	_ =	sdelay $0x3  }
0x96: {  	_ =	strace s3  }
0x97: {  	_ =	strace $0x8FFFFFFF  }
0x98: {  	s19 =	sld [smem:$0x3FDB];
	_ =	sdelay $0x1  }
0x99: {  	s4 =	simm.s32 $_scs_section_size  }
0x9a: {  	s5 =	simm.s32 $_size__tile_overlayer_lowered;
	s6 =	simm.s32 $_tile_overlayer_lowered  }
0x9b: {  	s22 =	simm.s32 $0x1BFF;
	s21 =	sshll.u32 s6, $0x1;
	s3 =	sadd.s32 s4, s19  }
0x9c: {  	s7 =	simm.s32 $0x0;
	s20 =	sshll.u32 s5, $0x1;
	s5 =	sadd.s32 s21, s3  }
0x9d: {  	[timem:s7], [sflag:s22] =	dma.local [hbm:s5], s20  }
0x9e: {  	_ =	swait.ge [sflag:s22], s20  }
0x9f: {  	s4 =	ssub.s32 $0x0, s20;
	[sflag:s22] =	ssyncset.done $0x0  }
0xa0: {  	[sflag:s22] =	ssyncadd.s32 s4;
	_ =	sdelay $0x1  }
0xa1: {  	s23 =	simm.s32 $0x1B8B  }
0xa2: {  	_ =	swait.ge [sflag:s23], $0x1  }
0xa3: {  	[sflag:s23] =	ssyncset.done $0x0  }
0xa4: {  	s25 =	simm.s32 $0x1B8E;
	s24 =	sld [smem:$0x3FFE];
	[sflag:s23] =	ssyncadd.s32 $0xFFFFFFFF  }
0xa5: {  	s26 =	simm.s32 $execute0_lowered;
	[smem:$0x3FD2] =	sst s25  }
0xa6: {  	s5 =	sshll.u32 s26, $0x1;
	_ =	strace $0x8000004F;
	[dreg:$0x1] =	wrdreg $0xFFFFFFFF  }
0xa7: {  	s28 =	simm.s32 $_size_execute0_lowered;
	s3 =	sadd.s32 s3, s5;
	[dreg:$0x0] =	wrdreg $0x0  }
0xa8: {  	s5 =	sshll.u32 s28, $0x1;
	[dreg:$0x2] =	wrdreg s3  }
0xa9: {  	[dreg:$0x3] =	wrdreg s5  }
0xaa: {  	[dreg:$0x4] =	wrdreg $0xC0  }
0xab: {  	_ =	task [dreg:s7], $0x5FFFF  }
0xac: {  	[dreg:$0x1] =	wrdreg $0xFFFFFFFF  }
0xad: {  	[dreg:$0x0] =	wrdreg $0x60  }
0xae: {  	[dreg:$0x2] =	wrdreg s2  }
0xaf: {  	[dreg:$0x3] =	wrdreg s24  }
0xb0: {  	[dreg:$0x4] =	wrdreg $0x0  }
0xb1: {  	[dreg:$0x5] =	wrdreg $0x9  }
0xb2: {  	_ =	task.clear_ibuf [dreg:s7], $0x6FFFF;
	_ =	strace $0x9000004F  }
0xb3: {  	s29 =	simm.s32 $0x9;
	_ =	strace $0x80000051  }
0xb4: {  	_ =	swait.ge [sflag:s29], $0x1  }
0xb5: {  	[sflag:s29] =	ssyncadd.s32 $0xFFFFFFFF  }
0xb6: {  	_ =	strace $0x90000051  }
0xb7: {  	_ =	sfence  }
0xb8: {  	s30 =	sld [smem:$0x0];
	_ =	sdelay $0x2  }
0xb9: {  	s31 =	sshll.u32 s1, $0xD;
	s1 =	sshrl.u32 s1, $0x2  }
0xba: {  	s3 =	sand.u32 $0x4000, s31;
	s1 =	sadd.s32 s1, s30  }
0xbb: {  	s0 =	sor.u32 s3, s0;
	s1 =	sshll.u32 s1, $0x11  }
0xbc: {  	s0 =	sor.u32 s1, s0  }
0xbd: {  	s0 =	sadd.s32 $0x8F2B, s0  }
0xbe: {  	[sflag:s0] =	ssyncadd.remote.s32 $0x1  }
0xbf: {  	_ =	sfence.sel $0xFFFF  }
0xc0: {  	[dreg:$0x0] =	wrdreg $0xFFFFFFFF;
	(pc) =	sbr.abs _section_cstart, $3  }
0xc1: {  	[dreg:$0x1] =	wrdreg $0xFFFFFFFF  }
0xc2: {  	_ =	task.clear_ibuf [dreg:s7], $0x2FFFF;
	_ =	strace $0x9FFFFFFF  }
0xc3: {  	(tm) =	ssettm $0x7FFFFFFF  }
tec
execute0_lowered:
.L_overlay_start_1:
0x0: {  	(tag) =	ssettag $0x1  }
0x1: {  	s2 =	rddreg [dreg:$0x0]  }
0x2: {  	s0 =	rddreg [dreg:$0x1]  }
0x3: {  	s3 =	rddreg [dreg:$0x2];
	s10 =	stileid.u32  }
0x4: {  	s1 =	srdreg.scid;
	s5 =	smul.u32 $0x14000, s10  }
0x5: {  	s4 =	simm.s32 $0x0;
	s1 =	sand.u32 $0x1, s1;
	s17 =	smul.u32 $0x50000, s10  }
0x6: {  	[smem:$0x7FF] =	sst s4;
	s30 =	sadd.s32 $0x8B600, s0;
	s24 =	smul.u32 $0x3E80, s10  }
0x7: {  	s31 =	sadd.s32 $0x7BC00, s0;
	s19 =	sshll.u32 s10, $0x6;
	s6 =	smul.u32 $0x140000, s1  }
0x8: {  	_ =	strace $0x80000050;
	s8 =	sshll.u32 s1, $0x4;
	s18 =	ssub.s32 $0x2, s1  }
0x9: {  	s25 =	sor.u32 $0x1C11, s19;
	s1 =	smul.u32 $0x3E800, s1;
	s7 =	sshrl.u32 s5, $0x3  }
0xa: {  	s8 =	sor.u32 s10, s8;
	s9 =	sshrl.u32 s18, $0x1;
	[dreg:$0xc] =	wrdreg s25  }
0xb: {  	s7 =	sadd.s32 s7, s0;
	s5 =	sadd.s32 s5, s6;
	s6 =	sshrl.u32 s17, $0x2  }
0xc: {  	s8 =	smul.u32 $0x3E80, s8;
	s1 =	sadd.s32 s24, s1;
	s5 =	sshrl.u32 s5, $0x3  }
0xd: {  	s6 =	sadd.s32 s6, s3;
	s7 =	sadd.s32 $0x3C00, s7;
	s13 =	sadd.s32 $0x380, s1  }
0xe: {  	s17 =	sadd.s32 $0x300, s1;
	s0 =	sadd.s32 s5, s0;
	[dreg:$0xa] =	wrdreg s6  }
0xf: {  	s5 =	ssub.s32 s18, s9;
	[dreg:$0xb] =	wrdreg s7;
	s20 =	sshrl.u32 s8, $0x3  }
0x10: {  	s15 =	sshrl.u32 s13, $0x3;
	s19 =	sshrl.u32 s17, $0x3;
	s21 =	sadd.s32 s30, s20  }
0x11: {  	s22 =	sadd.s32 s31, s20;
	s23 =	sadd.s32 $0x10, s20;
	[dreg:$0xd] =	wrdreg s21  }
0x12: {  	s8 =	sadd.s32 $0x20, s20;
	s16 =	sadd.s32 s15, s31;
	[dreg:$0xe] =	wrdreg s22  }
0x13: {  	s11 =	sadd.s32 $0x30, s20;
	s18 =	sadd.s32 s15, s30;
	[dreg:$0x4] =	wrdreg s16  }
0x14: {  	s6 =	sadd.s32 $0x7C0, s20;
	s20 =	sadd.s32 s19, s31;
	[dreg:$0x5] =	wrdreg s18  }
0x15: {  	s29 =	simm.s32 $0xC;
	s0 =	sadd.s32 $0x9B000, s0;
	[dreg:$0x6] =	wrdreg s20  }
0x16: {  	s13 =	simm.s32 $0x1E280;
	s5 =	smax.u32 s5, $0x1;
	[dreg:$0x17] =	wrdreg s0  }
0x17: {  	s17 =	simm.s32 $0xA;
	s26 =	sadd.s32 s30, s23;
	[dreg:$0x18] =	wrdreg s5  }
0x18: {  	s9 =	simm.s32 $0x8;
	s7 =	sadd.s32 s31, s23;
	[dreg:$0xf] =	wrdreg s26  }
0x19: {  	s28 =	sadd.s32 s30, s8;
	s10 =	sadd.s32 s31, s8;
	[dreg:$0x10] =	wrdreg s7  }
0x1a: {  	s12 =	sadd.s32 s30, s11;
	s14 =	sadd.s32 s30, s6;
	[dreg:$0x11] =	wrdreg s28  }
0x1b: {  	s6 =	sadd.s32 s31, s6;
	s21 =	sadd.s32 $0x280, s1;
	[dreg:$0x12] =	wrdreg s10  }
0x1c: {  	s22 =	sadd.s32 s19, s30;
	s19 =	simm.s32 $0xB;
	[dreg:$0x13] =	wrdreg s12  }
0x1d: {  	s5 =	simm.s32 $0xE;
	s8 =	simm.s32 $0x0;
	[dreg:$0x15] =	wrdreg s14  }
0x1e: {  	s7 =	sadd.s32 s31, s11;
	[dreg:$0x16] =	wrdreg s6;
	s23 =	sshrl.u32 s21, $0x3  }
0x1f: {  	[dreg:$0x7] =	wrdreg s22;
	s28 =	sadd.s32 $0x200, s1;
	s1 =	simm.s32 $0x1E300  }
0x20: {  	s22 =	simm.s32 $0x4;
	s6 =	simm.s32 $0xF;
	[dreg:$0x14] =	wrdreg s7  }
0x21: {  	s24 =	sadd.s32 s23, s31;
	s26 =	sadd.s32 s23, s30;
	[dreg:$0x19] =	wrdreg s28  }
0x22: {  	s7 =	simm.s32 $0x50;
	s23 =	simm.s32 $0xD;
	[dreg:$0x8] =	wrdreg s24  }
0x23: {  	[dreg:$0x9] =	wrdreg s26;
	s26 =	simm.s32 $0x11;
	s24 =	simm.s32 $0x10  }
.LBB2_1:
0x24: {  	[dreg:$0x1a] =	wrdreg s8  }
0x25: {  	s0 =	rddreg [dreg:$0xa]  }
0x26: {  	s11 =	rddreg [dreg:$0xb];
	s10 =	sshrl.u32 s0, $0x3  }
0x27: {  	[dreg:$0x1b] =	wrdreg s10  }
0x28: {  	[spmem:s10], [sflag:s25] =	dma.local [hbm:s11], $0x2800  }
0x29: {  	_ =	swait.ge [sflag:s26], $0x2800  }
0x2a: {  	[sflag:s26] =	ssyncset.done $0x0  }
0x2b: {  	[sflag:s26] =	ssyncadd.s32 $0xFFFFD800  }
0x2c: {  	[bflag:$0x0] =	sbarrier.arrive $0xFFFF  }
0x2d: {  	s10 =	simm.s32 $0x1E200;
	s12 =	rddreg [dreg:$0xd]  }
0x2e: {  	[tilespmem:s10], [sflag:$0x9] =	stream.linear.gather [hbm4b:s12+s4], $0x80, $0x38;
	[tilespmem:$0x1E400] =	vst v63  }
0x2f: {  	s14 =	rddreg [dreg:$0xe];
	s12 =	simm.s32 $0x14000  }
0x30: {  	[tilespmem:s12], [sflag:$0x1] =	stream.linear.gather [hbm4b:s14+s4], $0x80, $0x38;
	[tilespmem:$0x1E400] =	vst v63  }
0x31: {  	s15 =	rddreg [dreg:$0xf]  }
0x32: {  	[tilespmem:s13], [sflag:$0xA] =	stream.linear.gather [hbm4b:s15+s4], $0x80, $0x38;
	[tilespmem:$0x1E400] =	vst v63  }
0x33: {  	s28 =	simm.s32 $0x14080;
	s16 =	rddreg [dreg:$0x10]  }
0x34: {  	[tilespmem:s28], [sflag:$0x2] =	stream.linear.gather [hbm4b:s16+s4], $0x80, $0x38;
	[tilespmem:$0x1E400] =	vst v63  }
0x35: {  	s18 =	rddreg [dreg:$0x11]  }
0x36: {  	[tilespmem:s1], [sflag:$0xB] =	stream.linear.gather [hbm4b:s18+s4], $0x80, $0x38;
	[tilespmem:$0x1E400] =	vst v63  }
0x37: {  	s20 =	rddreg [dreg:$0x12];
	s15 =	simm.s32 $0x14100  }
0x38: {  	[tilespmem:s15], [sflag:$0x3] =	stream.linear.gather [hbm4b:s20+s4], $0x80, $0x38;
	[tilespmem:$0x1E400] =	vst v63  }
0x39: {  	s11 =	simm.s32 $0x1E380;
	s21 =	rddreg [dreg:$0x13]  }
0x3a: {  	[tilespmem:s11], [sflag:$0xC] =	stream.linear.gather [hbm4b:s21+s4], $0x80, $0x38;
	[tilespmem:$0x1E400] =	vst v63  }
0x3b: {  	s26 =	simm.s32 $0x14180;
	s25 =	rddreg [dreg:$0x14];
	s14 =	simm.s32 $0x9  }
0x3c: {  	[tilespmem:s26], [sflag:$0x4] =	stream.linear.gather [hbm4b:s25+s4], $0x80, $0x38;
	[tilespmem:$0x1E400] =	vst v63  }
0x3d: {  	_ =	swait.ge [sflag:s14], $0x80  }
0x3e: {  	[sflag:s14] =	ssyncset.done $0x0  }
0x3f: {  	s16 =	simm.s32 $0x14200;
	[sflag:s14] =	ssyncadd.s32 $0xFFFFFF80  }
0x40: {  	[tilespmem:s16], [sflag:$0x5] =	stream.indirect.gather [hbm4b:s2+s7], $0x80, s10, s7, $0xb8;
	[tilespmem:$0x1E400] =	vst v63  }
0x41: {  	_ =	swait.ge [sflag:s17], $0x80  }
0x42: {  	[sflag:s17] =	ssyncset.done $0x0  }
0x43: {  	s18 =	simm.s32 $0x16A00;
	[sflag:s17] =	ssyncadd.s32 $0xFFFFFF80  }
0x44: {  	[tilespmem:s18], [sflag:$0x6] =	stream.indirect.gather [hbm4b:s2+s7], $0x80, s13, s7, $0xb8;
	[tilespmem:$0x1E400] =	vst v63  }
0x45: {  	_ =	swait.ge [sflag:s19], $0x80  }
0x46: {  	[sflag:s19] =	ssyncset.done $0x0  }
0x47: {  	s20 =	simm.s32 $0x19200;
	[sflag:s19] =	ssyncadd.s32 $0xFFFFFF80  }
0x48: {  	[tilespmem:s20], [sflag:$0x7] =	stream.indirect.gather [hbm4b:s2+s7], $0x80, s1, s7, $0xb8;
	[tilespmem:$0x1E400] =	vst v63  }
0x49: {  	_ =	swait.ge [sflag:s29], $0x80  }
0x4a: {  	[sflag:s29] =	ssyncset.done $0x0  }
0x4b: {  	s0 =	simm.s32 $0x5;
	s21 =	simm.s32 $0x1BA00;
	[sflag:s29] =	ssyncadd.s32 $0xFFFFFF80  }
0x4c: {  	[tilespmem:s21], [sflag:$0x8] =	stream.indirect.gather [hbm4b:s2+s7], $0x80, s11, s7, $0xb8;
	[tilespmem:$0x1E400] =	vst v63  }
0x4d: {  	_ =	swait.ge [sflag:s0], $0x2800  }
0x4e: {  	s8 =	rddreg [dreg:$0x19]  }
0x4f: {  	[sflag:s0] =	ssyncset.done $0x0;
	s25 =	sshrl.u32 s8, $0x3  }
0x50: {  	[sflag:s0] =	ssyncadd.s32 $0xFFFFD800;
	s0 =	sadd.s32 s30, s25  }
0x51: {  	[tilespmem:s10], [sflag:$0x9] =	stream.linear.gather [hbm4b:s0+s4], $0x80, $0x38;
	[tilespmem:$0x1E400] =	vst v63  }
0x52: {  	s0 =	simm.s32 $0x1  }
0x53: {  	_ =	swait.ge [sflag:s0], $0x80  }
0x54: {  	[sflag:s0] =	ssyncset.done $0x0  }
0x55: {  	[sflag:s0] =	ssyncadd.s32 $0xFFFFFF80;
	s0 =	simm.s32 $0x6  }
0x56: {  	[spmem:s3] =	stream.indirect.scatter.add.f32 [tilespmem:s16], [sflag:$0xD], $0x80, s12, s7, $0xb8;
	[tilespmem:$0x1E400] =	vst v63  }
0x57: {  	_ =	swait.ge [sflag:s0], $0x2800  }
0x58: {  	s26 =	rddreg [dreg:$0x9];
	[sflag:s0] =	ssyncset.done $0x0  }
0x59: {  	[sflag:s0] =	ssyncadd.s32 $0xFFFFD800;
	s26 =	sadd.s32 $0x0, s26  }
0x5a: {  	[tilespmem:s13], [sflag:$0xA] =	stream.linear.gather [hbm4b:s26+s4], $0x80, $0x38;
	[tilespmem:$0x1E400] =	vst v63  }
0x5b: {  	s26 =	simm.s32 $0x2  }
0x5c: {  	_ =	swait.ge [sflag:s26], $0x80  }
0x5d: {  	[sflag:s26] =	ssyncset.done $0x0  }
0x5e: {  	s0 =	simm.s32 $0x7;
	[sflag:s26] =	ssyncadd.s32 $0xFFFFFF80  }
0x5f: {  	[spmem:s3] =	stream.indirect.scatter.add.f32 [tilespmem:s18], [sflag:$0xE], $0x80, s28, s7, $0xb8;
	[tilespmem:$0x1E400] =	vst v63  }
0x60: {  	_ =	swait.ge [sflag:s0], $0x2800  }
0x61: {  	s26 =	rddreg [dreg:$0x7];
	[sflag:s0] =	ssyncset.done $0x0  }
0x62: {  	[sflag:s0] =	ssyncadd.s32 $0xFFFFD800;
	s26 =	sadd.s32 $0x0, s26  }
0x63: {  	[tilespmem:s1], [sflag:$0xB] =	stream.linear.gather [hbm4b:s26+s4], $0x80, $0x38;
	[tilespmem:$0x1E400] =	vst v63  }
0x64: {  	s26 =	simm.s32 $0x3  }
0x65: {  	_ =	swait.ge [sflag:s26], $0x80  }
0x66: {  	[sflag:s26] =	ssyncset.done $0x0  }
0x67: {  	[sflag:s26] =	ssyncadd.s32 $0xFFFFFF80  }
0x68: {  	[spmem:s3] =	stream.indirect.scatter.add.f32 [tilespmem:s20], [sflag:$0xF], $0x80, s15, s7, $0xb8;
	[tilespmem:$0x1E400] =	vst v63  }
0x69: {  	_ =	swait.ge [sflag:s9], $0x2800  }
0x6a: {  	s0 =	rddreg [dreg:$0x5];
	[sflag:s9] =	ssyncset.done $0x0  }
0x6b: {  	[sflag:s9] =	ssyncadd.s32 $0xFFFFD800;
	s26 =	sadd.s32 $0x0, s0  }
0x6c: {  	[tilespmem:s11], [sflag:$0xC] =	stream.linear.gather [hbm4b:s26+s4], $0x80, $0x38;
	[tilespmem:$0x1E400] =	vst v63  }
0x6d: {  	_ =	swait.ge [sflag:s22], $0x80  }
0x6e: {  	[sflag:s22] =	ssyncset.done $0x0  }
0x6f: {  	s11 =	simm.s32 $0x14180;
	[sflag:s22] =	ssyncadd.s32 $0xFFFFFF80  }
0x70: {  	[spmem:s3] =	stream.indirect.scatter.add.f32 [tilespmem:s21], [sflag:$0x10], $0x80, s11, s7, $0xb8;
	[tilespmem:$0x1E400] =	vst v63  }
0x71: {  	_ =	swait.ge [sflag:s23], $0x2800  }
0x72: {  	[sflag:s23] =	ssyncset.done $0x0  }
0x73: {  	s25 =	sadd.s32 s31, s25;
	[sflag:s23] =	ssyncadd.s32 $0xFFFFD800  }
0x74: {  	[tilespmem:s12], [sflag:$0x1] =	stream.linear.gather [hbm4b:s25+s4], $0x80, $0x38;
	[tilespmem:$0x1E400] =	vst v63  }
0x75: {  	_ =	swait.ge [sflag:s14], $0x80  }
0x76: {  	[sflag:s14] =	ssyncset.done $0x0  }
0x77: {  	[sflag:s14] =	ssyncadd.s32 $0xFFFFFF80  }
0x78: {  	[tilespmem:s16], [sflag:$0x5] =	stream.indirect.gather [hbm4b:s2+s7], $0x80, s10, s7, $0xb8;
	[tilespmem:$0x1E400] =	vst v63  }
0x79: {  	_ =	swait.ge [sflag:s5], $0x2800  }
0x7a: {  	s21 =	rddreg [dreg:$0x8];
	[sflag:s5] =	ssyncset.done $0x0  }
0x7b: {  	[sflag:s5] =	ssyncadd.s32 $0xFFFFD800;
	s25 =	sadd.s32 $0x0, s21  }
0x7c: {  	[tilespmem:s28], [sflag:$0x2] =	stream.linear.gather [hbm4b:s25+s4], $0x80, $0x38;
	[tilespmem:$0x1E400] =	vst v63  }
0x7d: {  	_ =	swait.ge [sflag:s17], $0x80  }
0x7e: {  	[sflag:s17] =	ssyncset.done $0x0  }
0x7f: {  	[sflag:s17] =	ssyncadd.s32 $0xFFFFFF80  }
0x80: {  	[tilespmem:s18], [sflag:$0x6] =	stream.indirect.gather [hbm4b:s2+s7], $0x80, s13, s7, $0xb8;
	[tilespmem:$0x1E400] =	vst v63  }
0x81: {  	_ =	swait.ge [sflag:s6], $0x2800  }
0x82: {  	s26 =	rddreg [dreg:$0x6];
	[sflag:s6] =	ssyncset.done $0x0  }
0x83: {  	[sflag:s6] =	ssyncadd.s32 $0xFFFFD800;
	s25 =	sadd.s32 $0x0, s26  }
0x84: {  	[tilespmem:s15], [sflag:$0x3] =	stream.linear.gather [hbm4b:s25+s4], $0x80, $0x38;
	[tilespmem:$0x1E400] =	vst v63  }
0x85: {  	_ =	swait.ge [sflag:s19], $0x80  }
0x86: {  	[sflag:s19] =	ssyncset.done $0x0  }
0x87: {  	[sflag:s19] =	ssyncadd.s32 $0xFFFFFF80  }
0x88: {  	[tilespmem:s20], [sflag:$0x7] =	stream.indirect.gather [hbm4b:s2+s7], $0x80, s1, s7, $0xb8;
	[tilespmem:$0x1E400] =	vst v63  }
0x89: {  	_ =	swait.ge [sflag:s24], $0x2800  }
0x8a: {  	s28 =	rddreg [dreg:$0x4];
	[sflag:s24] =	ssyncset.done $0x0  }
0x8b: {  	[sflag:s24] =	ssyncadd.s32 $0xFFFFD800;
	s25 =	sadd.s32 $0x0, s28  }
0x8c: {  	[tilespmem:s11], [sflag:$0x4] =	stream.linear.gather [hbm4b:s25+s4], $0x80, $0x38;
	[tilespmem:$0x1E400] =	vst v63  }
0x8d: {  	s17 =	simm.s32 $0xA;
	s13 =	simm.s32 $0x1E280;
	_ =	swait.ge [sflag:s29], $0x80  }
0x8e: {  	s26 =	sadd.s32 $0x200, s8;
	s19 =	simm.s32 $0xB;
	[sflag:s29] =	ssyncset.done $0x0  }
0x8f: {  	s1 =	simm.s32 $0x1E300;
	s25 =	simm.s32 $0x40;
	[sflag:s29] =	ssyncadd.s32 $0xFFFFFF80  }
.LBB2_2:
0x90: {  	s14 =	simm.s32 $0x1E380;
	s21 =	simm.s32 $0x1BA00;
	s0 =	simm.s32 $0x5  }
0x91: {  	[tilespmem:s21], [sflag:$0x8] =	stream.indirect.gather [hbm4b:s2+s7], $0x80, s14, s7, $0xb8;
	[tilespmem:$0x1E400] =	vst v63  }
0x92: {  	_ =	swait.ge [sflag:s0], $0x2800  }
0x93: {  	s29 =	sshrl.u32 s26, $0x3;
	[sflag:s0] =	ssyncset.done $0x0  }
0x94: {  	s8 =	simm.s32 $0x1E200;
	s10 =	simm.s32 $0x1;
	[sflag:s0] =	ssyncadd.s32 $0xFFFFD800  }
0x95: {  	s0 =	smov.u32 s31;
	s31 =	smov.u32 s30;
	s30 =	sadd.s32 s30, s29  }
0x96: {  	[tilespmem:s8], [sflag:$0x9] =	stream.linear.gather [hbm4b:s30+s4], $0x80, $0x38;
	[tilespmem:$0x1E400] =	vst v63  }
0x97: {  	_ =	swait.ge [sflag:s10], $0x80  }
0x98: {  	s11 =	simm.s32 $0x14000;
	[sflag:s10] =	ssyncset.done $0x0  }
0x99: {  	s16 =	simm.s32 $0x14200;
	s18 =	simm.s32 $0x6;
	[sflag:s10] =	ssyncadd.s32 $0xFFFFFF80  }
0x9a: {  	[spmem:s3] =	stream.indirect.scatter.add.f32 [tilespmem:s16], [sflag:$0xD], $0x80, s11, s7, $0xb8;
	[tilespmem:$0x1E400] =	vst v63  }
0x9b: {  	_ =	swait.ge [sflag:s18], $0x2800  }
0x9c: {  	s28 =	smov.u32 s25;
	s30 =	rddreg [dreg:$0x9];
	[sflag:s18] =	ssyncset.done $0x0  }
0x9d: {  	s20 =	simm.s32 $0x2;
	[sflag:s18] =	ssyncadd.s32 $0xFFFFD800;
	s30 =	sadd.s32 s28, s30  }
0x9e: {  	[tilespmem:s13], [sflag:$0xA] =	stream.linear.gather [hbm4b:s30+s4], $0x80, $0x38;
	[tilespmem:$0x1E400] =	vst v63  }
0x9f: {  	_ =	swait.ge [sflag:s20], $0x80  }
0xa0: {  	s15 =	simm.s32 $0x14080;
	[sflag:s20] =	ssyncset.done $0x0  }
0xa1: {  	s12 =	simm.s32 $0x7;
	s18 =	simm.s32 $0x16A00;
	[sflag:s20] =	ssyncadd.s32 $0xFFFFFF80  }
0xa2: {  	[spmem:s3] =	stream.indirect.scatter.add.f32 [tilespmem:s18], [sflag:$0xE], $0x80, s15, s7, $0xb8;
	[tilespmem:$0x1E400] =	vst v63  }
0xa3: {  	_ =	swait.ge [sflag:s12], $0x2800  }
0xa4: {  	s30 =	rddreg [dreg:$0x7];
	[sflag:s12] =	ssyncset.done $0x0  }
0xa5: {  	s20 =	simm.s32 $0x3;
	[sflag:s12] =	ssyncadd.s32 $0xFFFFD800;
	s30 =	sadd.s32 s28, s30  }
0xa6: {  	[tilespmem:s1], [sflag:$0xB] =	stream.linear.gather [hbm4b:s30+s4], $0x80, $0x38;
	[tilespmem:$0x1E400] =	vst v63  }
0xa7: {  	_ =	swait.ge [sflag:s20], $0x80  }
0xa8: {  	[sflag:s20] =	ssyncset.done $0x0  }
0xa9: {  	s10 =	simm.s32 $0x14100;
	[sflag:s20] =	ssyncadd.s32 $0xFFFFFF80;
	s20 =	simm.s32 $0x19200  }
0xaa: {  	[spmem:s3] =	stream.indirect.scatter.add.f32 [tilespmem:s20], [sflag:$0xF], $0x80, s10, s7, $0xb8;
	[tilespmem:$0x1E400] =	vst v63  }
0xab: {  	_ =	swait.ge [sflag:s9], $0x2800  }
0xac: {  	s30 =	rddreg [dreg:$0x5];
	[sflag:s9] =	ssyncset.done $0x0  }
0xad: {  	[sflag:s9] =	ssyncadd.s32 $0xFFFFD800;
	s30 =	sadd.s32 s28, s30  }
0xae: {  	[tilespmem:s14], [sflag:$0xC] =	stream.linear.gather [hbm4b:s30+s4], $0x80, $0x38;
	[tilespmem:$0x1E400] =	vst v63  }
0xaf: {  	_ =	swait.ge [sflag:s22], $0x80  }
0xb0: {  	s30 =	smov.u32 s31;
	[sflag:s22] =	ssyncset.done $0x0  }
0xb1: {  	s31 =	smov.u32 s0;
	s0 =	simm.s32 $0x14180;
	[sflag:s22] =	ssyncadd.s32 $0xFFFFFF80  }
0xb2: {  	[spmem:s3] =	stream.indirect.scatter.add.f32 [tilespmem:s21], [sflag:$0x10], $0x80, s0, s7, $0xb8;
	[tilespmem:$0x1E400] =	vst v63  }
0xb3: {  	_ =	swait.ge [sflag:s23], $0x2800  }
0xb4: {  	[sflag:s23] =	ssyncset.done $0x0  }
0xb5: {  	s29 =	sadd.s32 s31, s29;
	s21 =	simm.s32 $0x9;
	[sflag:s23] =	ssyncadd.s32 $0xFFFFD800  }
0xb6: {  	[tilespmem:s11], [sflag:$0x1] =	stream.linear.gather [hbm4b:s29+s4], $0x80, $0x38;
	[tilespmem:$0x1E400] =	vst v63  }
0xb7: {  	_ =	swait.ge [sflag:s21], $0x80  }
0xb8: {  	[sflag:s21] =	ssyncset.done $0x0  }
0xb9: {  	[sflag:s21] =	ssyncadd.s32 $0xFFFFFF80  }
0xba: {  	[tilespmem:s16], [sflag:$0x5] =	stream.indirect.gather [hbm4b:s2+s7], $0x80, s8, s7, $0xb8;
	[tilespmem:$0x1E400] =	vst v63  }
0xbb: {  	_ =	swait.ge [sflag:s5], $0x2800  }
0xbc: {  	s29 =	rddreg [dreg:$0x8];
	[sflag:s5] =	ssyncset.done $0x0  }
0xbd: {  	[sflag:s5] =	ssyncadd.s32 $0xFFFFD800;
	s29 =	sadd.s32 s28, s29  }
0xbe: {  	[tilespmem:s15], [sflag:$0x2] =	stream.linear.gather [hbm4b:s29+s4], $0x80, $0x38;
	[tilespmem:$0x1E400] =	vst v63  }
0xbf: {  	_ =	swait.ge [sflag:s17], $0x80  }
0xc0: {  	[sflag:s17] =	ssyncset.done $0x0  }
0xc1: {  	[sflag:s17] =	ssyncadd.s32 $0xFFFFFF80  }
0xc2: {  	[tilespmem:s18], [sflag:$0x6] =	stream.indirect.gather [hbm4b:s2+s7], $0x80, s13, s7, $0xb8;
	[tilespmem:$0x1E400] =	vst v63  }
0xc3: {  	_ =	swait.ge [sflag:s6], $0x2800  }
0xc4: {  	s29 =	rddreg [dreg:$0x6];
	[sflag:s6] =	ssyncset.done $0x0  }
0xc5: {  	[sflag:s6] =	ssyncadd.s32 $0xFFFFD800;
	s29 =	sadd.s32 s28, s29  }
0xc6: {  	[tilespmem:s10], [sflag:$0x3] =	stream.linear.gather [hbm4b:s29+s4], $0x80, $0x38;
	[tilespmem:$0x1E400] =	vst v63  }
0xc7: {  	_ =	swait.ge [sflag:s19], $0x80  }
0xc8: {  	[sflag:s19] =	ssyncset.done $0x0  }
0xc9: {  	[sflag:s19] =	ssyncadd.s32 $0xFFFFFF80  }
0xca: {  	[tilespmem:s20], [sflag:$0x7] =	stream.indirect.gather [hbm4b:s2+s7], $0x80, s1, s7, $0xb8;
	[tilespmem:$0x1E400] =	vst v63  }
0xcb: {  	_ =	swait.ge [sflag:s24], $0x2800  }
0xcc: {  	p0 =	sne.s32 s25, $0x740;
	s25 =	sadd.s32 $0x40, s25;
	[sflag:s24] =	ssyncset.done $0x0  }
0xcd: {  	s26 =	sadd.s32 $0x200, s26;
	s29 =	rddreg [dreg:$0x4];
	[sflag:s24] =	ssyncadd.s32 $0xFFFFD800  }
.Ltmp0:
0xce: {  	s28 =	sadd.s32 s28, s29;
	s29 =	simm.s32 $0xC;
	(pc) =	sbr.rel @p0 .LBB2_2-.Ltmp0, $4  }
0xcf: {  	[tilespmem:s0], [sflag:$0x4] =	stream.linear.gather [hbm4b:s28+s4], $0x80, $0x38;
	[tilespmem:$0x1E400] =	vst v63  }
0xd0: {  	s12 =	simm.s32 $0x1E380;
	s14 =	simm.s32 $0x16A00;
	_ =	swait.ge [sflag:s29], $0x80  }
0xd1: {  	s8 =	simm.s32 $0x14080;
	s16 =	simm.s32 $0x19200;
	[sflag:s29] =	ssyncset.done $0x0  }
0xd2: {  	s15 =	simm.s32 $0x14100;
	s10 =	simm.s32 $0x14180;
	[sflag:s29] =	ssyncadd.s32 $0xFFFFFF80  }
0xd3: {  	s17 =	simm.s32 $0x1BA00;
	s25 =	simm.s32 $0x5  }
0xd4: {  	[tilespmem:s17], [sflag:$0x8] =	stream.indirect.gather [hbm4b:s2+s7], $0x80, s12, s7, $0xb8;
	[tilespmem:$0x1E400] =	vst v63  }
0xd5: {  	_ =	swait.ge [sflag:s25], $0x2800  }
0xd6: {  	s13 =	simm.s32 $0x1E200;
	[sflag:s25] =	ssyncset.done $0x0  }
0xd7: {  	s18 =	simm.s32 $0x1;
	s0 =	rddreg [dreg:$0x15];
	[sflag:s25] =	ssyncadd.s32 $0xFFFFD800  }
0xd8: {  	[tilespmem:s13], [sflag:$0x9] =	stream.linear.gather [hbm4b:s0+s4], $0x80, $0x38;
	[tilespmem:$0x1E400] =	vst v63  }
0xd9: {  	_ =	swait.ge [sflag:s18], $0x80  }
0xda: {  	s11 =	simm.s32 $0x14000;
	[sflag:s18] =	ssyncset.done $0x0  }
0xdb: {  	s1 =	simm.s32 $0x14200;
	s26 =	simm.s32 $0x6;
	[sflag:s18] =	ssyncadd.s32 $0xFFFFFF80  }
0xdc: {  	[spmem:s3] =	stream.indirect.scatter.add.f32 [tilespmem:s1], [sflag:$0xD], $0x80, s11, s7, $0xb8;
	[tilespmem:$0x1E400] =	vst v63  }
0xdd: {  	_ =	swait.ge [sflag:s26], $0x2800  }
0xde: {  	[sflag:s26] =	ssyncset.done $0x0  }
0xdf: {  	s28 =	simm.s32 $0x2;
	[sflag:s26] =	ssyncadd.s32 $0xFFFFD800  }
0xe0: {  	_ =	swait.ge [sflag:s28], $0x80  }
0xe1: {  	[sflag:s28] =	ssyncset.done $0x0  }
0xe2: {  	[sflag:s28] =	ssyncadd.s32 $0xFFFFFF80  }
0xe3: {  	[spmem:s3] =	stream.indirect.scatter.add.f32 [tilespmem:s14], [sflag:$0xE], $0x80, s8, s7, $0xb8;
	[tilespmem:$0x1E400] =	vst v63  }
0xe4: {  	s8 =	simm.s32 $0x7  }
0xe5: {  	_ =	swait.ge [sflag:s8], $0x2800  }
0xe6: {  	[sflag:s8] =	ssyncset.done $0x0  }
0xe7: {  	s14 =	simm.s32 $0x3;
	[sflag:s8] =	ssyncadd.s32 $0xFFFFD800  }
0xe8: {  	_ =	swait.ge [sflag:s14], $0x80  }
0xe9: {  	[sflag:s14] =	ssyncset.done $0x0  }
0xea: {  	[sflag:s14] =	ssyncadd.s32 $0xFFFFFF80  }
0xeb: {  	[spmem:s3] =	stream.indirect.scatter.add.f32 [tilespmem:s16], [sflag:$0xF], $0x80, s15, s7, $0xb8;
	[tilespmem:$0x1E400] =	vst v63  }
0xec: {  	_ =	swait.ge [sflag:s9], $0x2800  }
0xed: {  	[sflag:s9] =	ssyncset.done $0x0  }
0xee: {  	[sflag:s9] =	ssyncadd.s32 $0xFFFFD800  }
0xef: {  	_ =	swait.ge [sflag:s22], $0x80  }
0xf0: {  	[sflag:s22] =	ssyncset.done $0x0  }
0xf1: {  	[sflag:s22] =	ssyncadd.s32 $0xFFFFFF80  }
0xf2: {  	[spmem:s3] =	stream.indirect.scatter.add.f32 [tilespmem:s17], [sflag:$0x10], $0x80, s10, s7, $0xb8;
	[tilespmem:$0x1E400] =	vst v63  }
0xf3: {  	_ =	swait.ge [sflag:s23], $0x2800  }
0xf4: {  	[sflag:s23] =	ssyncset.done $0x0  }
0xf5: {  	s17 =	simm.s32 $0x9;
	s16 =	rddreg [dreg:$0x16];
	[sflag:s23] =	ssyncadd.s32 $0xFFFFD800  }
0xf6: {  	[tilespmem:s11], [sflag:$0x1] =	stream.linear.gather [hbm4b:s16+s4], $0x80, $0x38;
	[tilespmem:$0x1E400] =	vst v63  }
0xf7: {  	_ =	swait.ge [sflag:s17], $0x80  }
0xf8: {  	[sflag:s17] =	ssyncset.done $0x0  }
0xf9: {  	[sflag:s17] =	ssyncadd.s32 $0xFFFFFF80  }
0xfa: {  	[tilespmem:s1], [sflag:$0x5] =	stream.indirect.gather [hbm4b:s2+s7], $0x80, s13, s7, $0xb8;
	[tilespmem:$0x1E400] =	vst v63  }
0xfb: {  	_ =	swait.ge [sflag:s25], $0x2800  }
0xfc: {  	[sflag:s25] =	ssyncset.done $0x0  }
0xfd: {  	[sflag:s25] =	ssyncadd.s32 $0xFFFFD800  }
0xfe: {  	_ =	swait.ge [sflag:s18], $0x80  }
0xff: {  	[sflag:s18] =	ssyncset.done $0x0  }
0x100: {  	[sflag:s18] =	ssyncadd.s32 $0xFFFFFF80  }
0x101: {  	[spmem:s3] =	stream.indirect.scatter.add.f32 [tilespmem:s1], [sflag:$0xD], $0x80, s11, s7, $0xb8;
	[tilespmem:$0x1E400] =	vst v63  }
0x102: {  	_ =	swait.ge [sflag:s5], $0x2800  }
0x103: {  	[sflag:s5] =	ssyncset.done $0x0  }
0x104: {  	[sflag:s5] =	ssyncadd.s32 $0xFFFFD800  }
0x105: {  	_ =	swait.ge [sflag:s6], $0x2800  }
0x106: {  	[sflag:s6] =	ssyncset.done $0x0  }
0x107: {  	[sflag:s6] =	ssyncadd.s32 $0xFFFFD800  }
0x108: {  	_ =	swait.ge [sflag:s24], $0x2800  }
0x109: {  	[sflag:s24] =	ssyncset.done $0x0  }
0x10a: {  	[sflag:s24] =	ssyncadd.s32 $0xFFFFD800  }
0x10b: {  	_ =	swait.ge [sflag:s23], $0x2800  }
0x10c: {  	[sflag:s23] =	ssyncset.done $0x0  }
0x10d: {  	[sflag:s23] =	ssyncadd.s32 $0xFFFFD800  }
0x10e: {  	[bflag:$0x0] =	sbarrier.arrive $0xFFFF  }
0x10f: {  	s25 =	rddreg [dreg:$0xc]  }
0x110: {  	s19 =	rddreg [dreg:$0x17]  }
0x111: {  	s26 =	simm.s32 $0x11;
	s20 =	rddreg [dreg:$0x1b]  }
0x112: {  	[hbm:s19], [sflag:s25] =	dma.local [spmem:s20], $0x2800  }
0x113: {  	_ =	swait.ge [sflag:s26], $0x2800  }
0x114: {  	s21 =	rddreg [dreg:$0x1a]  }
0x115: {  	s28 =	rddreg [dreg:$0x18];
	s8 =	sadd.s32 $0x1, s21  }
0x116: {  	p0 =	sne.s32 s8, s28  }
.Ltmp1:
0x117: {  	_ = 	snop;
	(pc) =	sbr.rel @p0 .LBB2_1-.Ltmp1, $3  }
0x118: {  	_ =	sdelay $0x1  }
0x119: {  	s17 =	simm.s32 $0xA;
	s13 =	simm.s32 $0x1E280;
	[sflag:s26] =	ssyncset.done $0x0  }
0x11a: {  	s1 =	simm.s32 $0x1E300;
	s19 =	simm.s32 $0xB;
	[sflag:s26] =	ssyncadd.s32 $0xFFFFD800  }
0x11b: {  	_ =	sfence.sel $0x180000  }
0x11c: {  	[bflag:$0x0] =	sbarrier.arrive $0xFFFF  }
0x11d: {  	_ =	strace $0x90000050  }
0x11e: {  	s0 =	stileid.u32;
	[bflag:$0x2] =	sbarrier.arrive $0xFFFF  }
0x11f: {  	p0 =	sne.s32 s0, $0x0;
	s0 =	rddreg [dreg:$0x3]  }
0x120: {  	s0 =	sadd.s32 @!p0 $0x100000, s0  }
0x121: {  	[sflag:s0] =	ssyncadd.tile.s32 @!p0 $0x1;
	_ =	shalt  }
.Lfunc_end2:
_tile_overlayer_lowered:
.L_overlay_start_2:
0x122: {  	(tag) =	ssettag $0x2  }
0x123: {  	s0 =	rddreg [dreg:$0x0];
	s2 =	stileid.u32  }
0x124: {  	s1 =	rddreg [dreg:$0x1];
	p0 =	sne.s32 s2, $0x0  }
0x125: {  	s3 =	rddreg [dreg:$0x2];
	[bflag:$0x3] =	sbarrier.arrive $0xFFFF;
	s2 =	simm.s32 @!p0 $0x1C11  }
0x126: {  	[timem:s3], [sflag:s2] =	dma.local @!p0 [hbm:s0], s1  }
0x127: {  	s0 =	simm.s32 @!p0 $0x11  }
0x128: {  	_ =	swait.ge @!p0 [sflag:s0], s1  }
0x129: {  	s1 =	ssub.s32 @!p0 $0x0, s1;
	[sflag:s0] =	ssyncset.done @!p0 $0x0  }
0x12a: {  	[sflag:s0] =	ssyncadd.s32 @!p0 s1  }
0x12b: {  	[bflag:$0x3] =	sbarrier.arrive $0xFFFF  }
0x12c: {  	_ =	shalt  }

// kernel: kernel.9.cloned.1.call-start
scs
__scs_entry_jumppad:
0x0: {  	(pc) =	sbr.rel $0x88, $3  }
0x1: {  	(tag) =	ssettag $0x0;
	lr =	simm.s32 $0x1  }
0x2: {  	[smem:$0x3F9B] =	sst lr;
	_ =	strace $0xD0000000  }
0x3: {  	_ = 	snop  }
0x4: {  	_ = 	snop  }
0x5: {  	_ = 	snop  }
0x6: {  	_ = 	snop  }
0x7: {  	_ = 	snop  }
__scs_overlays_trampoline_lowered:
0x8: {  	[smem:$0x3FAA] =	sst s0  }
0x9: {  	[smem:$0x3FAB] =	sst s1  }
0xa: {  	[smem:$0x3FAC] =	sst s2  }
0xb: {  	[smem:$0x3FAD] =	sst s3  }
0xc: {  	[smem:$0x3FAE] =	sst s4  }
0xd: {  	[smem:$0x3FAF] =	sst s5  }
0xe: {  	[smem:$0x3FB0] =	sst s6  }
0xf: {  	[smem:$0x3FB1] =	sst s7  }
0x10: {  	[smem:$0x3FB2] =	sst s8  }
0x11: {  	[smem:$0x3FB3] =	sst s9;
	s0 =	simm.s32 @!p0 $0x0  }
0x12: {  	s1 =	sld [smem:$0x3F99];
	s0 =	simm.s32 @p0 $0x1  }
0x13: {  	[smem:$0x3FB4] =	sst s0;
	s0 =	simm.s32 @!p1 $0x0  }
0x14: {  	s2 =	sld [smem:$0x3F98];
	s0 =	simm.s32 @p1 $0x1  }
0x15: {  	[smem:$0x3FB5] =	sst s0;
	s0 =	simm.s32 @!p2 $0x0  }
0x16: {  	s3 =	sld [smem:$0x3FDB];
	s0 =	simm.s32 @p2 $0x1  }
0x17: {  	s4 =	simm.s32 $0x1BF5;
	[smem:$0x3FB7] =	sst s0  }
0x18: {  	s0 =	sld [smem:$0x3F9A];
	_ =	swait.ge [sflag:s4], $0x0  }
0x19: {  	s7 =	sld [smem:$0x3F9B]  }
0x1a: {  	s8 =	sadd.s32 $0xFFFFE003, lr  }
0x1b: {  	s9 =	sadd.s32 $0xFFFFFEF7, lr;
	s5 =	simm.s32 $0xFFFFFFFF;
	p2 =	slt.u32 s8, $0xFFFFF086  }
0x1c: {  	p1 =	slt.u32 s9, $0xF7A;
	s5 =	simm.s32 @!p2 $0x0  }
0x1d: {  	s5 =	simm.s32 @p1 $0x1;
	p0 =	seq.s32 s7, s2  }
0x1e: {  	s7 =	smul.u32 @!p0 $0xF7A, s2;
	p2 =	seq.s32 @!p0 s5, $0x0  }
0x1f: {  	s9 =	smul.u32 $0xF7A, s1;
	s8 =	simm.s32 @!p0 $0x1BF5;
	p2 =	por !p2, p0  }
0x20: {  	[sflag:s8] =	ssyncset.s32 @!p0 $0xFFFFF086;
	s6 =	sadd.s32 @!p0 s3, s7;
	s7 =	simm.s32 @!p0 $0x108  }
0x21: {  	s3 =	sadd.s32 s3, s9;
	s6 =	sadd.s32 @!p0 $0x88, s6;
	s7 =	simm.s32 @p2 $0x1082  }
0x22: {  	[simem:s7], [sflag:s8] =	dma.local @!p0 [hbm:s6], $0xF7A  }
0x23: {  	s9 =	sor.u32 $0xD0000000, s2;
	s6 =	simm.s32 $0x108;
	_ =	swait.ge @!p0 [sflag:s8], $0x0  }
0x24: {  	s3 =	sadd.s32 $0x88, s3;
	s6 =	simm.s32 @!p1 $0x1082;
	[sflag:s4] =	ssyncset.s32 $0xFFFFF086  }
0x25: {  	[simem:s6], [sflag:s4] =	dma.local [hbm:s3], $0xF7A  }
0x26: {  	[smem:$0x3F9B] =	sst s1;
	(tag) =	ssettag s2;
	_ =	strace s9  }
0x27: {  	s1 =	sld [smem:$0x3FAB]  }
0x28: {  	s2 =	sld [smem:$0x3FAC]  }
0x29: {  	s4 =	sld [smem:$0x3FAE]  }
0x2a: {  	p0 =	seq.s32 s5, $0x0;
	s5 =	sld [smem:$0x3FAF]  }
0x2b: {  	s6 =	sld [smem:$0x3FB0]  }
0x2c: {  	s7 =	sld [smem:$0x3FB1]  }
0x2d: {  	s3 =	simm.s32 $0x108;
	s8 =	sld [smem:$0x3FB2]  }
0x2e: {  	s3 =	simm.s32 @!p0 $0x1082;
	s9 =	sld [smem:$0x3FB3]  }
0x2f: {  	lr =	sadd.s32 s0, s3;
	s0 =	sld [smem:$0x3FAA]  }
0x30: {  	s3 =	sld [smem:$0x3FAD]  }
0x31: {  	[smem:$0x3FB6] =	sst s10  }
0x32: {  	s10 =	sld [smem:$0x3FB4];
	_ =	sdelay $0x3  }
0x33: {  	p0 =	seq.s32 s10, $0x1;
	s10 =	sld [smem:$0x3FB6];
	_ =	sdelay $0x3  }
0x34: {  	[smem:$0x3FB6] =	sst s10  }
0x35: {  	s10 =	sld [smem:$0x3FB5];
	_ =	sdelay $0x3  }
0x36: {  	p1 =	seq.s32 s10, $0x1;
	s10 =	sld [smem:$0x3FB6];
	_ =	sdelay $0x3  }
0x37: {  	[smem:$0x3FB6] =	sst s10  }
0x38: {  	s10 =	sld [smem:$0x3FB7]  }
0x39: {  	_ = 	snop;
	(pc) =	sbr.ind lr, $3  }
0x3a: {  	_ = 	snop  }
0x3b: {  	_ = 	snop  }
0x3c: {  	p2 =	seq.s32 s10, $0x1;
	s10 =	sld [smem:$0x3FB6]  }
0x3d: {  	_ =	shalt  }
0x3e: {  	_ =	shalt  }
0x3f: {  	_ =	shalt  }
0x40: {  	_ =	shalt  }
0x41: {  	_ =	shalt  }
0x42: {  	_ =	shalt  }
0x43: {  	_ =	shalt  }
0x44: {  	_ =	shalt  }
0x45: {  	_ =	shalt  }
0x46: {  	_ =	shalt  }
0x47: {  	_ =	shalt  }
0x48: {  	_ =	shalt  }
0x49: {  	_ =	shalt  }
0x4a: {  	_ =	shalt  }
0x4b: {  	_ =	shalt  }
0x4c: {  	_ =	shalt  }
0x4d: {  	_ =	shalt  }
0x4e: {  	_ =	shalt  }
0x4f: {  	_ =	shalt  }
0x50: {  	_ =	shalt  }
0x51: {  	_ =	shalt  }
0x52: {  	_ =	shalt  }
0x53: {  	_ =	shalt  }
0x54: {  	_ =	shalt  }
0x55: {  	_ =	shalt  }
0x56: {  	_ =	shalt  }
0x57: {  	_ =	shalt  }
0x58: {  	_ =	shalt  }
0x59: {  	_ =	shalt  }
0x5a: {  	_ =	shalt  }
0x5b: {  	_ =	shalt  }
0x5c: {  	_ =	shalt  }
0x5d: {  	_ =	shalt  }
0x5e: {  	_ =	shalt  }
0x5f: {  	_ =	shalt  }
0x60: {  	_ =	shalt  }
0x61: {  	_ =	shalt  }
0x62: {  	_ =	shalt  }
0x63: {  	_ =	shalt  }
0x64: {  	_ =	shalt  }
0x65: {  	_ =	shalt  }
0x66: {  	_ =	shalt  }
0x67: {  	_ =	shalt  }
0x68: {  	_ =	shalt  }
0x69: {  	_ =	shalt  }
0x6a: {  	_ =	shalt  }
0x6b: {  	_ =	shalt  }
0x6c: {  	_ =	shalt  }
0x6d: {  	_ =	shalt  }
0x6e: {  	_ =	shalt  }
0x6f: {  	_ =	shalt  }
0x70: {  	_ =	shalt  }
0x71: {  	_ =	shalt  }
0x72: {  	_ =	shalt  }
0x73: {  	_ =	shalt  }
0x74: {  	_ =	shalt  }
0x75: {  	_ =	shalt  }
0x76: {  	_ =	shalt  }
0x77: {  	_ =	shalt  }
0x78: {  	_ =	shalt  }
0x79: {  	_ =	shalt  }
0x7a: {  	_ =	shalt  }
0x7b: {  	_ =	shalt  }
0x7c: {  	_ =	shalt  }
0x7d: {  	_ =	shalt  }
0x7e: {  	_ =	shalt  }
0x7f: {  	_ =	shalt  }
0x80: {  	_ =	shalt  }
0x81: {  	_ =	shalt  }
0x82: {  	_ =	shalt  }
0x83: {  	_ =	shalt  }
0x84: {  	_ =	shalt  }
0x85: {  	_ =	shalt  }
0x86: {  	_ =	shalt  }
0x87: {  	_ =	shalt  }
.Lfunc_end0:
.L_simem_size_0:
called_computation_lowered:
.L_overlay_start_0:
0x88: {  	s2 =	sld [smem:$0x3FD9]  }
0x89: {  	s3 =	sld [smem:$0x3FFE];
	_ =	sdelay $0x1  }
0x8a: {  	s1 =	srdreg.scid  }
0x8b: {  	s0 =	sand.u32 $0x1, s1  }
0x8c: {  	s17 =	sshll.u32 s0, $0xA;
	s2 =	sadd.s32 s3, s2  }
0x8d: {  	s2 =	sadd.s32 s2, s17  }
0x8e: {  	[smem:$0x3FC2] =	sst s2  }
0x8f: {  	_ = 	snop  }
0x90: {  	s2 =	sld [smem:$0x3FD0];
	(tm) =	ssettm $0x1  }
0x91: {  	s18 =	sld [smem:$0x3FFB];
	_ =	sdelay $0x3  }
0x92: {  	_ =	strace s18  }
0x93: {  	s3 =	sld [smem:$0x3FFC];
	_ =	sdelay $0x3  }
0x94: {  	_ =	strace s3  }
0x95: {  	s3 =	sld [smem:$0x3FFD];
	_ =	sdelay $0x3  }
0x96: {  	_ =	strace s3  }
0x97: {  	_ =	strace $0x8FFFFFFF  }
0x98: {  	s19 =	sld [smem:$0x3FDB];
	_ =	sdelay $0x1  }
0x99: {  	s4 =	simm.s32 $_scs_section_size  }
0x9a: {  	s5 =	simm.s32 $_size__tile_overlayer_lowered;
	s6 =	simm.s32 $_tile_overlayer_lowered  }
0x9b: {  	s22 =	simm.s32 $0x1BFF;
	s21 =	sshll.u32 s6, $0x1;
	s3 =	sadd.s32 s4, s19  }
0x9c: {  	s7 =	simm.s32 $0x0;
	s20 =	sshll.u32 s5, $0x1;
	s5 =	sadd.s32 s21, s3  }
0x9d: {  	[timem:s7], [sflag:s22] =	dma.local [hbm:s5], s20  }
0x9e: {  	_ =	swait.ge [sflag:s22], s20  }
0x9f: {  	s4 =	ssub.s32 $0x0, s20;
	[sflag:s22] =	ssyncset.done $0x0  }
0xa0: {  	[sflag:s22] =	ssyncadd.s32 s4;
	_ =	sdelay $0x1  }
0xa1: {  	s23 =	simm.s32 $0x1B8B  }
0xa2: {  	_ =	swait.ge [sflag:s23], $0x1  }
0xa3: {  	[sflag:s23] =	ssyncset.done $0x0  }
0xa4: {  	s25 =	simm.s32 $0x1B8E;
	s24 =	sld [smem:$0x3FFE];
	[sflag:s23] =	ssyncadd.s32 $0xFFFFFFFF  }
0xa5: {  	s26 =	simm.s32 $execute0_lowered;
	[smem:$0x3FD2] =	sst s25  }
0xa6: {  	s5 =	sshll.u32 s26, $0x1;
	_ =	strace $0x80000046;
	[dreg:$0x1] =	wrdreg $0xFFFFFFFF  }
0xa7: {  	s28 =	simm.s32 $_size_execute0_lowered;
	s3 =	sadd.s32 s3, s5;
	[dreg:$0x0] =	wrdreg $0x0  }
0xa8: {  	s5 =	sshll.u32 s28, $0x1;
	[dreg:$0x2] =	wrdreg s3  }
0xa9: {  	[dreg:$0x3] =	wrdreg s5  }
0xaa: {  	[dreg:$0x4] =	wrdreg $0xC0  }
0xab: {  	_ =	task [dreg:s7], $0x5FFFF  }
0xac: {  	[dreg:$0x1] =	wrdreg $0xFFFFFFFF  }
0xad: {  	[dreg:$0x0] =	wrdreg $0x60  }
0xae: {  	[dreg:$0x2] =	wrdreg s2  }
0xaf: {  	[dreg:$0x3] =	wrdreg s24  }
0xb0: {  	[dreg:$0x4] =	wrdreg $0x68000  }
0xb1: {  	[dreg:$0x5] =	wrdreg $0x9  }
0xb2: {  	_ =	task.clear_ibuf [dreg:s7], $0x6FFFF;
	_ =	strace $0x90000046  }
0xb3: {  	s29 =	simm.s32 $0x9;
	_ =	strace $0x80000048  }
0xb4: {  	_ =	swait.ge [sflag:s29], $0x1  }
0xb5: {  	[sflag:s29] =	ssyncadd.s32 $0xFFFFFFFF  }
0xb6: {  	_ =	strace $0x90000048  }
0xb7: {  	_ =	sfence  }
0xb8: {  	s30 =	sld [smem:$0x0];
	_ =	sdelay $0x2  }
0xb9: {  	s31 =	sshll.u32 s1, $0xD;
	s1 =	sshrl.u32 s1, $0x2  }
0xba: {  	s3 =	sand.u32 $0x4000, s31;
	s1 =	sadd.s32 s1, s30  }
0xbb: {  	s0 =	sor.u32 s3, s0;
	s1 =	sshll.u32 s1, $0x11  }
0xbc: {  	s0 =	sor.u32 s1, s0  }
0xbd: {  	s0 =	sadd.s32 $0x8F2B, s0  }
0xbe: {  	[sflag:s0] =	ssyncadd.remote.s32 $0x1  }
0xbf: {  	_ =	sfence.sel $0xFFFF  }
0xc0: {  	[dreg:$0x0] =	wrdreg $0xFFFFFFFF;
	(pc) =	sbr.abs _section_cstart, $3  }
0xc1: {  	[dreg:$0x1] =	wrdreg $0xFFFFFFFF  }
0xc2: {  	_ =	task.clear_ibuf [dreg:s7], $0x2FFFF;
	_ =	strace $0x9FFFFFFF  }
0xc3: {  	(tm) =	ssettm $0x7FFFFFFF  }
tec
execute0_lowered:
.L_overlay_start_1:
0x0: {  	(tag) =	ssettag $0x1  }
0x1: {  	s5 =	rddreg [dreg:$0x0]  }
0x2: {  	s6 =	rddreg [dreg:$0x1]  }
0x3: {  	s2 =	rddreg [dreg:$0x2]  }
0x4: {  	s0 =	rddreg [dreg:$0x3]  }
0x5: {  	s1 =	stileid.u32;
	s4 =	srdreg.scid;
	s3 =	simm.s32 $0x0  }
0x6: {  	s13 =	simm.s32 $0x50;
	s14 =	simm.s32 $0x80;
	s15 =	simm.s32 $0x100  }
0x7: {  	s16 =	simm.s32 $0x180;
	s17 =	simm.s32 $0x1;
	s18 =	simm.s32 $0x2  }
0x8: {  	s19 =	simm.s32 $0x3;
	s20 =	simm.s32 $0x4;
	s21 =	simm.s32 $0x3E00  }
0x9: {  	s22 =	simm.s32 $0x0;
	s7 =	smul.u32 $0x14000, s1;
	s8 =	sand.u32 $0x1, s4  }
0xa: {  	[smem:$0x7FF] =	sst s3;
	s4 =	sadd.s32 $0x3600, s6;
	s11 =	smul.u32 $0x50000, s1  }
0xb: {  	s12 =	sshll.u32 s1, $0xB;
	s31 =	sshll.u32 s1, $0x6;
	s9 =	smul.u32 $0x140000, s8  }
0xc: {  	_ =	strace $0x80000047;
	s28 =	ssub.s32 $0x2, s8;
	s8 =	sshll.u32 s8, $0xF  }
0xd: {  	s5 =	sadd.s32 s5, s12;
	s10 =	sshrl.u32 s7, $0x3;
	s29 =	sshrl.u32 s28, $0x1  }
0xe: {  	s11 =	sshrl.u32 s11, $0x2;
	s5 =	sadd.s32 s8, s5;
	s10 =	sadd.s32 s10, s6  }
0xf: {  	s7 =	sadd.s32 s7, s9;
	s9 =	ssub.s32 s28, s29;
	s30 =	sadd.s32 s11, s2  }
0x10: {  	s11 =	sor.u32 $0x1C05, s31;
	s7 =	sshrl.u32 s7, $0x3;
	s8 =	smax.u32 s9, $0x1  }
0x11: {  	s9 =	simm.s32 $0x4000;
	s12 =	sshrl.u32 s30, $0x3;
	s7 =	sadd.s32 s7, s6  }
0x12: {  	s6 =	sadd.s32 $0x3C00, s10;
	s10 =	simm.s32 $0x5;
	s7 =	sadd.s32 $0x2BC00, s7  }
.LBB2_1:
0x13: {  	[tilespmem:s9], [sflag:$0x5] =	stream.linear.gather [hbm4b:s4+s3], $0x2800, $0x38;
	[tilespmem:$0x1A800] =	vst v63  }
0x14: {  	_ =	swait.ge [sflag:s10], $0x2800  }
0x15: {  	[sflag:s10] =	ssyncset.done $0x0  }
0x16: {  	[sflag:s10] =	ssyncadd.s32 $0xFFFFD800  }
0x17: {  	[tilespmem:s3], [sflag:$0x5] =	stream.linear.gather [hbm4b:s5+s3], $0x3E80, $0x38;
	[tilespmem:$0x1A800] =	vst v63  }
0x18: {  	_ =	swait.ge [sflag:s10], $0x3E80  }
0x19: {  	[sflag:s10] =	ssyncset.done $0x0  }
0x1a: {  	[sflag:s10] =	ssyncadd.s32 $0xFFFFC180  }
0x1b: {  	[spmem:s12], [sflag:s11] =	dma.local [hbm:s6], $0x2800  }
0x1c: {  	_ =	swait.ge [sflag:s10], $0x2800  }
0x1d: {  	[sflag:s10] =	ssyncset.done $0x0  }
0x1e: {  	[sflag:s10] =	ssyncadd.s32 $0xFFFFD800  }
0x1f: {  	[bflag:$0x0] =	sbarrier.arrive $0xFFFF  }
0x20: {  	[spmem:s2] =	stream.indirect.scatter.add.f32 [tilespmem:s9], [sflag:$0x1], $0x80, s3, s13, $0xb8;
	[tilespmem:$0x1A800] =	vst v63  }
0x21: {  	_ = 	snop  }
0x22: {  	[spmem:s2] =	stream.indirect.scatter.add.f32 [tilespmem:s9], [sflag:$0x2], $0x80, s14, s13, $0xb8;
	[tilespmem:$0x1A800] =	vst v63  }
0x23: {  	_ = 	snop  }
0x24: {  	[spmem:s2] =	stream.indirect.scatter.add.f32 [tilespmem:s9], [sflag:$0x3], $0x80, s15, s13, $0xb8;
	[tilespmem:$0x1A800] =	vst v63  }
0x25: {  	_ = 	snop  }
0x26: {  	[spmem:s2] =	stream.indirect.scatter.add.f32 [tilespmem:s9], [sflag:$0x4], $0x80, s16, s13, $0xb8;
	[tilespmem:$0x1A800] =	vst v63  }
0x27: {  	_ =	swait.ge [sflag:s17], $0x2800  }
0x28: {  	[sflag:s17] =	ssyncset.done $0x0  }
0x29: {  	s23 =	simm.s32 $0x200;
	[sflag:s17] =	ssyncadd.s32 $0xFFFFD800  }
0x2a: {  	[spmem:s2] =	stream.indirect.scatter.add.f32 [tilespmem:s9], [sflag:$0x1], $0x80, s23, s13, $0xb8;
	[tilespmem:$0x1A800] =	vst v63  }
0x2b: {  	_ =	swait.ge [sflag:s18], $0x2800  }
0x2c: {  	[sflag:s18] =	ssyncset.done $0x0  }
0x2d: {  	s30 =	simm.s32 $0x280;
	[sflag:s18] =	ssyncadd.s32 $0xFFFFD800  }
0x2e: {  	[spmem:s2] =	stream.indirect.scatter.add.f32 [tilespmem:s9], [sflag:$0x2], $0x80, s30, s13, $0xb8;
	[tilespmem:$0x1A800] =	vst v63  }
0x2f: {  	_ =	swait.ge [sflag:s19], $0x2800  }
0x30: {  	[sflag:s19] =	ssyncset.done $0x0  }
0x31: {  	s31 =	simm.s32 $0x300;
	[sflag:s19] =	ssyncadd.s32 $0xFFFFD800  }
0x32: {  	[spmem:s2] =	stream.indirect.scatter.add.f32 [tilespmem:s9], [sflag:$0x3], $0x80, s31, s13, $0xb8;
	[tilespmem:$0x1A800] =	vst v63  }
0x33: {  	_ =	swait.ge [sflag:s20], $0x2800  }
0x34: {  	[sflag:s20] =	ssyncset.done $0x0  }
0x35: {  	s24 =	simm.s32 $0x380;
	s23 =	simm.s32 $0xFFFF1800;
	[sflag:s20] =	ssyncadd.s32 $0xFFFFD800  }
.LBB2_2:
0x36: {  	[spmem:s2] =	stream.indirect.scatter.add.f32 [tilespmem:s9], [sflag:$0x4], $0x80, s24, s13, $0xb8;
	[tilespmem:$0x1A800] =	vst v63  }
0x37: {  	s24 =	smov.u32 s23  }
0x38: {  	p0 =	sne.s32 s23, $0xFFFFF800;
	s23 =	sadd.s32 $0x800, s23;
	_ =	swait.ge [sflag:s17], $0x2800  }
0x39: {  	s24 =	sshra.s32 s24, $0x2;
	[sflag:s17] =	ssyncset.done $0x0  }
0x3a: {  	s25 =	sadd.s32 $0x3E00, s24;
	[sflag:s17] =	ssyncadd.s32 $0xFFFFD800  }
0x3b: {  	[spmem:s2] =	stream.indirect.scatter.add.f32 [tilespmem:s9], [sflag:$0x1], $0x80, s25, s13, $0xb8;
	[tilespmem:$0x1A800] =	vst v63  }
0x3c: {  	_ =	swait.ge [sflag:s18], $0x2800  }
0x3d: {  	[sflag:s18] =	ssyncset.done $0x0  }
0x3e: {  	s25 =	sadd.s32 $0x3E80, s24;
	[sflag:s18] =	ssyncadd.s32 $0xFFFFD800  }
0x3f: {  	[spmem:s2] =	stream.indirect.scatter.add.f32 [tilespmem:s9], [sflag:$0x2], $0x80, s25, s13, $0xb8;
	[tilespmem:$0x1A800] =	vst v63  }
0x40: {  	_ =	swait.ge [sflag:s19], $0x2800  }
0x41: {  	[sflag:s19] =	ssyncset.done $0x0  }
.Ltmp0:
0x42: {  	s25 =	sadd.s32 $0x3F00, s24;
	[sflag:s19] =	ssyncadd.s32 $0xFFFFD800;
	(pc) =	sbr.rel @p0 .LBB2_2-.Ltmp0, $4  }
0x43: {  	[spmem:s2] =	stream.indirect.scatter.add.f32 [tilespmem:s9], [sflag:$0x3], $0x80, s25, s13, $0xb8;
	[tilespmem:$0x1A800] =	vst v63  }
0x44: {  	_ =	swait.ge [sflag:s20], $0x2800  }
0x45: {  	[sflag:s20] =	ssyncset.done $0x0  }
0x46: {  	s24 =	sadd.s32 $0x3F80, s24;
	[sflag:s20] =	ssyncadd.s32 $0xFFFFD800  }
0x47: {  	[spmem:s2] =	stream.indirect.scatter.add.f32 [tilespmem:s9], [sflag:$0x4], $0x80, s24, s13, $0xb8;
	[tilespmem:$0x1A800] =	vst v63  }
0x48: {  	_ =	swait.ge [sflag:s17], $0x2800  }
0x49: {  	[sflag:s17] =	ssyncset.done $0x0  }
0x4a: {  	[sflag:s17] =	ssyncadd.s32 $0xFFFFD800  }
0x4b: {  	_ =	swait.ge [sflag:s18], $0x2800  }
0x4c: {  	[sflag:s18] =	ssyncset.done $0x0  }
0x4d: {  	[sflag:s18] =	ssyncadd.s32 $0xFFFFD800  }
0x4e: {  	_ =	swait.ge [sflag:s19], $0x2800  }
0x4f: {  	[sflag:s19] =	ssyncset.done $0x0  }
0x50: {  	[sflag:s19] =	ssyncadd.s32 $0xFFFFD800  }
0x51: {  	_ =	swait.ge [sflag:s20], $0x2800  }
0x52: {  	[sflag:s20] =	ssyncset.done $0x0  }
0x53: {  	[sflag:s20] =	ssyncadd.s32 $0xFFFFD800  }
0x54: {  	[spmem:s2] =	stream.indirect.scatter.add.f32 [tilespmem:s9], [sflag:$0x1], $0x80, s21, s13, $0xb8;
	[tilespmem:$0x1A800] =	vst v63  }
0x55: {  	_ =	swait.ge [sflag:s17], $0x2800  }
0x56: {  	s22 =	sadd.s32 $0x1, s22;
	[sflag:s17] =	ssyncset.done $0x0  }
0x57: {  	p0 =	sne.s32 s22, s8;
	[sflag:s17] =	ssyncadd.s32 $0xFFFFD800  }
.Ltmp1:
0x58: {  	[bflag:$0x0] =	sbarrier.arrive $0xFFFF;
	(pc) =	sbr.rel @p0 .LBB2_1-.Ltmp1, $4  }
0x59: {  	[hbm:s7], [sflag:s11] =	dma.local [spmem:s12], $0x2800  }
0x5a: {  	_ =	swait.ge [sflag:s10], $0x2800  }
0x5b: {  	[sflag:s10] =	ssyncset.done $0x0  }
0x5c: {  	[sflag:s10] =	ssyncadd.s32 $0xFFFFD800  }
0x5d: {  	_ =	sfence.sel $0x180000  }
0x5e: {  	[bflag:$0x0] =	sbarrier.arrive $0xFFFF  }
0x5f: {  	p0 =	sne.s32 s1, $0x0;
	_ =	strace $0x90000047  }
0x60: {  	s0 =	sadd.s32 @!p0 $0x100000, s0;
	[bflag:$0x2] =	sbarrier.arrive $0xFFFF  }
0x61: {  	[sflag:s0] =	ssyncadd.tile.s32 @!p0 $0x1;
	_ =	shalt  }
.Lfunc_end2:
_tile_overlayer_lowered:
.L_overlay_start_2:
0x62: {  	(tag) =	ssettag $0x2  }
0x63: {  	s0 =	rddreg [dreg:$0x0];
	s2 =	stileid.u32  }
0x64: {  	s1 =	rddreg [dreg:$0x1];
	p0 =	sne.s32 s2, $0x0  }
0x65: {  	s3 =	rddreg [dreg:$0x2];
	[bflag:$0x3] =	sbarrier.arrive $0xFFFF;
	s2 =	simm.s32 @!p0 $0x1C05  }
0x66: {  	[timem:s3], [sflag:s2] =	dma.local @!p0 [hbm:s0], s1  }
0x67: {  	s0 =	simm.s32 @!p0 $0x5  }
0x68: {  	_ =	swait.ge @!p0 [sflag:s0], s1  }
0x69: {  	s1 =	ssub.s32 @!p0 $0x0, s1;
	[sflag:s0] =	ssyncset.done @!p0 $0x0  }
0x6a: {  	[sflag:s0] =	ssyncadd.s32 @!p0 s1  }
0x6b: {  	[bflag:$0x3] =	sbarrier.arrive $0xFFFF  }
0x6c: {  	_ =	shalt  }

</sc_bundles>
